<compile_context>
chip_gen: v7x
topology: tpu7x:2x2x1
jax: 0.10.2.dev20260603
libtpu: 0.0.44.dev20260713+nightly
codegen_flags: <defaults>
</compile_context>

<pallas_src>
import functools

import jax
import jax.numpy as jnp
from jax import lax
from jax.experimental import pallas as pl
from jax.experimental.pallas import tpu as pltpu
from jax.experimental.pallas import tpu_sc as plsc

N = 10000
E = 320000
D = 128
H = 128
G = 64

NC = 2
NS = 16

CHUNK = 128
TOTCH = 2560
EPAD = TOTCH * CHUNK
NROWS = 10240
ZSLAB = NROWS // NS
IB = 8
B0 = 20
B1 = 0


@functools.cache
def _make_sc_segment_sum(with_deg: bool):
  mesh = plsc.VectorSubcoreMesh(
      core_axis_name="c", subcore_axis_name="s", num_cores=NC,
      num_subcores=NS)

  out_type = [jax.ShapeDtypeStruct((NROWS, D), jnp.float32)]
  scratch = [
      pltpu.VMEM((IB, CHUNK), jnp.int32),
      pltpu.VMEM((IB, CHUNK), jnp.int32),
      pltpu.VMEM((2, CHUNK, D), jnp.float32),
      pltpu.VMEM_SHARED((NROWS, D), jnp.float32),
      pltpu.SemaphoreType.DMA,
      pltpu.SemaphoreType.DMA,
  ]
  if with_deg:
    out_type.append(jax.ShapeDtypeStruct((NROWS,), jnp.float32))
    scratch.append(pltpu.VMEM((CHUNK,), jnp.float32))
    scratch.append(pltpu.VMEM_SHARED((NROWS,), jnp.float32))

  def body(*refs):
    if with_deg:
      (table, src, dst, agg_out, deg_out,
       src_v, dst_v, rows_v, agg_sh, sem0, sem1, ones_v, deg_sh) = refs
    else:
      (table, src, dst, agg_out,
       src_v, dst_v, rows_v, agg_sh, sem0, sem1) = refs
    sems = (sem0, sem1)

    c = lax.axis_index("c")
    s = lax.axis_index("s")
    nblocks = jnp.where(c == 0, B0, B1)
    blockbase = s * nblocks + c * (NS * B0)

    zv = jnp.zeros((16,), jnp.float32)

    def zrow(r, carry):
      for k in range(D // 16):
        rows_v[0, r, pl.ds(16 * k, 16)] = zv
      return carry

    lax.fori_loop(0, CHUNK, zrow, 0)
    for t in range(ZSLAB // CHUNK):
      pltpu.sync_copy(rows_v.at[0],
                      agg_sh.at[pl.ds(s * ZSLAB + t * CHUNK, CHUNK)])
    if with_deg:
      def zdrow(r, carry):
        ones_v[pl.ds(16 * r, 16)] = zv
        return carry
      lax.fori_loop(0, CHUNK // 16, zdrow, 0)
      for t in range(ZSLAB // CHUNK):
        pltpu.sync_copy(ones_v,
                        deg_sh.at[pl.ds(s * ZSLAB + t * CHUNK, CHUNK)])
      ov = jnp.ones((16,), jnp.float32)

      def orow(r, carry):
        ones_v[pl.ds(16 * r, 16)] = ov
        return carry
      lax.fori_loop(0, CHUNK // 16, orow, 0)
    plsc.subcore_barrier()

    def block(ib, carry):
      off = (blockbase + ib) * IB
      pltpu.sync_copy(src.at[pl.ds(off, IB)], src_v)
      pltpu.sync_copy(dst.at[pl.ds(off, IB)], dst_v)
      pend = pltpu.async_copy(table.at[src_v.at[0]], rows_v.at[0], sems[0])
      for j in range(IB):
        b = j % 2
        nxt = None
        if j + 1 < IB:
          nxt = pltpu.async_copy(table.at[src_v.at[j + 1]],
                                 rows_v.at[1 - b], sems[1 - b])
        pend.wait()
        pltpu.sync_copy(rows_v.at[b], agg_sh.at[dst_v.at[j]], add=True)
        if with_deg:
          pltpu.sync_copy(ones_v, deg_sh.at[dst_v.at[j]], add=True)
        pend = nxt
      return carry

    lax.fori_loop(0, nblocks, block, 0)
    plsc.subcore_barrier()

    @pl.when(c == 0)
    def _():
      pltpu.sync_copy(agg_sh.at[pl.ds(s * ZSLAB, ZSLAB)],
                      agg_out.at[pl.ds(s * ZSLAB, ZSLAB)])
      if with_deg:
        pltpu.sync_copy(deg_sh.at[pl.ds(s * ZSLAB, ZSLAB)],
                        deg_out.at[pl.ds(s * ZSLAB, ZSLAB)])

  return pl.kernel(body, out_type=out_type, mesh=mesh,
                   scratch_types=scratch)


ROWS = 1000
NBLK = N // ROWS


def _tc_layer_body(agg, deg, x, wl, wr, b, out):
  a = agg[...]
  d = deg[0, 0]
  inv = jnp.reshape(1.0 / jnp.maximum(d, 1.0), (ROWS, 1))
  h = jnp.dot(a * inv, wl[...], preferred_element_type=jnp.float32)
  h = h + jnp.dot(x[...], wr[...], preferred_element_type=jnp.float32)
  out[...] = jnp.maximum(h + b[...], 0.0)


_tc_layer = pl.pallas_call(
    _tc_layer_body,
    grid=(NBLK,),
    in_specs=[
        pl.BlockSpec((ROWS, D), lambda i: (i, 0)),
        pl.BlockSpec((1, 1, ROWS), lambda i: (i, 0, 0)),
        pl.BlockSpec((ROWS, D), lambda i: (i, 0)),
        pl.BlockSpec((D, H), lambda i: (0, 0)),
        pl.BlockSpec((D, H), lambda i: (0, 0)),
        pl.BlockSpec((1, H), lambda i: (0, 0)),
    ],
    out_specs=pl.BlockSpec((ROWS, H), lambda i: (i, 0)),
    out_shape=jax.ShapeDtypeStruct((N, H), jnp.float32),
)


def _tc_layer2_body(agg, deg, x, batch, oh, wl, wr, b, w1, b1, w2, b2,
                    out, pooled):
  i = pl.program_id(0)
  a = agg[...]
  d = deg[0, 0]
  inv = jnp.reshape(1.0 / jnp.maximum(d, 1.0), (ROWS, 1))
  h = jnp.dot(a * inv, wl[...], preferred_element_type=jnp.float32)
  h = h + jnp.dot(x[...], wr[...], preferred_element_type=jnp.float32)
  h = jnp.maximum(h + b[...], 0.0)

  @pl.when(i == 0)
  def _():
    pooled[...] = jnp.zeros_like(pooled)

  bb = batch[0, 0]
  glo = jnp.min(bb)
  ghi = jnp.max(bb)

  def seg_step(g):
    def _do():
      col = oh[:, g:g + 1]
      v = jnp.max(h * col, axis=0, keepdims=True)
      pooled[g:g + 1, :] = jnp.maximum(pooled[g:g + 1, :], v)
    pl.when(jnp.logical_and(g >= glo, g <= ghi))(_do)

  for g in range(G):
    seg_step(g)

  @pl.when(i == NBLK - 1)
  def _():
    p = pooled[...]
    g1 = jnp.dot(p, w1[...], preferred_element_type=jnp.float32)
    g1 = jnp.maximum(g1 + b1[...], 0.0)
    g2 = jnp.dot(g1, w2[...], preferred_element_type=jnp.float32)
    out[...] = g2 + b2[...]


_tc_layer2 = pl.pallas_call(
    _tc_layer2_body,
    grid=(NBLK,),
    in_specs=[
        pl.BlockSpec((ROWS, D), lambda i: (i, 0)),
        pl.BlockSpec((1, 1, ROWS), lambda i: (i, 0, 0)),
        pl.BlockSpec((ROWS, D), lambda i: (i, 0)),
        pl.BlockSpec((1, 1, ROWS), lambda i: (i, 0, 0)),
        pl.BlockSpec((ROWS, G), lambda i: (i, 0)),
        pl.BlockSpec((D, H), lambda i: (0, 0)),
        pl.BlockSpec((D, H), lambda i: (0, 0)),
        pl.BlockSpec((1, H), lambda i: (0, 0)),
        pl.BlockSpec((H, H), lambda i: (0, 0)),
        pl.BlockSpec((1, H), lambda i: (0, 0)),
        pl.BlockSpec((H, H), lambda i: (0, 0)),
        pl.BlockSpec((1, H), lambda i: (0, 0)),
    ],
    out_specs=pl.BlockSpec((G, H), lambda i: (0, 0)),
    out_shape=jax.ShapeDtypeStruct((G, H), jnp.float32),
    scratch_shapes=[pltpu.VMEM((G, H), jnp.float32)],
)


def _fold_bn(wl, wr, b, gamma, beta, rm, rv):
  s = gamma / jnp.sqrt(rv + 1e-5)
  return wl * s[None, :], wr * s[None, :], ((b - rm) * s + beta)[None, :]


def kernel(x, edge_index, batch, Wl1, Wr1, b1, gamma1, beta1, rm1, rv1,
           Wl2, Wr2, b2, gamma2, beta2, rm2, rv2, Wlin1, blin1, Wlin2,
           blin2):
  pad = EPAD - E
  src = jnp.concatenate([edge_index[0], jnp.zeros((pad,), jnp.int32)])
  dpad = N + (jnp.arange(pad, dtype=jnp.int32) % (NROWS - N))
  dst = jnp.concatenate([edge_index[1], dpad])
  src3 = src.reshape(TOTCH, CHUNK)
  dst3 = dst.reshape(TOTCH, CHUNK)

  wl1, wr1, bb1 = _fold_bn(Wl1, Wr1, b1, gamma1, beta1, rm1, rv1)
  wl2, wr2, bb2 = _fold_bn(Wl2, Wr2, b2, gamma2, beta2, rm2, rv2)
  w2p = jnp.zeros((H, H), jnp.float32).at[:, :2].set(Wlin2)
  b2p = jnp.zeros((1, H), jnp.float32).at[0, :2].set(blin2)

  agg1, deg = _make_sc_segment_sum(True)(x, src3, dst3)
  degb = deg[:N].reshape(NBLK, 1, ROWS)
  h1 = _tc_layer(agg1, degb, x, wl1, wr1, bb1)
  (agg2,) = _make_sc_segment_sum(False)(h1, src3, dst3)
  onehot = (batch[:, None] == jnp.arange(G)[None, :]).astype(jnp.float32)
  out = _tc_layer2(agg2, degb, h1, batch.reshape(NBLK, 1, ROWS), onehot,
                   wl2, wr2, bb2, Wlin1, blin1[None, :], w2p, b2p)
  return out[:, :2]

# --- scband reference (transcript-rebuilt; emitter-appended) ---
"""Pipeline reference for scband-subgraph-classifier-v2-47227460387298 (READ-ONLY COPY).

The authoritative reference and input builder live on the scoring server;
editing this copy changes nothing except your own understanding.
"""

import jax, jax.numpy as jnp
import numpy as np

N = 10000
E = 320000
D = 128
H = 128
G = 64


def setup_inputs(seed: int = 0) -> dict:
    key = jax.random.key(seed)
    ks = jax.random.split(key, 16)
    inp = {}
    inp["x"] = jax.random.normal(ks[0], (N, D), dtype=jnp.float32)
    inp["edge_index"] = jax.random.randint(ks[1], (2, E), 0, N, dtype=jnp.int32)
    inp["batch"] = jnp.sort(jax.random.randint(ks[2], (N,), 0, G, dtype=jnp.int32))
    # SAGEConv layer 1 params (lin_l applied to aggregated neighbors, lin_r to root)
    inp["Wl1"] = jax.random.normal(ks[3], (D, H), dtype=jnp.float32) * 0.05
    inp["Wr1"] = jax.random.normal(ks[4], (D, H), dtype=jnp.float32) * 0.05
    inp["b1"] = jnp.zeros((H,), dtype=jnp.float32)
    inp["gamma1"] = jnp.ones((H,), dtype=jnp.float32)
    inp["beta1"] = jnp.zeros((H,), dtype=jnp.float32)
    inp["rm1"] = jnp.zeros((H,), dtype=jnp.float32)
    inp["rv1"] = jnp.ones((H,), dtype=jnp.float32)
    # SAGEConv layer 2 params
    inp["Wl2"] = jax.random.normal(ks[5], (H, H), dtype=jnp.float32) * 0.05
    inp["Wr2"] = jax.random.normal(ks[6], (H, H), dtype=jnp.float32) * 0.05
    inp["b2"] = jnp.zeros((H,), dtype=jnp.float32)
    inp["gamma2"] = jnp.ones((H,), dtype=jnp.float32)
    inp["beta2"] = jnp.zeros((H,), dtype=jnp.float32)
    inp["rm2"] = jnp.zeros((H,), dtype=jnp.float32)
    inp["rv2"] = jnp.ones((H,), dtype=jnp.float32)
    # classifier head
    inp["Wlin1"] = jax.random.normal(ks[7], (H, H), dtype=jnp.float32) * 0.05
    inp["blin1"] = jnp.zeros((H,), dtype=jnp.float32)
    inp["Wlin2"] = jax.random.normal(ks[8], (H, 2), dtype=jnp.float32) * 0.05
    inp["blin2"] = jnp.zeros((2,), dtype=jnp.float32)
    return inp


def _sage(x, ei, Wl, Wr, b):
    src = ei[0]
    dst = ei[1]
    msgs = x[src]  # gather
    agg = jax.ops.segment_sum(msgs, dst, num_segments=N)  # scatter-add
    deg = jax.ops.segment_sum(jnp.ones((ei.shape[1],), x.dtype), dst, num_segments=N)
    mean = agg / jnp.clip(deg, 1.0)[:, None]
    return mean @ Wl + x @ Wr + b


def _bn_eval(h, g, b, rm, rv):
    return (h - rm) / jnp.sqrt(rv + 1e-5) * g + b


def reference(x, edge_index, batch, Wl1, Wr1, b1, gamma1, beta1, rm1, rv1, Wl2, Wr2, b2, gamma2, beta2, rm2, rv2, Wlin1, blin1, Wlin2, blin2):
    h = jax.nn.relu(_bn_eval(_sage(x, edge_index, Wl1, Wr1, b1), gamma1, beta1, rm1, rv1))
    h = jax.nn.relu(_bn_eval(_sage(h, edge_index, Wl2, Wr2, b2), gamma2, beta2, rm2, rv2))
    # jk_mode='none' -> take last layer output
    pooled = jax.ops.segment_max(h, batch, num_segments=G)  # global_max_pool
    pooled = jnp.where(jnp.isfinite(pooled), pooled, 0.0)
    g = jax.nn.relu(pooled @ Wlin1 + blin1)
    # dropout inactive in eval mode
    return g @ Wlin2 + blin2

if __name__ == "__main__":
    import jax
    _d = setup_inputs()
    print(jax.jit(kernel)(*tuple(_d.values())))

</pallas_src>

<mosaic_0001>
#map = affine_map<(d0, d1) -> (0, 0)>
module attributes {stable_mosaic.version = 14 : i64} {
  func.func @body(%arg0: i32, %arg1: i32, %arg2: memref<10000x128xf32, #tpu.memory_space<hbm>>, %arg3: memref<2560x128xi32, #tpu.memory_space<hbm>>, %arg4: memref<2560x128xi32, #tpu.memory_space<hbm>>, %arg5: memref<10240x128xf32, #tpu.memory_space<hbm>>, %arg6: memref<8x128xi32, #tpu.memory_space<vmem>>, %arg7: memref<8x128xi32, #tpu.memory_space<vmem>>, %arg8: memref<2x128x128xf32, #tpu.memory_space<vmem>>, %arg9: memref<10240x128xf32, #tpu.memory_space<vmem_shared>>, %arg10: memref<!tpu.dma_semaphore, #tpu.memory_space<semaphore_mem>>, %arg11: memref<!tpu.dma_semaphore, #tpu.memory_space<semaphore_mem>>) attributes {dimension_semantics = [#tpu.dimension_semantics<core_parallel>, #tpu.dimension_semantics<subcore_parallel>], iteration_bounds = array<i64: 2, 16>, scalar_prefetch = 0 : i64, scratch_operands = 6 : i64, tpu.core_type = #tpu.core_type<sc_vector_subcore>, window_params = [{transform_indices = #map}, {transform_indices = #map}, {transform_indices = #map}, {transform_indices = #map}]} {
    %eq3A = arith.constant 0 : i32
    %eq3A_0 = arith.cmpi eq, %arg0, %eq3A : i32
    %jit3A = arith.constant 20 : i32
    %jit3A_1 = arith.constant 0 : i32
    %select_n3A = arith.select %eq3A_0, %jit3A, %jit3A_1 : i32
    %mul3A = arith.muli %arg1, %select_n3A : i32
    %mul3A_2 = arith.constant 320 : i32
    %mul3A_3 = arith.muli %arg0, %mul3A_2 : i32
    %add3A = arith.addi %mul3A, %mul3A_3 : i32
    %broadcast_in_dim3A = arith.constant 0.000000e+00 : f32
    %broadcast_in_dim3A_4 = vector.broadcast %broadcast_in_dim3A : f32 to vector<16xf32>
    %scan3A = arith.constant 0 : i32
    %scan3A_5 = arith.constant 0 : i32
    %scan3A_6 = arith.constant 128 : i32
    %scan3A_7 = arith.addi %scan3A_5, %scan3A_6 : i32
    %scan3A_8 = arith.constant 1 : i32
    scf.for %scan3A_47 = %scan3A_5 to %scan3A_7 step %scan3A_8  : i32 {
      %swap3A = arith.constant 0 : i32
      %swap3A_48 = arith.index_cast %swap3A : i32 to index
      %swap3A_49 = arith.index_cast %scan3A_47 : i32 to index
      %swap3A_50 = arith.constant 0 : index
      %swap3A_51 = tpu.vector_load %arg8[%swap3A_48, %swap3A_49, %swap3A_50] {strides = array<i32>} : memref<2x128x128xf32, #tpu.memory_space<vmem>>, vector<1x1x16xf32>,
      %swap3A_52 = vector.shape_cast %swap3A_51 : vector<1x1x16xf32> to vector<16xf32>
      %swap3A_53 = vector.shape_cast %broadcast_in_dim3A_4 : vector<16xf32> to vector<1x1x16xf32>
      tpu.vector_store %arg8[%swap3A_48, %swap3A_49, %swap3A_50], %swap3A_53 {strides = array<i32>} : memref<2x128x128xf32, #tpu.memory_space<vmem>>, vector<1x1x16xf32>,
      %swap3A_54 = arith.constant 0 : i32
      %swap3A_55 = arith.index_cast %swap3A_54 : i32 to index
      %swap3A_56 = arith.index_cast %scan3A_47 : i32 to index
      %swap3A_57 = arith.constant 16 : index
      %swap3A_58 = tpu.vector_load %arg8[%swap3A_55, %swap3A_56, %swap3A_57] {strides = array<i32>} : memref<2x128x128xf32, #tpu.memory_space<vmem>>, vector<1x1x16xf32>,
      %swap3A_59 = vector.shape_cast %swap3A_58 : vector<1x1x16xf32> to vector<16xf32>
      %swap3A_60 = vector.shape_cast %broadcast_in_dim3A_4 : vector<16xf32> to vector<1x1x16xf32>
      tpu.vector_store %arg8[%swap3A_55, %swap3A_56, %swap3A_57], %swap3A_60 {strides = array<i32>} : memref<2x128x128xf32, #tpu.memory_space<vmem>>, vector<1x1x16xf32>,
      %swap3A_61 = arith.constant 0 : i32
      %swap3A_62 = arith.index_cast %swap3A_61 : i32 to index
      %swap3A_63 = arith.index_cast %scan3A_47 : i32 to index
      %swap3A_64 = arith.constant 32 : index
      %swap3A_65 = tpu.vector_load %arg8[%swap3A_62, %swap3A_63, %swap3A_64] {strides = array<i32>} : memref<2x128x128xf32, #tpu.memory_space<vmem>>, vector<1x1x16xf32>,
      %swap3A_66 = vector.shape_cast %swap3A_65 : vector<1x1x16xf32> to vector<16xf32>
      %swap3A_67 = vector.shape_cast %broadcast_in_dim3A_4 : vector<16xf32> to vector<1x1x16xf32>
      tpu.vector_store %arg8[%swap3A_62, %swap3A_63, %swap3A_64], %swap3A_67 {strides = array<i32>} : memref<2x128x128xf32, #tpu.memory_space<vmem>>, vector<1x1x16xf32>,
      %swap3A_68 = arith.constant 0 : i32
      %swap3A_69 = arith.index_cast %swap3A_68 : i32 to index
      %swap3A_70 = arith.index_cast %scan3A_47 : i32 to index
      %swap3A_71 = arith.constant 48 : index
      %swap3A_72 = tpu.vector_load %arg8[%swap3A_69, %swap3A_70, %swap3A_71] {strides = array<i32>} : memref<2x128x128xf32, #tpu.memory_space<vmem>>, vector<1x1x16xf32>,
      %swap3A_73 = vector.shape_cast %swap3A_72 : vector<1x1x16xf32> to vector<16xf32>
      %swap3A_74 = vector.shape_cast %broadcast_in_dim3A_4 : vector<16xf32> to vector<1x1x16xf32>
      tpu.vector_store %arg8[%swap3A_69, %swap3A_70, %swap3A_71], %swap3A_74 {strides = array<i32>} : memref<2x128x128xf32, #tpu.memory_space<vmem>>, vector<1x1x16xf32>,
      %swap3A_75 = arith.constant 0 : i32
      %swap3A_76 = arith.index_cast %swap3A_75 : i32 to index
      %swap3A_77 = arith.index_cast %scan3A_47 : i32 to index
      %swap3A_78 = arith.constant 64 : index
      %swap3A_79 = tpu.vector_load %arg8[%swap3A_76, %swap3A_77, %swap3A_78] {strides = array<i32>} : memref<2x128x128xf32, #tpu.memory_space<vmem>>, vector<1x1x16xf32>,
      %swap3A_80 = vector.shape_cast %swap3A_79 : vector<1x1x16xf32> to vector<16xf32>
      %swap3A_81 = vector.shape_cast %broadcast_in_dim3A_4 : vector<16xf32> to vector<1x1x16xf32>
      tpu.vector_store %arg8[%swap3A_76, %swap3A_77, %swap3A_78], %swap3A_81 {strides = array<i32>} : memref<2x128x128xf32, #tpu.memory_space<vmem>>, vector<1x1x16xf32>,
      %swap3A_82 = arith.constant 0 : i32
      %swap3A_83 = arith.index_cast %swap3A_82 : i32 to index
      %swap3A_84 = arith.index_cast %scan3A_47 : i32 to index
      %swap3A_85 = arith.constant 80 : index
      %swap3A_86 = tpu.vector_load %arg8[%swap3A_83, %swap3A_84, %swap3A_85] {strides = array<i32>} : memref<2x128x128xf32, #tpu.memory_space<vmem>>, vector<1x1x16xf32>,
      %swap3A_87 = vector.shape_cast %swap3A_86 : vector<1x1x16xf32> to vector<16xf32>
      %swap3A_88 = vector.shape_cast %broadcast_in_dim3A_4 : vector<16xf32> to vector<1x1x16xf32>
      tpu.vector_store %arg8[%swap3A_83, %swap3A_84, %swap3A_85], %swap3A_88 {strides = array<i32>} : memref<2x128x128xf32, #tpu.memory_space<vmem>>, vector<1x1x16xf32>,
      %swap3A_89 = arith.constant 0 : i32
      %swap3A_90 = arith.index_cast %swap3A_89 : i32 to index
      %swap3A_91 = arith.index_cast %scan3A_47 : i32 to index
      %swap3A_92 = arith.constant 96 : index
      %swap3A_93 = tpu.vector_load %arg8[%swap3A_90, %swap3A_91, %swap3A_92] {strides = array<i32>} : memref<2x128x128xf32, #tpu.memory_space<vmem>>, vector<1x1x16xf32>,
      %swap3A_94 = vector.shape_cast %swap3A_93 : vector<1x1x16xf32> to vector<16xf32>
      %swap3A_95 = vector.shape_cast %broadcast_in_dim3A_4 : vector<16xf32> to vector<1x1x16xf32>
      tpu.vector_store %arg8[%swap3A_90, %swap3A_91, %swap3A_92], %swap3A_95 {strides = array<i32>} : memref<2x128x128xf32, #tpu.memory_space<vmem>>, vector<1x1x16xf32>,
      %swap3A_96 = arith.constant 0 : i32
      %swap3A_97 = arith.index_cast %swap3A_96 : i32 to index
      %swap3A_98 = arith.index_cast %scan3A_47 : i32 to index
      %swap3A_99 = arith.constant 112 : index
      %swap3A_100 = tpu.vector_load %arg8[%swap3A_97, %swap3A_98, %swap3A_99] {strides = array<i32>} : memref<2x128x128xf32, #tpu.memory_space<vmem>>, vector<1x1x16xf32>,
      %swap3A_101 = vector.shape_cast %swap3A_100 : vector<1x1x16xf32> to vector<16xf32>
      %swap3A_102 = vector.shape_cast %broadcast_in_dim3A_4 : vector<16xf32> to vector<1x1x16xf32>
      tpu.vector_store %arg8[%swap3A_97, %swap3A_98, %swap3A_99], %swap3A_102 {strides = array<i32>} : memref<2x128x128xf32, #tpu.memory_space<vmem>>, vector<1x1x16xf32>,
    }
    %scan3A_9 = arith.constant 128 : i32
    %mul3A_10 = arith.constant 640 : i32
    %mul3A_11 = arith.muli %arg1, %mul3A_10 : i32
    %add3A_12 = arith.constant 0 : i32
    %add3A_13 = arith.addi %mul3A_11, %add3A_12 : i32
    %run_scoped3A = arith.constant 0 : i32
    "tpu.region"() ({
      %run_scoped3A_47 = tpu.sem_alloc : memref<!tpu.dma_semaphore, #tpu.memory_space<semaphore_mem>>
      %dma_start3A = arith.constant 0 : i32
      %dma_start3A_48 = arith.constant 0 : i32
      %dma_start3A_49 = tpu.memref_slice %arg8[%run_scoped3A, %dma_start3A, %dma_start3A_48] : memref<2x128x128xf32, #tpu.memory_space<vmem>> -> memref<1x128x128xf32, #tpu.memory_space<vmem>>
      %dma_start3A_50 = tpu.memref_squeeze %dma_start3A_49 : memref<1x128x128xf32, #tpu.memory_space<vmem>> -> memref<128x128xf32, #tpu.memory_space<vmem>>
      %dma_start3A_51 = arith.constant 0 : i32
      %dma_start3A_52 = tpu.memref_slice %arg9[%add3A_13, %dma_start3A_51] : memref<10240x128xf32, #tpu.memory_space<vmem_shared>> -> memref<128x128xf32, #tpu.memory_space<vmem_shared>>
      %dma_start3A_53 = arith.constant 0 : i32
      %dma_start3A_54 = tpu.memref_slice %arg9[%add3A_13, %dma_start3A_53] : memref<10240x128xf32, #tpu.memory_space<vmem_shared>> -> memref<128x128xf32, #tpu.memory_space<vmem_shared>>
      %dma_start3A_55 = arith.constant 0 : i32
      %dma_start3A_56 = arith.constant 0 : i32
      %dma_start3A_57 = tpu.memref_slice %arg8[%run_scoped3A, %dma_start3A_55, %dma_start3A_56] : memref<2x128x128xf32, #tpu.memory_space<vmem>> -> memref<1x128x128xf32, #tpu.memory_space<vmem>>
      %dma_start3A_58 = tpu.memref_squeeze %dma_start3A_57 : memref<1x128x128xf32, #tpu.memory_space<vmem>> -> memref<128x128xf32, #tpu.memory_space<vmem>>
      tpu.enqueue_dma source(%dma_start3A_58 : memref<128x128xf32, #tpu.memory_space<vmem>>) target(%dma_start3A_54 : memref<128x128xf32, #tpu.memory_space<vmem_shared>>) target_semaphore(%run_scoped3A_47 : memref<!tpu.dma_semaphore, #tpu.memory_space<semaphore_mem>>)
      %dma_wait3A = arith.constant 0 : i32
      %dma_wait3A_59 = arith.constant 0 : i32
      %dma_wait3A_60 = tpu.memref_slice %arg8[%run_scoped3A, %dma_wait3A, %dma_wait3A_59] : memref<2x128x128xf32, #tpu.memory_space<vmem>> -> memref<1x128x128xf32, #tpu.memory_space<vmem>>
      %dma_wait3A_61 = tpu.memref_squeeze %dma_wait3A_60 : memref<1x128x128xf32, #tpu.memory_space<vmem>> -> memref<128x128xf32, #tpu.memory_space<vmem>>
      %dma_wait3A_62 = arith.constant 0 : i32
      %dma_wait3A_63 = tpu.memref_slice %arg9[%add3A_13, %dma_wait3A_62] : memref<10240x128xf32, #tpu.memory_space<vmem_shared>> -> memref<128x128xf32, #tpu.memory_space<vmem_shared>>
      %dma_wait3A_64 = arith.constant 0 : i32
      %dma_wait3A_65 = tpu.memref_slice %arg9[%add3A_13, %dma_wait3A_64] : memref<10240x128xf32, #tpu.memory_space<vmem_shared>> -> memref<128x128xf32, #tpu.memory_space<vmem_shared>>
      %dma_wait3A_66 = arith.constant 0 : i32
      %dma_wait3A_67 = arith.constant 0 : i32
      %dma_wait3A_68 = tpu.memref_slice %arg8[%run_scoped3A, %dma_wait3A_66, %dma_wait3A_67] : memref<2x128x128xf32, #tpu.memory_space<vmem>> -> memref<1x128x128xf32, #tpu.memory_space<vmem>>
      %dma_wait3A_69 = tpu.memref_squeeze %dma_wait3A_68 : memref<1x128x128xf32, #tpu.memory_space<vmem>> -> memref<128x128xf32, #tpu.memory_space<vmem>>
      tpu.wait_dma2 semaphore(%run_scoped3A_47 : memref<!tpu.dma_semaphore, #tpu.memory_space<semaphore_mem>>) src(%dma_wait3A_69 : memref<128x128xf32, #tpu.memory_space<vmem>>) dst(%dma_wait3A_65 : memref<128x128xf32, #tpu.memory_space<vmem_shared>>)
      tpu.yield
    }) : () -> ()
    %mul3A_14 = arith.constant 640 : i32
    %mul3A_15 = arith.muli %arg1, %mul3A_14 : i32
    %add3A_16 = arith.constant 128 : i32
    %add3A_17 = arith.addi %mul3A_15, %add3A_16 : i32
    %run_scoped3A_18 = arith.constant 0 : i32
    "tpu.region"() ({
      %run_scoped3A_47 = tpu.sem_alloc : memref<!tpu.dma_semaphore, #tpu.memory_space<semaphore_mem>>
      %dma_start3A = arith.constant 0 : i32
      %dma_start3A_48 = arith.constant 0 : i32
      %dma_start3A_49 = tpu.memref_slice %arg8[%run_scoped3A_18, %dma_start3A, %dma_start3A_48] : memref<2x128x128xf32, #tpu.memory_space<vmem>> -> memref<1x128x128xf32, #tpu.memory_space<vmem>>
      %dma_start3A_50 = tpu.memref_squeeze %dma_start3A_49 : memref<1x128x128xf32, #tpu.memory_space<vmem>> -> memref<128x128xf32, #tpu.memory_space<vmem>>
      %dma_start3A_51 = arith.constant 0 : i32
      %dma_start3A_52 = tpu.memref_slice %arg9[%add3A_17, %dma_start3A_51] : memref<10240x128xf32, #tpu.memory_space<vmem_shared>> -> memref<128x128xf32, #tpu.memory_space<vmem_shared>>
      %dma_start3A_53 = arith.constant 0 : i32
      %dma_start3A_54 = tpu.memref_slice %arg9[%add3A_17, %dma_start3A_53] : memref<10240x128xf32, #tpu.memory_space<vmem_shared>> -> memref<128x128xf32, #tpu.memory_space<vmem_shared>>
      %dma_start3A_55 = arith.constant 0 : i32
      %dma_start3A_56 = arith.constant 0 : i32
      %dma_start3A_57 = tpu.memref_slice %arg8[%run_scoped3A_18, %dma_start3A_55, %dma_start3A_56] : memref<2x128x128xf32, #tpu.memory_space<vmem>> -> memref<1x128x128xf32, #tpu.memory_space<vmem>>
      %dma_start3A_58 = tpu.memref_squeeze %dma_start3A_57 : memref<1x128x128xf32, #tpu.memory_space<vmem>> -> memref<128x128xf32, #tpu.memory_space<vmem>>
      tpu.enqueue_dma source(%dma_start3A_58 : memref<128x128xf32, #tpu.memory_space<vmem>>) target(%dma_start3A_54 : memref<128x128xf32, #tpu.memory_space<vmem_shared>>) target_semaphore(%run_scoped3A_47 : memref<!tpu.dma_semaphore, #tpu.memory_space<semaphore_mem>>)
      %dma_wait3A = arith.constant 0 : i32
      %dma_wait3A_59 = arith.constant 0 : i32
      %dma_wait3A_60 = tpu.memref_slice %arg8[%run_scoped3A_18, %dma_wait3A, %dma_wait3A_59] : memref<2x128x128xf32, #tpu.memory_space<vmem>> -> memref<1x128x128xf32, #tpu.memory_space<vmem>>
      %dma_wait3A_61 = tpu.memref_squeeze %dma_wait3A_60 : memref<1x128x128xf32, #tpu.memory_space<vmem>> -> memref<128x128xf32, #tpu.memory_space<vmem>>
      %dma_wait3A_62 = arith.constant 0 : i32
      %dma_wait3A_63 = tpu.memref_slice %arg9[%add3A_17, %dma_wait3A_62] : memref<10240x128xf32, #tpu.memory_space<vmem_shared>> -> memref<128x128xf32, #tpu.memory_space<vmem_shared>>
      %dma_wait3A_64 = arith.constant 0 : i32
      %dma_wait3A_65 = tpu.memref_slice %arg9[%add3A_17, %dma_wait3A_64] : memref<10240x128xf32, #tpu.memory_space<vmem_shared>> -> memref<128x128xf32, #tpu.memory_space<vmem_shared>>
      %dma_wait3A_66 = arith.constant 0 : i32
      %dma_wait3A_67 = arith.constant 0 : i32
      %dma_wait3A_68 = tpu.memref_slice %arg8[%run_scoped3A_18, %dma_wait3A_66, %dma_wait3A_67] : memref<2x128x128xf32, #tpu.memory_space<vmem>> -> memref<1x128x128xf32, #tpu.memory_space<vmem>>
      %dma_wait3A_69 = tpu.memref_squeeze %dma_wait3A_68 : memref<1x128x128xf32, #tpu.memory_space<vmem>> -> memref<128x128xf32, #tpu.memory_space<vmem>>
      tpu.wait_dma2 semaphore(%run_scoped3A_47 : memref<!tpu.dma_semaphore, #tpu.memory_space<semaphore_mem>>) src(%dma_wait3A_69 : memref<128x128xf32, #tpu.memory_space<vmem>>) dst(%dma_wait3A_65 : memref<128x128xf32, #tpu.memory_space<vmem_shared>>)
      tpu.yield
    }) : () -> ()
    %mul3A_19 = arith.constant 640 : i32
    %mul3A_20 = arith.muli %arg1, %mul3A_19 : i32
    %add3A_21 = arith.constant 256 : i32
    %add3A_22 = arith.addi %mul3A_20, %add3A_21 : i32
    %run_scoped3A_23 = arith.constant 0 : i32
    "tpu.region"() ({
      %run_scoped3A_47 = tpu.sem_alloc : memref<!tpu.dma_semaphore, #tpu.memory_space<semaphore_mem>>
      %dma_start3A = arith.constant 0 : i32
      %dma_start3A_48 = arith.constant 0 : i32
      %dma_start3A_49 = tpu.memref_slice %arg8[%run_scoped3A_23, %dma_start3A, %dma_start3A_48] : memref<2x128x128xf32, #tpu.memory_space<vmem>> -> memref<1x128x128xf32, #tpu.memory_space<vmem>>
      %dma_start3A_50 = tpu.memref_squeeze %dma_start3A_49 : memref<1x128x128xf32, #tpu.memory_space<vmem>> -> memref<128x128xf32, #tpu.memory_space<vmem>>
      %dma_start3A_51 = arith.constant 0 : i32
      %dma_start3A_52 = tpu.memref_slice %arg9[%add3A_22, %dma_start3A_51] : memref<10240x128xf32, #tpu.memory_space<vmem_shared>> -> memref<128x128xf32, #tpu.memory_space<vmem_shared>>
      %dma_start3A_53 = arith.constant 0 : i32
      %dma_start3A_54 = tpu.memref_slice %arg9[%add3A_22, %dma_start3A_53] : memref<10240x128xf32, #tpu.memory_space<vmem_shared>> -> memref<128x128xf32, #tpu.memory_space<vmem_shared>>
      %dma_start3A_55 = arith.constant 0 : i32
      %dma_start3A_56 = arith.constant 0 : i32
      %dma_start3A_57 = tpu.memref_slice %arg8[%run_scoped3A_23, %dma_start3A_55, %dma_start3A_56] : memref<2x128x128xf32, #tpu.memory_space<vmem>> -> memref<1x128x128xf32, #tpu.memory_space<vmem>>
      %dma_start3A_58 = tpu.memref_squeeze %dma_start3A_57 : memref<1x128x128xf32, #tpu.memory_space<vmem>> -> memref<128x128xf32, #tpu.memory_space<vmem>>
      tpu.enqueue_dma source(%dma_start3A_58 : memref<128x128xf32, #tpu.memory_space<vmem>>) target(%dma_start3A_54 : memref<128x128xf32, #tpu.memory_space<vmem_shared>>) target_semaphore(%run_scoped3A_47 : memref<!tpu.dma_semaphore, #tpu.memory_space<semaphore_mem>>)
      %dma_wait3A = arith.constant 0 : i32
      %dma_wait3A_59 = arith.constant 0 : i32
      %dma_wait3A_60 = tpu.memref_slice %arg8[%run_scoped3A_23, %dma_wait3A, %dma_wait3A_59] : memref<2x128x128xf32, #tpu.memory_space<vmem>> -> memref<1x128x128xf32, #tpu.memory_space<vmem>>
      %dma_wait3A_61 = tpu.memref_squeeze %dma_wait3A_60 : memref<1x128x128xf32, #tpu.memory_space<vmem>> -> memref<128x128xf32, #tpu.memory_space<vmem>>
      %dma_wait3A_62 = arith.constant 0 : i32
      %dma_wait3A_63 = tpu.memref_slice %arg9[%add3A_22, %dma_wait3A_62] : memref<10240x128xf32, #tpu.memory_space<vmem_shared>> -> memref<128x128xf32, #tpu.memory_space<vmem_shared>>
      %dma_wait3A_64 = arith.constant 0 : i32
      %dma_wait3A_65 = tpu.memref_slice %arg9[%add3A_22, %dma_wait3A_64] : memref<10240x128xf32, #tpu.memory_space<vmem_shared>> -> memref<128x128xf32, #tpu.memory_space<vmem_shared>>
      %dma_wait3A_66 = arith.constant 0 : i32
      %dma_wait3A_67 = arith.constant 0 : i32
      %dma_wait3A_68 = tpu.memref_slice %arg8[%run_scoped3A_23, %dma_wait3A_66, %dma_wait3A_67] : memref<2x128x128xf32, #tpu.memory_space<vmem>> -> memref<1x128x128xf32, #tpu.memory_space<vmem>>
      %dma_wait3A_69 = tpu.memref_squeeze %dma_wait3A_68 : memref<1x128x128xf32, #tpu.memory_space<vmem>> -> memref<128x128xf32, #tpu.memory_space<vmem>>
      tpu.wait_dma2 semaphore(%run_scoped3A_47 : memref<!tpu.dma_semaphore, #tpu.memory_space<semaphore_mem>>) src(%dma_wait3A_69 : memref<128x128xf32, #tpu.memory_space<vmem>>) dst(%dma_wait3A_65 : memref<128x128xf32, #tpu.memory_space<vmem_shared>>)
      tpu.yield
    }) : () -> ()
    %mul3A_24 = arith.constant 640 : i32
    %mul3A_25 = arith.muli %arg1, %mul3A_24 : i32
    %add3A_26 = arith.constant 384 : i32
    %add3A_27 = arith.addi %mul3A_25, %add3A_26 : i32
    %run_scoped3A_28 = arith.constant 0 : i32
    "tpu.region"() ({
      %run_scoped3A_47 = tpu.sem_alloc : memref<!tpu.dma_semaphore, #tpu.memory_space<semaphore_mem>>
      %dma_start3A = arith.constant 0 : i32
      %dma_start3A_48 = arith.constant 0 : i32
      %dma_start3A_49 = tpu.memref_slice %arg8[%run_scoped3A_28, %dma_start3A, %dma_start3A_48] : memref<2x128x128xf32, #tpu.memory_space<vmem>> -> memref<1x128x128xf32, #tpu.memory_space<vmem>>
      %dma_start3A_50 = tpu.memref_squeeze %dma_start3A_49 : memref<1x128x128xf32, #tpu.memory_space<vmem>> -> memref<128x128xf32, #tpu.memory_space<vmem>>
      %dma_start3A_51 = arith.constant 0 : i32
      %dma_start3A_52 = tpu.memref_slice %arg9[%add3A_27, %dma_start3A_51] : memref<10240x128xf32, #tpu.memory_space<vmem_shared>> -> memref<128x128xf32, #tpu.memory_space<vmem_shared>>
      %dma_start3A_53 = arith.constant 0 : i32
      %dma_start3A_54 = tpu.memref_slice %arg9[%add3A_27, %dma_start3A_53] : memref<10240x128xf32, #tpu.memory_space<vmem_shared>> -> memref<128x128xf32, #tpu.memory_space<vmem_shared>>
      %dma_start3A_55 = arith.constant 0 : i32
      %dma_start3A_56 = arith.constant 0 : i32
      %dma_start3A_57 = tpu.memref_slice %arg8[%run_scoped3A_28, %dma_start3A_55, %dma_start3A_56] : memref<2x128x128xf32, #tpu.memory_space<vmem>> -> memref<1x128x128xf32, #tpu.memory_space<vmem>>
      %dma_start3A_58 = tpu.memref_squeeze %dma_start3A_57 : memref<1x128x128xf32, #tpu.memory_space<vmem>> -> memref<128x128xf32, #tpu.memory_space<vmem>>
      tpu.enqueue_dma source(%dma_start3A_58 : memref<128x128xf32, #tpu.memory_space<vmem>>) target(%dma_start3A_54 : memref<128x128xf32, #tpu.memory_space<vmem_shared>>) target_semaphore(%run_scoped3A_47 : memref<!tpu.dma_semaphore, #tpu.memory_space<semaphore_mem>>)
      %dma_wait3A = arith.constant 0 : i32
      %dma_wait3A_59 = arith.constant 0 : i32
      %dma_wait3A_60 = tpu.memref_slice %arg8[%run_scoped3A_28, %dma_wait3A, %dma_wait3A_59] : memref<2x128x128xf32, #tpu.memory_space<vmem>> -> memref<1x128x128xf32, #tpu.memory_space<vmem>>
      %dma_wait3A_61 = tpu.memref_squeeze %dma_wait3A_60 : memref<1x128x128xf32, #tpu.memory_space<vmem>> -> memref<128x128xf32, #tpu.memory_space<vmem>>
      %dma_wait3A_62 = arith.constant 0 : i32
      %dma_wait3A_63 = tpu.memref_slice %arg9[%add3A_27, %dma_wait3A_62] : memref<10240x128xf32, #tpu.memory_space<vmem_shared>> -> memref<128x128xf32, #tpu.memory_space<vmem_shared>>
      %dma_wait3A_64 = arith.constant 0 : i32
      %dma_wait3A_65 = tpu.memref_slice %arg9[%add3A_27, %dma_wait3A_64] : memref<10240x128xf32, #tpu.memory_space<vmem_shared>> -> memref<128x128xf32, #tpu.memory_space<vmem_shared>>
      %dma_wait3A_66 = arith.constant 0 : i32
      %dma_wait3A_67 = arith.constant 0 : i32
      %dma_wait3A_68 = tpu.memref_slice %arg8[%run_scoped3A_28, %dma_wait3A_66, %dma_wait3A_67] : memref<2x128x128xf32, #tpu.memory_space<vmem>> -> memref<1x128x128xf32, #tpu.memory_space<vmem>>
      %dma_wait3A_69 = tpu.memref_squeeze %dma_wait3A_68 : memref<1x128x128xf32, #tpu.memory_space<vmem>> -> memref<128x128xf32, #tpu.memory_space<vmem>>
      tpu.wait_dma2 semaphore(%run_scoped3A_47 : memref<!tpu.dma_semaphore, #tpu.memory_space<semaphore_mem>>) src(%dma_wait3A_69 : memref<128x128xf32, #tpu.memory_space<vmem>>) dst(%dma_wait3A_65 : memref<128x128xf32, #tpu.memory_space<vmem_shared>>)
      tpu.yield
    }) : () -> ()
    %mul3A_29 = arith.constant 640 : i32
    %mul3A_30 = arith.muli %arg1, %mul3A_29 : i32
    %add3A_31 = arith.constant 512 : i32
    %add3A_32 = arith.addi %mul3A_30, %add3A_31 : i32
    %run_scoped3A_33 = arith.constant 0 : i32
    "tpu.region"() ({
      %run_scoped3A_47 = tpu.sem_alloc : memref<!tpu.dma_semaphore, #tpu.memory_space<semaphore_mem>>
      %dma_start3A = arith.constant 0 : i32
      %dma_start3A_48 = arith.constant 0 : i32
      %dma_start3A_49 = tpu.memref_slice %arg8[%run_scoped3A_33, %dma_start3A, %dma_start3A_48] : memref<2x128x128xf32, #tpu.memory_space<vmem>> -> memref<1x128x128xf32, #tpu.memory_space<vmem>>
      %dma_start3A_50 = tpu.memref_squeeze %dma_start3A_49 : memref<1x128x128xf32, #tpu.memory_space<vmem>> -> memref<128x128xf32, #tpu.memory_space<vmem>>
      %dma_start3A_51 = arith.constant 0 : i32
      %dma_start3A_52 = tpu.memref_slice %arg9[%add3A_32, %dma_start3A_51] : memref<10240x128xf32, #tpu.memory_space<vmem_shared>> -> memref<128x128xf32, #tpu.memory_space<vmem_shared>>
      %dma_start3A_53 = arith.constant 0 : i32
      %dma_start3A_54 = tpu.memref_slice %arg9[%add3A_32, %dma_start3A_53] : memref<10240x128xf32, #tpu.memory_space<vmem_shared>> -> memref<128x128xf32, #tpu.memory_space<vmem_shared>>
      %dma_start3A_55 = arith.constant 0 : i32
      %dma_start3A_56 = arith.constant 0 : i32
      %dma_start3A_57 = tpu.memref_slice %arg8[%run_scoped3A_33, %dma_start3A_55, %dma_start3A_56] : memref<2x128x128xf32, #tpu.memory_space<vmem>> -> memref<1x128x128xf32, #tpu.memory_space<vmem>>
      %dma_start3A_58 = tpu.memref_squeeze %dma_start3A_57 : memref<1x128x128xf32, #tpu.memory_space<vmem>> -> memref<128x128xf32, #tpu.memory_space<vmem>>
      tpu.enqueue_dma source(%dma_start3A_58 : memref<128x128xf32, #tpu.memory_space<vmem>>) target(%dma_start3A_54 : memref<128x128xf32, #tpu.memory_space<vmem_shared>>) target_semaphore(%run_scoped3A_47 : memref<!tpu.dma_semaphore, #tpu.memory_space<semaphore_mem>>)
      %dma_wait3A = arith.constant 0 : i32
      %dma_wait3A_59 = arith.constant 0 : i32
      %dma_wait3A_60 = tpu.memref_slice %arg8[%run_scoped3A_33, %dma_wait3A, %dma_wait3A_59] : memref<2x128x128xf32, #tpu.memory_space<vmem>> -> memref<1x128x128xf32, #tpu.memory_space<vmem>>
      %dma_wait3A_61 = tpu.memref_squeeze %dma_wait3A_60 : memref<1x128x128xf32, #tpu.memory_space<vmem>> -> memref<128x128xf32, #tpu.memory_space<vmem>>
      %dma_wait3A_62 = arith.constant 0 : i32
      %dma_wait3A_63 = tpu.memref_slice %arg9[%add3A_32, %dma_wait3A_62] : memref<10240x128xf32, #tpu.memory_space<vmem_shared>> -> memref<128x128xf32, #tpu.memory_space<vmem_shared>>
      %dma_wait3A_64 = arith.constant 0 : i32
      %dma_wait3A_65 = tpu.memref_slice %arg9[%add3A_32, %dma_wait3A_64] : memref<10240x128xf32, #tpu.memory_space<vmem_shared>> -> memref<128x128xf32, #tpu.memory_space<vmem_shared>>
      %dma_wait3A_66 = arith.constant 0 : i32
      %dma_wait3A_67 = arith.constant 0 : i32
      %dma_wait3A_68 = tpu.memref_slice %arg8[%run_scoped3A_33, %dma_wait3A_66, %dma_wait3A_67] : memref<2x128x128xf32, #tpu.memory_space<vmem>> -> memref<1x128x128xf32, #tpu.memory_space<vmem>>
      %dma_wait3A_69 = tpu.memref_squeeze %dma_wait3A_68 : memref<1x128x128xf32, #tpu.memory_space<vmem>> -> memref<128x128xf32, #tpu.memory_space<vmem>>
      tpu.wait_dma2 semaphore(%run_scoped3A_47 : memref<!tpu.dma_semaphore, #tpu.memory_space<semaphore_mem>>) src(%dma_wait3A_69 : memref<128x128xf32, #tpu.memory_space<vmem>>) dst(%dma_wait3A_65 : memref<128x128xf32, #tpu.memory_space<vmem_shared>>)
      tpu.yield
    }) : () -> ()
    %barrier3A = arith.constant 0 : index
    tpu.barrier barrier_id(%barrier3A)
    %while3A = arith.constant 0 : i32
    %while3A_34 = arith.constant 0 : i32
    %while3A_35 = arith.subi %select_n3A, %while3A_34 : i32
    %while3A_36 = arith.addi %while3A_34, %while3A_35 : i32
    %while3A_37 = arith.constant 1 : i32
    %while3A_38 = arith.divsi %while3A_35, %while3A_37 : i32
    %while3A_39 = arith.muli %while3A_38, %while3A_37 : i32
    %while3A_40 = arith.addi %while3A_34, %while3A_39 : i32
    %while3A_41 = arith.constant 1 : i32
    scf.for %while3A_47 = %while3A_34 to %while3A_40 step %while3A_41  : i32 {
      %add3A_48 = arith.addi %add3A, %while3A_47 : i32
      %mul3A_49 = arith.constant 8 : i32
      %mul3A_50 = arith.muli %add3A_48, %mul3A_49 : i32
      "tpu.region"() ({
        %run_scoped3A_257 = tpu.sem_alloc : memref<!tpu.dma_semaphore, #tpu.memory_space<semaphore_mem>>
        %dma_start3A_258 = arith.constant 0 : i32
        %dma_start3A_259 = tpu.memref_slice %arg3[%mul3A_50, %dma_start3A_258] : memref<2560x128xi32, #tpu.memory_space<hbm>> -> memref<8x128xi32, #tpu.memory_space<hbm>>
        %dma_start3A_260 = arith.constant 0 : i32
        %dma_start3A_261 = tpu.memref_slice %arg3[%mul3A_50, %dma_start3A_260] : memref<2560x128xi32, #tpu.memory_space<hbm>> -> memref<8x128xi32, #tpu.memory_space<hbm>>
        tpu.enqueue_dma source(%dma_start3A_261 : memref<8x128xi32, #tpu.memory_space<hbm>>) target(%arg6 : memref<8x128xi32, #tpu.memory_space<vmem>>) target_semaphore(%run_scoped3A_257 : memref<!tpu.dma_semaphore, #tpu.memory_space<semaphore_mem>>)
        %dma_wait3A_262 = arith.constant 0 : i32
        %dma_wait3A_263 = tpu.memref_slice %arg3[%mul3A_50, %dma_wait3A_262] : memref<2560x128xi32, #tpu.memory_space<hbm>> -> memref<8x128xi32, #tpu.memory_space<hbm>>
        %dma_wait3A_264 = arith.constant 0 : i32
        %dma_wait3A_265 = tpu.memref_slice %arg3[%mul3A_50, %dma_wait3A_264] : memref<2560x128xi32, #tpu.memory_space<hbm>> -> memref<8x128xi32, #tpu.memory_space<hbm>>
        tpu.wait_dma2 semaphore(%run_scoped3A_257 : memref<!tpu.dma_semaphore, #tpu.memory_space<semaphore_mem>>) src(%dma_wait3A_265 : memref<8x128xi32, #tpu.memory_space<hbm>>) dst(%arg6 : memref<8x128xi32, #tpu.memory_space<vmem>>)
        tpu.yield
      }) : () -> ()
      "tpu.region"() ({
        %run_scoped3A_257 = tpu.sem_alloc : memref<!tpu.dma_semaphore, #tpu.memory_space<semaphore_mem>>
        %dma_start3A_258 = arith.constant 0 : i32
        %dma_start3A_259 = tpu.memref_slice %arg4[%mul3A_50, %dma_start3A_258] : memref<2560x128xi32, #tpu.memory_space<hbm>> -> memref<8x128xi32, #tpu.memory_space<hbm>>
        %dma_start3A_260 = arith.constant 0 : i32
        %dma_start3A_261 = tpu.memref_slice %arg4[%mul3A_50, %dma_start3A_260] : memref<2560x128xi32, #tpu.memory_space<hbm>> -> memref<8x128xi32, #tpu.memory_space<hbm>>
        tpu.enqueue_dma source(%dma_start3A_261 : memref<8x128xi32, #tpu.memory_space<hbm>>) target(%arg7 : memref<8x128xi32, #tpu.memory_space<vmem>>) target_semaphore(%run_scoped3A_257 : memref<!tpu.dma_semaphore, #tpu.memory_space<semaphore_mem>>)
        %dma_wait3A_262 = arith.constant 0 : i32
        %dma_wait3A_263 = tpu.memref_slice %arg4[%mul3A_50, %dma_wait3A_262] : memref<2560x128xi32, #tpu.memory_space<hbm>> -> memref<8x128xi32, #tpu.memory_space<hbm>>
        %dma_wait3A_264 = arith.constant 0 : i32
        %dma_wait3A_265 = tpu.memref_slice %arg4[%mul3A_50, %dma_wait3A_264] : memref<2560x128xi32, #tpu.memory_space<hbm>> -> memref<8x128xi32, #tpu.memory_space<hbm>>
        tpu.wait_dma2 semaphore(%run_scoped3A_257 : memref<!tpu.dma_semaphore, #tpu.memory_space<semaphore_mem>>) src(%dma_wait3A_265 : memref<8x128xi32, #tpu.memory_space<hbm>>) dst(%arg7 : memref<8x128xi32, #tpu.memory_space<vmem>>)
        tpu.yield
      }) : () -> ()
      %dma_start3A = arith.constant 0 : i32
      %dma_start3A_51 = arith.constant 0 : i32
      %dma_start3A_52 = arith.constant 0 : i32
      %dma_start3A_53 = arith.constant 0 : i32
      %dma_start3A_54 = tpu.memref_slice %arg8[%dma_start3A_51, %dma_start3A_52, %dma_start3A_53] : memref<2x128x128xf32, #tpu.memory_space<vmem>> -> memref<1x128x128xf32, #tpu.memory_space<vmem>>
      %dma_start3A_55 = tpu.memref_squeeze %dma_start3A_54 : memref<1x128x128xf32, #tpu.memory_space<vmem>> -> memref<128x128xf32, #tpu.memory_space<vmem>>
      %dma_start3A_56 = arith.constant 0 : i32
      %dma_start3A_57 = tpu.memref_slice %arg6[%dma_start3A, %dma_start3A_56] : memref<8x128xi32, #tpu.memory_space<vmem>> -> memref<1x128xi32, #tpu.memory_space<vmem>>
      %dma_start3A_58 = tpu.memref_squeeze %dma_start3A_57 : memref<1x128xi32, #tpu.memory_space<vmem>> -> memref<128xi32, #tpu.memory_space<vmem>>
      %dma_start3A_59 = arith.constant 0 : i32
      %dma_start3A_60 = arith.constant 0 : i32
      %dma_start3A_61 = tpu.memref_slice %arg2[%dma_start3A_59, %dma_start3A_60] : memref<10000x128xf32, #tpu.memory_space<hbm>> -> memref<10000x128xf32, #tpu.memory_space<hbm>>
      tpu.enqueue_indirect_dma source(%dma_start3A_61 : memref<10000x128xf32, #tpu.memory_space<hbm>>) target(%dma_start3A_55 : memref<128x128xf32, #tpu.memory_space<vmem>>) offsets(%dma_start3A_58 : memref<128xi32, #tpu.memory_space<vmem>>) semaphore(%arg10 : memref<!tpu.dma_semaphore, #tpu.memory_space<semaphore_mem>>)
      %dma_start3A_62 = arith.constant 1 : i32
      %dma_start3A_63 = arith.constant 1 : i32
      %dma_start3A_64 = arith.constant 0 : i32
      %dma_start3A_65 = arith.constant 0 : i32
      %dma_start3A_66 = tpu.memref_slice %arg8[%dma_start3A_63, %dma_start3A_64, %dma_start3A_65] : memref<2x128x128xf32, #tpu.memory_space<vmem>> -> memref<1x128x128xf32, #tpu.memory_space<vmem>>
      %dma_start3A_67 = tpu.memref_squeeze %dma_start3A_66 : memref<1x128x128xf32, #tpu.memory_space<vmem>> -> memref<128x128xf32, #tpu.memory_space<vmem>>
      %dma_start3A_68 = arith.constant 0 : i32
      %dma_start3A_69 = tpu.memref_slice %arg6[%dma_start3A_62, %dma_start3A_68] : memref<8x128xi32, #tpu.memory_space<vmem>> -> memref<1x128xi32, #tpu.memory_space<vmem>>
      %dma_start3A_70 = tpu.memref_squeeze %dma_start3A_69 : memref<1x128xi32, #tpu.memory_space<vmem>> -> memref<128xi32, #tpu.memory_space<vmem>>
      %dma_start3A_71 = arith.constant 0 : i32
      %dma_start3A_72 = arith.constant 0 : i32
      %dma_start3A_73 = tpu.memref_slice %arg2[%dma_start3A_71, %dma_start3A_72] : memref<10000x128xf32, #tpu.memory_space<hbm>> -> memref<10000x128xf32, #tpu.memory_space<hbm>>
      tpu.enqueue_indirect_dma source(%dma_start3A_73 : memref<10000x128xf32, #tpu.memory_space<hbm>>) target(%dma_start3A_67 : memref<128x128xf32, #tpu.memory_space<vmem>>) offsets(%dma_start3A_70 : memref<128xi32, #tpu.memory_space<vmem>>) semaphore(%arg11 : memref<!tpu.dma_semaphore, #tpu.memory_space<semaphore_mem>>)
      %dma_wait3A = arith.constant 0 : i32
      %dma_wait3A_74 = arith.constant 0 : i32
      %dma_wait3A_75 = arith.constant 0 : i32
      %dma_wait3A_76 = arith.constant 0 : i32
      %dma_wait3A_77 = tpu.memref_slice %arg8[%dma_wait3A_74, %dma_wait3A_75, %dma_wait3A_76] : memref<2x128x128xf32, #tpu.memory_space<vmem>> -> memref<1x128x128xf32, #tpu.memory_space<vmem>>
      %dma_wait3A_78 = tpu.memref_squeeze %dma_wait3A_77 : memref<1x128x128xf32, #tpu.memory_space<vmem>> -> memref<128x128xf32, #tpu.memory_space<vmem>>
      %dma_wait3A_79 = arith.constant 0 : i32
      %dma_wait3A_80 = tpu.memref_slice %arg6[%dma_wait3A, %dma_wait3A_79] : memref<8x128xi32, #tpu.memory_space<vmem>> -> memref<1x128xi32, #tpu.memory_space<vmem>>
      %dma_wait3A_81 = tpu.memref_squeeze %dma_wait3A_80 : memref<1x128xi32, #tpu.memory_space<vmem>> -> memref<128xi32, #tpu.memory_space<vmem>>
      %dma_wait3A_82 = arith.constant 0 : i32
      %dma_wait3A_83 = arith.constant 0 : i32
      %dma_wait3A_84 = tpu.memref_slice %arg2[%dma_wait3A_82, %dma_wait3A_83] : memref<10000x128xf32, #tpu.memory_space<hbm>> -> memref<10000x128xf32, #tpu.memory_space<hbm>>
      tpu.wait_indirect_dma semaphore(%arg10 : memref<!tpu.dma_semaphore, #tpu.memory_space<semaphore_mem>>) src(%dma_wait3A_84 : memref<10000x128xf32, #tpu.memory_space<hbm>>) dst(%dma_wait3A_78 : memref<128x128xf32, #tpu.memory_space<vmem>>)
      %run_scoped3A_85 = arith.constant 0 : i32
      %run_scoped3A_86 = arith.constant 0 : i32
      "tpu.region"() ({
        %run_scoped3A_257 = tpu.sem_alloc : memref<!tpu.dma_semaphore, #tpu.memory_space<semaphore_mem>>
        %dma_start3A_258 = arith.constant 0 : i32
        %dma_start3A_259 = arith.constant 0 : i32
        %dma_start3A_260 = tpu.memref_slice %arg8[%run_scoped3A_85, %dma_start3A_258, %dma_start3A_259] : memref<2x128x128xf32, #tpu.memory_space<vmem>> -> memref<1x128x128xf32, #tpu.memory_space<vmem>>
        %dma_start3A_261 = tpu.memref_squeeze %dma_start3A_260 : memref<1x128x128xf32, #tpu.memory_space<vmem>> -> memref<128x128xf32, #tpu.memory_space<vmem>>
        %dma_start3A_262 = arith.constant 0 : i32
        %dma_start3A_263 = tpu.memref_slice %arg7[%run_scoped3A_86, %dma_start3A_262] : memref<8x128xi32, #tpu.memory_space<vmem>> -> memref<1x128xi32, #tpu.memory_space<vmem>>
        %dma_start3A_264 = tpu.memref_squeeze %dma_start3A_263 : memref<1x128xi32, #tpu.memory_space<vmem>> -> memref<128xi32, #tpu.memory_space<vmem>>
        %dma_start3A_265 = arith.constant 0 : i32
        %dma_start3A_266 = arith.constant 0 : i32
        %dma_start3A_267 = tpu.memref_slice %arg9[%dma_start3A_265, %dma_start3A_266] : memref<10240x128xf32, #tpu.memory_space<vmem_shared>> -> memref<10240x128xf32, #tpu.memory_space<vmem_shared>>
        tpu.enqueue_indirect_dma source(%dma_start3A_261 : memref<128x128xf32, #tpu.memory_space<vmem>>) target(%dma_start3A_267 : memref<10240x128xf32, #tpu.memory_space<vmem_shared>>) offsets(%dma_start3A_264 : memref<128xi32, #tpu.memory_space<vmem>>) semaphore(%run_scoped3A_257 : memref<!tpu.dma_semaphore, #tpu.memory_space<semaphore_mem>>) {add = true}
        %dma_wait3A_268 = arith.constant 0 : i32
        %dma_wait3A_269 = arith.constant 0 : i32
        %dma_wait3A_270 = tpu.memref_slice %arg8[%run_scoped3A_85, %dma_wait3A_268, %dma_wait3A_269] : memref<2x128x128xf32, #tpu.memory_space<vmem>> -> memref<1x128x128xf32, #tpu.memory_space<vmem>>
        %dma_wait3A_271 = tpu.memref_squeeze %dma_wait3A_270 : memref<1x128x128xf32, #tpu.memory_space<vmem>> -> memref<128x128xf32, #tpu.memory_space<vmem>>
        %dma_wait3A_272 = arith.constant 0 : i32
        %dma_wait3A_273 = tpu.memref_slice %arg7[%run_scoped3A_86, %dma_wait3A_272] : memref<8x128xi32, #tpu.memory_space<vmem>> -> memref<1x128xi32, #tpu.memory_space<vmem>>
        %dma_wait3A_274 = tpu.memref_squeeze %dma_wait3A_273 : memref<1x128xi32, #tpu.memory_space<vmem>> -> memref<128xi32, #tpu.memory_space<vmem>>
        %dma_wait3A_275 = arith.constant 0 : i32
        %dma_wait3A_276 = arith.constant 0 : i32
        %dma_wait3A_277 = tpu.memref_slice %arg9[%dma_wait3A_275, %dma_wait3A_276] : memref<10240x128xf32, #tpu.memory_space<vmem_shared>> -> memref<10240x128xf32, #tpu.memory_space<vmem_shared>>
        tpu.wait_indirect_dma semaphore(%run_scoped3A_257 : memref<!tpu.dma_semaphore, #tpu.memory_space<semaphore_mem>>) src(%dma_wait3A_271 : memref<128x128xf32, #tpu.memory_space<vmem>>) dst(%dma_wait3A_277 : memref<10240x128xf32, #tpu.memory_space<vmem_shared>>)
        tpu.yield
      }) : () -> ()
      %dma_start3A_87 = arith.constant 2 : i32
      %dma_start3A_88 = arith.constant 0 : i32
      %dma_start3A_89 = arith.constant 0 : i32
      %dma_start3A_90 = arith.constant 0 : i32
      %dma_start3A_91 = tpu.memref_slice %arg8[%dma_start3A_88, %dma_start3A_89, %dma_start3A_90] : memref<2x128x128xf32, #tpu.memory_space<vmem>> -> memref<1x128x128xf32, #tpu.memory_space<vmem>>
      %dma_start3A_92 = tpu.memref_squeeze %dma_start3A_91 : memref<1x128x128xf32, #tpu.memory_space<vmem>> -> memref<128x128xf32, #tpu.memory_space<vmem>>
      %dma_start3A_93 = arith.constant 0 : i32
      %dma_start3A_94 = tpu.memref_slice %arg6[%dma_start3A_87, %dma_start3A_93] : memref<8x128xi32, #tpu.memory_space<vmem>> -> memref<1x128xi32, #tpu.memory_space<vmem>>
      %dma_start3A_95 = tpu.memref_squeeze %dma_start3A_94 : memref<1x128xi32, #tpu.memory_space<vmem>> -> memref<128xi32, #tpu.memory_space<vmem>>
      %dma_start3A_96 = arith.constant 0 : i32
      %dma_start3A_97 = arith.constant 0 : i32
      %dma_start3A_98 = tpu.memref_slice %arg2[%dma_start3A_96, %dma_start3A_97] : memref<10000x128xf32, #tpu.memory_space<hbm>> -> memref<10000x128xf32, #tpu.memory_space<hbm>>
      tpu.enqueue_indirect_dma source(%dma_start3A_98 : memref<10000x128xf32, #tpu.memory_space<hbm>>) target(%dma_start3A_92 : memref<128x128xf32, #tpu.memory_space<vmem>>) offsets(%dma_start3A_95 : memref<128xi32, #tpu.memory_space<vmem>>) semaphore(%arg10 : memref<!tpu.dma_semaphore, #tpu.memory_space<semaphore_mem>>)
      %dma_wait3A_99 = arith.constant 1 : i32
      %dma_wait3A_100 = arith.constant 1 : i32
      %dma_wait3A_101 = arith.constant 0 : i32
      %dma_wait3A_102 = arith.constant 0 : i32
      %dma_wait3A_103 = tpu.memref_slice %arg8[%dma_wait3A_100, %dma_wait3A_101, %dma_wait3A_102] : memref<2x128x128xf32, #tpu.memory_space<vmem>> -> memref<1x128x128xf32, #tpu.memory_space<vmem>>
      %dma_wait3A_104 = tpu.memref_squeeze %dma_wait3A_103 : memref<1x128x128xf32, #tpu.memory_space<vmem>> -> memref<128x128xf32, #tpu.memory_space<vmem>>
      %dma_wait3A_105 = arith.constant 0 : i32
      %dma_wait3A_106 = tpu.memref_slice %arg6[%dma_wait3A_99, %dma_wait3A_105] : memref<8x128xi32, #tpu.memory_space<vmem>> -> memref<1x128xi32, #tpu.memory_space<vmem>>
      %dma_wait3A_107 = tpu.memref_squeeze %dma_wait3A_106 : memref<1x128xi32, #tpu.memory_space<vmem>> -> memref<128xi32, #tpu.memory_space<vmem>>
      %dma_wait3A_108 = arith.constant 0 : i32
      %dma_wait3A_109 = arith.constant 0 : i32
      %dma_wait3A_110 = tpu.memref_slice %arg2[%dma_wait3A_108, %dma_wait3A_109] : memref<10000x128xf32, #tpu.memory_space<hbm>> -> memref<10000x128xf32, #tpu.memory_space<hbm>>
      tpu.wait_indirect_dma semaphore(%arg11 : memref<!tpu.dma_semaphore, #tpu.memory_space<semaphore_mem>>) src(%dma_wait3A_110 : memref<10000x128xf32, #tpu.memory_space<hbm>>) dst(%dma_wait3A_104 : memref<128x128xf32, #tpu.memory_space<vmem>>)
      %run_scoped3A_111 = arith.constant 1 : i32
      %run_scoped3A_112 = arith.constant 1 : i32
      "tpu.region"() ({
        %run_scoped3A_257 = tpu.sem_alloc : memref<!tpu.dma_semaphore, #tpu.memory_space<semaphore_mem>>
        %dma_start3A_258 = arith.constant 0 : i32
        %dma_start3A_259 = arith.constant 0 : i32
        %dma_start3A_260 = tpu.memref_slice %arg8[%run_scoped3A_111, %dma_start3A_258, %dma_start3A_259] : memref<2x128x128xf32, #tpu.memory_space<vmem>> -> memref<1x128x128xf32, #tpu.memory_space<vmem>>
        %dma_start3A_261 = tpu.memref_squeeze %dma_start3A_260 : memref<1x128x128xf32, #tpu.memory_space<vmem>> -> memref<128x128xf32, #tpu.memory_space<vmem>>
        %dma_start3A_262 = arith.constant 0 : i32
        %dma_start3A_263 = tpu.memref_slice %arg7[%run_scoped3A_112, %dma_start3A_262] : memref<8x128xi32, #tpu.memory_space<vmem>> -> memref<1x128xi32, #tpu.memory_space<vmem>>
        %dma_start3A_264 = tpu.memref_squeeze %dma_start3A_263 : memref<1x128xi32, #tpu.memory_space<vmem>> -> memref<128xi32, #tpu.memory_space<vmem>>
        %dma_start3A_265 = arith.constant 0 : i32
        %dma_start3A_266 = arith.constant 0 : i32
        %dma_start3A_267 = tpu.memref_slice %arg9[%dma_start3A_265, %dma_start3A_266] : memref<10240x128xf32, #tpu.memory_space<vmem_shared>> -> memref<10240x128xf32, #tpu.memory_space<vmem_shared>>
        tpu.enqueue_indirect_dma source(%dma_start3A_261 : memref<128x128xf32, #tpu.memory_space<vmem>>) target(%dma_start3A_267 : memref<10240x128xf32, #tpu.memory_space<vmem_shared>>) offsets(%dma_start3A_264 : memref<128xi32, #tpu.memory_space<vmem>>) semaphore(%run_scoped3A_257 : memref<!tpu.dma_semaphore, #tpu.memory_space<semaphore_mem>>) {add = true}
        %dma_wait3A_268 = arith.constant 0 : i32
        %dma_wait3A_269 = arith.constant 0 : i32
        %dma_wait3A_270 = tpu.memref_slice %arg8[%run_scoped3A_111, %dma_wait3A_268, %dma_wait3A_269] : memref<2x128x128xf32, #tpu.memory_space<vmem>> -> memref<1x128x128xf32, #tpu.memory_space<vmem>>
        %dma_wait3A_271 = tpu.memref_squeeze %dma_wait3A_270 : memref<1x128x128xf32, #tpu.memory_space<vmem>> -> memref<128x128xf32, #tpu.memory_space<vmem>>
        %dma_wait3A_272 = arith.constant 0 : i32
        %dma_wait3A_273 = tpu.memref_slice %arg7[%run_scoped3A_112, %dma_wait3A_272] : memref<8x128xi32, #tpu.memory_space<vmem>> -> memref<1x128xi32, #tpu.memory_space<vmem>>
        %dma_wait3A_274 = tpu.memref_squeeze %dma_wait3A_273 : memref<1x128xi32, #tpu.memory_space<vmem>> -> memref<128xi32, #tpu.memory_space<vmem>>
        %dma_wait3A_275 = arith.constant 0 : i32
        %dma_wait3A_276 = arith.constant 0 : i32
        %dma_wait3A_277 = tpu.memref_slice %arg9[%dma_wait3A_275, %dma_wait3A_276] : memref<10240x128xf32, #tpu.memory_space<vmem_shared>> -> memref<10240x128xf32, #tpu.memory_space<vmem_shared>>
        tpu.wait_indirect_dma semaphore(%run_scoped3A_257 : memref<!tpu.dma_semaphore, #tpu.memory_space<semaphore_mem>>) src(%dma_wait3A_271 : memref<128x128xf32, #tpu.memory_space<vmem>>) dst(%dma_wait3A_277 : memref<10240x128xf32, #tpu.memory_space<vmem_shared>>)
        tpu.yield
      }) : () -> ()
      %dma_start3A_113 = arith.constant 3 : i32
      %dma_start3A_114 = arith.constant 1 : i32
      %dma_start3A_115 = arith.constant 0 : i32
      %dma_start3A_116 = arith.constant 0 : i32
      %dma_start3A_117 = tpu.memref_slice %arg8[%dma_start3A_114, %dma_start3A_115, %dma_start3A_116] : memref<2x128x128xf32, #tpu.memory_space<vmem>> -> memref<1x128x128xf32, #tpu.memory_space<vmem>>
      %dma_start3A_118 = tpu.memref_squeeze %dma_start3A_117 : memref<1x128x128xf32, #tpu.memory_space<vmem>> -> memref<128x128xf32, #tpu.memory_space<vmem>>
      %dma_start3A_119 = arith.constant 0 : i32
      %dma_start3A_120 = tpu.memref_slice %arg6[%dma_start3A_113, %dma_start3A_119] : memref<8x128xi32, #tpu.memory_space<vmem>> -> memref<1x128xi32, #tpu.memory_space<vmem>>
      %dma_start3A_121 = tpu.memref_squeeze %dma_start3A_120 : memref<1x128xi32, #tpu.memory_space<vmem>> -> memref<128xi32, #tpu.memory_space<vmem>>
      %dma_start3A_122 = arith.constant 0 : i32
      %dma_start3A_123 = arith.constant 0 : i32
      %dma_start3A_124 = tpu.memref_slice %arg2[%dma_start3A_122, %dma_start3A_123] : memref<10000x128xf32, #tpu.memory_space<hbm>> -> memref<10000x128xf32, #tpu.memory_space<hbm>>
      tpu.enqueue_indirect_dma source(%dma_start3A_124 : memref<10000x128xf32, #tpu.memory_space<hbm>>) target(%dma_start3A_118 : memref<128x128xf32, #tpu.memory_space<vmem>>) offsets(%dma_start3A_121 : memref<128xi32, #tpu.memory_space<vmem>>) semaphore(%arg11 : memref<!tpu.dma_semaphore, #tpu.memory_space<semaphore_mem>>)
      %dma_wait3A_125 = arith.constant 2 : i32
      %dma_wait3A_126 = arith.constant 0 : i32
      %dma_wait3A_127 = arith.constant 0 : i32
      %dma_wait3A_128 = arith.constant 0 : i32
      %dma_wait3A_129 = tpu.memref_slice %arg8[%dma_wait3A_126, %dma_wait3A_127, %dma_wait3A_128] : memref<2x128x128xf32, #tpu.memory_space<vmem>> -> memref<1x128x128xf32, #tpu.memory_space<vmem>>
      %dma_wait3A_130 = tpu.memref_squeeze %dma_wait3A_129 : memref<1x128x128xf32, #tpu.memory_space<vmem>> -> memref<128x128xf32, #tpu.memory_space<vmem>>
      %dma_wait3A_131 = arith.constant 0 : i32
      %dma_wait3A_132 = tpu.memref_slice %arg6[%dma_wait3A_125, %dma_wait3A_131] : memref<8x128xi32, #tpu.memory_space<vmem>> -> memref<1x128xi32, #tpu.memory_space<vmem>>
      %dma_wait3A_133 = tpu.memref_squeeze %dma_wait3A_132 : memref<1x128xi32, #tpu.memory_space<vmem>> -> memref<128xi32, #tpu.memory_space<vmem>>
      %dma_wait3A_134 = arith.constant 0 : i32
      %dma_wait3A_135 = arith.constant 0 : i32
      %dma_wait3A_136 = tpu.memref_slice %arg2[%dma_wait3A_134, %dma_wait3A_135] : memref<10000x128xf32, #tpu.memory_space<hbm>> -> memref<10000x128xf32, #tpu.memory_space<hbm>>
      tpu.wait_indirect_dma semaphore(%arg10 : memref<!tpu.dma_semaphore, #tpu.memory_space<semaphore_mem>>) src(%dma_wait3A_136 : memref<10000x128xf32, #tpu.memory_space<hbm>>) dst(%dma_wait3A_130 : memref<128x128xf32, #tpu.memory_space<vmem>>)
      %run_scoped3A_137 = arith.constant 0 : i32
      %run_scoped3A_138 = arith.constant 2 : i32
      "tpu.region"() ({
        %run_scoped3A_257 = tpu.sem_alloc : memref<!tpu.dma_semaphore, #tpu.memory_space<semaphore_mem>>
        %dma_start3A_258 = arith.constant 0 : i32
        %dma_start3A_259 = arith.constant 0 : i32
        %dma_start3A_260 = tpu.memref_slice %arg8[%run_scoped3A_137, %dma_start3A_258, %dma_start3A_259] : memref<2x128x128xf32, #tpu.memory_space<vmem>> -> memref<1x128x128xf32, #tpu.memory_space<vmem>>
        %dma_start3A_261 = tpu.memref_squeeze %dma_start3A_260 : memref<1x128x128xf32, #tpu.memory_space<vmem>> -> memref<128x128xf32, #tpu.memory_space<vmem>>
        %dma_start3A_262 = arith.constant 0 : i32
        %dma_start3A_263 = tpu.memref_slice %arg7[%run_scoped3A_138, %dma_start3A_262] : memref<8x128xi32, #tpu.memory_space<vmem>> -> memref<1x128xi32, #tpu.memory_space<vmem>>
        %dma_start3A_264 = tpu.memref_squeeze %dma_start3A_263 : memref<1x128xi32, #tpu.memory_space<vmem>> -> memref<128xi32, #tpu.memory_space<vmem>>
        %dma_start3A_265 = arith.constant 0 : i32
        %dma_start3A_266 = arith.constant 0 : i32
        %dma_start3A_267 = tpu.memref_slice %arg9[%dma_start3A_265, %dma_start3A_266] : memref<10240x128xf32, #tpu.memory_space<vmem_shared>> -> memref<10240x128xf32, #tpu.memory_space<vmem_shared>>
        tpu.enqueue_indirect_dma source(%dma_start3A_261 : memref<128x128xf32, #tpu.memory_space<vmem>>) target(%dma_start3A_267 : memref<10240x128xf32, #tpu.memory_space<vmem_shared>>) offsets(%dma_start3A_264 : memref<128xi32, #tpu.memory_space<vmem>>) semaphore(%run_scoped3A_257 : memref<!tpu.dma_semaphore, #tpu.memory_space<semaphore_mem>>) {add = true}
        %dma_wait3A_268 = arith.constant 0 : i32
        %dma_wait3A_269 = arith.constant 0 : i32
        %dma_wait3A_270 = tpu.memref_slice %arg8[%run_scoped3A_137, %dma_wait3A_268, %dma_wait3A_269] : memref<2x128x128xf32, #tpu.memory_space<vmem>> -> memref<1x128x128xf32, #tpu.memory_space<vmem>>
        %dma_wait3A_271 = tpu.memref_squeeze %dma_wait3A_270 : memref<1x128x128xf32, #tpu.memory_space<vmem>> -> memref<128x128xf32, #tpu.memory_space<vmem>>
        %dma_wait3A_272 = arith.constant 0 : i32
        %dma_wait3A_273 = tpu.memref_slice %arg7[%run_scoped3A_138, %dma_wait3A_272] : memref<8x128xi32, #tpu.memory_space<vmem>> -> memref<1x128xi32, #tpu.memory_space<vmem>>
        %dma_wait3A_274 = tpu.memref_squeeze %dma_wait3A_273 : memref<1x128xi32, #tpu.memory_space<vmem>> -> memref<128xi32, #tpu.memory_space<vmem>>
        %dma_wait3A_275 = arith.constant 0 : i32
        %dma_wait3A_276 = arith.constant 0 : i32
        %dma_wait3A_277 = tpu.memref_slice %arg9[%dma_wait3A_275, %dma_wait3A_276] : memref<10240x128xf32, #tpu.memory_space<vmem_shared>> -> memref<10240x128xf32, #tpu.memory_space<vmem_shared>>
        tpu.wait_indirect_dma semaphore(%run_scoped3A_257 : memref<!tpu.dma_semaphore, #tpu.memory_space<semaphore_mem>>) src(%dma_wait3A_271 : memref<128x128xf32, #tpu.memory_space<vmem>>) dst(%dma_wait3A_277 : memref<10240x128xf32, #tpu.memory_space<vmem_shared>>)
        tpu.yield
      }) : () -> ()
      %dma_start3A_139 = arith.constant 4 : i32
      %dma_start3A_140 = arith.constant 0 : i32
      %dma_start3A_141 = arith.constant 0 : i32
      %dma_start3A_142 = arith.constant 0 : i32
      %dma_start3A_143 = tpu.memref_slice %arg8[%dma_start3A_140, %dma_start3A_141, %dma_start3A_142] : memref<2x128x128xf32, #tpu.memory_space<vmem>> -> memref<1x128x128xf32, #tpu.memory_space<vmem>>
      %dma_start3A_144 = tpu.memref_squeeze %dma_start3A_143 : memref<1x128x128xf32, #tpu.memory_space<vmem>> -> memref<128x128xf32, #tpu.memory_space<vmem>>
      %dma_start3A_145 = arith.constant 0 : i32
      %dma_start3A_146 = tpu.memref_slice %arg6[%dma_start3A_139, %dma_start3A_145] : memref<8x128xi32, #tpu.memory_space<vmem>> -> memref<1x128xi32, #tpu.memory_space<vmem>>
      %dma_start3A_147 = tpu.memref_squeeze %dma_start3A_146 : memref<1x128xi32, #tpu.memory_space<vmem>> -> memref<128xi32, #tpu.memory_space<vmem>>
      %dma_start3A_148 = arith.constant 0 : i32
      %dma_start3A_149 = arith.constant 0 : i32
      %dma_start3A_150 = tpu.memref_slice %arg2[%dma_start3A_148, %dma_start3A_149] : memref<10000x128xf32, #tpu.memory_space<hbm>> -> memref<10000x128xf32, #tpu.memory_space<hbm>>
      tpu.enqueue_indirect_dma source(%dma_start3A_150 : memref<10000x128xf32, #tpu.memory_space<hbm>>) target(%dma_start3A_144 : memref<128x128xf32, #tpu.memory_space<vmem>>) offsets(%dma_start3A_147 : memref<128xi32, #tpu.memory_space<vmem>>) semaphore(%arg10 : memref<!tpu.dma_semaphore, #tpu.memory_space<semaphore_mem>>)
      %dma_wait3A_151 = arith.constant 3 : i32
      %dma_wait3A_152 = arith.constant 1 : i32
      %dma_wait3A_153 = arith.constant 0 : i32
      %dma_wait3A_154 = arith.constant 0 : i32
      %dma_wait3A_155 = tpu.memref_slice %arg8[%dma_wait3A_152, %dma_wait3A_153, %dma_wait3A_154] : memref<2x128x128xf32, #tpu.memory_space<vmem>> -> memref<1x128x128xf32, #tpu.memory_space<vmem>>
      %dma_wait3A_156 = tpu.memref_squeeze %dma_wait3A_155 : memref<1x128x128xf32, #tpu.memory_space<vmem>> -> memref<128x128xf32, #tpu.memory_space<vmem>>
      %dma_wait3A_157 = arith.constant 0 : i32
      %dma_wait3A_158 = tpu.memref_slice %arg6[%dma_wait3A_151, %dma_wait3A_157] : memref<8x128xi32, #tpu.memory_space<vmem>> -> memref<1x128xi32, #tpu.memory_space<vmem>>
      %dma_wait3A_159 = tpu.memref_squeeze %dma_wait3A_158 : memref<1x128xi32, #tpu.memory_space<vmem>> -> memref<128xi32, #tpu.memory_space<vmem>>
      %dma_wait3A_160 = arith.constant 0 : i32
      %dma_wait3A_161 = arith.constant 0 : i32
      %dma_wait3A_162 = tpu.memref_slice %arg2[%dma_wait3A_160, %dma_wait3A_161] : memref<10000x128xf32, #tpu.memory_space<hbm>> -> memref<10000x128xf32, #tpu.memory_space<hbm>>
      tpu.wait_indirect_dma semaphore(%arg11 : memref<!tpu.dma_semaphore, #tpu.memory_space<semaphore_mem>>) src(%dma_wait3A_162 : memref<10000x128xf32, #tpu.memory_space<hbm>>) dst(%dma_wait3A_156 : memref<128x128xf32, #tpu.memory_space<vmem>>)
      %run_scoped3A_163 = arith.constant 1 : i32
      %run_scoped3A_164 = arith.constant 3 : i32
      "tpu.region"() ({
        %run_scoped3A_257 = tpu.sem_alloc : memref<!tpu.dma_semaphore, #tpu.memory_space<semaphore_mem>>
        %dma_start3A_258 = arith.constant 0 : i32
        %dma_start3A_259 = arith.constant 0 : i32
        %dma_start3A_260 = tpu.memref_slice %arg8[%run_scoped3A_163, %dma_start3A_258, %dma_start3A_259] : memref<2x128x128xf32, #tpu.memory_space<vmem>> -> memref<1x128x128xf32, #tpu.memory_space<vmem>>
        %dma_start3A_261 = tpu.memref_squeeze %dma_start3A_260 : memref<1x128x128xf32, #tpu.memory_space<vmem>> -> memref<128x128xf32, #tpu.memory_space<vmem>>
        %dma_start3A_262 = arith.constant 0 : i32
        %dma_start3A_263 = tpu.memref_slice %arg7[%run_scoped3A_164, %dma_start3A_262] : memref<8x128xi32, #tpu.memory_space<vmem>> -> memref<1x128xi32, #tpu.memory_space<vmem>>
        %dma_start3A_264 = tpu.memref_squeeze %dma_start3A_263 : memref<1x128xi32, #tpu.memory_space<vmem>> -> memref<128xi32, #tpu.memory_space<vmem>>
        %dma_start3A_265 = arith.constant 0 : i32
        %dma_start3A_266 = arith.constant 0 : i32
        %dma_start3A_267 = tpu.memref_slice %arg9[%dma_start3A_265, %dma_start3A_266] : memref<10240x128xf32, #tpu.memory_space<vmem_shared>> -> memref<10240x128xf32, #tpu.memory_space<vmem_shared>>
        tpu.enqueue_indirect_dma source(%dma_start3A_261 : memref<128x128xf32, #tpu.memory_space<vmem>>) target(%dma_start3A_267 : memref<10240x128xf32, #tpu.memory_space<vmem_shared>>) offsets(%dma_start3A_264 : memref<128xi32, #tpu.memory_space<vmem>>) semaphore(%run_scoped3A_257 : memref<!tpu.dma_semaphore, #tpu.memory_space<semaphore_mem>>) {add = true}
        %dma_wait3A_268 = arith.constant 0 : i32
        %dma_wait3A_269 = arith.constant 0 : i32
        %dma_wait3A_270 = tpu.memref_slice %arg8[%run_scoped3A_163, %dma_wait3A_268, %dma_wait3A_269] : memref<2x128x128xf32, #tpu.memory_space<vmem>> -> memref<1x128x128xf32, #tpu.memory_space<vmem>>
        %dma_wait3A_271 = tpu.memref_squeeze %dma_wait3A_270 : memref<1x128x128xf32, #tpu.memory_space<vmem>> -> memref<128x128xf32, #tpu.memory_space<vmem>>
        %dma_wait3A_272 = arith.constant 0 : i32
        %dma_wait3A_273 = tpu.memref_slice %arg7[%run_scoped3A_164, %dma_wait3A_272] : memref<8x128xi32, #tpu.memory_space<vmem>> -> memref<1x128xi32, #tpu.memory_space<vmem>>
        %dma_wait3A_274 = tpu.memref_squeeze %dma_wait3A_273 : memref<1x128xi32, #tpu.memory_space<vmem>> -> memref<128xi32, #tpu.memory_space<vmem>>
        %dma_wait3A_275 = arith.constant 0 : i32
        %dma_wait3A_276 = arith.constant 0 : i32
        %dma_wait3A_277 = tpu.memref_slice %arg9[%dma_wait3A_275, %dma_wait3A_276] : memref<10240x128xf32, #tpu.memory_space<vmem_shared>> -> memref<10240x128xf32, #tpu.memory_space<vmem_shared>>
        tpu.wait_indirect_dma semaphore(%run_scoped3A_257 : memref<!tpu.dma_semaphore, #tpu.memory_space<semaphore_mem>>) src(%dma_wait3A_271 : memref<128x128xf32, #tpu.memory_space<vmem>>) dst(%dma_wait3A_277 : memref<10240x128xf32, #tpu.memory_space<vmem_shared>>)
        tpu.yield
      }) : () -> ()
      %dma_start3A_165 = arith.constant 5 : i32
      %dma_start3A_166 = arith.constant 1 : i32
      %dma_start3A_167 = arith.constant 0 : i32
      %dma_start3A_168 = arith.constant 0 : i32
      %dma_start3A_169 = tpu.memref_slice %arg8[%dma_start3A_166, %dma_start3A_167, %dma_start3A_168] : memref<2x128x128xf32, #tpu.memory_space<vmem>> -> memref<1x128x128xf32, #tpu.memory_space<vmem>>
      %dma_start3A_170 = tpu.memref_squeeze %dma_start3A_169 : memref<1x128x128xf32, #tpu.memory_space<vmem>> -> memref<128x128xf32, #tpu.memory_space<vmem>>
      %dma_start3A_171 = arith.constant 0 : i32
      %dma_start3A_172 = tpu.memref_slice %arg6[%dma_start3A_165, %dma_start3A_171] : memref<8x128xi32, #tpu.memory_space<vmem>> -> memref<1x128xi32, #tpu.memory_space<vmem>>
      %dma_start3A_173 = tpu.memref_squeeze %dma_start3A_172 : memref<1x128xi32, #tpu.memory_space<vmem>> -> memref<128xi32, #tpu.memory_space<vmem>>
      %dma_start3A_174 = arith.constant 0 : i32
      %dma_start3A_175 = arith.constant 0 : i32
      %dma_start3A_176 = tpu.memref_slice %arg2[%dma_start3A_174, %dma_start3A_175] : memref<10000x128xf32, #tpu.memory_space<hbm>> -> memref<10000x128xf32, #tpu.memory_space<hbm>>
      tpu.enqueue_indirect_dma source(%dma_start3A_176 : memref<10000x128xf32, #tpu.memory_space<hbm>>) target(%dma_start3A_170 : memref<128x128xf32, #tpu.memory_space<vmem>>) offsets(%dma_start3A_173 : memref<128xi32, #tpu.memory_space<vmem>>) semaphore(%arg11 : memref<!tpu.dma_semaphore, #tpu.memory_space<semaphore_mem>>)
      %dma_wait3A_177 = arith.constant 4 : i32
      %dma_wait3A_178 = arith.constant 0 : i32
      %dma_wait3A_179 = arith.constant 0 : i32
      %dma_wait3A_180 = arith.constant 0 : i32
      %dma_wait3A_181 = tpu.memref_slice %arg8[%dma_wait3A_178, %dma_wait3A_179, %dma_wait3A_180] : memref<2x128x128xf32, #tpu.memory_space<vmem>> -> memref<1x128x128xf32, #tpu.memory_space<vmem>>
      %dma_wait3A_182 = tpu.memref_squeeze %dma_wait3A_181 : memref<1x128x128xf32, #tpu.memory_space<vmem>> -> memref<128x128xf32, #tpu.memory_space<vmem>>
      %dma_wait3A_183 = arith.constant 0 : i32
      %dma_wait3A_184 = tpu.memref_slice %arg6[%dma_wait3A_177, %dma_wait3A_183] : memref<8x128xi32, #tpu.memory_space<vmem>> -> memref<1x128xi32, #tpu.memory_space<vmem>>
      %dma_wait3A_185 = tpu.memref_squeeze %dma_wait3A_184 : memref<1x128xi32, #tpu.memory_space<vmem>> -> memref<128xi32, #tpu.memory_space<vmem>>
      %dma_wait3A_186 = arith.constant 0 : i32
      %dma_wait3A_187 = arith.constant 0 : i32
      %dma_wait3A_188 = tpu.memref_slice %arg2[%dma_wait3A_186, %dma_wait3A_187] : memref<10000x128xf32, #tpu.memory_space<hbm>> -> memref<10000x128xf32, #tpu.memory_space<hbm>>
      tpu.wait_indirect_dma semaphore(%arg10 : memref<!tpu.dma_semaphore, #tpu.memory_space<semaphore_mem>>) src(%dma_wait3A_188 : memref<10000x128xf32, #tpu.memory_space<hbm>>) dst(%dma_wait3A_182 : memref<128x128xf32, #tpu.memory_space<vmem>>)
      %run_scoped3A_189 = arith.constant 0 : i32
      %run_scoped3A_190 = arith.constant 4 : i32
      "tpu.region"() ({
        %run_scoped3A_257 = tpu.sem_alloc : memref<!tpu.dma_semaphore, #tpu.memory_space<semaphore_mem>>
        %dma_start3A_258 = arith.constant 0 : i32
        %dma_start3A_259 = arith.constant 0 : i32
        %dma_start3A_260 = tpu.memref_slice %arg8[%run_scoped3A_189, %dma_start3A_258, %dma_start3A_259] : memref<2x128x128xf32, #tpu.memory_space<vmem>> -> memref<1x128x128xf32, #tpu.memory_space<vmem>>
        %dma_start3A_261 = tpu.memref_squeeze %dma_start3A_260 : memref<1x128x128xf32, #tpu.memory_space<vmem>> -> memref<128x128xf32, #tpu.memory_space<vmem>>
        %dma_start3A_262 = arith.constant 0 : i32
        %dma_start3A_263 = tpu.memref_slice %arg7[%run_scoped3A_190, %dma_start3A_262] : memref<8x128xi32, #tpu.memory_space<vmem>> -> memref<1x128xi32, #tpu.memory_space<vmem>>
        %dma_start3A_264 = tpu.memref_squeeze %dma_start3A_263 : memref<1x128xi32, #tpu.memory_space<vmem>> -> memref<128xi32, #tpu.memory_space<vmem>>
        %dma_start3A_265 = arith.constant 0 : i32
        %dma_start3A_266 = arith.constant 0 : i32
        %dma_start3A_267 = tpu.memref_slice %arg9[%dma_start3A_265, %dma_start3A_266] : memref<10240x128xf32, #tpu.memory_space<vmem_shared>> -> memref<10240x128xf32, #tpu.memory_space<vmem_shared>>
        tpu.enqueue_indirect_dma source(%dma_start3A_261 : memref<128x128xf32, #tpu.memory_space<vmem>>) target(%dma_start3A_267 : memref<10240x128xf32, #tpu.memory_space<vmem_shared>>) offsets(%dma_start3A_264 : memref<128xi32, #tpu.memory_space<vmem>>) semaphore(%run_scoped3A_257 : memref<!tpu.dma_semaphore, #tpu.memory_space<semaphore_mem>>) {add = true}
        %dma_wait3A_268 = arith.constant 0 : i32
        %dma_wait3A_269 = arith.constant 0 : i32
        %dma_wait3A_270 = tpu.memref_slice %arg8[%run_scoped3A_189, %dma_wait3A_268, %dma_wait3A_269] : memref<2x128x128xf32, #tpu.memory_space<vmem>> -> memref<1x128x128xf32, #tpu.memory_space<vmem>>
        %dma_wait3A_271 = tpu.memref_squeeze %dma_wait3A_270 : memref<1x128x128xf32, #tpu.memory_space<vmem>> -> memref<128x128xf32, #tpu.memory_space<vmem>>
        %dma_wait3A_272 = arith.constant 0 : i32
        %dma_wait3A_273 = tpu.memref_slice %arg7[%run_scoped3A_190, %dma_wait3A_272] : memref<8x128xi32, #tpu.memory_space<vmem>> -> memref<1x128xi32, #tpu.memory_space<vmem>>
        %dma_wait3A_274 = tpu.memref_squeeze %dma_wait3A_273 : memref<1x128xi32, #tpu.memory_space<vmem>> -> memref<128xi32, #tpu.memory_space<vmem>>
        %dma_wait3A_275 = arith.constant 0 : i32
        %dma_wait3A_276 = arith.constant 0 : i32
        %dma_wait3A_277 = tpu.memref_slice %arg9[%dma_wait3A_275, %dma_wait3A_276] : memref<10240x128xf32, #tpu.memory_space<vmem_shared>> -> memref<10240x128xf32, #tpu.memory_space<vmem_shared>>
        tpu.wait_indirect_dma semaphore(%run_scoped3A_257 : memref<!tpu.dma_semaphore, #tpu.memory_space<semaphore_mem>>) src(%dma_wait3A_271 : memref<128x128xf32, #tpu.memory_space<vmem>>) dst(%dma_wait3A_277 : memref<10240x128xf32, #tpu.memory_space<vmem_shared>>)
        tpu.yield
      }) : () -> ()
      %dma_start3A_191 = arith.constant 6 : i32
      %dma_start3A_192 = arith.constant 0 : i32
      %dma_start3A_193 = arith.constant 0 : i32
      %dma_start3A_194 = arith.constant 0 : i32
      %dma_start3A_195 = tpu.memref_slice %arg8[%dma_start3A_192, %dma_start3A_193, %dma_start3A_194] : memref<2x128x128xf32, #tpu.memory_space<vmem>> -> memref<1x128x128xf32, #tpu.memory_space<vmem>>
      %dma_start3A_196 = tpu.memref_squeeze %dma_start3A_195 : memref<1x128x128xf32, #tpu.memory_space<vmem>> -> memref<128x128xf32, #tpu.memory_space<vmem>>
      %dma_start3A_197 = arith.constant 0 : i32
      %dma_start3A_198 = tpu.memref_slice %arg6[%dma_start3A_191, %dma_start3A_197] : memref<8x128xi32, #tpu.memory_space<vmem>> -> memref<1x128xi32, #tpu.memory_space<vmem>>
      %dma_start3A_199 = tpu.memref_squeeze %dma_start3A_198 : memref<1x128xi32, #tpu.memory_space<vmem>> -> memref<128xi32, #tpu.memory_space<vmem>>
      %dma_start3A_200 = arith.constant 0 : i32
      %dma_start3A_201 = arith.constant 0 : i32
      %dma_start3A_202 = tpu.memref_slice %arg2[%dma_start3A_200, %dma_start3A_201] : memref<10000x128xf32, #tpu.memory_space<hbm>> -> memref<10000x128xf32, #tpu.memory_space<hbm>>
      tpu.enqueue_indirect_dma source(%dma_start3A_202 : memref<10000x128xf32, #tpu.memory_space<hbm>>) target(%dma_start3A_196 : memref<128x128xf32, #tpu.memory_space<vmem>>) offsets(%dma_start3A_199 : memref<128xi32, #tpu.memory_space<vmem>>) semaphore(%arg10 : memref<!tpu.dma_semaphore, #tpu.memory_space<semaphore_mem>>)
      %dma_wait3A_203 = arith.constant 5 : i32
      %dma_wait3A_204 = arith.constant 1 : i32
      %dma_wait3A_205 = arith.constant 0 : i32
      %dma_wait3A_206 = arith.constant 0 : i32
      %dma_wait3A_207 = tpu.memref_slice %arg8[%dma_wait3A_204, %dma_wait3A_205, %dma_wait3A_206] : memref<2x128x128xf32, #tpu.memory_space<vmem>> -> memref<1x128x128xf32, #tpu.memory_space<vmem>>
      %dma_wait3A_208 = tpu.memref_squeeze %dma_wait3A_207 : memref<1x128x128xf32, #tpu.memory_space<vmem>> -> memref<128x128xf32, #tpu.memory_space<vmem>>
      %dma_wait3A_209 = arith.constant 0 : i32
      %dma_wait3A_210 = tpu.memref_slice %arg6[%dma_wait3A_203, %dma_wait3A_209] : memref<8x128xi32, #tpu.memory_space<vmem>> -> memref<1x128xi32, #tpu.memory_space<vmem>>
      %dma_wait3A_211 = tpu.memref_squeeze %dma_wait3A_210 : memref<1x128xi32, #tpu.memory_space<vmem>> -> memref<128xi32, #tpu.memory_space<vmem>>
      %dma_wait3A_212 = arith.constant 0 : i32
      %dma_wait3A_213 = arith.constant 0 : i32
      %dma_wait3A_214 = tpu.memref_slice %arg2[%dma_wait3A_212, %dma_wait3A_213] : memref<10000x128xf32, #tpu.memory_space<hbm>> -> memref<10000x128xf32, #tpu.memory_space<hbm>>
      tpu.wait_indirect_dma semaphore(%arg11 : memref<!tpu.dma_semaphore, #tpu.memory_space<semaphore_mem>>) src(%dma_wait3A_214 : memref<10000x128xf32, #tpu.memory_space<hbm>>) dst(%dma_wait3A_208 : memref<128x128xf32, #tpu.memory_space<vmem>>)
      %run_scoped3A_215 = arith.constant 1 : i32
      %run_scoped3A_216 = arith.constant 5 : i32
      "tpu.region"() ({
        %run_scoped3A_257 = tpu.sem_alloc : memref<!tpu.dma_semaphore, #tpu.memory_space<semaphore_mem>>
        %dma_start3A_258 = arith.constant 0 : i32
        %dma_start3A_259 = arith.constant 0 : i32
        %dma_start3A_260 = tpu.memref_slice %arg8[%run_scoped3A_215, %dma_start3A_258, %dma_start3A_259] : memref<2x128x128xf32, #tpu.memory_space<vmem>> -> memref<1x128x128xf32, #tpu.memory_space<vmem>>
        %dma_start3A_261 = tpu.memref_squeeze %dma_start3A_260 : memref<1x128x128xf32, #tpu.memory_space<vmem>> -> memref<128x128xf32, #tpu.memory_space<vmem>>
        %dma_start3A_262 = arith.constant 0 : i32
        %dma_start3A_263 = tpu.memref_slice %arg7[%run_scoped3A_216, %dma_start3A_262] : memref<8x128xi32, #tpu.memory_space<vmem>> -> memref<1x128xi32, #tpu.memory_space<vmem>>
        %dma_start3A_264 = tpu.memref_squeeze %dma_start3A_263 : memref<1x128xi32, #tpu.memory_space<vmem>> -> memref<128xi32, #tpu.memory_space<vmem>>
        %dma_start3A_265 = arith.constant 0 : i32
        %dma_start3A_266 = arith.constant 0 : i32
        %dma_start3A_267 = tpu.memref_slice %arg9[%dma_start3A_265, %dma_start3A_266] : memref<10240x128xf32, #tpu.memory_space<vmem_shared>> -> memref<10240x128xf32, #tpu.memory_space<vmem_shared>>
        tpu.enqueue_indirect_dma source(%dma_start3A_261 : memref<128x128xf32, #tpu.memory_space<vmem>>) target(%dma_start3A_267 : memref<10240x128xf32, #tpu.memory_space<vmem_shared>>) offsets(%dma_start3A_264 : memref<128xi32, #tpu.memory_space<vmem>>) semaphore(%run_scoped3A_257 : memref<!tpu.dma_semaphore, #tpu.memory_space<semaphore_mem>>) {add = true}
        %dma_wait3A_268 = arith.constant 0 : i32
        %dma_wait3A_269 = arith.constant 0 : i32
        %dma_wait3A_270 = tpu.memref_slice %arg8[%run_scoped3A_215, %dma_wait3A_268, %dma_wait3A_269] : memref<2x128x128xf32, #tpu.memory_space<vmem>> -> memref<1x128x128xf32, #tpu.memory_space<vmem>>
        %dma_wait3A_271 = tpu.memref_squeeze %dma_wait3A_270 : memref<1x128x128xf32, #tpu.memory_space<vmem>> -> memref<128x128xf32, #tpu.memory_space<vmem>>
        %dma_wait3A_272 = arith.constant 0 : i32
        %dma_wait3A_273 = tpu.memref_slice %arg7[%run_scoped3A_216, %dma_wait3A_272] : memref<8x128xi32, #tpu.memory_space<vmem>> -> memref<1x128xi32, #tpu.memory_space<vmem>>
        %dma_wait3A_274 = tpu.memref_squeeze %dma_wait3A_273 : memref<1x128xi32, #tpu.memory_space<vmem>> -> memref<128xi32, #tpu.memory_space<vmem>>
        %dma_wait3A_275 = arith.constant 0 : i32
        %dma_wait3A_276 = arith.constant 0 : i32
        %dma_wait3A_277 = tpu.memref_slice %arg9[%dma_wait3A_275, %dma_wait3A_276] : memref<10240x128xf32, #tpu.memory_space<vmem_shared>> -> memref<10240x128xf32, #tpu.memory_space<vmem_shared>>
        tpu.wait_indirect_dma semaphore(%run_scoped3A_257 : memref<!tpu.dma_semaphore, #tpu.memory_space<semaphore_mem>>) src(%dma_wait3A_271 : memref<128x128xf32, #tpu.memory_space<vmem>>) dst(%dma_wait3A_277 : memref<10240x128xf32, #tpu.memory_space<vmem_shared>>)
        tpu.yield
      }) : () -> ()
      %dma_start3A_217 = arith.constant 7 : i32
      %dma_start3A_218 = arith.constant 1 : i32
      %dma_start3A_219 = arith.constant 0 : i32
      %dma_start3A_220 = arith.constant 0 : i32
      %dma_start3A_221 = tpu.memref_slice %arg8[%dma_start3A_218, %dma_start3A_219, %dma_start3A_220] : memref<2x128x128xf32, #tpu.memory_space<vmem>> -> memref<1x128x128xf32, #tpu.memory_space<vmem>>
      %dma_start3A_222 = tpu.memref_squeeze %dma_start3A_221 : memref<1x128x128xf32, #tpu.memory_space<vmem>> -> memref<128x128xf32, #tpu.memory_space<vmem>>
      %dma_start3A_223 = arith.constant 0 : i32
      %dma_start3A_224 = tpu.memref_slice %arg6[%dma_start3A_217, %dma_start3A_223] : memref<8x128xi32, #tpu.memory_space<vmem>> -> memref<1x128xi32, #tpu.memory_space<vmem>>
      %dma_start3A_225 = tpu.memref_squeeze %dma_start3A_224 : memref<1x128xi32, #tpu.memory_space<vmem>> -> memref<128xi32, #tpu.memory_space<vmem>>
      %dma_start3A_226 = arith.constant 0 : i32
      %dma_start3A_227 = arith.constant 0 : i32
      %dma_start3A_228 = tpu.memref_slice %arg2[%dma_start3A_226, %dma_start3A_227] : memref<10000x128xf32, #tpu.memory_space<hbm>> -> memref<10000x128xf32, #tpu.memory_space<hbm>>
      tpu.enqueue_indirect_dma source(%dma_start3A_228 : memref<10000x128xf32, #tpu.memory_space<hbm>>) target(%dma_start3A_222 : memref<128x128xf32, #tpu.memory_space<vmem>>) offsets(%dma_start3A_225 : memref<128xi32, #tpu.memory_space<vmem>>) semaphore(%arg11 : memref<!tpu.dma_semaphore, #tpu.memory_space<semaphore_mem>>)
      %dma_wait3A_229 = arith.constant 6 : i32
      %dma_wait3A_230 = arith.constant 0 : i32
      %dma_wait3A_231 = arith.constant 0 : i32
      %dma_wait3A_232 = arith.constant 0 : i32
      %dma_wait3A_233 = tpu.memref_slice %arg8[%dma_wait3A_230, %dma_wait3A_231, %dma_wait3A_232] : memref<2x128x128xf32, #tpu.memory_space<vmem>> -> memref<1x128x128xf32, #tpu.memory_space<vmem>>
      %dma_wait3A_234 = tpu.memref_squeeze %dma_wait3A_233 : memref<1x128x128xf32, #tpu.memory_space<vmem>> -> memref<128x128xf32, #tpu.memory_space<vmem>>
      %dma_wait3A_235 = arith.constant 0 : i32
      %dma_wait3A_236 = tpu.memref_slice %arg6[%dma_wait3A_229, %dma_wait3A_235] : memref<8x128xi32, #tpu.memory_space<vmem>> -> memref<1x128xi32, #tpu.memory_space<vmem>>
      %dma_wait3A_237 = tpu.memref_squeeze %dma_wait3A_236 : memref<1x128xi32, #tpu.memory_space<vmem>> -> memref<128xi32, #tpu.memory_space<vmem>>
      %dma_wait3A_238 = arith.constant 0 : i32
      %dma_wait3A_239 = arith.constant 0 : i32
      %dma_wait3A_240 = tpu.memref_slice %arg2[%dma_wait3A_238, %dma_wait3A_239] : memref<10000x128xf32, #tpu.memory_space<hbm>> -> memref<10000x128xf32, #tpu.memory_space<hbm>>
      tpu.wait_indirect_dma semaphore(%arg10 : memref<!tpu.dma_semaphore, #tpu.memory_space<semaphore_mem>>) src(%dma_wait3A_240 : memref<10000x128xf32, #tpu.memory_space<hbm>>) dst(%dma_wait3A_234 : memref<128x128xf32, #tpu.memory_space<vmem>>)
      %run_scoped3A_241 = arith.constant 0 : i32
      %run_scoped3A_242 = arith.constant 6 : i32
      "tpu.region"() ({
        %run_scoped3A_257 = tpu.sem_alloc : memref<!tpu.dma_semaphore, #tpu.memory_space<semaphore_mem>>
        %dma_start3A_258 = arith.constant 0 : i32
        %dma_start3A_259 = arith.constant 0 : i32
        %dma_start3A_260 = tpu.memref_slice %arg8[%run_scoped3A_241, %dma_start3A_258, %dma_start3A_259] : memref<2x128x128xf32, #tpu.memory_space<vmem>> -> memref<1x128x128xf32, #tpu.memory_space<vmem>>
        %dma_start3A_261 = tpu.memref_squeeze %dma_start3A_260 : memref<1x128x128xf32, #tpu.memory_space<vmem>> -> memref<128x128xf32, #tpu.memory_space<vmem>>
        %dma_start3A_262 = arith.constant 0 : i32
        %dma_start3A_263 = tpu.memref_slice %arg7[%run_scoped3A_242, %dma_start3A_262] : memref<8x128xi32, #tpu.memory_space<vmem>> -> memref<1x128xi32, #tpu.memory_space<vmem>>
        %dma_start3A_264 = tpu.memref_squeeze %dma_start3A_263 : memref<1x128xi32, #tpu.memory_space<vmem>> -> memref<128xi32, #tpu.memory_space<vmem>>
        %dma_start3A_265 = arith.constant 0 : i32
        %dma_start3A_266 = arith.constant 0 : i32
        %dma_start3A_267 = tpu.memref_slice %arg9[%dma_start3A_265, %dma_start3A_266] : memref<10240x128xf32, #tpu.memory_space<vmem_shared>> -> memref<10240x128xf32, #tpu.memory_space<vmem_shared>>
        tpu.enqueue_indirect_dma source(%dma_start3A_261 : memref<128x128xf32, #tpu.memory_space<vmem>>) target(%dma_start3A_267 : memref<10240x128xf32, #tpu.memory_space<vmem_shared>>) offsets(%dma_start3A_264 : memref<128xi32, #tpu.memory_space<vmem>>) semaphore(%run_scoped3A_257 : memref<!tpu.dma_semaphore, #tpu.memory_space<semaphore_mem>>) {add = true}
        %dma_wait3A_268 = arith.constant 0 : i32
        %dma_wait3A_269 = arith.constant 0 : i32
        %dma_wait3A_270 = tpu.memref_slice %arg8[%run_scoped3A_241, %dma_wait3A_268, %dma_wait3A_269] : memref<2x128x128xf32, #tpu.memory_space<vmem>> -> memref<1x128x128xf32, #tpu.memory_space<vmem>>
        %dma_wait3A_271 = tpu.memref_squeeze %dma_wait3A_270 : memref<1x128x128xf32, #tpu.memory_space<vmem>> -> memref<128x128xf32, #tpu.memory_space<vmem>>
        %dma_wait3A_272 = arith.constant 0 : i32
        %dma_wait3A_273 = tpu.memref_slice %arg7[%run_scoped3A_242, %dma_wait3A_272] : memref<8x128xi32, #tpu.memory_space<vmem>> -> memref<1x128xi32, #tpu.memory_space<vmem>>
        %dma_wait3A_274 = tpu.memref_squeeze %dma_wait3A_273 : memref<1x128xi32, #tpu.memory_space<vmem>> -> memref<128xi32, #tpu.memory_space<vmem>>
        %dma_wait3A_275 = arith.constant 0 : i32
        %dma_wait3A_276 = arith.constant 0 : i32
        %dma_wait3A_277 = tpu.memref_slice %arg9[%dma_wait3A_275, %dma_wait3A_276] : memref<10240x128xf32, #tpu.memory_space<vmem_shared>> -> memref<10240x128xf32, #tpu.memory_space<vmem_shared>>
        tpu.wait_indirect_dma semaphore(%run_scoped3A_257 : memref<!tpu.dma_semaphore, #tpu.memory_space<semaphore_mem>>) src(%dma_wait3A_271 : memref<128x128xf32, #tpu.memory_space<vmem>>) dst(%dma_wait3A_277 : memref<10240x128xf32, #tpu.memory_space<vmem_shared>>)
        tpu.yield
      }) : () -> ()
      %dma_wait3A_243 = arith.constant 7 : i32
      %dma_wait3A_244 = arith.constant 1 : i32
      %dma_wait3A_245 = arith.constant 0 : i32
      %dma_wait3A_246 = arith.constant 0 : i32
      %dma_wait3A_247 = tpu.memref_slice %arg8[%dma_wait3A_244, %dma_wait3A_245, %dma_wait3A_246] : memref<2x128x128xf32, #tpu.memory_space<vmem>> -> memref<1x128x128xf32, #tpu.memory_space<vmem>>
      %dma_wait3A_248 = tpu.memref_squeeze %dma_wait3A_247 : memref<1x128x128xf32, #tpu.memory_space<vmem>> -> memref<128x128xf32, #tpu.memory_space<vmem>>
      %dma_wait3A_249 = arith.constant 0 : i32
      %dma_wait3A_250 = tpu.memref_slice %arg6[%dma_wait3A_243, %dma_wait3A_249] : memref<8x128xi32, #tpu.memory_space<vmem>> -> memref<1x128xi32, #tpu.memory_space<vmem>>
      %dma_wait3A_251 = tpu.memref_squeeze %dma_wait3A_250 : memref<1x128xi32, #tpu.memory_space<vmem>> -> memref<128xi32, #tpu.memory_space<vmem>>
      %dma_wait3A_252 = arith.constant 0 : i32
      %dma_wait3A_253 = arith.constant 0 : i32
      %dma_wait3A_254 = tpu.memref_slice %arg2[%dma_wait3A_252, %dma_wait3A_253] : memref<10000x128xf32, #tpu.memory_space<hbm>> -> memref<10000x128xf32, #tpu.memory_space<hbm>>
      tpu.wait_indirect_dma semaphore(%arg11 : memref<!tpu.dma_semaphore, #tpu.memory_space<semaphore_mem>>) src(%dma_wait3A_254 : memref<10000x128xf32, #tpu.memory_space<hbm>>) dst(%dma_wait3A_248 : memref<128x128xf32, #tpu.memory_space<vmem>>)
      %run_scoped3A_255 = arith.constant 1 : i32
      %run_scoped3A_256 = arith.constant 7 : i32
      "tpu.region"() ({
        %run_scoped3A_257 = tpu.sem_alloc : memref<!tpu.dma_semaphore, #tpu.memory_space<semaphore_mem>>
        %dma_start3A_258 = arith.constant 0 : i32
        %dma_start3A_259 = arith.constant 0 : i32
        %dma_start3A_260 = tpu.memref_slice %arg8[%run_scoped3A_255, %dma_start3A_258, %dma_start3A_259] : memref<2x128x128xf32, #tpu.memory_space<vmem>> -> memref<1x128x128xf32, #tpu.memory_space<vmem>>
        %dma_start3A_261 = tpu.memref_squeeze %dma_start3A_260 : memref<1x128x128xf32, #tpu.memory_space<vmem>> -> memref<128x128xf32, #tpu.memory_space<vmem>>
        %dma_start3A_262 = arith.constant 0 : i32
        %dma_start3A_263 = tpu.memref_slice %arg7[%run_scoped3A_256, %dma_start3A_262] : memref<8x128xi32, #tpu.memory_space<vmem>> -> memref<1x128xi32, #tpu.memory_space<vmem>>
        %dma_start3A_264 = tpu.memref_squeeze %dma_start3A_263 : memref<1x128xi32, #tpu.memory_space<vmem>> -> memref<128xi32, #tpu.memory_space<vmem>>
        %dma_start3A_265 = arith.constant 0 : i32
        %dma_start3A_266 = arith.constant 0 : i32
        %dma_start3A_267 = tpu.memref_slice %arg9[%dma_start3A_265, %dma_start3A_266] : memref<10240x128xf32, #tpu.memory_space<vmem_shared>> -> memref<10240x128xf32, #tpu.memory_space<vmem_shared>>
        tpu.enqueue_indirect_dma source(%dma_start3A_261 : memref<128x128xf32, #tpu.memory_space<vmem>>) target(%dma_start3A_267 : memref<10240x128xf32, #tpu.memory_space<vmem_shared>>) offsets(%dma_start3A_264 : memref<128xi32, #tpu.memory_space<vmem>>) semaphore(%run_scoped3A_257 : memref<!tpu.dma_semaphore, #tpu.memory_space<semaphore_mem>>) {add = true}
        %dma_wait3A_268 = arith.constant 0 : i32
        %dma_wait3A_269 = arith.constant 0 : i32
        %dma_wait3A_270 = tpu.memref_slice %arg8[%run_scoped3A_255, %dma_wait3A_268, %dma_wait3A_269] : memref<2x128x128xf32, #tpu.memory_space<vmem>> -> memref<1x128x128xf32, #tpu.memory_space<vmem>>
        %dma_wait3A_271 = tpu.memref_squeeze %dma_wait3A_270 : memref<1x128x128xf32, #tpu.memory_space<vmem>> -> memref<128x128xf32, #tpu.memory_space<vmem>>
        %dma_wait3A_272 = arith.constant 0 : i32
        %dma_wait3A_273 = tpu.memref_slice %arg7[%run_scoped3A_256, %dma_wait3A_272] : memref<8x128xi32, #tpu.memory_space<vmem>> -> memref<1x128xi32, #tpu.memory_space<vmem>>
        %dma_wait3A_274 = tpu.memref_squeeze %dma_wait3A_273 : memref<1x128xi32, #tpu.memory_space<vmem>> -> memref<128xi32, #tpu.memory_space<vmem>>
        %dma_wait3A_275 = arith.constant 0 : i32
        %dma_wait3A_276 = arith.constant 0 : i32
        %dma_wait3A_277 = tpu.memref_slice %arg9[%dma_wait3A_275, %dma_wait3A_276] : memref<10240x128xf32, #tpu.memory_space<vmem_shared>> -> memref<10240x128xf32, #tpu.memory_space<vmem_shared>>
        tpu.wait_indirect_dma semaphore(%run_scoped3A_257 : memref<!tpu.dma_semaphore, #tpu.memory_space<semaphore_mem>>) src(%dma_wait3A_271 : memref<128x128xf32, #tpu.memory_space<vmem>>) dst(%dma_wait3A_277 : memref<10240x128xf32, #tpu.memory_space<vmem_shared>>)
        tpu.yield
      }) : () -> ()
    }
    %while3A_42 = arith.constant 1 : i32
    scf.for %while3A_47 = %while3A_40 to %while3A_36 step %while3A_42  : i32 {
      %add3A_48 = arith.addi %add3A, %while3A_47 : i32
      %mul3A_49 = arith.constant 8 : i32
      %mul3A_50 = arith.muli %add3A_48, %mul3A_49 : i32
      "tpu.region"() ({
        %run_scoped3A_257 = tpu.sem_alloc : memref<!tpu.dma_semaphore, #tpu.memory_space<semaphore_mem>>
        %dma_start3A_258 = arith.constant 0 : i32
        %dma_start3A_259 = tpu.memref_slice %arg3[%mul3A_50, %dma_start3A_258] : memref<2560x128xi32, #tpu.memory_space<hbm>> -> memref<8x128xi32, #tpu.memory_space<hbm>>
        %dma_start3A_260 = arith.constant 0 : i32
        %dma_start3A_261 = tpu.memref_slice %arg3[%mul3A_50, %dma_start3A_260] : memref<2560x128xi32, #tpu.memory_space<hbm>> -> memref<8x128xi32, #tpu.memory_space<hbm>>
        tpu.enqueue_dma source(%dma_start3A_261 : memref<8x128xi32, #tpu.memory_space<hbm>>) target(%arg6 : memref<8x128xi32, #tpu.memory_space<vmem>>) target_semaphore(%run_scoped3A_257 : memref<!tpu.dma_semaphore, #tpu.memory_space<semaphore_mem>>)
        %dma_wait3A_262 = arith.constant 0 : i32
        %dma_wait3A_263 = tpu.memref_slice %arg3[%mul3A_50, %dma_wait3A_262] : memref<2560x128xi32, #tpu.memory_space<hbm>> -> memref<8x128xi32, #tpu.memory_space<hbm>>
        %dma_wait3A_264 = arith.constant 0 : i32
        %dma_wait3A_265 = tpu.memref_slice %arg3[%mul3A_50, %dma_wait3A_264] : memref<2560x128xi32, #tpu.memory_space<hbm>> -> memref<8x128xi32, #tpu.memory_space<hbm>>
        tpu.wait_dma2 semaphore(%run_scoped3A_257 : memref<!tpu.dma_semaphore, #tpu.memory_space<semaphore_mem>>) src(%dma_wait3A_265 : memref<8x128xi32, #tpu.memory_space<hbm>>) dst(%arg6 : memref<8x128xi32, #tpu.memory_space<vmem>>)
        tpu.yield
      }) : () -> ()
      "tpu.region"() ({
        %run_scoped3A_257 = tpu.sem_alloc : memref<!tpu.dma_semaphore, #tpu.memory_space<semaphore_mem>>
        %dma_start3A_258 = arith.constant 0 : i32
        %dma_start3A_259 = tpu.memref_slice %arg4[%mul3A_50, %dma_start3A_258] : memref<2560x128xi32, #tpu.memory_space<hbm>> -> memref<8x128xi32, #tpu.memory_space<hbm>>
        %dma_start3A_260 = arith.constant 0 : i32
        %dma_start3A_261 = tpu.memref_slice %arg4[%mul3A_50, %dma_start3A_260] : memref<2560x128xi32, #tpu.memory_space<hbm>> -> memref<8x128xi32, #tpu.memory_space<hbm>>
        tpu.enqueue_dma source(%dma_start3A_261 : memref<8x128xi32, #tpu.memory_space<hbm>>) target(%arg7 : memref<8x128xi32, #tpu.memory_space<vmem>>) target_semaphore(%run_scoped3A_257 : memref<!tpu.dma_semaphore, #tpu.memory_space<semaphore_mem>>)
        %dma_wait3A_262 = arith.constant 0 : i32
        %dma_wait3A_263 = tpu.memref_slice %arg4[%mul3A_50, %dma_wait3A_262] : memref<2560x128xi32, #tpu.memory_space<hbm>> -> memref<8x128xi32, #tpu.memory_space<hbm>>
        %dma_wait3A_264 = arith.constant 0 : i32
        %dma_wait3A_265 = tpu.memref_slice %arg4[%mul3A_50, %dma_wait3A_264] : memref<2560x128xi32, #tpu.memory_space<hbm>> -> memref<8x128xi32, #tpu.memory_space<hbm>>
        tpu.wait_dma2 semaphore(%run_scoped3A_257 : memref<!tpu.dma_semaphore, #tpu.memory_space<semaphore_mem>>) src(%dma_wait3A_265 : memref<8x128xi32, #tpu.memory_space<hbm>>) dst(%arg7 : memref<8x128xi32, #tpu.memory_space<vmem>>)
        tpu.yield
      }) : () -> ()
      %dma_start3A = arith.constant 0 : i32
      %dma_start3A_51 = arith.constant 0 : i32
      %dma_start3A_52 = arith.constant 0 : i32
      %dma_start3A_53 = arith.constant 0 : i32
      %dma_start3A_54 = tpu.memref_slice %arg8[%dma_start3A_51, %dma_start3A_52, %dma_start3A_53] : memref<2x128x128xf32, #tpu.memory_space<vmem>> -> memref<1x128x128xf32, #tpu.memory_space<vmem>>
      %dma_start3A_55 = tpu.memref_squeeze %dma_start3A_54 : memref<1x128x128xf32, #tpu.memory_space<vmem>> -> memref<128x128xf32, #tpu.memory_space<vmem>>
      %dma_start3A_56 = arith.constant 0 : i32
      %dma_start3A_57 = tpu.memref_slice %arg6[%dma_start3A, %dma_start3A_56] : memref<8x128xi32, #tpu.memory_space<vmem>> -> memref<1x128xi32, #tpu.memory_space<vmem>>
      %dma_start3A_58 = tpu.memref_squeeze %dma_start3A_57 : memref<1x128xi32, #tpu.memory_space<vmem>> -> memref<128xi32, #tpu.memory_space<vmem>>
      %dma_start3A_59 = arith.constant 0 : i32
      %dma_start3A_60 = arith.constant 0 : i32
      %dma_start3A_61 = tpu.memref_slice %arg2[%dma_start3A_59, %dma_start3A_60] : memref<10000x128xf32, #tpu.memory_space<hbm>> -> memref<10000x128xf32, #tpu.memory_space<hbm>>
      tpu.enqueue_indirect_dma source(%dma_start3A_61 : memref<10000x128xf32, #tpu.memory_space<hbm>>) target(%dma_start3A_55 : memref<128x128xf32, #tpu.memory_space<vmem>>) offsets(%dma_start3A_58 : memref<128xi32, #tpu.memory_space<vmem>>) semaphore(%arg10 : memref<!tpu.dma_semaphore, #tpu.memory_space<semaphore_mem>>)
      %dma_start3A_62 = arith.constant 1 : i32
      %dma_start3A_63 = arith.constant 1 : i32
      %dma_start3A_64 = arith.constant 0 : i32
      %dma_start3A_65 = arith.constant 0 : i32
      %dma_start3A_66 = tpu.memref_slice %arg8[%dma_start3A_63, %dma_start3A_64, %dma_start3A_65] : memref<2x128x128xf32, #tpu.memory_space<vmem>> -> memref<1x128x128xf32, #tpu.memory_space<vmem>>
      %dma_start3A_67 = tpu.memref_squeeze %dma_start3A_66 : memref<1x128x128xf32, #tpu.memory_space<vmem>> -> memref<128x128xf32, #tpu.memory_space<vmem>>
      %dma_start3A_68 = arith.constant 0 : i32
      %dma_start3A_69 = tpu.memref_slice %arg6[%dma_start3A_62, %dma_start3A_68] : memref<8x128xi32, #tpu.memory_space<vmem>> -> memref<1x128xi32, #tpu.memory_space<vmem>>
      %dma_start3A_70 = tpu.memref_squeeze %dma_start3A_69 : memref<1x128xi32, #tpu.memory_space<vmem>> -> memref<128xi32, #tpu.memory_space<vmem>>
      %dma_start3A_71 = arith.constant 0 : i32
      %dma_start3A_72 = arith.constant 0 : i32
      %dma_start3A_73 = tpu.memref_slice %arg2[%dma_start3A_71, %dma_start3A_72] : memref<10000x128xf32, #tpu.memory_space<hbm>> -> memref<10000x128xf32, #tpu.memory_space<hbm>>
      tpu.enqueue_indirect_dma source(%dma_start3A_73 : memref<10000x128xf32, #tpu.memory_space<hbm>>) target(%dma_start3A_67 : memref<128x128xf32, #tpu.memory_space<vmem>>) offsets(%dma_start3A_70 : memref<128xi32, #tpu.memory_space<vmem>>) semaphore(%arg11 : memref<!tpu.dma_semaphore, #tpu.memory_space<semaphore_mem>>)
      %dma_wait3A = arith.constant 0 : i32
      %dma_wait3A_74 = arith.constant 0 : i32
      %dma_wait3A_75 = arith.constant 0 : i32
      %dma_wait3A_76 = arith.constant 0 : i32
      %dma_wait3A_77 = tpu.memref_slice %arg8[%dma_wait3A_74, %dma_wait3A_75, %dma_wait3A_76] : memref<2x128x128xf32, #tpu.memory_space<vmem>> -> memref<1x128x128xf32, #tpu.memory_space<vmem>>
      %dma_wait3A_78 = tpu.memref_squeeze %dma_wait3A_77 : memref<1x128x128xf32, #tpu.memory_space<vmem>> -> memref<128x128xf32, #tpu.memory_space<vmem>>
      %dma_wait3A_79 = arith.constant 0 : i32
      %dma_wait3A_80 = tpu.memref_slice %arg6[%dma_wait3A, %dma_wait3A_79] : memref<8x128xi32, #tpu.memory_space<vmem>> -> memref<1x128xi32, #tpu.memory_space<vmem>>
      %dma_wait3A_81 = tpu.memref_squeeze %dma_wait3A_80 : memref<1x128xi32, #tpu.memory_space<vmem>> -> memref<128xi32, #tpu.memory_space<vmem>>
      %dma_wait3A_82 = arith.constant 0 : i32
      %dma_wait3A_83 = arith.constant 0 : i32
      %dma_wait3A_84 = tpu.memref_slice %arg2[%dma_wait3A_82, %dma_wait3A_83] : memref<10000x128xf32, #tpu.memory_space<hbm>> -> memref<10000x128xf32, #tpu.memory_space<hbm>>
      tpu.wait_indirect_dma semaphore(%arg10 : memref<!tpu.dma_semaphore, #tpu.memory_space<semaphore_mem>>) src(%dma_wait3A_84 : memref<10000x128xf32, #tpu.memory_space<hbm>>) dst(%dma_wait3A_78 : memref<128x128xf32, #tpu.memory_space<vmem>>)
      %run_scoped3A_85 = arith.constant 0 : i32
      %run_scoped3A_86 = arith.constant 0 : i32
      "tpu.region"() ({
        %run_scoped3A_257 = tpu.sem_alloc : memref<!tpu.dma_semaphore, #tpu.memory_space<semaphore_mem>>
        %dma_start3A_258 = arith.constant 0 : i32
        %dma_start3A_259 = arith.constant 0 : i32
        %dma_start3A_260 = tpu.memref_slice %arg8[%run_scoped3A_85, %dma_start3A_258, %dma_start3A_259] : memref<2x128x128xf32, #tpu.memory_space<vmem>> -> memref<1x128x128xf32, #tpu.memory_space<vmem>>
        %dma_start3A_261 = tpu.memref_squeeze %dma_start3A_260 : memref<1x128x128xf32, #tpu.memory_space<vmem>> -> memref<128x128xf32, #tpu.memory_space<vmem>>
        %dma_start3A_262 = arith.constant 0 : i32
        %dma_start3A_263 = tpu.memref_slice %arg7[%run_scoped3A_86, %dma_start3A_262] : memref<8x128xi32, #tpu.memory_space<vmem>> -> memref<1x128xi32, #tpu.memory_space<vmem>>
        %dma_start3A_264 = tpu.memref_squeeze %dma_start3A_263 : memref<1x128xi32, #tpu.memory_space<vmem>> -> memref<128xi32, #tpu.memory_space<vmem>>
        %dma_start3A_265 = arith.constant 0 : i32
        %dma_start3A_266 = arith.constant 0 : i32
        %dma_start3A_267 = tpu.memref_slice %arg9[%dma_start3A_265, %dma_start3A_266] : memref<10240x128xf32, #tpu.memory_space<vmem_shared>> -> memref<10240x128xf32, #tpu.memory_space<vmem_shared>>
        tpu.enqueue_indirect_dma source(%dma_start3A_261 : memref<128x128xf32, #tpu.memory_space<vmem>>) target(%dma_start3A_267 : memref<10240x128xf32, #tpu.memory_space<vmem_shared>>) offsets(%dma_start3A_264 : memref<128xi32, #tpu.memory_space<vmem>>) semaphore(%run_scoped3A_257 : memref<!tpu.dma_semaphore, #tpu.memory_space<semaphore_mem>>) {add = true}
        %dma_wait3A_268 = arith.constant 0 : i32
        %dma_wait3A_269 = arith.constant 0 : i32
        %dma_wait3A_270 = tpu.memref_slice %arg8[%run_scoped3A_85, %dma_wait3A_268, %dma_wait3A_269] : memref<2x128x128xf32, #tpu.memory_space<vmem>> -> memref<1x128x128xf32, #tpu.memory_space<vmem>>
        %dma_wait3A_271 = tpu.memref_squeeze %dma_wait3A_270 : memref<1x128x128xf32, #tpu.memory_space<vmem>> -> memref<128x128xf32, #tpu.memory_space<vmem>>
        %dma_wait3A_272 = arith.constant 0 : i32
        %dma_wait3A_273 = tpu.memref_slice %arg7[%run_scoped3A_86, %dma_wait3A_272] : memref<8x128xi32, #tpu.memory_space<vmem>> -> memref<1x128xi32, #tpu.memory_space<vmem>>
        %dma_wait3A_274 = tpu.memref_squeeze %dma_wait3A_273 : memref<1x128xi32, #tpu.memory_space<vmem>> -> memref<128xi32, #tpu.memory_space<vmem>>
        %dma_wait3A_275 = arith.constant 0 : i32
        %dma_wait3A_276 = arith.constant 0 : i32
        %dma_wait3A_277 = tpu.memref_slice %arg9[%dma_wait3A_275, %dma_wait3A_276] : memref<10240x128xf32, #tpu.memory_space<vmem_shared>> -> memref<10240x128xf32, #tpu.memory_space<vmem_shared>>
        tpu.wait_indirect_dma semaphore(%run_scoped3A_257 : memref<!tpu.dma_semaphore, #tpu.memory_space<semaphore_mem>>) src(%dma_wait3A_271 : memref<128x128xf32, #tpu.memory_space<vmem>>) dst(%dma_wait3A_277 : memref<10240x128xf32, #tpu.memory_space<vmem_shared>>)
        tpu.yield
      }) : () -> ()
      %dma_start3A_87 = arith.constant 2 : i32
      %dma_start3A_88 = arith.constant 0 : i32
      %dma_start3A_89 = arith.constant 0 : i32
      %dma_start3A_90 = arith.constant 0 : i32
      %dma_start3A_91 = tpu.memref_slice %arg8[%dma_start3A_88, %dma_start3A_89, %dma_start3A_90] : memref<2x128x128xf32, #tpu.memory_space<vmem>> -> memref<1x128x128xf32, #tpu.memory_space<vmem>>
      %dma_start3A_92 = tpu.memref_squeeze %dma_start3A_91 : memref<1x128x128xf32, #tpu.memory_space<vmem>> -> memref<128x128xf32, #tpu.memory_space<vmem>>
      %dma_start3A_93 = arith.constant 0 : i32
      %dma_start3A_94 = tpu.memref_slice %arg6[%dma_start3A_87, %dma_start3A_93] : memref<8x128xi32, #tpu.memory_space<vmem>> -> memref<1x128xi32, #tpu.memory_space<vmem>>
      %dma_start3A_95 = tpu.memref_squeeze %dma_start3A_94 : memref<1x128xi32, #tpu.memory_space<vmem>> -> memref<128xi32, #tpu.memory_space<vmem>>
      %dma_start3A_96 = arith.constant 0 : i32
      %dma_start3A_97 = arith.constant 0 : i32
      %dma_start3A_98 = tpu.memref_slice %arg2[%dma_start3A_96, %dma_start3A_97] : memref<10000x128xf32, #tpu.memory_space<hbm>> -> memref<10000x128xf32, #tpu.memory_space<hbm>>
      tpu.enqueue_indirect_dma source(%dma_start3A_98 : memref<10000x128xf32, #tpu.memory_space<hbm>>) target(%dma_start3A_92 : memref<128x128xf32, #tpu.memory_space<vmem>>) offsets(%dma_start3A_95 : memref<128xi32, #tpu.memory_space<vmem>>) semaphore(%arg10 : memref<!tpu.dma_semaphore, #tpu.memory_space<semaphore_mem>>)
      %dma_wait3A_99 = arith.constant 1 : i32
      %dma_wait3A_100 = arith.constant 1 : i32
      %dma_wait3A_101 = arith.constant 0 : i32
      %dma_wait3A_102 = arith.constant 0 : i32
      %dma_wait3A_103 = tpu.memref_slice %arg8[%dma_wait3A_100, %dma_wait3A_101, %dma_wait3A_102] : memref<2x128x128xf32, #tpu.memory_space<vmem>> -> memref<1x128x128xf32, #tpu.memory_space<vmem>>
      %dma_wait3A_104 = tpu.memref_squeeze %dma_wait3A_103 : memref<1x128x128xf32, #tpu.memory_space<vmem>> -> memref<128x128xf32, #tpu.memory_space<vmem>>
      %dma_wait3A_105 = arith.constant 0 : i32
      %dma_wait3A_106 = tpu.memref_slice %arg6[%dma_wait3A_99, %dma_wait3A_105] : memref<8x128xi32, #tpu.memory_space<vmem>> -> memref<1x128xi32, #tpu.memory_space<vmem>>
      %dma_wait3A_107 = tpu.memref_squeeze %dma_wait3A_106 : memref<1x128xi32, #tpu.memory_space<vmem>> -> memref<128xi32, #tpu.memory_space<vmem>>
      %dma_wait3A_108 = arith.constant 0 : i32
      %dma_wait3A_109 = arith.constant 0 : i32
      %dma_wait3A_110 = tpu.memref_slice %arg2[%dma_wait3A_108, %dma_wait3A_109] : memref<10000x128xf32, #tpu.memory_space<hbm>> -> memref<10000x128xf32, #tpu.memory_space<hbm>>
      tpu.wait_indirect_dma semaphore(%arg11 : memref<!tpu.dma_semaphore, #tpu.memory_space<semaphore_mem>>) src(%dma_wait3A_110 : memref<10000x128xf32, #tpu.memory_space<hbm>>) dst(%dma_wait3A_104 : memref<128x128xf32, #tpu.memory_space<vmem>>)
      %run_scoped3A_111 = arith.constant 1 : i32
      %run_scoped3A_112 = arith.constant 1 : i32
      "tpu.region"() ({
        %run_scoped3A_257 = tpu.sem_alloc : memref<!tpu.dma_semaphore, #tpu.memory_space<semaphore_mem>>
        %dma_start3A_258 = arith.constant 0 : i32
        %dma_start3A_259 = arith.constant 0 : i32
        %dma_start3A_260 = tpu.memref_slice %arg8[%run_scoped3A_111, %dma_start3A_258, %dma_start3A_259] : memref<2x128x128xf32, #tpu.memory_space<vmem>> -> memref<1x128x128xf32, #tpu.memory_space<vmem>>
        %dma_start3A_261 = tpu.memref_squeeze %dma_start3A_260 : memref<1x128x128xf32, #tpu.memory_space<vmem>> -> memref<128x128xf32, #tpu.memory_space<vmem>>
        %dma_start3A_262 = arith.constant 0 : i32
        %dma_start3A_263 = tpu.memref_slice %arg7[%run_scoped3A_112, %dma_start3A_262] : memref<8x128xi32, #tpu.memory_space<vmem>> -> memref<1x128xi32, #tpu.memory_space<vmem>>
        %dma_start3A_264 = tpu.memref_squeeze %dma_start3A_263 : memref<1x128xi32, #tpu.memory_space<vmem>> -> memref<128xi32, #tpu.memory_space<vmem>>
        %dma_start3A_265 = arith.constant 0 : i32
        %dma_start3A_266 = arith.constant 0 : i32
        %dma_start3A_267 = tpu.memref_slice %arg9[%dma_start3A_265, %dma_start3A_266] : memref<10240x128xf32, #tpu.memory_space<vmem_shared>> -> memref<10240x128xf32, #tpu.memory_space<vmem_shared>>
        tpu.enqueue_indirect_dma source(%dma_start3A_261 : memref<128x128xf32, #tpu.memory_space<vmem>>) target(%dma_start3A_267 : memref<10240x128xf32, #tpu.memory_space<vmem_shared>>) offsets(%dma_start3A_264 : memref<128xi32, #tpu.memory_space<vmem>>) semaphore(%run_scoped3A_257 : memref<!tpu.dma_semaphore, #tpu.memory_space<semaphore_mem>>) {add = true}
        %dma_wait3A_268 = arith.constant 0 : i32
        %dma_wait3A_269 = arith.constant 0 : i32
        %dma_wait3A_270 = tpu.memref_slice %arg8[%run_scoped3A_111, %dma_wait3A_268, %dma_wait3A_269] : memref<2x128x128xf32, #tpu.memory_space<vmem>> -> memref<1x128x128xf32, #tpu.memory_space<vmem>>
        %dma_wait3A_271 = tpu.memref_squeeze %dma_wait3A_270 : memref<1x128x128xf32, #tpu.memory_space<vmem>> -> memref<128x128xf32, #tpu.memory_space<vmem>>
        %dma_wait3A_272 = arith.constant 0 : i32
        %dma_wait3A_273 = tpu.memref_slice %arg7[%run_scoped3A_112, %dma_wait3A_272] : memref<8x128xi32, #tpu.memory_space<vmem>> -> memref<1x128xi32, #tpu.memory_space<vmem>>
        %dma_wait3A_274 = tpu.memref_squeeze %dma_wait3A_273 : memref<1x128xi32, #tpu.memory_space<vmem>> -> memref<128xi32, #tpu.memory_space<vmem>>
        %dma_wait3A_275 = arith.constant 0 : i32
        %dma_wait3A_276 = arith.constant 0 : i32
        %dma_wait3A_277 = tpu.memref_slice %arg9[%dma_wait3A_275, %dma_wait3A_276] : memref<10240x128xf32, #tpu.memory_space<vmem_shared>> -> memref<10240x128xf32, #tpu.memory_space<vmem_shared>>
        tpu.wait_indirect_dma semaphore(%run_scoped3A_257 : memref<!tpu.dma_semaphore, #tpu.memory_space<semaphore_mem>>) src(%dma_wait3A_271 : memref<128x128xf32, #tpu.memory_space<vmem>>) dst(%dma_wait3A_277 : memref<10240x128xf32, #tpu.memory_space<vmem_shared>>)
        tpu.yield
      }) : () -> ()
      %dma_start3A_113 = arith.constant 3 : i32
      %dma_start3A_114 = arith.constant 1 : i32
      %dma_start3A_115 = arith.constant 0 : i32
      %dma_start3A_116 = arith.constant 0 : i32
      %dma_start3A_117 = tpu.memref_slice %arg8[%dma_start3A_114, %dma_start3A_115, %dma_start3A_116] : memref<2x128x128xf32, #tpu.memory_space<vmem>> -> memref<1x128x128xf32, #tpu.memory_space<vmem>>
      %dma_start3A_118 = tpu.memref_squeeze %dma_start3A_117 : memref<1x128x128xf32, #tpu.memory_space<vmem>> -> memref<128x128xf32, #tpu.memory_space<vmem>>
      %dma_start3A_119 = arith.constant 0 : i32
      %dma_start3A_120 = tpu.memref_slice %arg6[%dma_start3A_113, %dma_start3A_119] : memref<8x128xi32, #tpu.memory_space<vmem>> -> memref<1x128xi32, #tpu.memory_space<vmem>>
      %dma_start3A_121 = tpu.memref_squeeze %dma_start3A_120 : memref<1x128xi32, #tpu.memory_space<vmem>> -> memref<128xi32, #tpu.memory_space<vmem>>
      %dma_start3A_122 = arith.constant 0 : i32
      %dma_start3A_123 = arith.constant 0 : i32
      %dma_start3A_124 = tpu.memref_slice %arg2[%dma_start3A_122, %dma_start3A_123] : memref<10000x128xf32, #tpu.memory_space<hbm>> -> memref<10000x128xf32, #tpu.memory_space<hbm>>
      tpu.enqueue_indirect_dma source(%dma_start3A_124 : memref<10000x128xf32, #tpu.memory_space<hbm>>) target(%dma_start3A_118 : memref<128x128xf32, #tpu.memory_space<vmem>>) offsets(%dma_start3A_121 : memref<128xi32, #tpu.memory_space<vmem>>) semaphore(%arg11 : memref<!tpu.dma_semaphore, #tpu.memory_space<semaphore_mem>>)
      %dma_wait3A_125 = arith.constant 2 : i32
      %dma_wait3A_126 = arith.constant 0 : i32
      %dma_wait3A_127 = arith.constant 0 : i32
      %dma_wait3A_128 = arith.constant 0 : i32
      %dma_wait3A_129 = tpu.memref_slice %arg8[%dma_wait3A_126, %dma_wait3A_127, %dma_wait3A_128] : memref<2x128x128xf32, #tpu.memory_space<vmem>> -> memref<1x128x128xf32, #tpu.memory_space<vmem>>
      %dma_wait3A_130 = tpu.memref_squeeze %dma_wait3A_129 : memref<1x128x128xf32, #tpu.memory_space<vmem>> -> memref<128x128xf32, #tpu.memory_space<vmem>>
      %dma_wait3A_131 = arith.constant 0 : i32
      %dma_wait3A_132 = tpu.memref_slice %arg6[%dma_wait3A_125, %dma_wait3A_131] : memref<8x128xi32, #tpu.memory_space<vmem>> -> memref<1x128xi32, #tpu.memory_space<vmem>>
      %dma_wait3A_133 = tpu.memref_squeeze %dma_wait3A_132 : memref<1x128xi32, #tpu.memory_space<vmem>> -> memref<128xi32, #tpu.memory_space<vmem>>
      %dma_wait3A_134 = arith.constant 0 : i32
      %dma_wait3A_135 = arith.constant 0 : i32
      %dma_wait3A_136 = tpu.memref_slice %arg2[%dma_wait3A_134, %dma_wait3A_135] : memref<10000x128xf32, #tpu.memory_space<hbm>> -> memref<10000x128xf32, #tpu.memory_space<hbm>>
      tpu.wait_indirect_dma semaphore(%arg10 : memref<!tpu.dma_semaphore, #tpu.memory_space<semaphore_mem>>) src(%dma_wait3A_136 : memref<10000x128xf32, #tpu.memory_space<hbm>>) dst(%dma_wait3A_130 : memref<128x128xf32, #tpu.memory_space<vmem>>)
      %run_scoped3A_137 = arith.constant 0 : i32
      %run_scoped3A_138 = arith.constant 2 : i32
      "tpu.region"() ({
        %run_scoped3A_257 = tpu.sem_alloc : memref<!tpu.dma_semaphore, #tpu.memory_space<semaphore_mem>>
        %dma_start3A_258 = arith.constant 0 : i32
        %dma_start3A_259 = arith.constant 0 : i32
        %dma_start3A_260 = tpu.memref_slice %arg8[%run_scoped3A_137, %dma_start3A_258, %dma_start3A_259] : memref<2x128x128xf32, #tpu.memory_space<vmem>> -> memref<1x128x128xf32, #tpu.memory_space<vmem>>
        %dma_start3A_261 = tpu.memref_squeeze %dma_start3A_260 : memref<1x128x128xf32, #tpu.memory_space<vmem>> -> memref<128x128xf32, #tpu.memory_space<vmem>>
        %dma_start3A_262 = arith.constant 0 : i32
        %dma_start3A_263 = tpu.memref_slice %arg7[%run_scoped3A_138, %dma_start3A_262] : memref<8x128xi32, #tpu.memory_space<vmem>> -> memref<1x128xi32, #tpu.memory_space<vmem>>
        %dma_start3A_264 = tpu.memref_squeeze %dma_start3A_263 : memref<1x128xi32, #tpu.memory_space<vmem>> -> memref<128xi32, #tpu.memory_space<vmem>>
        %dma_start3A_265 = arith.constant 0 : i32
        %dma_start3A_266 = arith.constant 0 : i32
        %dma_start3A_267 = tpu.memref_slice %arg9[%dma_start3A_265, %dma_start3A_266] : memref<10240x128xf32, #tpu.memory_space<vmem_shared>> -> memref<10240x128xf32, #tpu.memory_space<vmem_shared>>
        tpu.enqueue_indirect_dma source(%dma_start3A_261 : memref<128x128xf32, #tpu.memory_space<vmem>>) target(%dma_start3A_267 : memref<10240x128xf32, #tpu.memory_space<vmem_shared>>) offsets(%dma_start3A_264 : memref<128xi32, #tpu.memory_space<vmem>>) semaphore(%run_scoped3A_257 : memref<!tpu.dma_semaphore, #tpu.memory_space<semaphore_mem>>) {add = true}
        %dma_wait3A_268 = arith.constant 0 : i32
        %dma_wait3A_269 = arith.constant 0 : i32
        %dma_wait3A_270 = tpu.memref_slice %arg8[%run_scoped3A_137, %dma_wait3A_268, %dma_wait3A_269] : memref<2x128x128xf32, #tpu.memory_space<vmem>> -> memref<1x128x128xf32, #tpu.memory_space<vmem>>
        %dma_wait3A_271 = tpu.memref_squeeze %dma_wait3A_270 : memref<1x128x128xf32, #tpu.memory_space<vmem>> -> memref<128x128xf32, #tpu.memory_space<vmem>>
        %dma_wait3A_272 = arith.constant 0 : i32
        %dma_wait3A_273 = tpu.memref_slice %arg7[%run_scoped3A_138, %dma_wait3A_272] : memref<8x128xi32, #tpu.memory_space<vmem>> -> memref<1x128xi32, #tpu.memory_space<vmem>>
        %dma_wait3A_274 = tpu.memref_squeeze %dma_wait3A_273 : memref<1x128xi32, #tpu.memory_space<vmem>> -> memref<128xi32, #tpu.memory_space<vmem>>
        %dma_wait3A_275 = arith.constant 0 : i32
        %dma_wait3A_276 = arith.constant 0 : i32
        %dma_wait3A_277 = tpu.memref_slice %arg9[%dma_wait3A_275, %dma_wait3A_276] : memref<10240x128xf32, #tpu.memory_space<vmem_shared>> -> memref<10240x128xf32, #tpu.memory_space<vmem_shared>>
        tpu.wait_indirect_dma semaphore(%run_scoped3A_257 : memref<!tpu.dma_semaphore, #tpu.memory_space<semaphore_mem>>) src(%dma_wait3A_271 : memref<128x128xf32, #tpu.memory_space<vmem>>) dst(%dma_wait3A_277 : memref<10240x128xf32, #tpu.memory_space<vmem_shared>>)
        tpu.yield
      }) : () -> ()
      %dma_start3A_139 = arith.constant 4 : i32
      %dma_start3A_140 = arith.constant 0 : i32
      %dma_start3A_141 = arith.constant 0 : i32
      %dma_start3A_142 = arith.constant 0 : i32
      %dma_start3A_143 = tpu.memref_slice %arg8[%dma_start3A_140, %dma_start3A_141, %dma_start3A_142] : memref<2x128x128xf32, #tpu.memory_space<vmem>> -> memref<1x128x128xf32, #tpu.memory_space<vmem>>
      %dma_start3A_144 = tpu.memref_squeeze %dma_start3A_143 : memref<1x128x128xf32, #tpu.memory_space<vmem>> -> memref<128x128xf32, #tpu.memory_space<vmem>>
      %dma_start3A_145 = arith.constant 0 : i32
      %dma_start3A_146 = tpu.memref_slice %arg6[%dma_start3A_139, %dma_start3A_145] : memref<8x128xi32, #tpu.memory_space<vmem>> -> memref<1x128xi32, #tpu.memory_space<vmem>>
      %dma_start3A_147 = tpu.memref_squeeze %dma_start3A_146 : memref<1x128xi32, #tpu.memory_space<vmem>> -> memref<128xi32, #tpu.memory_space<vmem>>
      %dma_start3A_148 = arith.constant 0 : i32
      %dma_start3A_149 = arith.constant 0 : i32
      %dma_start3A_150 = tpu.memref_slice %arg2[%dma_start3A_148, %dma_start3A_149] : memref<10000x128xf32, #tpu.memory_space<hbm>> -> memref<10000x128xf32, #tpu.memory_space<hbm>>
      tpu.enqueue_indirect_dma source(%dma_start3A_150 : memref<10000x128xf32, #tpu.memory_space<hbm>>) target(%dma_start3A_144 : memref<128x128xf32, #tpu.memory_space<vmem>>) offsets(%dma_start3A_147 : memref<128xi32, #tpu.memory_space<vmem>>) semaphore(%arg10 : memref<!tpu.dma_semaphore, #tpu.memory_space<semaphore_mem>>)
      %dma_wait3A_151 = arith.constant 3 : i32
      %dma_wait3A_152 = arith.constant 1 : i32
      %dma_wait3A_153 = arith.constant 0 : i32
      %dma_wait3A_154 = arith.constant 0 : i32
      %dma_wait3A_155 = tpu.memref_slice %arg8[%dma_wait3A_152, %dma_wait3A_153, %dma_wait3A_154] : memref<2x128x128xf32, #tpu.memory_space<vmem>> -> memref<1x128x128xf32, #tpu.memory_space<vmem>>
      %dma_wait3A_156 = tpu.memref_squeeze %dma_wait3A_155 : memref<1x128x128xf32, #tpu.memory_space<vmem>> -> memref<128x128xf32, #tpu.memory_space<vmem>>
      %dma_wait3A_157 = arith.constant 0 : i32
      %dma_wait3A_158 = tpu.memref_slice %arg6[%dma_wait3A_151, %dma_wait3A_157] : memref<8x128xi32, #tpu.memory_space<vmem>> -> memref<1x128xi32, #tpu.memory_space<vmem>>
      %dma_wait3A_159 = tpu.memref_squeeze %dma_wait3A_158 : memref<1x128xi32, #tpu.memory_space<vmem>> -> memref<128xi32, #tpu.memory_space<vmem>>
      %dma_wait3A_160 = arith.constant 0 : i32
      %dma_wait3A_161 = arith.constant 0 : i32
      %dma_wait3A_162 = tpu.memref_slice %arg2[%dma_wait3A_160, %dma_wait3A_161] : memref<10000x128xf32, #tpu.memory_space<hbm>> -> memref<10000x128xf32, #tpu.memory_space<hbm>>
      tpu.wait_indirect_dma semaphore(%arg11 : memref<!tpu.dma_semaphore, #tpu.memory_space<semaphore_mem>>) src(%dma_wait3A_162 : memref<10000x128xf32, #tpu.memory_space<hbm>>) dst(%dma_wait3A_156 : memref<128x128xf32, #tpu.memory_space<vmem>>)
      %run_scoped3A_163 = arith.constant 1 : i32
      %run_scoped3A_164 = arith.constant 3 : i32
      "tpu.region"() ({
        %run_scoped3A_257 = tpu.sem_alloc : memref<!tpu.dma_semaphore, #tpu.memory_space<semaphore_mem>>
        %dma_start3A_258 = arith.constant 0 : i32
        %dma_start3A_259 = arith.constant 0 : i32
        %dma_start3A_260 = tpu.memref_slice %arg8[%run_scoped3A_163, %dma_start3A_258, %dma_start3A_259] : memref<2x128x128xf32, #tpu.memory_space<vmem>> -> memref<1x128x128xf32, #tpu.memory_space<vmem>>
        %dma_start3A_261 = tpu.memref_squeeze %dma_start3A_260 : memref<1x128x128xf32, #tpu.memory_space<vmem>> -> memref<128x128xf32, #tpu.memory_space<vmem>>
        %dma_start3A_262 = arith.constant 0 : i32
        %dma_start3A_263 = tpu.memref_slice %arg7[%run_scoped3A_164, %dma_start3A_262] : memref<8x128xi32, #tpu.memory_space<vmem>> -> memref<1x128xi32, #tpu.memory_space<vmem>>
        %dma_start3A_264 = tpu.memref_squeeze %dma_start3A_263 : memref<1x128xi32, #tpu.memory_space<vmem>> -> memref<128xi32, #tpu.memory_space<vmem>>
        %dma_start3A_265 = arith.constant 0 : i32
        %dma_start3A_266 = arith.constant 0 : i32
        %dma_start3A_267 = tpu.memref_slice %arg9[%dma_start3A_265, %dma_start3A_266] : memref<10240x128xf32, #tpu.memory_space<vmem_shared>> -> memref<10240x128xf32, #tpu.memory_space<vmem_shared>>
        tpu.enqueue_indirect_dma source(%dma_start3A_261 : memref<128x128xf32, #tpu.memory_space<vmem>>) target(%dma_start3A_267 : memref<10240x128xf32, #tpu.memory_space<vmem_shared>>) offsets(%dma_start3A_264 : memref<128xi32, #tpu.memory_space<vmem>>) semaphore(%run_scoped3A_257 : memref<!tpu.dma_semaphore, #tpu.memory_space<semaphore_mem>>) {add = true}
        %dma_wait3A_268 = arith.constant 0 : i32
        %dma_wait3A_269 = arith.constant 0 : i32
        %dma_wait3A_270 = tpu.memref_slice %arg8[%run_scoped3A_163, %dma_wait3A_268, %dma_wait3A_269] : memref<2x128x128xf32, #tpu.memory_space<vmem>> -> memref<1x128x128xf32, #tpu.memory_space<vmem>>
        %dma_wait3A_271 = tpu.memref_squeeze %dma_wait3A_270 : memref<1x128x128xf32, #tpu.memory_space<vmem>> -> memref<128x128xf32, #tpu.memory_space<vmem>>
        %dma_wait3A_272 = arith.constant 0 : i32
        %dma_wait3A_273 = tpu.memref_slice %arg7[%run_scoped3A_164, %dma_wait3A_272] : memref<8x128xi32, #tpu.memory_space<vmem>> -> memref<1x128xi32, #tpu.memory_space<vmem>>
        %dma_wait3A_274 = tpu.memref_squeeze %dma_wait3A_273 : memref<1x128xi32, #tpu.memory_space<vmem>> -> memref<128xi32, #tpu.memory_space<vmem>>
        %dma_wait3A_275 = arith.constant 0 : i32
        %dma_wait3A_276 = arith.constant 0 : i32
        %dma_wait3A_277 = tpu.memref_slice %arg9[%dma_wait3A_275, %dma_wait3A_276] : memref<10240x128xf32, #tpu.memory_space<vmem_shared>> -> memref<10240x128xf32, #tpu.memory_space<vmem_shared>>
        tpu.wait_indirect_dma semaphore(%run_scoped3A_257 : memref<!tpu.dma_semaphore, #tpu.memory_space<semaphore_mem>>) src(%dma_wait3A_271 : memref<128x128xf32, #tpu.memory_space<vmem>>) dst(%dma_wait3A_277 : memref<10240x128xf32, #tpu.memory_space<vmem_shared>>)
        tpu.yield
      }) : () -> ()
      %dma_start3A_165 = arith.constant 5 : i32
      %dma_start3A_166 = arith.constant 1 : i32
      %dma_start3A_167 = arith.constant 0 : i32
      %dma_start3A_168 = arith.constant 0 : i32
      %dma_start3A_169 = tpu.memref_slice %arg8[%dma_start3A_166, %dma_start3A_167, %dma_start3A_168] : memref<2x128x128xf32, #tpu.memory_space<vmem>> -> memref<1x128x128xf32, #tpu.memory_space<vmem>>
      %dma_start3A_170 = tpu.memref_squeeze %dma_start3A_169 : memref<1x128x128xf32, #tpu.memory_space<vmem>> -> memref<128x128xf32, #tpu.memory_space<vmem>>
      %dma_start3A_171 = arith.constant 0 : i32
      %dma_start3A_172 = tpu.memref_slice %arg6[%dma_start3A_165, %dma_start3A_171] : memref<8x128xi32, #tpu.memory_space<vmem>> -> memref<1x128xi32, #tpu.memory_space<vmem>>
      %dma_start3A_173 = tpu.memref_squeeze %dma_start3A_172 : memref<1x128xi32, #tpu.memory_space<vmem>> -> memref<128xi32, #tpu.memory_space<vmem>>
      %dma_start3A_174 = arith.constant 0 : i32
      %dma_start3A_175 = arith.constant 0 : i32
      %dma_start3A_176 = tpu.memref_slice %arg2[%dma_start3A_174, %dma_start3A_175] : memref<10000x128xf32, #tpu.memory_space<hbm>> -> memref<10000x128xf32, #tpu.memory_space<hbm>>
      tpu.enqueue_indirect_dma source(%dma_start3A_176 : memref<10000x128xf32, #tpu.memory_space<hbm>>) target(%dma_start3A_170 : memref<128x128xf32, #tpu.memory_space<vmem>>) offsets(%dma_start3A_173 : memref<128xi32, #tpu.memory_space<vmem>>) semaphore(%arg11 : memref<!tpu.dma_semaphore, #tpu.memory_space<semaphore_mem>>)
      %dma_wait3A_177 = arith.constant 4 : i32
      %dma_wait3A_178 = arith.constant 0 : i32
      %dma_wait3A_179 = arith.constant 0 : i32
      %dma_wait3A_180 = arith.constant 0 : i32
      %dma_wait3A_181 = tpu.memref_slice %arg8[%dma_wait3A_178, %dma_wait3A_179, %dma_wait3A_180] : memref<2x128x128xf32, #tpu.memory_space<vmem>> -> memref<1x128x128xf32, #tpu.memory_space<vmem>>
      %dma_wait3A_182 = tpu.memref_squeeze %dma_wait3A_181 : memref<1x128x128xf32, #tpu.memory_space<vmem>> -> memref<128x128xf32, #tpu.memory_space<vmem>>
      %dma_wait3A_183 = arith.constant 0 : i32
      %dma_wait3A_184 = tpu.memref_slice %arg6[%dma_wait3A_177, %dma_wait3A_183] : memref<8x128xi32, #tpu.memory_space<vmem>> -> memref<1x128xi32, #tpu.memory_space<vmem>>
      %dma_wait3A_185 = tpu.memref_squeeze %dma_wait3A_184 : memref<1x128xi32, #tpu.memory_space<vmem>> -> memref<128xi32, #tpu.memory_space<vmem>>
      %dma_wait3A_186 = arith.constant 0 : i32
      %dma_wait3A_187 = arith.constant 0 : i32
      %dma_wait3A_188 = tpu.memref_slice %arg2[%dma_wait3A_186, %dma_wait3A_187] : memref<10000x128xf32, #tpu.memory_space<hbm>> -> memref<10000x128xf32, #tpu.memory_space<hbm>>
      tpu.wait_indirect_dma semaphore(%arg10 : memref<!tpu.dma_semaphore, #tpu.memory_space<semaphore_mem>>) src(%dma_wait3A_188 : memref<10000x128xf32, #tpu.memory_space<hbm>>) dst(%dma_wait3A_182 : memref<128x128xf32, #tpu.memory_space<vmem>>)
      %run_scoped3A_189 = arith.constant 0 : i32
      %run_scoped3A_190 = arith.constant 4 : i32
      "tpu.region"() ({
        %run_scoped3A_257 = tpu.sem_alloc : memref<!tpu.dma_semaphore, #tpu.memory_space<semaphore_mem>>
        %dma_start3A_258 = arith.constant 0 : i32
        %dma_start3A_259 = arith.constant 0 : i32
        %dma_start3A_260 = tpu.memref_slice %arg8[%run_scoped3A_189, %dma_start3A_258, %dma_start3A_259] : memref<2x128x128xf32, #tpu.memory_space<vmem>> -> memref<1x128x128xf32, #tpu.memory_space<vmem>>
        %dma_start3A_261 = tpu.memref_squeeze %dma_start3A_260 : memref<1x128x128xf32, #tpu.memory_space<vmem>> -> memref<128x128xf32, #tpu.memory_space<vmem>>
        %dma_start3A_262 = arith.constant 0 : i32
        %dma_start3A_263 = tpu.memref_slice %arg7[%run_scoped3A_190, %dma_start3A_262] : memref<8x128xi32, #tpu.memory_space<vmem>> -> memref<1x128xi32, #tpu.memory_space<vmem>>
        %dma_start3A_264 = tpu.memref_squeeze %dma_start3A_263 : memref<1x128xi32, #tpu.memory_space<vmem>> -> memref<128xi32, #tpu.memory_space<vmem>>
        %dma_start3A_265 = arith.constant 0 : i32
        %dma_start3A_266 = arith.constant 0 : i32
        %dma_start3A_267 = tpu.memref_slice %arg9[%dma_start3A_265, %dma_start3A_266] : memref<10240x128xf32, #tpu.memory_space<vmem_shared>> -> memref<10240x128xf32, #tpu.memory_space<vmem_shared>>
        tpu.enqueue_indirect_dma source(%dma_start3A_261 : memref<128x128xf32, #tpu.memory_space<vmem>>) target(%dma_start3A_267 : memref<10240x128xf32, #tpu.memory_space<vmem_shared>>) offsets(%dma_start3A_264 : memref<128xi32, #tpu.memory_space<vmem>>) semaphore(%run_scoped3A_257 : memref<!tpu.dma_semaphore, #tpu.memory_space<semaphore_mem>>) {add = true}
        %dma_wait3A_268 = arith.constant 0 : i32
        %dma_wait3A_269 = arith.constant 0 : i32
        %dma_wait3A_270 = tpu.memref_slice %arg8[%run_scoped3A_189, %dma_wait3A_268, %dma_wait3A_269] : memref<2x128x128xf32, #tpu.memory_space<vmem>> -> memref<1x128x128xf32, #tpu.memory_space<vmem>>
        %dma_wait3A_271 = tpu.memref_squeeze %dma_wait3A_270 : memref<1x128x128xf32, #tpu.memory_space<vmem>> -> memref<128x128xf32, #tpu.memory_space<vmem>>
        %dma_wait3A_272 = arith.constant 0 : i32
        %dma_wait3A_273 = tpu.memref_slice %arg7[%run_scoped3A_190, %dma_wait3A_272] : memref<8x128xi32, #tpu.memory_space<vmem>> -> memref<1x128xi32, #tpu.memory_space<vmem>>
        %dma_wait3A_274 = tpu.memref_squeeze %dma_wait3A_273 : memref<1x128xi32, #tpu.memory_space<vmem>> -> memref<128xi32, #tpu.memory_space<vmem>>
        %dma_wait3A_275 = arith.constant 0 : i32
        %dma_wait3A_276 = arith.constant 0 : i32
        %dma_wait3A_277 = tpu.memref_slice %arg9[%dma_wait3A_275, %dma_wait3A_276] : memref<10240x128xf32, #tpu.memory_space<vmem_shared>> -> memref<10240x128xf32, #tpu.memory_space<vmem_shared>>
        tpu.wait_indirect_dma semaphore(%run_scoped3A_257 : memref<!tpu.dma_semaphore, #tpu.memory_space<semaphore_mem>>) src(%dma_wait3A_271 : memref<128x128xf32, #tpu.memory_space<vmem>>) dst(%dma_wait3A_277 : memref<10240x128xf32, #tpu.memory_space<vmem_shared>>)
        tpu.yield
      }) : () -> ()
      %dma_start3A_191 = arith.constant 6 : i32
      %dma_start3A_192 = arith.constant 0 : i32
      %dma_start3A_193 = arith.constant 0 : i32
      %dma_start3A_194 = arith.constant 0 : i32
      %dma_start3A_195 = tpu.memref_slice %arg8[%dma_start3A_192, %dma_start3A_193, %dma_start3A_194] : memref<2x128x128xf32, #tpu.memory_space<vmem>> -> memref<1x128x128xf32, #tpu.memory_space<vmem>>
      %dma_start3A_196 = tpu.memref_squeeze %dma_start3A_195 : memref<1x128x128xf32, #tpu.memory_space<vmem>> -> memref<128x128xf32, #tpu.memory_space<vmem>>
      %dma_start3A_197 = arith.constant 0 : i32
      %dma_start3A_198 = tpu.memref_slice %arg6[%dma_start3A_191, %dma_start3A_197] : memref<8x128xi32, #tpu.memory_space<vmem>> -> memref<1x128xi32, #tpu.memory_space<vmem>>
      %dma_start3A_199 = tpu.memref_squeeze %dma_start3A_198 : memref<1x128xi32, #tpu.memory_space<vmem>> -> memref<128xi32, #tpu.memory_space<vmem>>
      %dma_start3A_200 = arith.constant 0 : i32
      %dma_start3A_201 = arith.constant 0 : i32
      %dma_start3A_202 = tpu.memref_slice %arg2[%dma_start3A_200, %dma_start3A_201] : memref<10000x128xf32, #tpu.memory_space<hbm>> -> memref<10000x128xf32, #tpu.memory_space<hbm>>
      tpu.enqueue_indirect_dma source(%dma_start3A_202 : memref<10000x128xf32, #tpu.memory_space<hbm>>) target(%dma_start3A_196 : memref<128x128xf32, #tpu.memory_space<vmem>>) offsets(%dma_start3A_199 : memref<128xi32, #tpu.memory_space<vmem>>) semaphore(%arg10 : memref<!tpu.dma_semaphore, #tpu.memory_space<semaphore_mem>>)
      %dma_wait3A_203 = arith.constant 5 : i32
      %dma_wait3A_204 = arith.constant 1 : i32
      %dma_wait3A_205 = arith.constant 0 : i32
      %dma_wait3A_206 = arith.constant 0 : i32
      %dma_wait3A_207 = tpu.memref_slice %arg8[%dma_wait3A_204, %dma_wait3A_205, %dma_wait3A_206] : memref<2x128x128xf32, #tpu.memory_space<vmem>> -> memref<1x128x128xf32, #tpu.memory_space<vmem>>
      %dma_wait3A_208 = tpu.memref_squeeze %dma_wait3A_207 : memref<1x128x128xf32, #tpu.memory_space<vmem>> -> memref<128x128xf32, #tpu.memory_space<vmem>>
      %dma_wait3A_209 = arith.constant 0 : i32
      %dma_wait3A_210 = tpu.memref_slice %arg6[%dma_wait3A_203, %dma_wait3A_209] : memref<8x128xi32, #tpu.memory_space<vmem>> -> memref<1x128xi32, #tpu.memory_space<vmem>>
      %dma_wait3A_211 = tpu.memref_squeeze %dma_wait3A_210 : memref<1x128xi32, #tpu.memory_space<vmem>> -> memref<128xi32, #tpu.memory_space<vmem>>
      %dma_wait3A_212 = arith.constant 0 : i32
      %dma_wait3A_213 = arith.constant 0 : i32
      %dma_wait3A_214 = tpu.memref_slice %arg2[%dma_wait3A_212, %dma_wait3A_213] : memref<10000x128xf32, #tpu.memory_space<hbm>> -> memref<10000x128xf32, #tpu.memory_space<hbm>>
      tpu.wait_indirect_dma semaphore(%arg11 : memref<!tpu.dma_semaphore, #tpu.memory_space<semaphore_mem>>) src(%dma_wait3A_214 : memref<10000x128xf32, #tpu.memory_space<hbm>>) dst(%dma_wait3A_208 : memref<128x128xf32, #tpu.memory_space<vmem>>)
      %run_scoped3A_215 = arith.constant 1 : i32
      %run_scoped3A_216 = arith.constant 5 : i32
      "tpu.region"() ({
        %run_scoped3A_257 = tpu.sem_alloc : memref<!tpu.dma_semaphore, #tpu.memory_space<semaphore_mem>>
        %dma_start3A_258 = arith.constant 0 : i32
        %dma_start3A_259 = arith.constant 0 : i32
        %dma_start3A_260 = tpu.memref_slice %arg8[%run_scoped3A_215, %dma_start3A_258, %dma_start3A_259] : memref<2x128x128xf32, #tpu.memory_space<vmem>> -> memref<1x128x128xf32, #tpu.memory_space<vmem>>
        %dma_start3A_261 = tpu.memref_squeeze %dma_start3A_260 : memref<1x128x128xf32, #tpu.memory_space<vmem>> -> memref<128x128xf32, #tpu.memory_space<vmem>>
        %dma_start3A_262 = arith.constant 0 : i32
        %dma_start3A_263 = tpu.memref_slice %arg7[%run_scoped3A_216, %dma_start3A_262] : memref<8x128xi32, #tpu.memory_space<vmem>> -> memref<1x128xi32, #tpu.memory_space<vmem>>
        %dma_start3A_264 = tpu.memref_squeeze %dma_start3A_263 : memref<1x128xi32, #tpu.memory_space<vmem>> -> memref<128xi32, #tpu.memory_space<vmem>>
        %dma_start3A_265 = arith.constant 0 : i32
        %dma_start3A_266 = arith.constant 0 : i32
        %dma_start3A_267 = tpu.memref_slice %arg9[%dma_start3A_265, %dma_start3A_266] : memref<10240x128xf32, #tpu.memory_space<vmem_shared>> -> memref<10240x128xf32, #tpu.memory_space<vmem_shared>>
        tpu.enqueue_indirect_dma source(%dma_start3A_261 : memref<128x128xf32, #tpu.memory_space<vmem>>) target(%dma_start3A_267 : memref<10240x128xf32, #tpu.memory_space<vmem_shared>>) offsets(%dma_start3A_264 : memref<128xi32, #tpu.memory_space<vmem>>) semaphore(%run_scoped3A_257 : memref<!tpu.dma_semaphore, #tpu.memory_space<semaphore_mem>>) {add = true}
        %dma_wait3A_268 = arith.constant 0 : i32
        %dma_wait3A_269 = arith.constant 0 : i32
        %dma_wait3A_270 = tpu.memref_slice %arg8[%run_scoped3A_215, %dma_wait3A_268, %dma_wait3A_269] : memref<2x128x128xf32, #tpu.memory_space<vmem>> -> memref<1x128x128xf32, #tpu.memory_space<vmem>>
        %dma_wait3A_271 = tpu.memref_squeeze %dma_wait3A_270 : memref<1x128x128xf32, #tpu.memory_space<vmem>> -> memref<128x128xf32, #tpu.memory_space<vmem>>
        %dma_wait3A_272 = arith.constant 0 : i32
        %dma_wait3A_273 = tpu.memref_slice %arg7[%run_scoped3A_216, %dma_wait3A_272] : memref<8x128xi32, #tpu.memory_space<vmem>> -> memref<1x128xi32, #tpu.memory_space<vmem>>
        %dma_wait3A_274 = tpu.memref_squeeze %dma_wait3A_273 : memref<1x128xi32, #tpu.memory_space<vmem>> -> memref<128xi32, #tpu.memory_space<vmem>>
        %dma_wait3A_275 = arith.constant 0 : i32
        %dma_wait3A_276 = arith.constant 0 : i32
        %dma_wait3A_277 = tpu.memref_slice %arg9[%dma_wait3A_275, %dma_wait3A_276] : memref<10240x128xf32, #tpu.memory_space<vmem_shared>> -> memref<10240x128xf32, #tpu.memory_space<vmem_shared>>
        tpu.wait_indirect_dma semaphore(%run_scoped3A_257 : memref<!tpu.dma_semaphore, #tpu.memory_space<semaphore_mem>>) src(%dma_wait3A_271 : memref<128x128xf32, #tpu.memory_space<vmem>>) dst(%dma_wait3A_277 : memref<10240x128xf32, #tpu.memory_space<vmem_shared>>)
        tpu.yield
      }) : () -> ()
      %dma_start3A_217 = arith.constant 7 : i32
      %dma_start3A_218 = arith.constant 1 : i32
      %dma_start3A_219 = arith.constant 0 : i32
      %dma_start3A_220 = arith.constant 0 : i32
      %dma_start3A_221 = tpu.memref_slice %arg8[%dma_start3A_218, %dma_start3A_219, %dma_start3A_220] : memref<2x128x128xf32, #tpu.memory_space<vmem>> -> memref<1x128x128xf32, #tpu.memory_space<vmem>>
      %dma_start3A_222 = tpu.memref_squeeze %dma_start3A_221 : memref<1x128x128xf32, #tpu.memory_space<vmem>> -> memref<128x128xf32, #tpu.memory_space<vmem>>
      %dma_start3A_223 = arith.constant 0 : i32
      %dma_start3A_224 = tpu.memref_slice %arg6[%dma_start3A_217, %dma_start3A_223] : memref<8x128xi32, #tpu.memory_space<vmem>> -> memref<1x128xi32, #tpu.memory_space<vmem>>
      %dma_start3A_225 = tpu.memref_squeeze %dma_start3A_224 : memref<1x128xi32, #tpu.memory_space<vmem>> -> memref<128xi32, #tpu.memory_space<vmem>>
      %dma_start3A_226 = arith.constant 0 : i32
      %dma_start3A_227 = arith.constant 0 : i32
      %dma_start3A_228 = tpu.memref_slice %arg2[%dma_start3A_226, %dma_start3A_227] : memref<10000x128xf32, #tpu.memory_space<hbm>> -> memref<10000x128xf32, #tpu.memory_space<hbm>>
      tpu.enqueue_indirect_dma source(%dma_start3A_228 : memref<10000x128xf32, #tpu.memory_space<hbm>>) target(%dma_start3A_222 : memref<128x128xf32, #tpu.memory_space<vmem>>) offsets(%dma_start3A_225 : memref<128xi32, #tpu.memory_space<vmem>>) semaphore(%arg11 : memref<!tpu.dma_semaphore, #tpu.memory_space<semaphore_mem>>)
      %dma_wait3A_229 = arith.constant 6 : i32
      %dma_wait3A_230 = arith.constant 0 : i32
      %dma_wait3A_231 = arith.constant 0 : i32
      %dma_wait3A_232 = arith.constant 0 : i32
      %dma_wait3A_233 = tpu.memref_slice %arg8[%dma_wait3A_230, %dma_wait3A_231, %dma_wait3A_232] : memref<2x128x128xf32, #tpu.memory_space<vmem>> -> memref<1x128x128xf32, #tpu.memory_space<vmem>>
      %dma_wait3A_234 = tpu.memref_squeeze %dma_wait3A_233 : memref<1x128x128xf32, #tpu.memory_space<vmem>> -> memref<128x128xf32, #tpu.memory_space<vmem>>
      %dma_wait3A_235 = arith.constant 0 : i32
      %dma_wait3A_236 = tpu.memref_slice %arg6[%dma_wait3A_229, %dma_wait3A_235] : memref<8x128xi32, #tpu.memory_space<vmem>> -> memref<1x128xi32, #tpu.memory_space<vmem>>
      %dma_wait3A_237 = tpu.memref_squeeze %dma_wait3A_236 : memref<1x128xi32, #tpu.memory_space<vmem>> -> memref<128xi32, #tpu.memory_space<vmem>>
      %dma_wait3A_238 = arith.constant 0 : i32
      %dma_wait3A_239 = arith.constant 0 : i32
      %dma_wait3A_240 = tpu.memref_slice %arg2[%dma_wait3A_238, %dma_wait3A_239] : memref<10000x128xf32, #tpu.memory_space<hbm>> -> memref<10000x128xf32, #tpu.memory_space<hbm>>
      tpu.wait_indirect_dma semaphore(%arg10 : memref<!tpu.dma_semaphore, #tpu.memory_space<semaphore_mem>>) src(%dma_wait3A_240 : memref<10000x128xf32, #tpu.memory_space<hbm>>) dst(%dma_wait3A_234 : memref<128x128xf32, #tpu.memory_space<vmem>>)
      %run_scoped3A_241 = arith.constant 0 : i32
      %run_scoped3A_242 = arith.constant 6 : i32
      "tpu.region"() ({
        %run_scoped3A_257 = tpu.sem_alloc : memref<!tpu.dma_semaphore, #tpu.memory_space<semaphore_mem>>
        %dma_start3A_258 = arith.constant 0 : i32
        %dma_start3A_259 = arith.constant 0 : i32
        %dma_start3A_260 = tpu.memref_slice %arg8[%run_scoped3A_241, %dma_start3A_258, %dma_start3A_259] : memref<2x128x128xf32, #tpu.memory_space<vmem>> -> memref<1x128x128xf32, #tpu.memory_space<vmem>>
        %dma_start3A_261 = tpu.memref_squeeze %dma_start3A_260 : memref<1x128x128xf32, #tpu.memory_space<vmem>> -> memref<128x128xf32, #tpu.memory_space<vmem>>
        %dma_start3A_262 = arith.constant 0 : i32
        %dma_start3A_263 = tpu.memref_slice %arg7[%run_scoped3A_242, %dma_start3A_262] : memref<8x128xi32, #tpu.memory_space<vmem>> -> memref<1x128xi32, #tpu.memory_space<vmem>>
        %dma_start3A_264 = tpu.memref_squeeze %dma_start3A_263 : memref<1x128xi32, #tpu.memory_space<vmem>> -> memref<128xi32, #tpu.memory_space<vmem>>
        %dma_start3A_265 = arith.constant 0 : i32
        %dma_start3A_266 = arith.constant 0 : i32
        %dma_start3A_267 = tpu.memref_slice %arg9[%dma_start3A_265, %dma_start3A_266] : memref<10240x128xf32, #tpu.memory_space<vmem_shared>> -> memref<10240x128xf32, #tpu.memory_space<vmem_shared>>
        tpu.enqueue_indirect_dma source(%dma_start3A_261 : memref<128x128xf32, #tpu.memory_space<vmem>>) target(%dma_start3A_267 : memref<10240x128xf32, #tpu.memory_space<vmem_shared>>) offsets(%dma_start3A_264 : memref<128xi32, #tpu.memory_space<vmem>>) semaphore(%run_scoped3A_257 : memref<!tpu.dma_semaphore, #tpu.memory_space<semaphore_mem>>) {add = true}
        %dma_wait3A_268 = arith.constant 0 : i32
        %dma_wait3A_269 = arith.constant 0 : i32
        %dma_wait3A_270 = tpu.memref_slice %arg8[%run_scoped3A_241, %dma_wait3A_268, %dma_wait3A_269] : memref<2x128x128xf32, #tpu.memory_space<vmem>> -> memref<1x128x128xf32, #tpu.memory_space<vmem>>
        %dma_wait3A_271 = tpu.memref_squeeze %dma_wait3A_270 : memref<1x128x128xf32, #tpu.memory_space<vmem>> -> memref<128x128xf32, #tpu.memory_space<vmem>>
        %dma_wait3A_272 = arith.constant 0 : i32
        %dma_wait3A_273 = tpu.memref_slice %arg7[%run_scoped3A_242, %dma_wait3A_272] : memref<8x128xi32, #tpu.memory_space<vmem>> -> memref<1x128xi32, #tpu.memory_space<vmem>>
        %dma_wait3A_274 = tpu.memref_squeeze %dma_wait3A_273 : memref<1x128xi32, #tpu.memory_space<vmem>> -> memref<128xi32, #tpu.memory_space<vmem>>
        %dma_wait3A_275 = arith.constant 0 : i32
        %dma_wait3A_276 = arith.constant 0 : i32
        %dma_wait3A_277 = tpu.memref_slice %arg9[%dma_wait3A_275, %dma_wait3A_276] : memref<10240x128xf32, #tpu.memory_space<vmem_shared>> -> memref<10240x128xf32, #tpu.memory_space<vmem_shared>>
        tpu.wait_indirect_dma semaphore(%run_scoped3A_257 : memref<!tpu.dma_semaphore, #tpu.memory_space<semaphore_mem>>) src(%dma_wait3A_271 : memref<128x128xf32, #tpu.memory_space<vmem>>) dst(%dma_wait3A_277 : memref<10240x128xf32, #tpu.memory_space<vmem_shared>>)
        tpu.yield
      }) : () -> ()
      %dma_wait3A_243 = arith.constant 7 : i32
      %dma_wait3A_244 = arith.constant 1 : i32
      %dma_wait3A_245 = arith.constant 0 : i32
      %dma_wait3A_246 = arith.constant 0 : i32
      %dma_wait3A_247 = tpu.memref_slice %arg8[%dma_wait3A_244, %dma_wait3A_245, %dma_wait3A_246] : memref<2x128x128xf32, #tpu.memory_space<vmem>> -> memref<1x128x128xf32, #tpu.memory_space<vmem>>
      %dma_wait3A_248 = tpu.memref_squeeze %dma_wait3A_247 : memref<1x128x128xf32, #tpu.memory_space<vmem>> -> memref<128x128xf32, #tpu.memory_space<vmem>>
      %dma_wait3A_249 = arith.constant 0 : i32
      %dma_wait3A_250 = tpu.memref_slice %arg6[%dma_wait3A_243, %dma_wait3A_249] : memref<8x128xi32, #tpu.memory_space<vmem>> -> memref<1x128xi32, #tpu.memory_space<vmem>>
      %dma_wait3A_251 = tpu.memref_squeeze %dma_wait3A_250 : memref<1x128xi32, #tpu.memory_space<vmem>> -> memref<128xi32, #tpu.memory_space<vmem>>
      %dma_wait3A_252 = arith.constant 0 : i32
      %dma_wait3A_253 = arith.constant 0 : i32
      %dma_wait3A_254 = tpu.memref_slice %arg2[%dma_wait3A_252, %dma_wait3A_253] : memref<10000x128xf32, #tpu.memory_space<hbm>> -> memref<10000x128xf32, #tpu.memory_space<hbm>>
      tpu.wait_indirect_dma semaphore(%arg11 : memref<!tpu.dma_semaphore, #tpu.memory_space<semaphore_mem>>) src(%dma_wait3A_254 : memref<10000x128xf32, #tpu.memory_space<hbm>>) dst(%dma_wait3A_248 : memref<128x128xf32, #tpu.memory_space<vmem>>)
      %run_scoped3A_255 = arith.constant 1 : i32
      %run_scoped3A_256 = arith.constant 7 : i32
      "tpu.region"() ({
        %run_scoped3A_257 = tpu.sem_alloc : memref<!tpu.dma_semaphore, #tpu.memory_space<semaphore_mem>>
        %dma_start3A_258 = arith.constant 0 : i32
        %dma_start3A_259 = arith.constant 0 : i32
        %dma_start3A_260 = tpu.memref_slice %arg8[%run_scoped3A_255, %dma_start3A_258, %dma_start3A_259] : memref<2x128x128xf32, #tpu.memory_space<vmem>> -> memref<1x128x128xf32, #tpu.memory_space<vmem>>
        %dma_start3A_261 = tpu.memref_squeeze %dma_start3A_260 : memref<1x128x128xf32, #tpu.memory_space<vmem>> -> memref<128x128xf32, #tpu.memory_space<vmem>>
        %dma_start3A_262 = arith.constant 0 : i32
        %dma_start3A_263 = tpu.memref_slice %arg7[%run_scoped3A_256, %dma_start3A_262] : memref<8x128xi32, #tpu.memory_space<vmem>> -> memref<1x128xi32, #tpu.memory_space<vmem>>
        %dma_start3A_264 = tpu.memref_squeeze %dma_start3A_263 : memref<1x128xi32, #tpu.memory_space<vmem>> -> memref<128xi32, #tpu.memory_space<vmem>>
        %dma_start3A_265 = arith.constant 0 : i32
        %dma_start3A_266 = arith.constant 0 : i32
        %dma_start3A_267 = tpu.memref_slice %arg9[%dma_start3A_265, %dma_start3A_266] : memref<10240x128xf32, #tpu.memory_space<vmem_shared>> -> memref<10240x128xf32, #tpu.memory_space<vmem_shared>>
        tpu.enqueue_indirect_dma source(%dma_start3A_261 : memref<128x128xf32, #tpu.memory_space<vmem>>) target(%dma_start3A_267 : memref<10240x128xf32, #tpu.memory_space<vmem_shared>>) offsets(%dma_start3A_264 : memref<128xi32, #tpu.memory_space<vmem>>) semaphore(%run_scoped3A_257 : memref<!tpu.dma_semaphore, #tpu.memory_space<semaphore_mem>>) {add = true}
        %dma_wait3A_268 = arith.constant 0 : i32
        %dma_wait3A_269 = arith.constant 0 : i32
        %dma_wait3A_270 = tpu.memref_slice %arg8[%run_scoped3A_255, %dma_wait3A_268, %dma_wait3A_269] : memref<2x128x128xf32, #tpu.memory_space<vmem>> -> memref<1x128x128xf32, #tpu.memory_space<vmem>>
        %dma_wait3A_271 = tpu.memref_squeeze %dma_wait3A_270 : memref<1x128x128xf32, #tpu.memory_space<vmem>> -> memref<128x128xf32, #tpu.memory_space<vmem>>
        %dma_wait3A_272 = arith.constant 0 : i32
        %dma_wait3A_273 = tpu.memref_slice %arg7[%run_scoped3A_256, %dma_wait3A_272] : memref<8x128xi32, #tpu.memory_space<vmem>> -> memref<1x128xi32, #tpu.memory_space<vmem>>
        %dma_wait3A_274 = tpu.memref_squeeze %dma_wait3A_273 : memref<1x128xi32, #tpu.memory_space<vmem>> -> memref<128xi32, #tpu.memory_space<vmem>>
        %dma_wait3A_275 = arith.constant 0 : i32
        %dma_wait3A_276 = arith.constant 0 : i32
        %dma_wait3A_277 = tpu.memref_slice %arg9[%dma_wait3A_275, %dma_wait3A_276] : memref<10240x128xf32, #tpu.memory_space<vmem_shared>> -> memref<10240x128xf32, #tpu.memory_space<vmem_shared>>
        tpu.wait_indirect_dma semaphore(%run_scoped3A_257 : memref<!tpu.dma_semaphore, #tpu.memory_space<semaphore_mem>>) src(%dma_wait3A_271 : memref<128x128xf32, #tpu.memory_space<vmem>>) dst(%dma_wait3A_277 : memref<10240x128xf32, #tpu.memory_space<vmem_shared>>)
        tpu.yield
      }) : () -> ()
    }
    %barrier3A_43 = arith.constant 0 : index
    tpu.barrier barrier_id(%barrier3A_43)
    %eq3A_44 = arith.constant 0 : i32
    %eq3A_45 = arith.cmpi eq, %arg0, %eq3A_44 : i32
    %convert_element_type3A = arith.extui %eq3A_45 : i1 to i32
    %cond3A = arith.constant 0 : i32
    %cond3A_46 = arith.cmpi ne, %convert_element_type3A, %cond3A : i32
    scf.if %cond3A_46 {
      %mul3A_47 = arith.constant 640 : i32
      %mul3A_48 = arith.muli %arg1, %mul3A_47 : i32
      %mul3A_49 = arith.constant 640 : i32
      %mul3A_50 = arith.muli %arg1, %mul3A_49 : i32
      "tpu.region"() ({
        %run_scoped3A_51 = tpu.sem_alloc : memref<!tpu.dma_semaphore, #tpu.memory_space<semaphore_mem>>
        %dma_start3A = arith.constant 0 : i32
        %dma_start3A_52 = tpu.memref_slice %arg5[%mul3A_50, %dma_start3A] : memref<10240x128xf32, #tpu.memory_space<hbm>> -> memref<640x128xf32, #tpu.memory_space<hbm>>
        %dma_start3A_53 = arith.constant 0 : i32
        %dma_start3A_54 = tpu.memref_slice %arg9[%mul3A_48, %dma_start3A_53] : memref<10240x128xf32, #tpu.memory_space<vmem_shared>> -> memref<640x128xf32, #tpu.memory_space<vmem_shared>>
        tpu.enqueue_dma source(%dma_start3A_54 : memref<640x128xf32, #tpu.memory_space<vmem_shared>>) target(%dma_start3A_52 : memref<640x128xf32, #tpu.memory_space<hbm>>) target_semaphore(%run_scoped3A_51 : memref<!tpu.dma_semaphore, #tpu.memory_space<semaphore_mem>>)
        %dma_wait3A = arith.constant 0 : i32
        %dma_wait3A_55 = tpu.memref_slice %arg5[%mul3A_50, %dma_wait3A] : memref<10240x128xf32, #tpu.memory_space<hbm>> -> memref<640x128xf32, #tpu.memory_space<hbm>>
        %dma_wait3A_56 = arith.constant 0 : i32
        %dma_wait3A_57 = tpu.memref_slice %arg9[%mul3A_48, %dma_wait3A_56] : memref<10240x128xf32, #tpu.memory_space<vmem_shared>> -> memref<640x128xf32, #tpu.memory_space<vmem_shared>>
        tpu.wait_dma2 semaphore(%run_scoped3A_51 : memref<!tpu.dma_semaphore, #tpu.memory_space<semaphore_mem>>) src(%dma_wait3A_57 : memref<640x128xf32, #tpu.memory_space<vmem_shared>>) dst(%dma_wait3A_55 : memref<640x128xf32, #tpu.memory_space<hbm>>)
        tpu.yield
      }) : () -> ()
    } else {
    }
    return
  }
}

#map = affine_map<(d0, d1) -> (0, 0)>
#map1 = affine_map<(d0, d1) -> (0)>
module attributes {stable_mosaic.version = 14 : i64} {
  func.func @body(%arg0: i32, %arg1: i32, %arg2: memref<10000x128xf32, #tpu.memory_space<hbm>>, %arg3: memref<2560x128xi32, #tpu.memory_space<hbm>>, %arg4: memref<2560x128xi32, #tpu.memory_space<hbm>>, %arg5: memref<10240x128xf32, #tpu.memory_space<hbm>>, %arg6: memref<10240xf32, #tpu.memory_space<hbm>>, %arg7: memref<8x128xi32, #tpu.memory_space<vmem>>, %arg8: memref<8x128xi32, #tpu.memory_space<vmem>>, %arg9: memref<2x128x128xf32, #tpu.memory_space<vmem>>, %arg10: memref<10240x128xf32, #tpu.memory_space<vmem_shared>>, %arg11: memref<!tpu.dma_semaphore, #tpu.memory_space<semaphore_mem>>, %arg12: memref<!tpu.dma_semaphore, #tpu.memory_space<semaphore_mem>>, %arg13: memref<128xf32, #tpu.memory_space<vmem>>, %arg14: memref<10240xf32, #tpu.memory_space<vmem_shared>>) attributes {dimension_semantics = [#tpu.dimension_semantics<core_parallel>, #tpu.dimension_semantics<subcore_parallel>], iteration_bounds = array<i64: 2, 16>, scalar_prefetch = 0 : i64, scratch_operands = 8 : i64, tpu.core_type = #tpu.core_type<sc_vector_subcore>, window_params = [{transform_indices = #map}, {transform_indices = #map}, {transform_indices = #map}, {transform_indices = #map}, {transform_indices = #map1}]} {
    %eq3A = arith.constant 0 : i32
    %eq3A_0 = arith.cmpi eq, %arg0, %eq3A : i32
    %jit3A = arith.constant 20 : i32
    %jit3A_1 = arith.constant 0 : i32
    %select_n3A = arith.select %eq3A_0, %jit3A, %jit3A_1 : i32
    %mul3A = arith.muli %arg1, %select_n3A : i32
    %mul3A_2 = arith.constant 320 : i32
    %mul3A_3 = arith.muli %arg0, %mul3A_2 : i32
    %add3A = arith.addi %mul3A, %mul3A_3 : i32
    %broadcast_in_dim3A = arith.constant 0.000000e+00 : f32
    %broadcast_in_dim3A_4 = vector.broadcast %broadcast_in_dim3A : f32 to vector<16xf32>
    %scan3A = arith.constant 0 : i32
    %scan3A_5 = arith.constant 0 : i32
    %scan3A_6 = arith.constant 128 : i32
    %scan3A_7 = arith.addi %scan3A_5, %scan3A_6 : i32
    %scan3A_8 = arith.constant 1 : i32
    scf.for %scan3A_81 = %scan3A_5 to %scan3A_7 step %scan3A_8  : i32 {
      %swap3A = arith.constant 0 : i32
      %swap3A_82 = arith.index_cast %swap3A : i32 to index
      %swap3A_83 = arith.index_cast %scan3A_81 : i32 to index
      %swap3A_84 = arith.constant 0 : index
      %swap3A_85 = tpu.vector_load %arg9[%swap3A_82, %swap3A_83, %swap3A_84] {strides = array<i32>} : memref<2x128x128xf32, #tpu.memory_space<vmem>>, vector<1x1x16xf32>,
      %swap3A_86 = vector.shape_cast %swap3A_85 : vector<1x1x16xf32> to vector<16xf32>
      %swap3A_87 = vector.shape_cast %broadcast_in_dim3A_4 : vector<16xf32> to vector<1x1x16xf32>
      tpu.vector_store %arg9[%swap3A_82, %swap3A_83, %swap3A_84], %swap3A_87 {strides = array<i32>} : memref<2x128x128xf32, #tpu.memory_space<vmem>>, vector<1x1x16xf32>,
      %swap3A_88 = arith.constant 0 : i32
      %swap3A_89 = arith.index_cast %swap3A_88 : i32 to index
      %swap3A_90 = arith.index_cast %scan3A_81 : i32 to index
      %swap3A_91 = arith.constant 16 : index
      %swap3A_92 = tpu.vector_load %arg9[%swap3A_89, %swap3A_90, %swap3A_91] {strides = array<i32>} : memref<2x128x128xf32, #tpu.memory_space<vmem>>, vector<1x1x16xf32>,
      %swap3A_93 = vector.shape_cast %swap3A_92 : vector<1x1x16xf32> to vector<16xf32>
      %swap3A_94 = vector.shape_cast %broadcast_in_dim3A_4 : vector<16xf32> to vector<1x1x16xf32>
      tpu.vector_store %arg9[%swap3A_89, %swap3A_90, %swap3A_91], %swap3A_94 {strides = array<i32>} : memref<2x128x128xf32, #tpu.memory_space<vmem>>, vector<1x1x16xf32>,
      %swap3A_95 = arith.constant 0 : i32
      %swap3A_96 = arith.index_cast %swap3A_95 : i32 to index
      %swap3A_97 = arith.index_cast %scan3A_81 : i32 to index
      %swap3A_98 = arith.constant 32 : index
      %swap3A_99 = tpu.vector_load %arg9[%swap3A_96, %swap3A_97, %swap3A_98] {strides = array<i32>} : memref<2x128x128xf32, #tpu.memory_space<vmem>>, vector<1x1x16xf32>,
      %swap3A_100 = vector.shape_cast %swap3A_99 : vector<1x1x16xf32> to vector<16xf32>
      %swap3A_101 = vector.shape_cast %broadcast_in_dim3A_4 : vector<16xf32> to vector<1x1x16xf32>
      tpu.vector_store %arg9[%swap3A_96, %swap3A_97, %swap3A_98], %swap3A_101 {strides = array<i32>} : memref<2x128x128xf32, #tpu.memory_space<vmem>>, vector<1x1x16xf32>,
      %swap3A_102 = arith.constant 0 : i32
      %swap3A_103 = arith.index_cast %swap3A_102 : i32 to index
      %swap3A_104 = arith.index_cast %scan3A_81 : i32 to index
      %swap3A_105 = arith.constant 48 : index
      %swap3A_106 = tpu.vector_load %arg9[%swap3A_103, %swap3A_104, %swap3A_105] {strides = array<i32>} : memref<2x128x128xf32, #tpu.memory_space<vmem>>, vector<1x1x16xf32>,
      %swap3A_107 = vector.shape_cast %swap3A_106 : vector<1x1x16xf32> to vector<16xf32>
      %swap3A_108 = vector.shape_cast %broadcast_in_dim3A_4 : vector<16xf32> to vector<1x1x16xf32>
      tpu.vector_store %arg9[%swap3A_103, %swap3A_104, %swap3A_105], %swap3A_108 {strides = array<i32>} : memref<2x128x128xf32, #tpu.memory_space<vmem>>, vector<1x1x16xf32>,
      %swap3A_109 = arith.constant 0 : i32
      %swap3A_110 = arith.index_cast %swap3A_109 : i32 to index
      %swap3A_111 = arith.index_cast %scan3A_81 : i32 to index
      %swap3A_112 = arith.constant 64 : index
      %swap3A_113 = tpu.vector_load %arg9[%swap3A_110, %swap3A_111, %swap3A_112] {strides = array<i32>} : memref<2x128x128xf32, #tpu.memory_space<vmem>>, vector<1x1x16xf32>,
      %swap3A_114 = vector.shape_cast %swap3A_113 : vector<1x1x16xf32> to vector<16xf32>
      %swap3A_115 = vector.shape_cast %broadcast_in_dim3A_4 : vector<16xf32> to vector<1x1x16xf32>
      tpu.vector_store %arg9[%swap3A_110, %swap3A_111, %swap3A_112], %swap3A_115 {strides = array<i32>} : memref<2x128x128xf32, #tpu.memory_space<vmem>>, vector<1x1x16xf32>,
      %swap3A_116 = arith.constant 0 : i32
      %swap3A_117 = arith.index_cast %swap3A_116 : i32 to index
      %swap3A_118 = arith.index_cast %scan3A_81 : i32 to index
      %swap3A_119 = arith.constant 80 : index
      %swap3A_120 = tpu.vector_load %arg9[%swap3A_117, %swap3A_118, %swap3A_119] {strides = array<i32>} : memref<2x128x128xf32, #tpu.memory_space<vmem>>, vector<1x1x16xf32>,
      %swap3A_121 = vector.shape_cast %swap3A_120 : vector<1x1x16xf32> to vector<16xf32>
      %swap3A_122 = vector.shape_cast %broadcast_in_dim3A_4 : vector<16xf32> to vector<1x1x16xf32>
      tpu.vector_store %arg9[%swap3A_117, %swap3A_118, %swap3A_119], %swap3A_122 {strides = array<i32>} : memref<2x128x128xf32, #tpu.memory_space<vmem>>, vector<1x1x16xf32>,
      %swap3A_123 = arith.constant 0 : i32
      %swap3A_124 = arith.index_cast %swap3A_123 : i32 to index
      %swap3A_125 = arith.index_cast %scan3A_81 : i32 to index
      %swap3A_126 = arith.constant 96 : index
      %swap3A_127 = tpu.vector_load %arg9[%swap3A_124, %swap3A_125, %swap3A_126] {strides = array<i32>} : memref<2x128x128xf32, #tpu.memory_space<vmem>>, vector<1x1x16xf32>,
      %swap3A_128 = vector.shape_cast %swap3A_127 : vector<1x1x16xf32> to vector<16xf32>
      %swap3A_129 = vector.shape_cast %broadcast_in_dim3A_4 : vector<16xf32> to vector<1x1x16xf32>
      tpu.vector_store %arg9[%swap3A_124, %swap3A_125, %swap3A_126], %swap3A_129 {strides = array<i32>} : memref<2x128x128xf32, #tpu.memory_space<vmem>>, vector<1x1x16xf32>,
      %swap3A_130 = arith.constant 0 : i32
      %swap3A_131 = arith.index_cast %swap3A_130 : i32 to index
      %swap3A_132 = arith.index_cast %scan3A_81 : i32 to index
      %swap3A_133 = arith.constant 112 : index
      %swap3A_134 = tpu.vector_load %arg9[%swap3A_131, %swap3A_132, %swap3A_133] {strides = array<i32>} : memref<2x128x128xf32, #tpu.memory_space<vmem>>, vector<1x1x16xf32>,
      %swap3A_135 = vector.shape_cast %swap3A_134 : vector<1x1x16xf32> to vector<16xf32>
      %swap3A_136 = vector.shape_cast %broadcast_in_dim3A_4 : vector<16xf32> to vector<1x1x16xf32>
      tpu.vector_store %arg9[%swap3A_131, %swap3A_132, %swap3A_133], %swap3A_136 {strides = array<i32>} : memref<2x128x128xf32, #tpu.memory_space<vmem>>, vector<1x1x16xf32>,
    }
    %scan3A_9 = arith.constant 128 : i32
    %mul3A_10 = arith.constant 640 : i32
    %mul3A_11 = arith.muli %arg1, %mul3A_10 : i32
    %add3A_12 = arith.constant 0 : i32
    %add3A_13 = arith.addi %mul3A_11, %add3A_12 : i32
    %run_scoped3A = arith.constant 0 : i32
    "tpu.region"() ({
      %run_scoped3A_81 = tpu.sem_alloc : memref<!tpu.dma_semaphore, #tpu.memory_space<semaphore_mem>>
      %dma_start3A = arith.constant 0 : i32
      %dma_start3A_82 = arith.constant 0 : i32
      %dma_start3A_83 = tpu.memref_slice %arg9[%run_scoped3A, %dma_start3A, %dma_start3A_82] : memref<2x128x128xf32, #tpu.memory_space<vmem>> -> memref<1x128x128xf32, #tpu.memory_space<vmem>>
      %dma_start3A_84 = tpu.memref_squeeze %dma_start3A_83 : memref<1x128x128xf32, #tpu.memory_space<vmem>> -> memref<128x128xf32, #tpu.memory_space<vmem>>
      %dma_start3A_85 = arith.constant 0 : i32
      %dma_start3A_86 = tpu.memref_slice %arg10[%add3A_13, %dma_start3A_85] : memref<10240x128xf32, #tpu.memory_space<vmem_shared>> -> memref<128x128xf32, #tpu.memory_space<vmem_shared>>
      %dma_start3A_87 = arith.constant 0 : i32
      %dma_start3A_88 = tpu.memref_slice %arg10[%add3A_13, %dma_start3A_87] : memref<10240x128xf32, #tpu.memory_space<vmem_shared>> -> memref<128x128xf32, #tpu.memory_space<vmem_shared>>
      %dma_start3A_89 = arith.constant 0 : i32
      %dma_start3A_90 = arith.constant 0 : i32
      %dma_start3A_91 = tpu.memref_slice %arg9[%run_scoped3A, %dma_start3A_89, %dma_start3A_90] : memref<2x128x128xf32, #tpu.memory_space<vmem>> -> memref<1x128x128xf32, #tpu.memory_space<vmem>>
      %dma_start3A_92 = tpu.memref_squeeze %dma_start3A_91 : memref<1x128x128xf32, #tpu.memory_space<vmem>> -> memref<128x128xf32, #tpu.memory_space<vmem>>
      tpu.enqueue_dma source(%dma_start3A_92 : memref<128x128xf32, #tpu.memory_space<vmem>>) target(%dma_start3A_88 : memref<128x128xf32, #tpu.memory_space<vmem_shared>>) target_semaphore(%run_scoped3A_81 : memref<!tpu.dma_semaphore, #tpu.memory_space<semaphore_mem>>)
      %dma_wait3A = arith.constant 0 : i32
      %dma_wait3A_93 = arith.constant 0 : i32
      %dma_wait3A_94 = tpu.memref_slice %arg9[%run_scoped3A, %dma_wait3A, %dma_wait3A_93] : memref<2x128x128xf32, #tpu.memory_space<vmem>> -> memref<1x128x128xf32, #tpu.memory_space<vmem>>
      %dma_wait3A_95 = tpu.memref_squeeze %dma_wait3A_94 : memref<1x128x128xf32, #tpu.memory_space<vmem>> -> memref<128x128xf32, #tpu.memory_space<vmem>>
      %dma_wait3A_96 = arith.constant 0 : i32
      %dma_wait3A_97 = tpu.memref_slice %arg10[%add3A_13, %dma_wait3A_96] : memref<10240x128xf32, #tpu.memory_space<vmem_shared>> -> memref<128x128xf32, #tpu.memory_space<vmem_shared>>
      %dma_wait3A_98 = arith.constant 0 : i32
      %dma_wait3A_99 = tpu.memref_slice %arg10[%add3A_13, %dma_wait3A_98] : memref<10240x128xf32, #tpu.memory_space<vmem_shared>> -> memref<128x128xf32, #tpu.memory_space<vmem_shared>>
      %dma_wait3A_100 = arith.constant 0 : i32
      %dma_wait3A_101 = arith.constant 0 : i32
      %dma_wait3A_102 = tpu.memref_slice %arg9[%run_scoped3A, %dma_wait3A_100, %dma_wait3A_101] : memref<2x128x128xf32, #tpu.memory_space<vmem>> -> memref<1x128x128xf32, #tpu.memory_space<vmem>>
      %dma_wait3A_103 = tpu.memref_squeeze %dma_wait3A_102 : memref<1x128x128xf32, #tpu.memory_space<vmem>> -> memref<128x128xf32, #tpu.memory_space<vmem>>
      tpu.wait_dma2 semaphore(%run_scoped3A_81 : memref<!tpu.dma_semaphore, #tpu.memory_space<semaphore_mem>>) src(%dma_wait3A_103 : memref<128x128xf32, #tpu.memory_space<vmem>>) dst(%dma_wait3A_99 : memref<128x128xf32, #tpu.memory_space<vmem_shared>>)
      tpu.yield
    }) : () -> ()
    %mul3A_14 = arith.constant 640 : i32
    %mul3A_15 = arith.muli %arg1, %mul3A_14 : i32
    %add3A_16 = arith.constant 128 : i32
    %add3A_17 = arith.addi %mul3A_15, %add3A_16 : i32
    %run_scoped3A_18 = arith.constant 0 : i32
    "tpu.region"() ({
      %run_scoped3A_81 = tpu.sem_alloc : memref<!tpu.dma_semaphore, #tpu.memory_space<semaphore_mem>>
      %dma_start3A = arith.constant 0 : i32
      %dma_start3A_82 = arith.constant 0 : i32
      %dma_start3A_83 = tpu.memref_slice %arg9[%run_scoped3A_18, %dma_start3A, %dma_start3A_82] : memref<2x128x128xf32, #tpu.memory_space<vmem>> -> memref<1x128x128xf32, #tpu.memory_space<vmem>>
      %dma_start3A_84 = tpu.memref_squeeze %dma_start3A_83 : memref<1x128x128xf32, #tpu.memory_space<vmem>> -> memref<128x128xf32, #tpu.memory_space<vmem>>
      %dma_start3A_85 = arith.constant 0 : i32
      %dma_start3A_86 = tpu.memref_slice %arg10[%add3A_17, %dma_start3A_85] : memref<10240x128xf32, #tpu.memory_space<vmem_shared>> -> memref<128x128xf32, #tpu.memory_space<vmem_shared>>
      %dma_start3A_87 = arith.constant 0 : i32
      %dma_start3A_88 = tpu.memref_slice %arg10[%add3A_17, %dma_start3A_87] : memref<10240x128xf32, #tpu.memory_space<vmem_shared>> -> memref<128x128xf32, #tpu.memory_space<vmem_shared>>
      %dma_start3A_89 = arith.constant 0 : i32
      %dma_start3A_90 = arith.constant 0 : i32
      %dma_start3A_91 = tpu.memref_slice %arg9[%run_scoped3A_18, %dma_start3A_89, %dma_start3A_90] : memref<2x128x128xf32, #tpu.memory_space<vmem>> -> memref<1x128x128xf32, #tpu.memory_space<vmem>>
      %dma_start3A_92 = tpu.memref_squeeze %dma_start3A_91 : memref<1x128x128xf32, #tpu.memory_space<vmem>> -> memref<128x128xf32, #tpu.memory_space<vmem>>
      tpu.enqueue_dma source(%dma_start3A_92 : memref<128x128xf32, #tpu.memory_space<vmem>>) target(%dma_start3A_88 : memref<128x128xf32, #tpu.memory_space<vmem_shared>>) target_semaphore(%run_scoped3A_81 : memref<!tpu.dma_semaphore, #tpu.memory_space<semaphore_mem>>)
      %dma_wait3A = arith.constant 0 : i32
      %dma_wait3A_93 = arith.constant 0 : i32
      %dma_wait3A_94 = tpu.memref_slice %arg9[%run_scoped3A_18, %dma_wait3A, %dma_wait3A_93] : memref<2x128x128xf32, #tpu.memory_space<vmem>> -> memref<1x128x128xf32, #tpu.memory_space<vmem>>
      %dma_wait3A_95 = tpu.memref_squeeze %dma_wait3A_94 : memref<1x128x128xf32, #tpu.memory_space<vmem>> -> memref<128x128xf32, #tpu.memory_space<vmem>>
      %dma_wait3A_96 = arith.constant 0 : i32
      %dma_wait3A_97 = tpu.memref_slice %arg10[%add3A_17, %dma_wait3A_96] : memref<10240x128xf32, #tpu.memory_space<vmem_shared>> -> memref<128x128xf32, #tpu.memory_space<vmem_shared>>
      %dma_wait3A_98 = arith.constant 0 : i32
      %dma_wait3A_99 = tpu.memref_slice %arg10[%add3A_17, %dma_wait3A_98] : memref<10240x128xf32, #tpu.memory_space<vmem_shared>> -> memref<128x128xf32, #tpu.memory_space<vmem_shared>>
      %dma_wait3A_100 = arith.constant 0 : i32
      %dma_wait3A_101 = arith.constant 0 : i32
      %dma_wait3A_102 = tpu.memref_slice %arg9[%run_scoped3A_18, %dma_wait3A_100, %dma_wait3A_101] : memref<2x128x128xf32, #tpu.memory_space<vmem>> -> memref<1x128x128xf32, #tpu.memory_space<vmem>>
      %dma_wait3A_103 = tpu.memref_squeeze %dma_wait3A_102 : memref<1x128x128xf32, #tpu.memory_space<vmem>> -> memref<128x128xf32, #tpu.memory_space<vmem>>
      tpu.wait_dma2 semaphore(%run_scoped3A_81 : memref<!tpu.dma_semaphore, #tpu.memory_space<semaphore_mem>>) src(%dma_wait3A_103 : memref<128x128xf32, #tpu.memory_space<vmem>>) dst(%dma_wait3A_99 : memref<128x128xf32, #tpu.memory_space<vmem_shared>>)
      tpu.yield
    }) : () -> ()
    %mul3A_19 = arith.constant 640 : i32
    %mul3A_20 = arith.muli %arg1, %mul3A_19 : i32
    %add3A_21 = arith.constant 256 : i32
    %add3A_22 = arith.addi %mul3A_20, %add3A_21 : i32
    %run_scoped3A_23 = arith.constant 0 : i32
    "tpu.region"() ({
      %run_scoped3A_81 = tpu.sem_alloc : memref<!tpu.dma_semaphore, #tpu.memory_space<semaphore_mem>>
      %dma_start3A = arith.constant 0 : i32
      %dma_start3A_82 = arith.constant 0 : i32
      %dma_start3A_83 = tpu.memref_slice %arg9[%run_scoped3A_23, %dma_start3A, %dma_start3A_82] : memref<2x128x128xf32, #tpu.memory_space<vmem>> -> memref<1x128x128xf32, #tpu.memory_space<vmem>>
      %dma_start3A_84 = tpu.memref_squeeze %dma_start3A_83 : memref<1x128x128xf32, #tpu.memory_space<vmem>> -> memref<128x128xf32, #tpu.memory_space<vmem>>
      %dma_start3A_85 = arith.constant 0 : i32
      %dma_start3A_86 = tpu.memref_slice %arg10[%add3A_22, %dma_start3A_85] : memref<10240x128xf32, #tpu.memory_space<vmem_shared>> -> memref<128x128xf32, #tpu.memory_space<vmem_shared>>
      %dma_start3A_87 = arith.constant 0 : i32
      %dma_start3A_88 = tpu.memref_slice %arg10[%add3A_22, %dma_start3A_87] : memref<10240x128xf32, #tpu.memory_space<vmem_shared>> -> memref<128x128xf32, #tpu.memory_space<vmem_shared>>
      %dma_start3A_89 = arith.constant 0 : i32
      %dma_start3A_90 = arith.constant 0 : i32
      %dma_start3A_91 = tpu.memref_slice %arg9[%run_scoped3A_23, %dma_start3A_89, %dma_start3A_90] : memref<2x128x128xf32, #tpu.memory_space<vmem>> -> memref<1x128x128xf32, #tpu.memory_space<vmem>>
      %dma_start3A_92 = tpu.memref_squeeze %dma_start3A_91 : memref<1x128x128xf32, #tpu.memory_space<vmem>> -> memref<128x128xf32, #tpu.memory_space<vmem>>
      tpu.enqueue_dma source(%dma_start3A_92 : memref<128x128xf32, #tpu.memory_space<vmem>>) target(%dma_start3A_88 : memref<128x128xf32, #tpu.memory_space<vmem_shared>>) target_semaphore(%run_scoped3A_81 : memref<!tpu.dma_semaphore, #tpu.memory_space<semaphore_mem>>)
      %dma_wait3A = arith.constant 0 : i32
      %dma_wait3A_93 = arith.constant 0 : i32
      %dma_wait3A_94 = tpu.memref_slice %arg9[%run_scoped3A_23, %dma_wait3A, %dma_wait3A_93] : memref<2x128x128xf32, #tpu.memory_space<vmem>> -> memref<1x128x128xf32, #tpu.memory_space<vmem>>
      %dma_wait3A_95 = tpu.memref_squeeze %dma_wait3A_94 : memref<1x128x128xf32, #tpu.memory_space<vmem>> -> memref<128x128xf32, #tpu.memory_space<vmem>>
      %dma_wait3A_96 = arith.constant 0 : i32
      %dma_wait3A_97 = tpu.memref_slice %arg10[%add3A_22, %dma_wait3A_96] : memref<10240x128xf32, #tpu.memory_space<vmem_shared>> -> memref<128x128xf32, #tpu.memory_space<vmem_shared>>
      %dma_wait3A_98 = arith.constant 0 : i32
      %dma_wait3A_99 = tpu.memref_slice %arg10[%add3A_22, %dma_wait3A_98] : memref<10240x128xf32, #tpu.memory_space<vmem_shared>> -> memref<128x128xf32, #tpu.memory_space<vmem_shared>>
      %dma_wait3A_100 = arith.constant 0 : i32
      %dma_wait3A_101 = arith.constant 0 : i32
      %dma_wait3A_102 = tpu.memref_slice %arg9[%run_scoped3A_23, %dma_wait3A_100, %dma_wait3A_101] : memref<2x128x128xf32, #tpu.memory_space<vmem>> -> memref<1x128x128xf32, #tpu.memory_space<vmem>>
      %dma_wait3A_103 = tpu.memref_squeeze %dma_wait3A_102 : memref<1x128x128xf32, #tpu.memory_space<vmem>> -> memref<128x128xf32, #tpu.memory_space<vmem>>
      tpu.wait_dma2 semaphore(%run_scoped3A_81 : memref<!tpu.dma_semaphore, #tpu.memory_space<semaphore_mem>>) src(%dma_wait3A_103 : memref<128x128xf32, #tpu.memory_space<vmem>>) dst(%dma_wait3A_99 : memref<128x128xf32, #tpu.memory_space<vmem_shared>>)
      tpu.yield
    }) : () -> ()
    %mul3A_24 = arith.constant 640 : i32
    %mul3A_25 = arith.muli %arg1, %mul3A_24 : i32
    %add3A_26 = arith.constant 384 : i32
    %add3A_27 = arith.addi %mul3A_25, %add3A_26 : i32
    %run_scoped3A_28 = arith.constant 0 : i32
    "tpu.region"() ({
      %run_scoped3A_81 = tpu.sem_alloc : memref<!tpu.dma_semaphore, #tpu.memory_space<semaphore_mem>>
      %dma_start3A = arith.constant 0 : i32
      %dma_start3A_82 = arith.constant 0 : i32
      %dma_start3A_83 = tpu.memref_slice %arg9[%run_scoped3A_28, %dma_start3A, %dma_start3A_82] : memref<2x128x128xf32, #tpu.memory_space<vmem>> -> memref<1x128x128xf32, #tpu.memory_space<vmem>>
      %dma_start3A_84 = tpu.memref_squeeze %dma_start3A_83 : memref<1x128x128xf32, #tpu.memory_space<vmem>> -> memref<128x128xf32, #tpu.memory_space<vmem>>
      %dma_start3A_85 = arith.constant 0 : i32
      %dma_start3A_86 = tpu.memref_slice %arg10[%add3A_27, %dma_start3A_85] : memref<10240x128xf32, #tpu.memory_space<vmem_shared>> -> memref<128x128xf32, #tpu.memory_space<vmem_shared>>
      %dma_start3A_87 = arith.constant 0 : i32
      %dma_start3A_88 = tpu.memref_slice %arg10[%add3A_27, %dma_start3A_87] : memref<10240x128xf32, #tpu.memory_space<vmem_shared>> -> memref<128x128xf32, #tpu.memory_space<vmem_shared>>
      %dma_start3A_89 = arith.constant 0 : i32
      %dma_start3A_90 = arith.constant 0 : i32
      %dma_start3A_91 = tpu.memref_slice %arg9[%run_scoped3A_28, %dma_start3A_89, %dma_start3A_90] : memref<2x128x128xf32, #tpu.memory_space<vmem>> -> memref<1x128x128xf32, #tpu.memory_space<vmem>>
      %dma_start3A_92 = tpu.memref_squeeze %dma_start3A_91 : memref<1x128x128xf32, #tpu.memory_space<vmem>> -> memref<128x128xf32, #tpu.memory_space<vmem>>
      tpu.enqueue_dma source(%dma_start3A_92 : memref<128x128xf32, #tpu.memory_space<vmem>>) target(%dma_start3A_88 : memref<128x128xf32, #tpu.memory_space<vmem_shared>>) target_semaphore(%run_scoped3A_81 : memref<!tpu.dma_semaphore, #tpu.memory_space<semaphore_mem>>)
      %dma_wait3A = arith.constant 0 : i32
      %dma_wait3A_93 = arith.constant 0 : i32
      %dma_wait3A_94 = tpu.memref_slice %arg9[%run_scoped3A_28, %dma_wait3A, %dma_wait3A_93] : memref<2x128x128xf32, #tpu.memory_space<vmem>> -> memref<1x128x128xf32, #tpu.memory_space<vmem>>
      %dma_wait3A_95 = tpu.memref_squeeze %dma_wait3A_94 : memref<1x128x128xf32, #tpu.memory_space<vmem>> -> memref<128x128xf32, #tpu.memory_space<vmem>>
      %dma_wait3A_96 = arith.constant 0 : i32
      %dma_wait3A_97 = tpu.memref_slice %arg10[%add3A_27, %dma_wait3A_96] : memref<10240x128xf32, #tpu.memory_space<vmem_shared>> -> memref<128x128xf32, #tpu.memory_space<vmem_shared>>
      %dma_wait3A_98 = arith.constant 0 : i32
      %dma_wait3A_99 = tpu.memref_slice %arg10[%add3A_27, %dma_wait3A_98] : memref<10240x128xf32, #tpu.memory_space<vmem_shared>> -> memref<128x128xf32, #tpu.memory_space<vmem_shared>>
      %dma_wait3A_100 = arith.constant 0 : i32
      %dma_wait3A_101 = arith.constant 0 : i32
      %dma_wait3A_102 = tpu.memref_slice %arg9[%run_scoped3A_28, %dma_wait3A_100, %dma_wait3A_101] : memref<2x128x128xf32, #tpu.memory_space<vmem>> -> memref<1x128x128xf32, #tpu.memory_space<vmem>>
      %dma_wait3A_103 = tpu.memref_squeeze %dma_wait3A_102 : memref<1x128x128xf32, #tpu.memory_space<vmem>> -> memref<128x128xf32, #tpu.memory_space<vmem>>
      tpu.wait_dma2 semaphore(%run_scoped3A_81 : memref<!tpu.dma_semaphore, #tpu.memory_space<semaphore_mem>>) src(%dma_wait3A_103 : memref<128x128xf32, #tpu.memory_space<vmem>>) dst(%dma_wait3A_99 : memref<128x128xf32, #tpu.memory_space<vmem_shared>>)
      tpu.yield
    }) : () -> ()
    %mul3A_29 = arith.constant 640 : i32
    %mul3A_30 = arith.muli %arg1, %mul3A_29 : i32
    %add3A_31 = arith.constant 512 : i32
    %add3A_32 = arith.addi %mul3A_30, %add3A_31 : i32
    %run_scoped3A_33 = arith.constant 0 : i32
    "tpu.region"() ({
      %run_scoped3A_81 = tpu.sem_alloc : memref<!tpu.dma_semaphore, #tpu.memory_space<semaphore_mem>>
      %dma_start3A = arith.constant 0 : i32
      %dma_start3A_82 = arith.constant 0 : i32
      %dma_start3A_83 = tpu.memref_slice %arg9[%run_scoped3A_33, %dma_start3A, %dma_start3A_82] : memref<2x128x128xf32, #tpu.memory_space<vmem>> -> memref<1x128x128xf32, #tpu.memory_space<vmem>>
      %dma_start3A_84 = tpu.memref_squeeze %dma_start3A_83 : memref<1x128x128xf32, #tpu.memory_space<vmem>> -> memref<128x128xf32, #tpu.memory_space<vmem>>
      %dma_start3A_85 = arith.constant 0 : i32
      %dma_start3A_86 = tpu.memref_slice %arg10[%add3A_32, %dma_start3A_85] : memref<10240x128xf32, #tpu.memory_space<vmem_shared>> -> memref<128x128xf32, #tpu.memory_space<vmem_shared>>
      %dma_start3A_87 = arith.constant 0 : i32
      %dma_start3A_88 = tpu.memref_slice %arg10[%add3A_32, %dma_start3A_87] : memref<10240x128xf32, #tpu.memory_space<vmem_shared>> -> memref<128x128xf32, #tpu.memory_space<vmem_shared>>
      %dma_start3A_89 = arith.constant 0 : i32
      %dma_start3A_90 = arith.constant 0 : i32
      %dma_start3A_91 = tpu.memref_slice %arg9[%run_scoped3A_33, %dma_start3A_89, %dma_start3A_90] : memref<2x128x128xf32, #tpu.memory_space<vmem>> -> memref<1x128x128xf32, #tpu.memory_space<vmem>>
      %dma_start3A_92 = tpu.memref_squeeze %dma_start3A_91 : memref<1x128x128xf32, #tpu.memory_space<vmem>> -> memref<128x128xf32, #tpu.memory_space<vmem>>
      tpu.enqueue_dma source(%dma_start3A_92 : memref<128x128xf32, #tpu.memory_space<vmem>>) target(%dma_start3A_88 : memref<128x128xf32, #tpu.memory_space<vmem_shared>>) target_semaphore(%run_scoped3A_81 : memref<!tpu.dma_semaphore, #tpu.memory_space<semaphore_mem>>)
      %dma_wait3A = arith.constant 0 : i32
      %dma_wait3A_93 = arith.constant 0 : i32
      %dma_wait3A_94 = tpu.memref_slice %arg9[%run_scoped3A_33, %dma_wait3A, %dma_wait3A_93] : memref<2x128x128xf32, #tpu.memory_space<vmem>> -> memref<1x128x128xf32, #tpu.memory_space<vmem>>
      %dma_wait3A_95 = tpu.memref_squeeze %dma_wait3A_94 : memref<1x128x128xf32, #tpu.memory_space<vmem>> -> memref<128x128xf32, #tpu.memory_space<vmem>>
      %dma_wait3A_96 = arith.constant 0 : i32
      %dma_wait3A_97 = tpu.memref_slice %arg10[%add3A_32, %dma_wait3A_96] : memref<10240x128xf32, #tpu.memory_space<vmem_shared>> -> memref<128x128xf32, #tpu.memory_space<vmem_shared>>
      %dma_wait3A_98 = arith.constant 0 : i32
      %dma_wait3A_99 = tpu.memref_slice %arg10[%add3A_32, %dma_wait3A_98] : memref<10240x128xf32, #tpu.memory_space<vmem_shared>> -> memref<128x128xf32, #tpu.memory_space<vmem_shared>>
      %dma_wait3A_100 = arith.constant 0 : i32
      %dma_wait3A_101 = arith.constant 0 : i32
      %dma_wait3A_102 = tpu.memref_slice %arg9[%run_scoped3A_33, %dma_wait3A_100, %dma_wait3A_101] : memref<2x128x128xf32, #tpu.memory_space<vmem>> -> memref<1x128x128xf32, #tpu.memory_space<vmem>>
      %dma_wait3A_103 = tpu.memref_squeeze %dma_wait3A_102 : memref<1x128x128xf32, #tpu.memory_space<vmem>> -> memref<128x128xf32, #tpu.memory_space<vmem>>
      tpu.wait_dma2 semaphore(%run_scoped3A_81 : memref<!tpu.dma_semaphore, #tpu.memory_space<semaphore_mem>>) src(%dma_wait3A_103 : memref<128x128xf32, #tpu.memory_space<vmem>>) dst(%dma_wait3A_99 : memref<128x128xf32, #tpu.memory_space<vmem_shared>>)
      tpu.yield
    }) : () -> ()
    %scan3A_34 = arith.constant 0 : i32
    %scan3A_35 = arith.constant 0 : i32
    %scan3A_36 = arith.constant 8 : i32
    %scan3A_37 = arith.addi %scan3A_35, %scan3A_36 : i32
    %scan3A_38 = arith.constant 1 : i32
    scf.for %scan3A_81 = %scan3A_35 to %scan3A_37 step %scan3A_38  : i32 {
      %mul3A_82 = arith.constant 16 : i32
      %mul3A_83 = arith.muli %mul3A_82, %scan3A_81 : i32
      %swap3A = arith.index_cast %mul3A_83 : i32 to index
      %swap3A_84 = tpu.vector_load %arg13[%swap3A] {strides = array<i32>} : memref<128xf32, #tpu.memory_space<vmem>>, vector<16xf32>,
      %swap3A_85 = vector.shape_cast %swap3A_84 : vector<16xf32> to vector<16xf32>
      %swap3A_86 = vector.shape_cast %broadcast_in_dim3A_4 : vector<16xf32> to vector<16xf32>
      tpu.vector_store %arg13[%swap3A], %swap3A_86 {strides = array<i32>} : memref<128xf32, #tpu.memory_space<vmem>>, vector<16xf32>,
    }
    %scan3A_39 = arith.constant 8 : i32
    %mul3A_40 = arith.constant 640 : i32
    %mul3A_41 = arith.muli %arg1, %mul3A_40 : i32
    %add3A_42 = arith.constant 0 : i32
    %add3A_43 = arith.addi %mul3A_41, %add3A_42 : i32
    "tpu.region"() ({
      %run_scoped3A_81 = tpu.sem_alloc : memref<!tpu.dma_semaphore, #tpu.memory_space<semaphore_mem>>
      %dma_start3A = tpu.memref_slice %arg14[%add3A_43] : memref<10240xf32, #tpu.memory_space<vmem_shared>> -> memref<128xf32, #tpu.memory_space<vmem_shared>>
      %dma_start3A_82 = tpu.memref_slice %arg14[%add3A_43] : memref<10240xf32, #tpu.memory_space<vmem_shared>> -> memref<128xf32, #tpu.memory_space<vmem_shared>>
      tpu.enqueue_dma source(%arg13 : memref<128xf32, #tpu.memory_space<vmem>>) target(%dma_start3A_82 : memref<128xf32, #tpu.memory_space<vmem_shared>>) target_semaphore(%run_scoped3A_81 : memref<!tpu.dma_semaphore, #tpu.memory_space<semaphore_mem>>)
      %dma_wait3A = tpu.memref_slice %arg14[%add3A_43] : memref<10240xf32, #tpu.memory_space<vmem_shared>> -> memref<128xf32, #tpu.memory_space<vmem_shared>>
      %dma_wait3A_83 = tpu.memref_slice %arg14[%add3A_43] : memref<10240xf32, #tpu.memory_space<vmem_shared>> -> memref<128xf32, #tpu.memory_space<vmem_shared>>
      tpu.wait_dma2 semaphore(%run_scoped3A_81 : memref<!tpu.dma_semaphore, #tpu.memory_space<semaphore_mem>>) src(%arg13 : memref<128xf32, #tpu.memory_space<vmem>>) dst(%dma_wait3A_83 : memref<128xf32, #tpu.memory_space<vmem_shared>>)
      tpu.yield
    }) : () -> ()
    %mul3A_44 = arith.constant 640 : i32
    %mul3A_45 = arith.muli %arg1, %mul3A_44 : i32
    %add3A_46 = arith.constant 128 : i32
    %add3A_47 = arith.addi %mul3A_45, %add3A_46 : i32
    "tpu.region"() ({
      %run_scoped3A_81 = tpu.sem_alloc : memref<!tpu.dma_semaphore, #tpu.memory_space<semaphore_mem>>
      %dma_start3A = tpu.memref_slice %arg14[%add3A_47] : memref<10240xf32, #tpu.memory_space<vmem_shared>> -> memref<128xf32, #tpu.memory_space<vmem_shared>>
      %dma_start3A_82 = tpu.memref_slice %arg14[%add3A_47] : memref<10240xf32, #tpu.memory_space<vmem_shared>> -> memref<128xf32, #tpu.memory_space<vmem_shared>>
      tpu.enqueue_dma source(%arg13 : memref<128xf32, #tpu.memory_space<vmem>>) target(%dma_start3A_82 : memref<128xf32, #tpu.memory_space<vmem_shared>>) target_semaphore(%run_scoped3A_81 : memref<!tpu.dma_semaphore, #tpu.memory_space<semaphore_mem>>)
      %dma_wait3A = tpu.memref_slice %arg14[%add3A_47] : memref<10240xf32, #tpu.memory_space<vmem_shared>> -> memref<128xf32, #tpu.memory_space<vmem_shared>>
      %dma_wait3A_83 = tpu.memref_slice %arg14[%add3A_47] : memref<10240xf32, #tpu.memory_space<vmem_shared>> -> memref<128xf32, #tpu.memory_space<vmem_shared>>
      tpu.wait_dma2 semaphore(%run_scoped3A_81 : memref<!tpu.dma_semaphore, #tpu.memory_space<semaphore_mem>>) src(%arg13 : memref<128xf32, #tpu.memory_space<vmem>>) dst(%dma_wait3A_83 : memref<128xf32, #tpu.memory_space<vmem_shared>>)
      tpu.yield
    }) : () -> ()
    %mul3A_48 = arith.constant 640 : i32
    %mul3A_49 = arith.muli %arg1, %mul3A_48 : i32
    %add3A_50 = arith.constant 256 : i32
    %add3A_51 = arith.addi %mul3A_49, %add3A_50 : i32
    "tpu.region"() ({
      %run_scoped3A_81 = tpu.sem_alloc : memref<!tpu.dma_semaphore, #tpu.memory_space<semaphore_mem>>
      %dma_start3A = tpu.memref_slice %arg14[%add3A_51] : memref<10240xf32, #tpu.memory_space<vmem_shared>> -> memref<128xf32, #tpu.memory_space<vmem_shared>>
      %dma_start3A_82 = tpu.memref_slice %arg14[%add3A_51] : memref<10240xf32, #tpu.memory_space<vmem_shared>> -> memref<128xf32, #tpu.memory_space<vmem_shared>>
      tpu.enqueue_dma source(%arg13 : memref<128xf32, #tpu.memory_space<vmem>>) target(%dma_start3A_82 : memref<128xf32, #tpu.memory_space<vmem_shared>>) target_semaphore(%run_scoped3A_81 : memref<!tpu.dma_semaphore, #tpu.memory_space<semaphore_mem>>)
      %dma_wait3A = tpu.memref_slice %arg14[%add3A_51] : memref<10240xf32, #tpu.memory_space<vmem_shared>> -> memref<128xf32, #tpu.memory_space<vmem_shared>>
      %dma_wait3A_83 = tpu.memref_slice %arg14[%add3A_51] : memref<10240xf32, #tpu.memory_space<vmem_shared>> -> memref<128xf32, #tpu.memory_space<vmem_shared>>
      tpu.wait_dma2 semaphore(%run_scoped3A_81 : memref<!tpu.dma_semaphore, #tpu.memory_space<semaphore_mem>>) src(%arg13 : memref<128xf32, #tpu.memory_space<vmem>>) dst(%dma_wait3A_83 : memref<128xf32, #tpu.memory_space<vmem_shared>>)
      tpu.yield
    }) : () -> ()
    %mul3A_52 = arith.constant 640 : i32
    %mul3A_53 = arith.muli %arg1, %mul3A_52 : i32
    %add3A_54 = arith.constant 384 : i32
    %add3A_55 = arith.addi %mul3A_53, %add3A_54 : i32
    "tpu.region"() ({
      %run_scoped3A_81 = tpu.sem_alloc : memref<!tpu.dma_semaphore, #tpu.memory_space<semaphore_mem>>
      %dma_start3A = tpu.memref_slice %arg14[%add3A_55] : memref<10240xf32, #tpu.memory_space<vmem_shared>> -> memref<128xf32, #tpu.memory_space<vmem_shared>>
      %dma_start3A_82 = tpu.memref_slice %arg14[%add3A_55] : memref<10240xf32, #tpu.memory_space<vmem_shared>> -> memref<128xf32, #tpu.memory_space<vmem_shared>>
      tpu.enqueue_dma source(%arg13 : memref<128xf32, #tpu.memory_space<vmem>>) target(%dma_start3A_82 : memref<128xf32, #tpu.memory_space<vmem_shared>>) target_semaphore(%run_scoped3A_81 : memref<!tpu.dma_semaphore, #tpu.memory_space<semaphore_mem>>)
      %dma_wait3A = tpu.memref_slice %arg14[%add3A_55] : memref<10240xf32, #tpu.memory_space<vmem_shared>> -> memref<128xf32, #tpu.memory_space<vmem_shared>>
      %dma_wait3A_83 = tpu.memref_slice %arg14[%add3A_55] : memref<10240xf32, #tpu.memory_space<vmem_shared>> -> memref<128xf32, #tpu.memory_space<vmem_shared>>
      tpu.wait_dma2 semaphore(%run_scoped3A_81 : memref<!tpu.dma_semaphore, #tpu.memory_space<semaphore_mem>>) src(%arg13 : memref<128xf32, #tpu.memory_space<vmem>>) dst(%dma_wait3A_83 : memref<128xf32, #tpu.memory_space<vmem_shared>>)
      tpu.yield
    }) : () -> ()
    %mul3A_56 = arith.constant 640 : i32
    %mul3A_57 = arith.muli %arg1, %mul3A_56 : i32
    %add3A_58 = arith.constant 512 : i32
    %add3A_59 = arith.addi %mul3A_57, %add3A_58 : i32
    "tpu.region"() ({
      %run_scoped3A_81 = tpu.sem_alloc : memref<!tpu.dma_semaphore, #tpu.memory_space<semaphore_mem>>
      %dma_start3A = tpu.memref_slice %arg14[%add3A_59] : memref<10240xf32, #tpu.memory_space<vmem_shared>> -> memref<128xf32, #tpu.memory_space<vmem_shared>>
      %dma_start3A_82 = tpu.memref_slice %arg14[%add3A_59] : memref<10240xf32, #tpu.memory_space<vmem_shared>> -> memref<128xf32, #tpu.memory_space<vmem_shared>>
      tpu.enqueue_dma source(%arg13 : memref<128xf32, #tpu.memory_space<vmem>>) target(%dma_start3A_82 : memref<128xf32, #tpu.memory_space<vmem_shared>>) target_semaphore(%run_scoped3A_81 : memref<!tpu.dma_semaphore, #tpu.memory_space<semaphore_mem>>)
      %dma_wait3A = tpu.memref_slice %arg14[%add3A_59] : memref<10240xf32, #tpu.memory_space<vmem_shared>> -> memref<128xf32, #tpu.memory_space<vmem_shared>>
      %dma_wait3A_83 = tpu.memref_slice %arg14[%add3A_59] : memref<10240xf32, #tpu.memory_space<vmem_shared>> -> memref<128xf32, #tpu.memory_space<vmem_shared>>
      tpu.wait_dma2 semaphore(%run_scoped3A_81 : memref<!tpu.dma_semaphore, #tpu.memory_space<semaphore_mem>>) src(%arg13 : memref<128xf32, #tpu.memory_space<vmem>>) dst(%dma_wait3A_83 : memref<128xf32, #tpu.memory_space<vmem_shared>>)
      tpu.yield
    }) : () -> ()
    %broadcast_in_dim3A_60 = arith.constant 1.000000e+00 : f32
    %broadcast_in_dim3A_61 = vector.broadcast %broadcast_in_dim3A_60 : f32 to vector<16xf32>
    %scan3A_62 = arith.constant 0 : i32
    %scan3A_63 = arith.constant 0 : i32
    %scan3A_64 = arith.constant 8 : i32
    %scan3A_65 = arith.addi %scan3A_63, %scan3A_64 : i32
    %scan3A_66 = arith.constant 1 : i32
    scf.for %scan3A_81 = %scan3A_63 to %scan3A_65 step %scan3A_66  : i32 {
      %mul3A_82 = arith.constant 16 : i32
      %mul3A_83 = arith.muli %mul3A_82, %scan3A_81 : i32
      %swap3A = arith.index_cast %mul3A_83 : i32 to index
      %swap3A_84 = tpu.vector_load %arg13[%swap3A] {strides = array<i32>} : memref<128xf32, #tpu.memory_space<vmem>>, vector<16xf32>,
      %swap3A_85 = vector.shape_cast %swap3A_84 : vector<16xf32> to vector<16xf32>
      %swap3A_86 = vector.shape_cast %broadcast_in_dim3A_61 : vector<16xf32> to vector<16xf32>
      tpu.vector_store %arg13[%swap3A], %swap3A_86 {strides = array<i32>} : memref<128xf32, #tpu.memory_space<vmem>>, vector<16xf32>,
    }
    %scan3A_67 = arith.constant 8 : i32
    %barrier3A = arith.constant 0 : index
    tpu.barrier barrier_id(%barrier3A)
    %while3A = arith.constant 0 : i32
    %while3A_68 = arith.constant 0 : i32
    %while3A_69 = arith.subi %select_n3A, %while3A_68 : i32
    %while3A_70 = arith.addi %while3A_68, %while3A_69 : i32
    %while3A_71 = arith.constant 1 : i32
    %while3A_72 = arith.divsi %while3A_69, %while3A_71 : i32
    %while3A_73 = arith.muli %while3A_72, %while3A_71 : i32
    %while3A_74 = arith.addi %while3A_68, %while3A_73 : i32
    %while3A_75 = arith.constant 1 : i32
    scf.for %while3A_81 = %while3A_68 to %while3A_74 step %while3A_75  : i32 {
      %add3A_82 = arith.addi %add3A, %while3A_81 : i32
      %mul3A_83 = arith.constant 8 : i32
      %mul3A_84 = arith.muli %add3A_82, %mul3A_83 : i32
      "tpu.region"() ({
        %run_scoped3A_299 = tpu.sem_alloc : memref<!tpu.dma_semaphore, #tpu.memory_space<semaphore_mem>>
        %dma_start3A_300 = arith.constant 0 : i32
        %dma_start3A_301 = tpu.memref_slice %arg3[%mul3A_84, %dma_start3A_300] : memref<2560x128xi32, #tpu.memory_space<hbm>> -> memref<8x128xi32, #tpu.memory_space<hbm>>
        %dma_start3A_302 = arith.constant 0 : i32
        %dma_start3A_303 = tpu.memref_slice %arg3[%mul3A_84, %dma_start3A_302] : memref<2560x128xi32, #tpu.memory_space<hbm>> -> memref<8x128xi32, #tpu.memory_space<hbm>>
        tpu.enqueue_dma source(%dma_start3A_303 : memref<8x128xi32, #tpu.memory_space<hbm>>) target(%arg7 : memref<8x128xi32, #tpu.memory_space<vmem>>) target_semaphore(%run_scoped3A_299 : memref<!tpu.dma_semaphore, #tpu.memory_space<semaphore_mem>>)
        %dma_wait3A_304 = arith.constant 0 : i32
        %dma_wait3A_305 = tpu.memref_slice %arg3[%mul3A_84, %dma_wait3A_304] : memref<2560x128xi32, #tpu.memory_space<hbm>> -> memref<8x128xi32, #tpu.memory_space<hbm>>
        %dma_wait3A_306 = arith.constant 0 : i32
        %dma_wait3A_307 = tpu.memref_slice %arg3[%mul3A_84, %dma_wait3A_306] : memref<2560x128xi32, #tpu.memory_space<hbm>> -> memref<8x128xi32, #tpu.memory_space<hbm>>
        tpu.wait_dma2 semaphore(%run_scoped3A_299 : memref<!tpu.dma_semaphore, #tpu.memory_space<semaphore_mem>>) src(%dma_wait3A_307 : memref<8x128xi32, #tpu.memory_space<hbm>>) dst(%arg7 : memref<8x128xi32, #tpu.memory_space<vmem>>)
        tpu.yield
      }) : () -> ()
      "tpu.region"() ({
        %run_scoped3A_299 = tpu.sem_alloc : memref<!tpu.dma_semaphore, #tpu.memory_space<semaphore_mem>>
        %dma_start3A_300 = arith.constant 0 : i32
        %dma_start3A_301 = tpu.memref_slice %arg4[%mul3A_84, %dma_start3A_300] : memref<2560x128xi32, #tpu.memory_space<hbm>> -> memref<8x128xi32, #tpu.memory_space<hbm>>
        %dma_start3A_302 = arith.constant 0 : i32
        %dma_start3A_303 = tpu.memref_slice %arg4[%mul3A_84, %dma_start3A_302] : memref<2560x128xi32, #tpu.memory_space<hbm>> -> memref<8x128xi32, #tpu.memory_space<hbm>>
        tpu.enqueue_dma source(%dma_start3A_303 : memref<8x128xi32, #tpu.memory_space<hbm>>) target(%arg8 : memref<8x128xi32, #tpu.memory_space<vmem>>) target_semaphore(%run_scoped3A_299 : memref<!tpu.dma_semaphore, #tpu.memory_space<semaphore_mem>>)
        %dma_wait3A_304 = arith.constant 0 : i32
        %dma_wait3A_305 = tpu.memref_slice %arg4[%mul3A_84, %dma_wait3A_304] : memref<2560x128xi32, #tpu.memory_space<hbm>> -> memref<8x128xi32, #tpu.memory_space<hbm>>
        %dma_wait3A_306 = arith.constant 0 : i32
        %dma_wait3A_307 = tpu.memref_slice %arg4[%mul3A_84, %dma_wait3A_306] : memref<2560x128xi32, #tpu.memory_space<hbm>> -> memref<8x128xi32, #tpu.memory_space<hbm>>
        tpu.wait_dma2 semaphore(%run_scoped3A_299 : memref<!tpu.dma_semaphore, #tpu.memory_space<semaphore_mem>>) src(%dma_wait3A_307 : memref<8x128xi32, #tpu.memory_space<hbm>>) dst(%arg8 : memref<8x128xi32, #tpu.memory_space<vmem>>)
        tpu.yield
      }) : () -> ()
      %dma_start3A = arith.constant 0 : i32
      %dma_start3A_85 = arith.constant 0 : i32
      %dma_start3A_86 = arith.constant 0 : i32
      %dma_start3A_87 = arith.constant 0 : i32
      %dma_start3A_88 = tpu.memref_slice %arg9[%dma_start3A_85, %dma_start3A_86, %dma_start3A_87] : memref<2x128x128xf32, #tpu.memory_space<vmem>> -> memref<1x128x128xf32, #tpu.memory_space<vmem>>
      %dma_start3A_89 = tpu.memref_squeeze %dma_start3A_88 : memref<1x128x128xf32, #tpu.memory_space<vmem>> -> memref<128x128xf32, #tpu.memory_space<vmem>>
      %dma_start3A_90 = arith.constant 0 : i32
      %dma_start3A_91 = tpu.memref_slice %arg7[%dma_start3A, %dma_start3A_90] : memref<8x128xi32, #tpu.memory_space<vmem>> -> memref<1x128xi32, #tpu.memory_space<vmem>>
      %dma_start3A_92 = tpu.memref_squeeze %dma_start3A_91 : memref<1x128xi32, #tpu.memory_space<vmem>> -> memref<128xi32, #tpu.memory_space<vmem>>
      %dma_start3A_93 = arith.constant 0 : i32
      %dma_start3A_94 = arith.constant 0 : i32
      %dma_start3A_95 = tpu.memref_slice %arg2[%dma_start3A_93, %dma_start3A_94] : memref<10000x128xf32, #tpu.memory_space<hbm>> -> memref<10000x128xf32, #tpu.memory_space<hbm>>
      tpu.enqueue_indirect_dma source(%dma_start3A_95 : memref<10000x128xf32, #tpu.memory_space<hbm>>) target(%dma_start3A_89 : memref<128x128xf32, #tpu.memory_space<vmem>>) offsets(%dma_start3A_92 : memref<128xi32, #tpu.memory_space<vmem>>) semaphore(%arg11 : memref<!tpu.dma_semaphore, #tpu.memory_space<semaphore_mem>>)
      %dma_start3A_96 = arith.constant 1 : i32
      %dma_start3A_97 = arith.constant 1 : i32
      %dma_start3A_98 = arith.constant 0 : i32
      %dma_start3A_99 = arith.constant 0 : i32
      %dma_start3A_100 = tpu.memref_slice %arg9[%dma_start3A_97, %dma_start3A_98, %dma_start3A_99] : memref<2x128x128xf32, #tpu.memory_space<vmem>> -> memref<1x128x128xf32, #tpu.memory_space<vmem>>
      %dma_start3A_101 = tpu.memref_squeeze %dma_start3A_100 : memref<1x128x128xf32, #tpu.memory_space<vmem>> -> memref<128x128xf32, #tpu.memory_space<vmem>>
      %dma_start3A_102 = arith.constant 0 : i32
      %dma_start3A_103 = tpu.memref_slice %arg7[%dma_start3A_96, %dma_start3A_102] : memref<8x128xi32, #tpu.memory_space<vmem>> -> memref<1x128xi32, #tpu.memory_space<vmem>>
      %dma_start3A_104 = tpu.memref_squeeze %dma_start3A_103 : memref<1x128xi32, #tpu.memory_space<vmem>> -> memref<128xi32, #tpu.memory_space<vmem>>
      %dma_start3A_105 = arith.constant 0 : i32
      %dma_start3A_106 = arith.constant 0 : i32
      %dma_start3A_107 = tpu.memref_slice %arg2[%dma_start3A_105, %dma_start3A_106] : memref<10000x128xf32, #tpu.memory_space<hbm>> -> memref<10000x128xf32, #tpu.memory_space<hbm>>
      tpu.enqueue_indirect_dma source(%dma_start3A_107 : memref<10000x128xf32, #tpu.memory_space<hbm>>) target(%dma_start3A_101 : memref<128x128xf32, #tpu.memory_space<vmem>>) offsets(%dma_start3A_104 : memref<128xi32, #tpu.memory_space<vmem>>) semaphore(%arg12 : memref<!tpu.dma_semaphore, #tpu.memory_space<semaphore_mem>>)
      %dma_wait3A = arith.constant 0 : i32
      %dma_wait3A_108 = arith.constant 0 : i32
      %dma_wait3A_109 = arith.constant 0 : i32
      %dma_wait3A_110 = arith.constant 0 : i32
      %dma_wait3A_111 = tpu.memref_slice %arg9[%dma_wait3A_108, %dma_wait3A_109, %dma_wait3A_110] : memref<2x128x128xf32, #tpu.memory_space<vmem>> -> memref<1x128x128xf32, #tpu.memory_space<vmem>>
      %dma_wait3A_112 = tpu.memref_squeeze %dma_wait3A_111 : memref<1x128x128xf32, #tpu.memory_space<vmem>> -> memref<128x128xf32, #tpu.memory_space<vmem>>
      %dma_wait3A_113 = arith.constant 0 : i32
      %dma_wait3A_114 = tpu.memref_slice %arg7[%dma_wait3A, %dma_wait3A_113] : memref<8x128xi32, #tpu.memory_space<vmem>> -> memref<1x128xi32, #tpu.memory_space<vmem>>
      %dma_wait3A_115 = tpu.memref_squeeze %dma_wait3A_114 : memref<1x128xi32, #tpu.memory_space<vmem>> -> memref<128xi32, #tpu.memory_space<vmem>>
      %dma_wait3A_116 = arith.constant 0 : i32
      %dma_wait3A_117 = arith.constant 0 : i32
      %dma_wait3A_118 = tpu.memref_slice %arg2[%dma_wait3A_116, %dma_wait3A_117] : memref<10000x128xf32, #tpu.memory_space<hbm>> -> memref<10000x128xf32, #tpu.memory_space<hbm>>
      tpu.wait_indirect_dma semaphore(%arg11 : memref<!tpu.dma_semaphore, #tpu.memory_space<semaphore_mem>>) src(%dma_wait3A_118 : memref<10000x128xf32, #tpu.memory_space<hbm>>) dst(%dma_wait3A_112 : memref<128x128xf32, #tpu.memory_space<vmem>>)
      %run_scoped3A_119 = arith.constant 0 : i32
      %run_scoped3A_120 = arith.constant 0 : i32
      "tpu.region"() ({
        %run_scoped3A_299 = tpu.sem_alloc : memref<!tpu.dma_semaphore, #tpu.memory_space<semaphore_mem>>
        %dma_start3A_300 = arith.constant 0 : i32
        %dma_start3A_301 = arith.constant 0 : i32
        %dma_start3A_302 = tpu.memref_slice %arg9[%run_scoped3A_119, %dma_start3A_300, %dma_start3A_301] : memref<2x128x128xf32, #tpu.memory_space<vmem>> -> memref<1x128x128xf32, #tpu.memory_space<vmem>>
        %dma_start3A_303 = tpu.memref_squeeze %dma_start3A_302 : memref<1x128x128xf32, #tpu.memory_space<vmem>> -> memref<128x128xf32, #tpu.memory_space<vmem>>
        %dma_start3A_304 = arith.constant 0 : i32
        %dma_start3A_305 = tpu.memref_slice %arg8[%run_scoped3A_120, %dma_start3A_304] : memref<8x128xi32, #tpu.memory_space<vmem>> -> memref<1x128xi32, #tpu.memory_space<vmem>>
        %dma_start3A_306 = tpu.memref_squeeze %dma_start3A_305 : memref<1x128xi32, #tpu.memory_space<vmem>> -> memref<128xi32, #tpu.memory_space<vmem>>
        %dma_start3A_307 = arith.constant 0 : i32
        %dma_start3A_308 = arith.constant 0 : i32
        %dma_start3A_309 = tpu.memref_slice %arg10[%dma_start3A_307, %dma_start3A_308] : memref<10240x128xf32, #tpu.memory_space<vmem_shared>> -> memref<10240x128xf32, #tpu.memory_space<vmem_shared>>
        tpu.enqueue_indirect_dma source(%dma_start3A_303 : memref<128x128xf32, #tpu.memory_space<vmem>>) target(%dma_start3A_309 : memref<10240x128xf32, #tpu.memory_space<vmem_shared>>) offsets(%dma_start3A_306 : memref<128xi32, #tpu.memory_space<vmem>>) semaphore(%run_scoped3A_299 : memref<!tpu.dma_semaphore, #tpu.memory_space<semaphore_mem>>) {add = true}
        %dma_wait3A_310 = arith.constant 0 : i32
        %dma_wait3A_311 = arith.constant 0 : i32
        %dma_wait3A_312 = tpu.memref_slice %arg9[%run_scoped3A_119, %dma_wait3A_310, %dma_wait3A_311] : memref<2x128x128xf32, #tpu.memory_space<vmem>> -> memref<1x128x128xf32, #tpu.memory_space<vmem>>
        %dma_wait3A_313 = tpu.memref_squeeze %dma_wait3A_312 : memref<1x128x128xf32, #tpu.memory_space<vmem>> -> memref<128x128xf32, #tpu.memory_space<vmem>>
        %dma_wait3A_314 = arith.constant 0 : i32
        %dma_wait3A_315 = tpu.memref_slice %arg8[%run_scoped3A_120, %dma_wait3A_314] : memref<8x128xi32, #tpu.memory_space<vmem>> -> memref<1x128xi32, #tpu.memory_space<vmem>>
        %dma_wait3A_316 = tpu.memref_squeeze %dma_wait3A_315 : memref<1x128xi32, #tpu.memory_space<vmem>> -> memref<128xi32, #tpu.memory_space<vmem>>
        %dma_wait3A_317 = arith.constant 0 : i32
        %dma_wait3A_318 = arith.constant 0 : i32
        %dma_wait3A_319 = tpu.memref_slice %arg10[%dma_wait3A_317, %dma_wait3A_318] : memref<10240x128xf32, #tpu.memory_space<vmem_shared>> -> memref<10240x128xf32, #tpu.memory_space<vmem_shared>>
        tpu.wait_indirect_dma semaphore(%run_scoped3A_299 : memref<!tpu.dma_semaphore, #tpu.memory_space<semaphore_mem>>) src(%dma_wait3A_313 : memref<128x128xf32, #tpu.memory_space<vmem>>) dst(%dma_wait3A_319 : memref<10240x128xf32, #tpu.memory_space<vmem_shared>>)
        tpu.yield
      }) : () -> ()
      %run_scoped3A_121 = arith.constant 0 : i32
      "tpu.region"() ({
        %run_scoped3A_299 = tpu.sem_alloc : memref<!tpu.dma_semaphore, #tpu.memory_space<semaphore_mem>>
        %dma_start3A_300 = arith.constant 0 : i32
        %dma_start3A_301 = tpu.memref_slice %arg8[%run_scoped3A_121, %dma_start3A_300] : memref<8x128xi32, #tpu.memory_space<vmem>> -> memref<1x128xi32, #tpu.memory_space<vmem>>
        %dma_start3A_302 = tpu.memref_squeeze %dma_start3A_301 : memref<1x128xi32, #tpu.memory_space<vmem>> -> memref<128xi32, #tpu.memory_space<vmem>>
        %dma_start3A_303 = arith.constant 0 : i32
        %dma_start3A_304 = tpu.memref_slice %arg14[%dma_start3A_303] : memref<10240xf32, #tpu.memory_space<vmem_shared>> -> memref<10240xf32, #tpu.memory_space<vmem_shared>>
        tpu.enqueue_indirect_dma source(%arg13 : memref<128xf32, #tpu.memory_space<vmem>>) target(%dma_start3A_304 : memref<10240xf32, #tpu.memory_space<vmem_shared>>) offsets(%dma_start3A_302 : memref<128xi32, #tpu.memory_space<vmem>>) semaphore(%run_scoped3A_299 : memref<!tpu.dma_semaphore, #tpu.memory_space<semaphore_mem>>) {add = true}
        %dma_wait3A_305 = arith.constant 0 : i32
        %dma_wait3A_306 = tpu.memref_slice %arg8[%run_scoped3A_121, %dma_wait3A_305] : memref<8x128xi32, #tpu.memory_space<vmem>> -> memref<1x128xi32, #tpu.memory_space<vmem>>
        %dma_wait3A_307 = tpu.memref_squeeze %dma_wait3A_306 : memref<1x128xi32, #tpu.memory_space<vmem>> -> memref<128xi32, #tpu.memory_space<vmem>>
        %dma_wait3A_308 = arith.constant 0 : i32
        %dma_wait3A_309 = tpu.memref_slice %arg14[%dma_wait3A_308] : memref<10240xf32, #tpu.memory_space<vmem_shared>> -> memref<10240xf32, #tpu.memory_space<vmem_shared>>
        tpu.wait_indirect_dma semaphore(%run_scoped3A_299 : memref<!tpu.dma_semaphore, #tpu.memory_space<semaphore_mem>>) src(%arg13 : memref<128xf32, #tpu.memory_space<vmem>>) dst(%dma_wait3A_309 : memref<10240xf32, #tpu.memory_space<vmem_shared>>)
        tpu.yield
      }) : () -> ()
      %dma_start3A_122 = arith.constant 2 : i32
      %dma_start3A_123 = arith.constant 0 : i32
      %dma_start3A_124 = arith.constant 0 : i32
      %dma_start3A_125 = arith.constant 0 : i32
      %dma_start3A_126 = tpu.memref_slice %arg9[%dma_start3A_123, %dma_start3A_124, %dma_start3A_125] : memref<2x128x128xf32, #tpu.memory_space<vmem>> -> memref<1x128x128xf32, #tpu.memory_space<vmem>>
      %dma_start3A_127 = tpu.memref_squeeze %dma_start3A_126 : memref<1x128x128xf32, #tpu.memory_space<vmem>> -> memref<128x128xf32, #tpu.memory_space<vmem>>
      %dma_start3A_128 = arith.constant 0 : i32
      %dma_start3A_129 = tpu.memref_slice %arg7[%dma_start3A_122, %dma_start3A_128] : memref<8x128xi32, #tpu.memory_space<vmem>> -> memref<1x128xi32, #tpu.memory_space<vmem>>
      %dma_start3A_130 = tpu.memref_squeeze %dma_start3A_129 : memref<1x128xi32, #tpu.memory_space<vmem>> -> memref<128xi32, #tpu.memory_space<vmem>>
      %dma_start3A_131 = arith.constant 0 : i32
      %dma_start3A_132 = arith.constant 0 : i32
      %dma_start3A_133 = tpu.memref_slice %arg2[%dma_start3A_131, %dma_start3A_132] : memref<10000x128xf32, #tpu.memory_space<hbm>> -> memref<10000x128xf32, #tpu.memory_space<hbm>>
      tpu.enqueue_indirect_dma source(%dma_start3A_133 : memref<10000x128xf32, #tpu.memory_space<hbm>>) target(%dma_start3A_127 : memref<128x128xf32, #tpu.memory_space<vmem>>) offsets(%dma_start3A_130 : memref<128xi32, #tpu.memory_space<vmem>>) semaphore(%arg11 : memref<!tpu.dma_semaphore, #tpu.memory_space<semaphore_mem>>)
      %dma_wait3A_134 = arith.constant 1 : i32
      %dma_wait3A_135 = arith.constant 1 : i32
      %dma_wait3A_136 = arith.constant 0 : i32
      %dma_wait3A_137 = arith.constant 0 : i32
      %dma_wait3A_138 = tpu.memref_slice %arg9[%dma_wait3A_135, %dma_wait3A_136, %dma_wait3A_137] : memref<2x128x128xf32, #tpu.memory_space<vmem>> -> memref<1x128x128xf32, #tpu.memory_space<vmem>>
      %dma_wait3A_139 = tpu.memref_squeeze %dma_wait3A_138 : memref<1x128x128xf32, #tpu.memory_space<vmem>> -> memref<128x128xf32, #tpu.memory_space<vmem>>
      %dma_wait3A_140 = arith.constant 0 : i32
      %dma_wait3A_141 = tpu.memref_slice %arg7[%dma_wait3A_134, %dma_wait3A_140] : memref<8x128xi32, #tpu.memory_space<vmem>> -> memref<1x128xi32, #tpu.memory_space<vmem>>
      %dma_wait3A_142 = tpu.memref_squeeze %dma_wait3A_141 : memref<1x128xi32, #tpu.memory_space<vmem>> -> memref<128xi32, #tpu.memory_space<vmem>>
      %dma_wait3A_143 = arith.constant 0 : i32
      %dma_wait3A_144 = arith.constant 0 : i32
      %dma_wait3A_145 = tpu.memref_slice %arg2[%dma_wait3A_143, %dma_wait3A_144] : memref<10000x128xf32, #tpu.memory_space<hbm>> -> memref<10000x128xf32, #tpu.memory_space<hbm>>
      tpu.wait_indirect_dma semaphore(%arg12 : memref<!tpu.dma_semaphore, #tpu.memory_space<semaphore_mem>>) src(%dma_wait3A_145 : memref<10000x128xf32, #tpu.memory_space<hbm>>) dst(%dma_wait3A_139 : memref<128x128xf32, #tpu.memory_space<vmem>>)
      %run_scoped3A_146 = arith.constant 1 : i32
      %run_scoped3A_147 = arith.constant 1 : i32
      "tpu.region"() ({
        %run_scoped3A_299 = tpu.sem_alloc : memref<!tpu.dma_semaphore, #tpu.memory_space<semaphore_mem>>
        %dma_start3A_300 = arith.constant 0 : i32
        %dma_start3A_301 = arith.constant 0 : i32
        %dma_start3A_302 = tpu.memref_slice %arg9[%run_scoped3A_146, %dma_start3A_300, %dma_start3A_301] : memref<2x128x128xf32, #tpu.memory_space<vmem>> -> memref<1x128x128xf32, #tpu.memory_space<vmem>>
        %dma_start3A_303 = tpu.memref_squeeze %dma_start3A_302 : memref<1x128x128xf32, #tpu.memory_space<vmem>> -> memref<128x128xf32, #tpu.memory_space<vmem>>
        %dma_start3A_304 = arith.constant 0 : i32
        %dma_start3A_305 = tpu.memref_slice %arg8[%run_scoped3A_147, %dma_start3A_304] : memref<8x128xi32, #tpu.memory_space<vmem>> -> memref<1x128xi32, #tpu.memory_space<vmem>>
        %dma_start3A_306 = tpu.memref_squeeze %dma_start3A_305 : memref<1x128xi32, #tpu.memory_space<vmem>> -> memref<128xi32, #tpu.memory_space<vmem>>
        %dma_start3A_307 = arith.constant 0 : i32
        %dma_start3A_308 = arith.constant 0 : i32
        %dma_start3A_309 = tpu.memref_slice %arg10[%dma_start3A_307, %dma_start3A_308] : memref<10240x128xf32, #tpu.memory_space<vmem_shared>> -> memref<10240x128xf32, #tpu.memory_space<vmem_shared>>
        tpu.enqueue_indirect_dma source(%dma_start3A_303 : memref<128x128xf32, #tpu.memory_space<vmem>>) target(%dma_start3A_309 : memref<10240x128xf32, #tpu.memory_space<vmem_shared>>) offsets(%dma_start3A_306 : memref<128xi32, #tpu.memory_space<vmem>>) semaphore(%run_scoped3A_299 : memref<!tpu.dma_semaphore, #tpu.memory_space<semaphore_mem>>) {add = true}
        %dma_wait3A_310 = arith.constant 0 : i32
        %dma_wait3A_311 = arith.constant 0 : i32
        %dma_wait3A_312 = tpu.memref_slice %arg9[%run_scoped3A_146, %dma_wait3A_310, %dma_wait3A_311] : memref<2x128x128xf32, #tpu.memory_space<vmem>> -> memref<1x128x128xf32, #tpu.memory_space<vmem>>
        %dma_wait3A_313 = tpu.memref_squeeze %dma_wait3A_312 : memref<1x128x128xf32, #tpu.memory_space<vmem>> -> memref<128x128xf32, #tpu.memory_space<vmem>>
        %dma_wait3A_314 = arith.constant 0 : i32
        %dma_wait3A_315 = tpu.memref_slice %arg8[%run_scoped3A_147, %dma_wait3A_314] : memref<8x128xi32, #tpu.memory_space<vmem>> -> memref<1x128xi32, #tpu.memory_space<vmem>>
        %dma_wait3A_316 = tpu.memref_squeeze %dma_wait3A_315 : memref<1x128xi32, #tpu.memory_space<vmem>> -> memref<128xi32, #tpu.memory_space<vmem>>
        %dma_wait3A_317 = arith.constant 0 : i32
        %dma_wait3A_318 = arith.constant 0 : i32
        %dma_wait3A_319 = tpu.memref_slice %arg10[%dma_wait3A_317, %dma_wait3A_318] : memref<10240x128xf32, #tpu.memory_space<vmem_shared>> -> memref<10240x128xf32, #tpu.memory_space<vmem_shared>>
        tpu.wait_indirect_dma semaphore(%run_scoped3A_299 : memref<!tpu.dma_semaphore, #tpu.memory_space<semaphore_mem>>) src(%dma_wait3A_313 : memref<128x128xf32, #tpu.memory_space<vmem>>) dst(%dma_wait3A_319 : memref<10240x128xf32, #tpu.memory_space<vmem_shared>>)
        tpu.yield
      }) : () -> ()
      %run_scoped3A_148 = arith.constant 1 : i32
      "tpu.region"() ({
        %run_scoped3A_299 = tpu.sem_alloc : memref<!tpu.dma_semaphore, #tpu.memory_space<semaphore_mem>>
        %dma_start3A_300 = arith.constant 0 : i32
        %dma_start3A_301 = tpu.memref_slice %arg8[%run_scoped3A_148, %dma_start3A_300] : memref<8x128xi32, #tpu.memory_space<vmem>> -> memref<1x128xi32, #tpu.memory_space<vmem>>
        %dma_start3A_302 = tpu.memref_squeeze %dma_start3A_301 : memref<1x128xi32, #tpu.memory_space<vmem>> -> memref<128xi32, #tpu.memory_space<vmem>>
        %dma_start3A_303 = arith.constant 0 : i32
        %dma_start3A_304 = tpu.memref_slice %arg14[%dma_start3A_303] : memref<10240xf32, #tpu.memory_space<vmem_shared>> -> memref<10240xf32, #tpu.memory_space<vmem_shared>>
        tpu.enqueue_indirect_dma source(%arg13 : memref<128xf32, #tpu.memory_space<vmem>>) target(%dma_start3A_304 : memref<10240xf32, #tpu.memory_space<vmem_shared>>) offsets(%dma_start3A_302 : memref<128xi32, #tpu.memory_space<vmem>>) semaphore(%run_scoped3A_299 : memref<!tpu.dma_semaphore, #tpu.memory_space<semaphore_mem>>) {add = true}
        %dma_wait3A_305 = arith.constant 0 : i32
        %dma_wait3A_306 = tpu.memref_slice %arg8[%run_scoped3A_148, %dma_wait3A_305] : memref<8x128xi32, #tpu.memory_space<vmem>> -> memref<1x128xi32, #tpu.memory_space<vmem>>
        %dma_wait3A_307 = tpu.memref_squeeze %dma_wait3A_306 : memref<1x128xi32, #tpu.memory_space<vmem>> -> memref<128xi32, #tpu.memory_space<vmem>>
        %dma_wait3A_308 = arith.constant 0 : i32
        %dma_wait3A_309 = tpu.memref_slice %arg14[%dma_wait3A_308] : memref<10240xf32, #tpu.memory_space<vmem_shared>> -> memref<10240xf32, #tpu.memory_space<vmem_shared>>
        tpu.wait_indirect_dma semaphore(%run_scoped3A_299 : memref<!tpu.dma_semaphore, #tpu.memory_space<semaphore_mem>>) src(%arg13 : memref<128xf32, #tpu.memory_space<vmem>>) dst(%dma_wait3A_309 : memref<10240xf32, #tpu.memory_space<vmem_shared>>)
        tpu.yield
      }) : () -> ()
      %dma_start3A_149 = arith.constant 3 : i32
      %dma_start3A_150 = arith.constant 1 : i32
      %dma_start3A_151 = arith.constant 0 : i32
      %dma_start3A_152 = arith.constant 0 : i32
      %dma_start3A_153 = tpu.memref_slice %arg9[%dma_start3A_150, %dma_start3A_151, %dma_start3A_152] : memref<2x128x128xf32, #tpu.memory_space<vmem>> -> memref<1x128x128xf32, #tpu.memory_space<vmem>>
      %dma_start3A_154 = tpu.memref_squeeze %dma_start3A_153 : memref<1x128x128xf32, #tpu.memory_space<vmem>> -> memref<128x128xf32, #tpu.memory_space<vmem>>
      %dma_start3A_155 = arith.constant 0 : i32
      %dma_start3A_156 = tpu.memref_slice %arg7[%dma_start3A_149, %dma_start3A_155] : memref<8x128xi32, #tpu.memory_space<vmem>> -> memref<1x128xi32, #tpu.memory_space<vmem>>
      %dma_start3A_157 = tpu.memref_squeeze %dma_start3A_156 : memref<1x128xi32, #tpu.memory_space<vmem>> -> memref<128xi32, #tpu.memory_space<vmem>>
      %dma_start3A_158 = arith.constant 0 : i32
      %dma_start3A_159 = arith.constant 0 : i32
      %dma_start3A_160 = tpu.memref_slice %arg2[%dma_start3A_158, %dma_start3A_159] : memref<10000x128xf32, #tpu.memory_space<hbm>> -> memref<10000x128xf32, #tpu.memory_space<hbm>>
      tpu.enqueue_indirect_dma source(%dma_start3A_160 : memref<10000x128xf32, #tpu.memory_space<hbm>>) target(%dma_start3A_154 : memref<128x128xf32, #tpu.memory_space<vmem>>) offsets(%dma_start3A_157 : memref<128xi32, #tpu.memory_space<vmem>>) semaphore(%arg12 : memref<!tpu.dma_semaphore, #tpu.memory_space<semaphore_mem>>)
      %dma_wait3A_161 = arith.constant 2 : i32
      %dma_wait3A_162 = arith.constant 0 : i32
      %dma_wait3A_163 = arith.constant 0 : i32
      %dma_wait3A_164 = arith.constant 0 : i32
      %dma_wait3A_165 = tpu.memref_slice %arg9[%dma_wait3A_162, %dma_wait3A_163, %dma_wait3A_164] : memref<2x128x128xf32, #tpu.memory_space<vmem>> -> memref<1x128x128xf32, #tpu.memory_space<vmem>>
      %dma_wait3A_166 = tpu.memref_squeeze %dma_wait3A_165 : memref<1x128x128xf32, #tpu.memory_space<vmem>> -> memref<128x128xf32, #tpu.memory_space<vmem>>
      %dma_wait3A_167 = arith.constant 0 : i32
      %dma_wait3A_168 = tpu.memref_slice %arg7[%dma_wait3A_161, %dma_wait3A_167] : memref<8x128xi32, #tpu.memory_space<vmem>> -> memref<1x128xi32, #tpu.memory_space<vmem>>
      %dma_wait3A_169 = tpu.memref_squeeze %dma_wait3A_168 : memref<1x128xi32, #tpu.memory_space<vmem>> -> memref<128xi32, #tpu.memory_space<vmem>>
      %dma_wait3A_170 = arith.constant 0 : i32
      %dma_wait3A_171 = arith.constant 0 : i32
      %dma_wait3A_172 = tpu.memref_slice %arg2[%dma_wait3A_170, %dma_wait3A_171] : memref<10000x128xf32, #tpu.memory_space<hbm>> -> memref<10000x128xf32, #tpu.memory_space<hbm>>
      tpu.wait_indirect_dma semaphore(%arg11 : memref<!tpu.dma_semaphore, #tpu.memory_space<semaphore_mem>>) src(%dma_wait3A_172 : memref<10000x128xf32, #tpu.memory_space<hbm>>) dst(%dma_wait3A_166 : memref<128x128xf32, #tpu.memory_space<vmem>>)
      %run_scoped3A_173 = arith.constant 0 : i32
      %run_scoped3A_174 = arith.constant 2 : i32
      "tpu.region"() ({
        %run_scoped3A_299 = tpu.sem_alloc : memref<!tpu.dma_semaphore, #tpu.memory_space<semaphore_mem>>
        %dma_start3A_300 = arith.constant 0 : i32
        %dma_start3A_301 = arith.constant 0 : i32
        %dma_start3A_302 = tpu.memref_slice %arg9[%run_scoped3A_173, %dma_start3A_300, %dma_start3A_301] : memref<2x128x128xf32, #tpu.memory_space<vmem>> -> memref<1x128x128xf32, #tpu.memory_space<vmem>>
        %dma_start3A_303 = tpu.memref_squeeze %dma_start3A_302 : memref<1x128x128xf32, #tpu.memory_space<vmem>> -> memref<128x128xf32, #tpu.memory_space<vmem>>
        %dma_start3A_304 = arith.constant 0 : i32
        %dma_start3A_305 = tpu.memref_slice %arg8[%run_scoped3A_174, %dma_start3A_304] : memref<8x128xi32, #tpu.memory_space<vmem>> -> memref<1x128xi32, #tpu.memory_space<vmem>>
        %dma_start3A_306 = tpu.memref_squeeze %dma_start3A_305 : memref<1x128xi32, #tpu.memory_space<vmem>> -> memref<128xi32, #tpu.memory_space<vmem>>
        %dma_start3A_307 = arith.constant 0 : i32
        %dma_start3A_308 = arith.constant 0 : i32
        %dma_start3A_309 = tpu.memref_slice %arg10[%dma_start3A_307, %dma_start3A_308] : memref<10240x128xf32, #tpu.memory_space<vmem_shared>> -> memref<10240x128xf32, #tpu.memory_space<vmem_shared>>
        tpu.enqueue_indirect_dma source(%dma_start3A_303 : memref<128x128xf32, #tpu.memory_space<vmem>>) target(%dma_start3A_309 : memref<10240x128xf32, #tpu.memory_space<vmem_shared>>) offsets(%dma_start3A_306 : memref<128xi32, #tpu.memory_space<vmem>>) semaphore(%run_scoped3A_299 : memref<!tpu.dma_semaphore, #tpu.memory_space<semaphore_mem>>) {add = true}
        %dma_wait3A_310 = arith.constant 0 : i32
        %dma_wait3A_311 = arith.constant 0 : i32
        %dma_wait3A_312 = tpu.memref_slice %arg9[%run_scoped3A_173, %dma_wait3A_310, %dma_wait3A_311] : memref<2x128x128xf32, #tpu.memory_space<vmem>> -> memref<1x128x128xf32, #tpu.memory_space<vmem>>
        %dma_wait3A_313 = tpu.memref_squeeze %dma_wait3A_312 : memref<1x128x128xf32, #tpu.memory_space<vmem>> -> memref<128x128xf32, #tpu.memory_space<vmem>>
        %dma_wait3A_314 = arith.constant 0 : i32
        %dma_wait3A_315 = tpu.memref_slice %arg8[%run_scoped3A_174, %dma_wait3A_314] : memref<8x128xi32, #tpu.memory_space<vmem>> -> memref<1x128xi32, #tpu.memory_space<vmem>>
        %dma_wait3A_316 = tpu.memref_squeeze %dma_wait3A_315 : memref<1x128xi32, #tpu.memory_space<vmem>> -> memref<128xi32, #tpu.memory_space<vmem>>
        %dma_wait3A_317 = arith.constant 0 : i32
        %dma_wait3A_318 = arith.constant 0 : i32
        %dma_wait3A_319 = tpu.memref_slice %arg10[%dma_wait3A_317, %dma_wait3A_318] : memref<10240x128xf32, #tpu.memory_space<vmem_shared>> -> memref<10240x128xf32, #tpu.memory_space<vmem_shared>>
        tpu.wait_indirect_dma semaphore(%run_scoped3A_299 : memref<!tpu.dma_semaphore, #tpu.memory_space<semaphore_mem>>) src(%dma_wait3A_313 : memref<128x128xf32, #tpu.memory_space<vmem>>) dst(%dma_wait3A_319 : memref<10240x128xf32, #tpu.memory_space<vmem_shared>>)
        tpu.yield
      }) : () -> ()
      %run_scoped3A_175 = arith.constant 2 : i32
      "tpu.region"() ({
        %run_scoped3A_299 = tpu.sem_alloc : memref<!tpu.dma_semaphore, #tpu.memory_space<semaphore_mem>>
        %dma_start3A_300 = arith.constant 0 : i32
        %dma_start3A_301 = tpu.memref_slice %arg8[%run_scoped3A_175, %dma_start3A_300] : memref<8x128xi32, #tpu.memory_space<vmem>> -> memref<1x128xi32, #tpu.memory_space<vmem>>
        %dma_start3A_302 = tpu.memref_squeeze %dma_start3A_301 : memref<1x128xi32, #tpu.memory_space<vmem>> -> memref<128xi32, #tpu.memory_space<vmem>>
        %dma_start3A_303 = arith.constant 0 : i32
        %dma_start3A_304 = tpu.memref_slice %arg14[%dma_start3A_303] : memref<10240xf32, #tpu.memory_space<vmem_shared>> -> memref<10240xf32, #tpu.memory_space<vmem_shared>>
        tpu.enqueue_indirect_dma source(%arg13 : memref<128xf32, #tpu.memory_space<vmem>>) target(%dma_start3A_304 : memref<10240xf32, #tpu.memory_space<vmem_shared>>) offsets(%dma_start3A_302 : memref<128xi32, #tpu.memory_space<vmem>>) semaphore(%run_scoped3A_299 : memref<!tpu.dma_semaphore, #tpu.memory_space<semaphore_mem>>) {add = true}
        %dma_wait3A_305 = arith.constant 0 : i32
        %dma_wait3A_306 = tpu.memref_slice %arg8[%run_scoped3A_175, %dma_wait3A_305] : memref<8x128xi32, #tpu.memory_space<vmem>> -> memref<1x128xi32, #tpu.memory_space<vmem>>
        %dma_wait3A_307 = tpu.memref_squeeze %dma_wait3A_306 : memref<1x128xi32, #tpu.memory_space<vmem>> -> memref<128xi32, #tpu.memory_space<vmem>>
        %dma_wait3A_308 = arith.constant 0 : i32
        %dma_wait3A_309 = tpu.memref_slice %arg14[%dma_wait3A_308] : memref<10240xf32, #tpu.memory_space<vmem_shared>> -> memref<10240xf32, #tpu.memory_space<vmem_shared>>
        tpu.wait_indirect_dma semaphore(%run_scoped3A_299 : memref<!tpu.dma_semaphore, #tpu.memory_space<semaphore_mem>>) src(%arg13 : memref<128xf32, #tpu.memory_space<vmem>>) dst(%dma_wait3A_309 : memref<10240xf32, #tpu.memory_space<vmem_shared>>)
        tpu.yield
      }) : () -> ()
      %dma_start3A_176 = arith.constant 4 : i32
      %dma_start3A_177 = arith.constant 0 : i32
      %dma_start3A_178 = arith.constant 0 : i32
      %dma_start3A_179 = arith.constant 0 : i32
      %dma_start3A_180 = tpu.memref_slice %arg9[%dma_start3A_177, %dma_start3A_178, %dma_start3A_179] : memref<2x128x128xf32, #tpu.memory_space<vmem>> -> memref<1x128x128xf32, #tpu.memory_space<vmem>>
      %dma_start3A_181 = tpu.memref_squeeze %dma_start3A_180 : memref<1x128x128xf32, #tpu.memory_space<vmem>> -> memref<128x128xf32, #tpu.memory_space<vmem>>
      %dma_start3A_182 = arith.constant 0 : i32
      %dma_start3A_183 = tpu.memref_slice %arg7[%dma_start3A_176, %dma_start3A_182] : memref<8x128xi32, #tpu.memory_space<vmem>> -> memref<1x128xi32, #tpu.memory_space<vmem>>
      %dma_start3A_184 = tpu.memref_squeeze %dma_start3A_183 : memref<1x128xi32, #tpu.memory_space<vmem>> -> memref<128xi32, #tpu.memory_space<vmem>>
      %dma_start3A_185 = arith.constant 0 : i32
      %dma_start3A_186 = arith.constant 0 : i32
      %dma_start3A_187 = tpu.memref_slice %arg2[%dma_start3A_185, %dma_start3A_186] : memref<10000x128xf32, #tpu.memory_space<hbm>> -> memref<10000x128xf32, #tpu.memory_space<hbm>>
      tpu.enqueue_indirect_dma source(%dma_start3A_187 : memref<10000x128xf32, #tpu.memory_space<hbm>>) target(%dma_start3A_181 : memref<128x128xf32, #tpu.memory_space<vmem>>) offsets(%dma_start3A_184 : memref<128xi32, #tpu.memory_space<vmem>>) semaphore(%arg11 : memref<!tpu.dma_semaphore, #tpu.memory_space<semaphore_mem>>)
      %dma_wait3A_188 = arith.constant 3 : i32
      %dma_wait3A_189 = arith.constant 1 : i32
      %dma_wait3A_190 = arith.constant 0 : i32
      %dma_wait3A_191 = arith.constant 0 : i32
      %dma_wait3A_192 = tpu.memref_slice %arg9[%dma_wait3A_189, %dma_wait3A_190, %dma_wait3A_191] : memref<2x128x128xf32, #tpu.memory_space<vmem>> -> memref<1x128x128xf32, #tpu.memory_space<vmem>>
      %dma_wait3A_193 = tpu.memref_squeeze %dma_wait3A_192 : memref<1x128x128xf32, #tpu.memory_space<vmem>> -> memref<128x128xf32, #tpu.memory_space<vmem>>
      %dma_wait3A_194 = arith.constant 0 : i32
      %dma_wait3A_195 = tpu.memref_slice %arg7[%dma_wait3A_188, %dma_wait3A_194] : memref<8x128xi32, #tpu.memory_space<vmem>> -> memref<1x128xi32, #tpu.memory_space<vmem>>
      %dma_wait3A_196 = tpu.memref_squeeze %dma_wait3A_195 : memref<1x128xi32, #tpu.memory_space<vmem>> -> memref<128xi32, #tpu.memory_space<vmem>>
      %dma_wait3A_197 = arith.constant 0 : i32
      %dma_wait3A_198 = arith.constant 0 : i32
      %dma_wait3A_199 = tpu.memref_slice %arg2[%dma_wait3A_197, %dma_wait3A_198] : memref<10000x128xf32, #tpu.memory_space<hbm>> -> memref<10000x128xf32, #tpu.memory_space<hbm>>
      tpu.wait_indirect_dma semaphore(%arg12 : memref<!tpu.dma_semaphore, #tpu.memory_space<semaphore_mem>>) src(%dma_wait3A_199 : memref<10000x128xf32, #tpu.memory_space<hbm>>) dst(%dma_wait3A_193 : memref<128x128xf32, #tpu.memory_space<vmem>>)
      %run_scoped3A_200 = arith.constant 1 : i32
      %run_scoped3A_201 = arith.constant 3 : i32
      "tpu.region"() ({
        %run_scoped3A_299 = tpu.sem_alloc : memref<!tpu.dma_semaphore, #tpu.memory_space<semaphore_mem>>
        %dma_start3A_300 = arith.constant 0 : i32
        %dma_start3A_301 = arith.constant 0 : i32
        %dma_start3A_302 = tpu.memref_slice %arg9[%run_scoped3A_200, %dma_start3A_300, %dma_start3A_301] : memref<2x128x128xf32, #tpu.memory_space<vmem>> -> memref<1x128x128xf32, #tpu.memory_space<vmem>>
        %dma_start3A_303 = tpu.memref_squeeze %dma_start3A_302 : memref<1x128x128xf32, #tpu.memory_space<vmem>> -> memref<128x128xf32, #tpu.memory_space<vmem>>
        %dma_start3A_304 = arith.constant 0 : i32
        %dma_start3A_305 = tpu.memref_slice %arg8[%run_scoped3A_201, %dma_start3A_304] : memref<8x128xi32, #tpu.memory_space<vmem>> -> memref<1x128xi32, #tpu.memory_space<vmem>>
        %dma_start3A_306 = tpu.memref_squeeze %dma_start3A_305 : memref<1x128xi32, #tpu.memory_space<vmem>> -> memref<128xi32, #tpu.memory_space<vmem>>
        %dma_start3A_307 = arith.constant 0 : i32
        %dma_start3A_308 = arith.constant 0 : i32
        %dma_start3A_309 = tpu.memref_slice %arg10[%dma_start3A_307, %dma_start3A_308] : memref<10240x128xf32, #tpu.memory_space<vmem_shared>> -> memref<10240x128xf32, #tpu.memory_space<vmem_shared>>
        tpu.enqueue_indirect_dma source(%dma_start3A_303 : memref<128x128xf32, #tpu.memory_space<vmem>>) target(%dma_start3A_309 : memref<10240x128xf32, #tpu.memory_space<vmem_shared>>) offsets(%dma_start3A_306 : memref<128xi32, #tpu.memory_space<vmem>>) semaphore(%run_scoped3A_299 : memref<!tpu.dma_semaphore, #tpu.memory_space<semaphore_mem>>) {add = true}
        %dma_wait3A_310 = arith.constant 0 : i32
        %dma_wait3A_311 = arith.constant 0 : i32
        %dma_wait3A_312 = tpu.memref_slice %arg9[%run_scoped3A_200, %dma_wait3A_310, %dma_wait3A_311] : memref<2x128x128xf32, #tpu.memory_space<vmem>> -> memref<1x128x128xf32, #tpu.memory_space<vmem>>
        %dma_wait3A_313 = tpu.memref_squeeze %dma_wait3A_312 : memref<1x128x128xf32, #tpu.memory_space<vmem>> -> memref<128x128xf32, #tpu.memory_space<vmem>>
        %dma_wait3A_314 = arith.constant 0 : i32
        %dma_wait3A_315 = tpu.memref_slice %arg8[%run_scoped3A_201, %dma_wait3A_314] : memref<8x128xi32, #tpu.memory_space<vmem>> -> memref<1x128xi32, #tpu.memory_space<vmem>>
        %dma_wait3A_316 = tpu.memref_squeeze %dma_wait3A_315 : memref<1x128xi32, #tpu.memory_space<vmem>> -> memref<128xi32, #tpu.memory_space<vmem>>
        %dma_wait3A_317 = arith.constant 0 : i32
        %dma_wait3A_318 = arith.constant 0 : i32
        %dma_wait3A_319 = tpu.memref_slice %arg10[%dma_wait3A_317, %dma_wait3A_318] : memref<10240x128xf32, #tpu.memory_space<vmem_shared>> -> memref<10240x128xf32, #tpu.memory_space<vmem_shared>>
        tpu.wait_indirect_dma semaphore(%run_scoped3A_299 : memref<!tpu.dma_semaphore, #tpu.memory_space<semaphore_mem>>) src(%dma_wait3A_313 : memref<128x128xf32, #tpu.memory_space<vmem>>) dst(%dma_wait3A_319 : memref<10240x128xf32, #tpu.memory_space<vmem_shared>>)
        tpu.yield
      }) : () -> ()
      %run_scoped3A_202 = arith.constant 3 : i32
      "tpu.region"() ({
        %run_scoped3A_299 = tpu.sem_alloc : memref<!tpu.dma_semaphore, #tpu.memory_space<semaphore_mem>>
        %dma_start3A_300 = arith.constant 0 : i32
        %dma_start3A_301 = tpu.memref_slice %arg8[%run_scoped3A_202, %dma_start3A_300] : memref<8x128xi32, #tpu.memory_space<vmem>> -> memref<1x128xi32, #tpu.memory_space<vmem>>
        %dma_start3A_302 = tpu.memref_squeeze %dma_start3A_301 : memref<1x128xi32, #tpu.memory_space<vmem>> -> memref<128xi32, #tpu.memory_space<vmem>>
        %dma_start3A_303 = arith.constant 0 : i32
        %dma_start3A_304 = tpu.memref_slice %arg14[%dma_start3A_303] : memref<10240xf32, #tpu.memory_space<vmem_shared>> -> memref<10240xf32, #tpu.memory_space<vmem_shared>>
        tpu.enqueue_indirect_dma source(%arg13 : memref<128xf32, #tpu.memory_space<vmem>>) target(%dma_start3A_304 : memref<10240xf32, #tpu.memory_space<vmem_shared>>) offsets(%dma_start3A_302 : memref<128xi32, #tpu.memory_space<vmem>>) semaphore(%run_scoped3A_299 : memref<!tpu.dma_semaphore, #tpu.memory_space<semaphore_mem>>) {add = true}
        %dma_wait3A_305 = arith.constant 0 : i32
        %dma_wait3A_306 = tpu.memref_slice %arg8[%run_scoped3A_202, %dma_wait3A_305] : memref<8x128xi32, #tpu.memory_space<vmem>> -> memref<1x128xi32, #tpu.memory_space<vmem>>
        %dma_wait3A_307 = tpu.memref_squeeze %dma_wait3A_306 : memref<1x128xi32, #tpu.memory_space<vmem>> -> memref<128xi32, #tpu.memory_space<vmem>>
        %dma_wait3A_308 = arith.constant 0 : i32
        %dma_wait3A_309 = tpu.memref_slice %arg14[%dma_wait3A_308] : memref<10240xf32, #tpu.memory_space<vmem_shared>> -> memref<10240xf32, #tpu.memory_space<vmem_shared>>
        tpu.wait_indirect_dma semaphore(%run_scoped3A_299 : memref<!tpu.dma_semaphore, #tpu.memory_space<semaphore_mem>>) src(%arg13 : memref<128xf32, #tpu.memory_space<vmem>>) dst(%dma_wait3A_309 : memref<10240xf32, #tpu.memory_space<vmem_shared>>)
        tpu.yield
      }) : () -> ()
      %dma_start3A_203 = arith.constant 5 : i32
      %dma_start3A_204 = arith.constant 1 : i32
      %dma_start3A_205 = arith.constant 0 : i32
      %dma_start3A_206 = arith.constant 0 : i32
      %dma_start3A_207 = tpu.memref_slice %arg9[%dma_start3A_204, %dma_start3A_205, %dma_start3A_206] : memref<2x128x128xf32, #tpu.memory_space<vmem>> -> memref<1x128x128xf32, #tpu.memory_space<vmem>>
      %dma_start3A_208 = tpu.memref_squeeze %dma_start3A_207 : memref<1x128x128xf32, #tpu.memory_space<vmem>> -> memref<128x128xf32, #tpu.memory_space<vmem>>
      %dma_start3A_209 = arith.constant 0 : i32
      %dma_start3A_210 = tpu.memref_slice %arg7[%dma_start3A_203, %dma_start3A_209] : memref<8x128xi32, #tpu.memory_space<vmem>> -> memref<1x128xi32, #tpu.memory_space<vmem>>
      %dma_start3A_211 = tpu.memref_squeeze %dma_start3A_210 : memref<1x128xi32, #tpu.memory_space<vmem>> -> memref<128xi32, #tpu.memory_space<vmem>>
      %dma_start3A_212 = arith.constant 0 : i32
      %dma_start3A_213 = arith.constant 0 : i32
      %dma_start3A_214 = tpu.memref_slice %arg2[%dma_start3A_212, %dma_start3A_213] : memref<10000x128xf32, #tpu.memory_space<hbm>> -> memref<10000x128xf32, #tpu.memory_space<hbm>>
      tpu.enqueue_indirect_dma source(%dma_start3A_214 : memref<10000x128xf32, #tpu.memory_space<hbm>>) target(%dma_start3A_208 : memref<128x128xf32, #tpu.memory_space<vmem>>) offsets(%dma_start3A_211 : memref<128xi32, #tpu.memory_space<vmem>>) semaphore(%arg12 : memref<!tpu.dma_semaphore, #tpu.memory_space<semaphore_mem>>)
      %dma_wait3A_215 = arith.constant 4 : i32
      %dma_wait3A_216 = arith.constant 0 : i32
      %dma_wait3A_217 = arith.constant 0 : i32
      %dma_wait3A_218 = arith.constant 0 : i32
      %dma_wait3A_219 = tpu.memref_slice %arg9[%dma_wait3A_216, %dma_wait3A_217, %dma_wait3A_218] : memref<2x128x128xf32, #tpu.memory_space<vmem>> -> memref<1x128x128xf32, #tpu.memory_space<vmem>>
      %dma_wait3A_220 = tpu.memref_squeeze %dma_wait3A_219 : memref<1x128x128xf32, #tpu.memory_space<vmem>> -> memref<128x128xf32, #tpu.memory_space<vmem>>
      %dma_wait3A_221 = arith.constant 0 : i32
      %dma_wait3A_222 = tpu.memref_slice %arg7[%dma_wait3A_215, %dma_wait3A_221] : memref<8x128xi32, #tpu.memory_space<vmem>> -> memref<1x128xi32, #tpu.memory_space<vmem>>
      %dma_wait3A_223 = tpu.memref_squeeze %dma_wait3A_222 : memref<1x128xi32, #tpu.memory_space<vmem>> -> memref<128xi32, #tpu.memory_space<vmem>>
      %dma_wait3A_224 = arith.constant 0 : i32
      %dma_wait3A_225 = arith.constant 0 : i32
      %dma_wait3A_226 = tpu.memref_slice %arg2[%dma_wait3A_224, %dma_wait3A_225] : memref<10000x128xf32, #tpu.memory_space<hbm>> -> memref<10000x128xf32, #tpu.memory_space<hbm>>
      tpu.wait_indirect_dma semaphore(%arg11 : memref<!tpu.dma_semaphore, #tpu.memory_space<semaphore_mem>>) src(%dma_wait3A_226 : memref<10000x128xf32, #tpu.memory_space<hbm>>) dst(%dma_wait3A_220 : memref<128x128xf32, #tpu.memory_space<vmem>>)
      %run_scoped3A_227 = arith.constant 0 : i32
      %run_scoped3A_228 = arith.constant 4 : i32
      "tpu.region"() ({
        %run_scoped3A_299 = tpu.sem_alloc : memref<!tpu.dma_semaphore, #tpu.memory_space<semaphore_mem>>
        %dma_start3A_300 = arith.constant 0 : i32
        %dma_start3A_301 = arith.constant 0 : i32
        %dma_start3A_302 = tpu.memref_slice %arg9[%run_scoped3A_227, %dma_start3A_300, %dma_start3A_301] : memref<2x128x128xf32, #tpu.memory_space<vmem>> -> memref<1x128x128xf32, #tpu.memory_space<vmem>>
        %dma_start3A_303 = tpu.memref_squeeze %dma_start3A_302 : memref<1x128x128xf32, #tpu.memory_space<vmem>> -> memref<128x128xf32, #tpu.memory_space<vmem>>
        %dma_start3A_304 = arith.constant 0 : i32
        %dma_start3A_305 = tpu.memref_slice %arg8[%run_scoped3A_228, %dma_start3A_304] : memref<8x128xi32, #tpu.memory_space<vmem>> -> memref<1x128xi32, #tpu.memory_space<vmem>>
        %dma_start3A_306 = tpu.memref_squeeze %dma_start3A_305 : memref<1x128xi32, #tpu.memory_space<vmem>> -> memref<128xi32, #tpu.memory_space<vmem>>
        %dma_start3A_307 = arith.constant 0 : i32
        %dma_start3A_308 = arith.constant 0 : i32
        %dma_start3A_309 = tpu.memref_slice %arg10[%dma_start3A_307, %dma_start3A_308] : memref<10240x128xf32, #tpu.memory_space<vmem_shared>> -> memref<10240x128xf32, #tpu.memory_space<vmem_shared>>
        tpu.enqueue_indirect_dma source(%dma_start3A_303 : memref<128x128xf32, #tpu.memory_space<vmem>>) target(%dma_start3A_309 : memref<10240x128xf32, #tpu.memory_space<vmem_shared>>) offsets(%dma_start3A_306 : memref<128xi32, #tpu.memory_space<vmem>>) semaphore(%run_scoped3A_299 : memref<!tpu.dma_semaphore, #tpu.memory_space<semaphore_mem>>) {add = true}
        %dma_wait3A_310 = arith.constant 0 : i32
        %dma_wait3A_311 = arith.constant 0 : i32
        %dma_wait3A_312 = tpu.memref_slice %arg9[%run_scoped3A_227, %dma_wait3A_310, %dma_wait3A_311] : memref<2x128x128xf32, #tpu.memory_space<vmem>> -> memref<1x128x128xf32, #tpu.memory_space<vmem>>
        %dma_wait3A_313 = tpu.memref_squeeze %dma_wait3A_312 : memref<1x128x128xf32, #tpu.memory_space<vmem>> -> memref<128x128xf32, #tpu.memory_space<vmem>>
        %dma_wait3A_314 = arith.constant 0 : i32
        %dma_wait3A_315 = tpu.memref_slice %arg8[%run_scoped3A_228, %dma_wait3A_314] : memref<8x128xi32, #tpu.memory_space<vmem>> -> memref<1x128xi32, #tpu.memory_space<vmem>>
        %dma_wait3A_316 = tpu.memref_squeeze %dma_wait3A_315 : memref<1x128xi32, #tpu.memory_space<vmem>> -> memref<128xi32, #tpu.memory_space<vmem>>
        %dma_wait3A_317 = arith.constant 0 : i32
        %dma_wait3A_318 = arith.constant 0 : i32
        %dma_wait3A_319 = tpu.memref_slice %arg10[%dma_wait3A_317, %dma_wait3A_318] : memref<10240x128xf32, #tpu.memory_space<vmem_shared>> -> memref<10240x128xf32, #tpu.memory_space<vmem_shared>>
        tpu.wait_indirect_dma semaphore(%run_scoped3A_299 : memref<!tpu.dma_semaphore, #tpu.memory_space<semaphore_mem>>) src(%dma_wait3A_313 : memref<128x128xf32, #tpu.memory_space<vmem>>) dst(%dma_wait3A_319 : memref<10240x128xf32, #tpu.memory_space<vmem_shared>>)
        tpu.yield
      }) : () -> ()
      %run_scoped3A_229 = arith.constant 4 : i32
      "tpu.region"() ({
        %run_scoped3A_299 = tpu.sem_alloc : memref<!tpu.dma_semaphore, #tpu.memory_space<semaphore_mem>>
        %dma_start3A_300 = arith.constant 0 : i32
        %dma_start3A_301 = tpu.memref_slice %arg8[%run_scoped3A_229, %dma_start3A_300] : memref<8x128xi32, #tpu.memory_space<vmem>> -> memref<1x128xi32, #tpu.memory_space<vmem>>
        %dma_start3A_302 = tpu.memref_squeeze %dma_start3A_301 : memref<1x128xi32, #tpu.memory_space<vmem>> -> memref<128xi32, #tpu.memory_space<vmem>>
        %dma_start3A_303 = arith.constant 0 : i32
        %dma_start3A_304 = tpu.memref_slice %arg14[%dma_start3A_303] : memref<10240xf32, #tpu.memory_space<vmem_shared>> -> memref<10240xf32, #tpu.memory_space<vmem_shared>>
        tpu.enqueue_indirect_dma source(%arg13 : memref<128xf32, #tpu.memory_space<vmem>>) target(%dma_start3A_304 : memref<10240xf32, #tpu.memory_space<vmem_shared>>) offsets(%dma_start3A_302 : memref<128xi32, #tpu.memory_space<vmem>>) semaphore(%run_scoped3A_299 : memref<!tpu.dma_semaphore, #tpu.memory_space<semaphore_mem>>) {add = true}
        %dma_wait3A_305 = arith.constant 0 : i32
        %dma_wait3A_306 = tpu.memref_slice %arg8[%run_scoped3A_229, %dma_wait3A_305] : memref<8x128xi32, #tpu.memory_space<vmem>> -> memref<1x128xi32, #tpu.memory_space<vmem>>
        %dma_wait3A_307 = tpu.memref_squeeze %dma_wait3A_306 : memref<1x128xi32, #tpu.memory_space<vmem>> -> memref<128xi32, #tpu.memory_space<vmem>>
        %dma_wait3A_308 = arith.constant 0 : i32
        %dma_wait3A_309 = tpu.memref_slice %arg14[%dma_wait3A_308] : memref<10240xf32, #tpu.memory_space<vmem_shared>> -> memref<10240xf32, #tpu.memory_space<vmem_shared>>
        tpu.wait_indirect_dma semaphore(%run_scoped3A_299 : memref<!tpu.dma_semaphore, #tpu.memory_space<semaphore_mem>>) src(%arg13 : memref<128xf32, #tpu.memory_space<vmem>>) dst(%dma_wait3A_309 : memref<10240xf32, #tpu.memory_space<vmem_shared>>)
        tpu.yield
      }) : () -> ()
      %dma_start3A_230 = arith.constant 6 : i32
      %dma_start3A_231 = arith.constant 0 : i32
      %dma_start3A_232 = arith.constant 0 : i32
      %dma_start3A_233 = arith.constant 0 : i32
      %dma_start3A_234 = tpu.memref_slice %arg9[%dma_start3A_231, %dma_start3A_232, %dma_start3A_233] : memref<2x128x128xf32, #tpu.memory_space<vmem>> -> memref<1x128x128xf32, #tpu.memory_space<vmem>>
      %dma_start3A_235 = tpu.memref_squeeze %dma_start3A_234 : memref<1x128x128xf32, #tpu.memory_space<vmem>> -> memref<128x128xf32, #tpu.memory_space<vmem>>
      %dma_start3A_236 = arith.constant 0 : i32
      %dma_start3A_237 = tpu.memref_slice %arg7[%dma_start3A_230, %dma_start3A_236] : memref<8x128xi32, #tpu.memory_space<vmem>> -> memref<1x128xi32, #tpu.memory_space<vmem>>
      %dma_start3A_238 = tpu.memref_squeeze %dma_start3A_237 : memref<1x128xi32, #tpu.memory_space<vmem>> -> memref<128xi32, #tpu.memory_space<vmem>>
      %dma_start3A_239 = arith.constant 0 : i32
      %dma_start3A_240 = arith.constant 0 : i32
      %dma_start3A_241 = tpu.memref_slice %arg2[%dma_start3A_239, %dma_start3A_240] : memref<10000x128xf32, #tpu.memory_space<hbm>> -> memref<10000x128xf32, #tpu.memory_space<hbm>>
      tpu.enqueue_indirect_dma source(%dma_start3A_241 : memref<10000x128xf32, #tpu.memory_space<hbm>>) target(%dma_start3A_235 : memref<128x128xf32, #tpu.memory_space<vmem>>) offsets(%dma_start3A_238 : memref<128xi32, #tpu.memory_space<vmem>>) semaphore(%arg11 : memref<!tpu.dma_semaphore, #tpu.memory_space<semaphore_mem>>)
      %dma_wait3A_242 = arith.constant 5 : i32
      %dma_wait3A_243 = arith.constant 1 : i32
      %dma_wait3A_244 = arith.constant 0 : i32
      %dma_wait3A_245 = arith.constant 0 : i32
      %dma_wait3A_246 = tpu.memref_slice %arg9[%dma_wait3A_243, %dma_wait3A_244, %dma_wait3A_245] : memref<2x128x128xf32, #tpu.memory_space<vmem>> -> memref<1x128x128xf32, #tpu.memory_space<vmem>>
      %dma_wait3A_247 = tpu.memref_squeeze %dma_wait3A_246 : memref<1x128x128xf32, #tpu.memory_space<vmem>> -> memref<128x128xf32, #tpu.memory_space<vmem>>
      %dma_wait3A_248 = arith.constant 0 : i32
      %dma_wait3A_249 = tpu.memref_slice %arg7[%dma_wait3A_242, %dma_wait3A_248] : memref<8x128xi32, #tpu.memory_space<vmem>> -> memref<1x128xi32, #tpu.memory_space<vmem>>
      %dma_wait3A_250 = tpu.memref_squeeze %dma_wait3A_249 : memref<1x128xi32, #tpu.memory_space<vmem>> -> memref<128xi32, #tpu.memory_space<vmem>>
      %dma_wait3A_251 = arith.constant 0 : i32
      %dma_wait3A_252 = arith.constant 0 : i32
      %dma_wait3A_253 = tpu.memref_slice %arg2[%dma_wait3A_251, %dma_wait3A_252] : memref<10000x128xf32, #tpu.memory_space<hbm>> -> memref<10000x128xf32, #tpu.memory_space<hbm>>
      tpu.wait_indirect_dma semaphore(%arg12 : memref<!tpu.dma_semaphore, #tpu.memory_space<semaphore_mem>>) src(%dma_wait3A_253 : memref<10000x128xf32, #tpu.memory_space<hbm>>) dst(%dma_wait3A_247 : memref<128x128xf32, #tpu.memory_space<vmem>>)
      %run_scoped3A_254 = arith.constant 1 : i32
      %run_scoped3A_255 = arith.constant 5 : i32
      "tpu.region"() ({
        %run_scoped3A_299 = tpu.sem_alloc : memref<!tpu.dma_semaphore, #tpu.memory_space<semaphore_mem>>
        %dma_start3A_300 = arith.constant 0 : i32
        %dma_start3A_301 = arith.constant 0 : i32
        %dma_start3A_302 = tpu.memref_slice %arg9[%run_scoped3A_254, %dma_start3A_300, %dma_start3A_301] : memref<2x128x128xf32, #tpu.memory_space<vmem>> -> memref<1x128x128xf32, #tpu.memory_space<vmem>>
        %dma_start3A_303 = tpu.memref_squeeze %dma_start3A_302 : memref<1x128x128xf32, #tpu.memory_space<vmem>> -> memref<128x128xf32, #tpu.memory_space<vmem>>
        %dma_start3A_304 = arith.constant 0 : i32
        %dma_start3A_305 = tpu.memref_slice %arg8[%run_scoped3A_255, %dma_start3A_304] : memref<8x128xi32, #tpu.memory_space<vmem>> -> memref<1x128xi32, #tpu.memory_space<vmem>>
        %dma_start3A_306 = tpu.memref_squeeze %dma_start3A_305 : memref<1x128xi32, #tpu.memory_space<vmem>> -> memref<128xi32, #tpu.memory_space<vmem>>
        %dma_start3A_307 = arith.constant 0 : i32
        %dma_start3A_308 = arith.constant 0 : i32
        %dma_start3A_309 = tpu.memref_slice %arg10[%dma_start3A_307, %dma_start3A_308] : memref<10240x128xf32, #tpu.memory_space<vmem_shared>> -> memref<10240x128xf32, #tpu.memory_space<vmem_shared>>
        tpu.enqueue_indirect_dma source(%dma_start3A_303 : memref<128x128xf32, #tpu.memory_space<vmem>>) target(%dma_start3A_309 : memref<10240x128xf32, #tpu.memory_space<vmem_shared>>) offsets(%dma_start3A_306 : memref<128xi32, #tpu.memory_space<vmem>>) semaphore(%run_scoped3A_299 : memref<!tpu.dma_semaphore, #tpu.memory_space<semaphore_mem>>) {add = true}
        %dma_wait3A_310 = arith.constant 0 : i32
        %dma_wait3A_311 = arith.constant 0 : i32
        %dma_wait3A_312 = tpu.memref_slice %arg9[%run_scoped3A_254, %dma_wait3A_310, %dma_wait3A_311] : memref<2x128x128xf32, #tpu.memory_space<vmem>> -> memref<1x128x128xf32, #tpu.memory_space<vmem>>
        %dma_wait3A_313 = tpu.memref_squeeze %dma_wait3A_312 : memref<1x128x128xf32, #tpu.memory_space<vmem>> -> memref<128x128xf32, #tpu.memory_space<vmem>>
        %dma_wait3A_314 = arith.constant 0 : i32
        %dma_wait3A_315 = tpu.memref_slice %arg8[%run_scoped3A_255, %dma_wait3A_314] : memref<8x128xi32, #tpu.memory_space<vmem>> -> memref<1x128xi32, #tpu.memory_space<vmem>>
        %dma_wait3A_316 = tpu.memref_squeeze %dma_wait3A_315 : memref<1x128xi32, #tpu.memory_space<vmem>> -> memref<128xi32, #tpu.memory_space<vmem>>
        %dma_wait3A_317 = arith.constant 0 : i32
        %dma_wait3A_318 = arith.constant 0 : i32
        %dma_wait3A_319 = tpu.memref_slice %arg10[%dma_wait3A_317, %dma_wait3A_318] : memref<10240x128xf32, #tpu.memory_space<vmem_shared>> -> memref<10240x128xf32, #tpu.memory_space<vmem_shared>>
        tpu.wait_indirect_dma semaphore(%run_scoped3A_299 : memref<!tpu.dma_semaphore, #tpu.memory_space<semaphore_mem>>) src(%dma_wait3A_313 : memref<128x128xf32, #tpu.memory_space<vmem>>) dst(%dma_wait3A_319 : memref<10240x128xf32, #tpu.memory_space<vmem_shared>>)
        tpu.yield
      }) : () -> ()
      %run_scoped3A_256 = arith.constant 5 : i32
      "tpu.region"() ({
        %run_scoped3A_299 = tpu.sem_alloc : memref<!tpu.dma_semaphore, #tpu.memory_space<semaphore_mem>>
        %dma_start3A_300 = arith.constant 0 : i32
        %dma_start3A_301 = tpu.memref_slice %arg8[%run_scoped3A_256, %dma_start3A_300] : memref<8x128xi32, #tpu.memory_space<vmem>> -> memref<1x128xi32, #tpu.memory_space<vmem>>
        %dma_start3A_302 = tpu.memref_squeeze %dma_start3A_301 : memref<1x128xi32, #tpu.memory_space<vmem>> -> memref<128xi32, #tpu.memory_space<vmem>>
        %dma_start3A_303 = arith.constant 0 : i32
        %dma_start3A_304 = tpu.memref_slice %arg14[%dma_start3A_303] : memref<10240xf32, #tpu.memory_space<vmem_shared>> -> memref<10240xf32, #tpu.memory_space<vmem_shared>>
        tpu.enqueue_indirect_dma source(%arg13 : memref<128xf32, #tpu.memory_space<vmem>>) target(%dma_start3A_304 : memref<10240xf32, #tpu.memory_space<vmem_shared>>) offsets(%dma_start3A_302 : memref<128xi32, #tpu.memory_space<vmem>>) semaphore(%run_scoped3A_299 : memref<!tpu.dma_semaphore, #tpu.memory_space<semaphore_mem>>) {add = true}
        %dma_wait3A_305 = arith.constant 0 : i32
        %dma_wait3A_306 = tpu.memref_slice %arg8[%run_scoped3A_256, %dma_wait3A_305] : memref<8x128xi32, #tpu.memory_space<vmem>> -> memref<1x128xi32, #tpu.memory_space<vmem>>
        %dma_wait3A_307 = tpu.memref_squeeze %dma_wait3A_306 : memref<1x128xi32, #tpu.memory_space<vmem>> -> memref<128xi32, #tpu.memory_space<vmem>>
        %dma_wait3A_308 = arith.constant 0 : i32
        %dma_wait3A_309 = tpu.memref_slice %arg14[%dma_wait3A_308] : memref<10240xf32, #tpu.memory_space<vmem_shared>> -> memref<10240xf32, #tpu.memory_space<vmem_shared>>
        tpu.wait_indirect_dma semaphore(%run_scoped3A_299 : memref<!tpu.dma_semaphore, #tpu.memory_space<semaphore_mem>>) src(%arg13 : memref<128xf32, #tpu.memory_space<vmem>>) dst(%dma_wait3A_309 : memref<10240xf32, #tpu.memory_space<vmem_shared>>)
        tpu.yield
      }) : () -> ()
      %dma_start3A_257 = arith.constant 7 : i32
      %dma_start3A_258 = arith.constant 1 : i32
      %dma_start3A_259 = arith.constant 0 : i32
      %dma_start3A_260 = arith.constant 0 : i32
      %dma_start3A_261 = tpu.memref_slice %arg9[%dma_start3A_258, %dma_start3A_259, %dma_start3A_260] : memref<2x128x128xf32, #tpu.memory_space<vmem>> -> memref<1x128x128xf32, #tpu.memory_space<vmem>>
      %dma_start3A_262 = tpu.memref_squeeze %dma_start3A_261 : memref<1x128x128xf32, #tpu.memory_space<vmem>> -> memref<128x128xf32, #tpu.memory_space<vmem>>
      %dma_start3A_263 = arith.constant 0 : i32
      %dma_start3A_264 = tpu.memref_slice %arg7[%dma_start3A_257, %dma_start3A_263] : memref<8x128xi32, #tpu.memory_space<vmem>> -> memref<1x128xi32, #tpu.memory_space<vmem>>
      %dma_start3A_265 = tpu.memref_squeeze %dma_start3A_264 : memref<1x128xi32, #tpu.memory_space<vmem>> -> memref<128xi32, #tpu.memory_space<vmem>>
      %dma_start3A_266 = arith.constant 0 : i32
      %dma_start3A_267 = arith.constant 0 : i32
      %dma_start3A_268 = tpu.memref_slice %arg2[%dma_start3A_266, %dma_start3A_267] : memref<10000x128xf32, #tpu.memory_space<hbm>> -> memref<10000x128xf32, #tpu.memory_space<hbm>>
      tpu.enqueue_indirect_dma source(%dma_start3A_268 : memref<10000x128xf32, #tpu.memory_space<hbm>>) target(%dma_start3A_262 : memref<128x128xf32, #tpu.memory_space<vmem>>) offsets(%dma_start3A_265 : memref<128xi32, #tpu.memory_space<vmem>>) semaphore(%arg12 : memref<!tpu.dma_semaphore, #tpu.memory_space<semaphore_mem>>)
      %dma_wait3A_269 = arith.constant 6 : i32
      %dma_wait3A_270 = arith.constant 0 : i32
      %dma_wait3A_271 = arith.constant 0 : i32
      %dma_wait3A_272 = arith.constant 0 : i32
      %dma_wait3A_273 = tpu.memref_slice %arg9[%dma_wait3A_270, %dma_wait3A_271, %dma_wait3A_272] : memref<2x128x128xf32, #tpu.memory_space<vmem>> -> memref<1x128x128xf32, #tpu.memory_space<vmem>>
      %dma_wait3A_274 = tpu.memref_squeeze %dma_wait3A_273 : memref<1x128x128xf32, #tpu.memory_space<vmem>> -> memref<128x128xf32, #tpu.memory_space<vmem>>
      %dma_wait3A_275 = arith.constant 0 : i32
      %dma_wait3A_276 = tpu.memref_slice %arg7[%dma_wait3A_269, %dma_wait3A_275] : memref<8x128xi32, #tpu.memory_space<vmem>> -> memref<1x128xi32, #tpu.memory_space<vmem>>
      %dma_wait3A_277 = tpu.memref_squeeze %dma_wait3A_276 : memref<1x128xi32, #tpu.memory_space<vmem>> -> memref<128xi32, #tpu.memory_space<vmem>>
      %dma_wait3A_278 = arith.constant 0 : i32
      %dma_wait3A_279 = arith.constant 0 : i32
      %dma_wait3A_280 = tpu.memref_slice %arg2[%dma_wait3A_278, %dma_wait3A_279] : memref<10000x128xf32, #tpu.memory_space<hbm>> -> memref<10000x128xf32, #tpu.memory_space<hbm>>
      tpu.wait_indirect_dma semaphore(%arg11 : memref<!tpu.dma_semaphore, #tpu.memory_space<semaphore_mem>>) src(%dma_wait3A_280 : memref<10000x128xf32, #tpu.memory_space<hbm>>) dst(%dma_wait3A_274 : memref<128x128xf32, #tpu.memory_space<vmem>>)
      %run_scoped3A_281 = arith.constant 0 : i32
      %run_scoped3A_282 = arith.constant 6 : i32
      "tpu.region"() ({
        %run_scoped3A_299 = tpu.sem_alloc : memref<!tpu.dma_semaphore, #tpu.memory_space<semaphore_mem>>
        %dma_start3A_300 = arith.constant 0 : i32
        %dma_start3A_301 = arith.constant 0 : i32
        %dma_start3A_302 = tpu.memref_slice %arg9[%run_scoped3A_281, %dma_start3A_300, %dma_start3A_301] : memref<2x128x128xf32, #tpu.memory_space<vmem>> -> memref<1x128x128xf32, #tpu.memory_space<vmem>>
        %dma_start3A_303 = tpu.memref_squeeze %dma_start3A_302 : memref<1x128x128xf32, #tpu.memory_space<vmem>> -> memref<128x128xf32, #tpu.memory_space<vmem>>
        %dma_start3A_304 = arith.constant 0 : i32
        %dma_start3A_305 = tpu.memref_slice %arg8[%run_scoped3A_282, %dma_start3A_304] : memref<8x128xi32, #tpu.memory_space<vmem>> -> memref<1x128xi32, #tpu.memory_space<vmem>>
        %dma_start3A_306 = tpu.memref_squeeze %dma_start3A_305 : memref<1x128xi32, #tpu.memory_space<vmem>> -> memref<128xi32, #tpu.memory_space<vmem>>
        %dma_start3A_307 = arith.constant 0 : i32
        %dma_start3A_308 = arith.constant 0 : i32
        %dma_start3A_309 = tpu.memref_slice %arg10[%dma_start3A_307, %dma_start3A_308] : memref<10240x128xf32, #tpu.memory_space<vmem_shared>> -> memref<10240x128xf32, #tpu.memory_space<vmem_shared>>
        tpu.enqueue_indirect_dma source(%dma_start3A_303 : memref<128x128xf32, #tpu.memory_space<vmem>>) target(%dma_start3A_309 : memref<10240x128xf32, #tpu.memory_space<vmem_shared>>) offsets(%dma_start3A_306 : memref<128xi32, #tpu.memory_space<vmem>>) semaphore(%run_scoped3A_299 : memref<!tpu.dma_semaphore, #tpu.memory_space<semaphore_mem>>) {add = true}
        %dma_wait3A_310 = arith.constant 0 : i32
        %dma_wait3A_311 = arith.constant 0 : i32
        %dma_wait3A_312 = tpu.memref_slice %arg9[%run_scoped3A_281, %dma_wait3A_310, %dma_wait3A_311] : memref<2x128x128xf32, #tpu.memory_space<vmem>> -> memref<1x128x128xf32, #tpu.memory_space<vmem>>
        %dma_wait3A_313 = tpu.memref_squeeze %dma_wait3A_312 : memref<1x128x128xf32, #tpu.memory_space<vmem>> -> memref<128x128xf32, #tpu.memory_space<vmem>>
        %dma_wait3A_314 = arith.constant 0 : i32
        %dma_wait3A_315 = tpu.memref_slice %arg8[%run_scoped3A_282, %dma_wait3A_314] : memref<8x128xi32, #tpu.memory_space<vmem>> -> memref<1x128xi32, #tpu.memory_space<vmem>>
        %dma_wait3A_316 = tpu.memref_squeeze %dma_wait3A_315 : memref<1x128xi32, #tpu.memory_space<vmem>> -> memref<128xi32, #tpu.memory_space<vmem>>
        %dma_wait3A_317 = arith.constant 0 : i32
        %dma_wait3A_318 = arith.constant 0 : i32
        %dma_wait3A_319 = tpu.memref_slice %arg10[%dma_wait3A_317, %dma_wait3A_318] : memref<10240x128xf32, #tpu.memory_space<vmem_shared>> -> memref<10240x128xf32, #tpu.memory_space<vmem_shared>>
        tpu.wait_indirect_dma semaphore(%run_scoped3A_299 : memref<!tpu.dma_semaphore, #tpu.memory_space<semaphore_mem>>) src(%dma_wait3A_313 : memref<128x128xf32, #tpu.memory_space<vmem>>) dst(%dma_wait3A_319 : memref<10240x128xf32, #tpu.memory_space<vmem_shared>>)
        tpu.yield
      }) : () -> ()
      %run_scoped3A_283 = arith.constant 6 : i32
      "tpu.region"() ({
        %run_scoped3A_299 = tpu.sem_alloc : memref<!tpu.dma_semaphore, #tpu.memory_space<semaphore_mem>>
        %dma_start3A_300 = arith.constant 0 : i32
        %dma_start3A_301 = tpu.memref_slice %arg8[%run_scoped3A_283, %dma_start3A_300] : memref<8x128xi32, #tpu.memory_space<vmem>> -> memref<1x128xi32, #tpu.memory_space<vmem>>
        %dma_start3A_302 = tpu.memref_squeeze %dma_start3A_301 : memref<1x128xi32, #tpu.memory_space<vmem>> -> memref<128xi32, #tpu.memory_space<vmem>>
        %dma_start3A_303 = arith.constant 0 : i32
        %dma_start3A_304 = tpu.memref_slice %arg14[%dma_start3A_303] : memref<10240xf32, #tpu.memory_space<vmem_shared>> -> memref<10240xf32, #tpu.memory_space<vmem_shared>>
        tpu.enqueue_indirect_dma source(%arg13 : memref<128xf32, #tpu.memory_space<vmem>>) target(%dma_start3A_304 : memref<10240xf32, #tpu.memory_space<vmem_shared>>) offsets(%dma_start3A_302 : memref<128xi32, #tpu.memory_space<vmem>>) semaphore(%run_scoped3A_299 : memref<!tpu.dma_semaphore, #tpu.memory_space<semaphore_mem>>) {add = true}
        %dma_wait3A_305 = arith.constant 0 : i32
        %dma_wait3A_306 = tpu.memref_slice %arg8[%run_scoped3A_283, %dma_wait3A_305] : memref<8x128xi32, #tpu.memory_space<vmem>> -> memref<1x128xi32, #tpu.memory_space<vmem>>
        %dma_wait3A_307 = tpu.memref_squeeze %dma_wait3A_306 : memref<1x128xi32, #tpu.memory_space<vmem>> -> memref<128xi32, #tpu.memory_space<vmem>>
        %dma_wait3A_308 = arith.constant 0 : i32
        %dma_wait3A_309 = tpu.memref_slice %arg14[%dma_wait3A_308] : memref<10240xf32, #tpu.memory_space<vmem_shared>> -> memref<10240xf32, #tpu.memory_space<vmem_shared>>
        tpu.wait_indirect_dma semaphore(%run_scoped3A_299 : memref<!tpu.dma_semaphore, #tpu.memory_space<semaphore_mem>>) src(%arg13 : memref<128xf32, #tpu.memory_space<vmem>>) dst(%dma_wait3A_309 : memref<10240xf32, #tpu.memory_space<vmem_shared>>)
        tpu.yield
      }) : () -> ()
      %dma_wait3A_284 = arith.constant 7 : i32
      %dma_wait3A_285 = arith.constant 1 : i32
      %dma_wait3A_286 = arith.constant 0 : i32
      %dma_wait3A_287 = arith.constant 0 : i32
      %dma_wait3A_288 = tpu.memref_slice %arg9[%dma_wait3A_285, %dma_wait3A_286, %dma_wait3A_287] : memref<2x128x128xf32, #tpu.memory_space<vmem>> -> memref<1x128x128xf32, #tpu.memory_space<vmem>>
      %dma_wait3A_289 = tpu.memref_squeeze %dma_wait3A_288 : memref<1x128x128xf32, #tpu.memory_space<vmem>> -> memref<128x128xf32, #tpu.memory_space<vmem>>
      %dma_wait3A_290 = arith.constant 0 : i32
      %dma_wait3A_291 = tpu.memref_slice %arg7[%dma_wait3A_284, %dma_wait3A_290] : memref<8x128xi32, #tpu.memory_space<vmem>> -> memref<1x128xi32, #tpu.memory_space<vmem>>
      %dma_wait3A_292 = tpu.memref_squeeze %dma_wait3A_291 : memref<1x128xi32, #tpu.memory_space<vmem>> -> memref<128xi32, #tpu.memory_space<vmem>>
      %dma_wait3A_293 = arith.constant 0 : i32
      %dma_wait3A_294 = arith.constant 0 : i32
      %dma_wait3A_295 = tpu.memref_slice %arg2[%dma_wait3A_293, %dma_wait3A_294] : memref<10000x128xf32, #tpu.memory_space<hbm>> -> memref<10000x128xf32, #tpu.memory_space<hbm>>
      tpu.wait_indirect_dma semaphore(%arg12 : memref<!tpu.dma_semaphore, #tpu.memory_space<semaphore_mem>>) src(%dma_wait3A_295 : memref<10000x128xf32, #tpu.memory_space<hbm>>) dst(%dma_wait3A_289 : memref<128x128xf32, #tpu.memory_space<vmem>>)
      %run_scoped3A_296 = arith.constant 1 : i32
      %run_scoped3A_297 = arith.constant 7 : i32
      "tpu.region"() ({
        %run_scoped3A_299 = tpu.sem_alloc : memref<!tpu.dma_semaphore, #tpu.memory_space<semaphore_mem>>
        %dma_start3A_300 = arith.constant 0 : i32
        %dma_start3A_301 = arith.constant 0 : i32
        %dma_start3A_302 = tpu.memref_slice %arg9[%run_scoped3A_296, %dma_start3A_300, %dma_start3A_301] : memref<2x128x128xf32, #tpu.memory_space<vmem>> -> memref<1x128x128xf32, #tpu.memory_space<vmem>>
        %dma_start3A_303 = tpu.memref_squeeze %dma_start3A_302 : memref<1x128x128xf32, #tpu.memory_space<vmem>> -> memref<128x128xf32, #tpu.memory_space<vmem>>
        %dma_start3A_304 = arith.constant 0 : i32
        %dma_start3A_305 = tpu.memref_slice %arg8[%run_scoped3A_297, %dma_start3A_304] : memref<8x128xi32, #tpu.memory_space<vmem>> -> memref<1x128xi32, #tpu.memory_space<vmem>>
        %dma_start3A_306 = tpu.memref_squeeze %dma_start3A_305 : memref<1x128xi32, #tpu.memory_space<vmem>> -> memref<128xi32, #tpu.memory_space<vmem>>
        %dma_start3A_307 = arith.constant 0 : i32
        %dma_start3A_308 = arith.constant 0 : i32
        %dma_start3A_309 = tpu.memref_slice %arg10[%dma_start3A_307, %dma_start3A_308] : memref<10240x128xf32, #tpu.memory_space<vmem_shared>> -> memref<10240x128xf32, #tpu.memory_space<vmem_shared>>
        tpu.enqueue_indirect_dma source(%dma_start3A_303 : memref<128x128xf32, #tpu.memory_space<vmem>>) target(%dma_start3A_309 : memref<10240x128xf32, #tpu.memory_space<vmem_shared>>) offsets(%dma_start3A_306 : memref<128xi32, #tpu.memory_space<vmem>>) semaphore(%run_scoped3A_299 : memref<!tpu.dma_semaphore, #tpu.memory_space<semaphore_mem>>) {add = true}
        %dma_wait3A_310 = arith.constant 0 : i32
        %dma_wait3A_311 = arith.constant 0 : i32
        %dma_wait3A_312 = tpu.memref_slice %arg9[%run_scoped3A_296, %dma_wait3A_310, %dma_wait3A_311] : memref<2x128x128xf32, #tpu.memory_space<vmem>> -> memref<1x128x128xf32, #tpu.memory_space<vmem>>
        %dma_wait3A_313 = tpu.memref_squeeze %dma_wait3A_312 : memref<1x128x128xf32, #tpu.memory_space<vmem>> -> memref<128x128xf32, #tpu.memory_space<vmem>>
        %dma_wait3A_314 = arith.constant 0 : i32
        %dma_wait3A_315 = tpu.memref_slice %arg8[%run_scoped3A_297, %dma_wait3A_314] : memref<8x128xi32, #tpu.memory_space<vmem>> -> memref<1x128xi32, #tpu.memory_space<vmem>>
        %dma_wait3A_316 = tpu.memref_squeeze %dma_wait3A_315 : memref<1x128xi32, #tpu.memory_space<vmem>> -> memref<128xi32, #tpu.memory_space<vmem>>
        %dma_wait3A_317 = arith.constant 0 : i32
        %dma_wait3A_318 = arith.constant 0 : i32
        %dma_wait3A_319 = tpu.memref_slice %arg10[%dma_wait3A_317, %dma_wait3A_318] : memref<10240x128xf32, #tpu.memory_space<vmem_shared>> -> memref<10240x128xf32, #tpu.memory_space<vmem_shared>>
        tpu.wait_indirect_dma semaphore(%run_scoped3A_299 : memref<!tpu.dma_semaphore, #tpu.memory_space<semaphore_mem>>) src(%dma_wait3A_313 : memref<128x128xf32, #tpu.memory_space<vmem>>) dst(%dma_wait3A_319 : memref<10240x128xf32, #tpu.memory_space<vmem_shared>>)
        tpu.yield
      }) : () -> ()
      %run_scoped3A_298 = arith.constant 7 : i32
      "tpu.region"() ({
        %run_scoped3A_299 = tpu.sem_alloc : memref<!tpu.dma_semaphore, #tpu.memory_space<semaphore_mem>>
        %dma_start3A_300 = arith.constant 0 : i32
        %dma_start3A_301 = tpu.memref_slice %arg8[%run_scoped3A_298, %dma_start3A_300] : memref<8x128xi32, #tpu.memory_space<vmem>> -> memref<1x128xi32, #tpu.memory_space<vmem>>
        %dma_start3A_302 = tpu.memref_squeeze %dma_start3A_301 : memref<1x128xi32, #tpu.memory_space<vmem>> -> memref<128xi32, #tpu.memory_space<vmem>>
        %dma_start3A_303 = arith.constant 0 : i32
        %dma_start3A_304 = tpu.memref_slice %arg14[%dma_start3A_303] : memref<10240xf32, #tpu.memory_space<vmem_shared>> -> memref<10240xf32, #tpu.memory_space<vmem_shared>>
        tpu.enqueue_indirect_dma source(%arg13 : memref<128xf32, #tpu.memory_space<vmem>>) target(%dma_start3A_304 : memref<10240xf32, #tpu.memory_space<vmem_shared>>) offsets(%dma_start3A_302 : memref<128xi32, #tpu.memory_space<vmem>>) semaphore(%run_scoped3A_299 : memref<!tpu.dma_semaphore, #tpu.memory_space<semaphore_mem>>) {add = true}
        %dma_wait3A_305 = arith.constant 0 : i32
        %dma_wait3A_306 = tpu.memref_slice %arg8[%run_scoped3A_298, %dma_wait3A_305] : memref<8x128xi32, #tpu.memory_space<vmem>> -> memref<1x128xi32, #tpu.memory_space<vmem>>
        %dma_wait3A_307 = tpu.memref_squeeze %dma_wait3A_306 : memref<1x128xi32, #tpu.memory_space<vmem>> -> memref<128xi32, #tpu.memory_space<vmem>>
        %dma_wait3A_308 = arith.constant 0 : i32
        %dma_wait3A_309 = tpu.memref_slice %arg14[%dma_wait3A_308] : memref<10240xf32, #tpu.memory_space<vmem_shared>> -> memref<10240xf32, #tpu.memory_space<vmem_shared>>
        tpu.wait_indirect_dma semaphore(%run_scoped3A_299 : memref<!tpu.dma_semaphore, #tpu.memory_space<semaphore_mem>>) src(%arg13 : memref<128xf32, #tpu.memory_space<vmem>>) dst(%dma_wait3A_309 : memref<10240xf32, #tpu.memory_space<vmem_shared>>)
        tpu.yield
      }) : () -> ()
    }
    %while3A_76 = arith.constant 1 : i32
    scf.for %while3A_81 = %while3A_74 to %while3A_70 step %while3A_76  : i32 {
      %add3A_82 = arith.addi %add3A, %while3A_81 : i32
      %mul3A_83 = arith.constant 8 : i32
      %mul3A_84 = arith.muli %add3A_82, %mul3A_83 : i32
      "tpu.region"() ({
        %run_scoped3A_299 = tpu.sem_alloc : memref<!tpu.dma_semaphore, #tpu.memory_space<semaphore_mem>>
        %dma_start3A_300 = arith.constant 0 : i32
        %dma_start3A_301 = tpu.memref_slice %arg3[%mul3A_84, %dma_start3A_300] : memref<2560x128xi32, #tpu.memory_space<hbm>> -> memref<8x128xi32, #tpu.memory_space<hbm>>
        %dma_start3A_302 = arith.constant 0 : i32
        %dma_start3A_303 = tpu.memref_slice %arg3[%mul3A_84, %dma_start3A_302] : memref<2560x128xi32, #tpu.memory_space<hbm>> -> memref<8x128xi32, #tpu.memory_space<hbm>>
        tpu.enqueue_dma source(%dma_start3A_303 : memref<8x128xi32, #tpu.memory_space<hbm>>) target(%arg7 : memref<8x128xi32, #tpu.memory_space<vmem>>) target_semaphore(%run_scoped3A_299 : memref<!tpu.dma_semaphore, #tpu.memory_space<semaphore_mem>>)
        %dma_wait3A_304 = arith.constant 0 : i32
        %dma_wait3A_305 = tpu.memref_slice %arg3[%mul3A_84, %dma_wait3A_304] : memref<2560x128xi32, #tpu.memory_space<hbm>> -> memref<8x128xi32, #tpu.memory_space<hbm>>
        %dma_wait3A_306 = arith.constant 0 : i32
        %dma_wait3A_307 = tpu.memref_slice %arg3[%mul3A_84, %dma_wait3A_306] : memref<2560x128xi32, #tpu.memory_space<hbm>> -> memref<8x128xi32, #tpu.memory_space<hbm>>
        tpu.wait_dma2 semaphore(%run_scoped3A_299 : memref<!tpu.dma_semaphore, #tpu.memory_space<semaphore_mem>>) src(%dma_wait3A_307 : memref<8x128xi32, #tpu.memory_space<hbm>>) dst(%arg7 : memref<8x128xi32, #tpu.memory_space<vmem>>)
        tpu.yield
      }) : () -> ()
      "tpu.region"() ({
        %run_scoped3A_299 = tpu.sem_alloc : memref<!tpu.dma_semaphore, #tpu.memory_space<semaphore_mem>>
        %dma_start3A_300 = arith.constant 0 : i32
        %dma_start3A_301 = tpu.memref_slice %arg4[%mul3A_84, %dma_start3A_300] : memref<2560x128xi32, #tpu.memory_space<hbm>> -> memref<8x128xi32, #tpu.memory_space<hbm>>
        %dma_start3A_302 = arith.constant 0 : i32
        %dma_start3A_303 = tpu.memref_slice %arg4[%mul3A_84, %dma_start3A_302] : memref<2560x128xi32, #tpu.memory_space<hbm>> -> memref<8x128xi32, #tpu.memory_space<hbm>>
        tpu.enqueue_dma source(%dma_start3A_303 : memref<8x128xi32, #tpu.memory_space<hbm>>) target(%arg8 : memref<8x128xi32, #tpu.memory_space<vmem>>) target_semaphore(%run_scoped3A_299 : memref<!tpu.dma_semaphore, #tpu.memory_space<semaphore_mem>>)
        %dma_wait3A_304 = arith.constant 0 : i32
        %dma_wait3A_305 = tpu.memref_slice %arg4[%mul3A_84, %dma_wait3A_304] : memref<2560x128xi32, #tpu.memory_space<hbm>> -> memref<8x128xi32, #tpu.memory_space<hbm>>
        %dma_wait3A_306 = arith.constant 0 : i32
        %dma_wait3A_307 = tpu.memref_slice %arg4[%mul3A_84, %dma_wait3A_306] : memref<2560x128xi32, #tpu.memory_space<hbm>> -> memref<8x128xi32, #tpu.memory_space<hbm>>
        tpu.wait_dma2 semaphore(%run_scoped3A_299 : memref<!tpu.dma_semaphore, #tpu.memory_space<semaphore_mem>>) src(%dma_wait3A_307 : memref<8x128xi32, #tpu.memory_space<hbm>>) dst(%arg8 : memref<8x128xi32, #tpu.memory_space<vmem>>)
        tpu.yield
      }) : () -> ()
      %dma_start3A = arith.constant 0 : i32
      %dma_start3A_85 = arith.constant 0 : i32
      %dma_start3A_86 = arith.constant 0 : i32
      %dma_start3A_87 = arith.constant 0 : i32
      %dma_start3A_88 = tpu.memref_slice %arg9[%dma_start3A_85, %dma_start3A_86, %dma_start3A_87] : memref<2x128x128xf32, #tpu.memory_space<vmem>> -> memref<1x128x128xf32, #tpu.memory_space<vmem>>
      %dma_start3A_89 = tpu.memref_squeeze %dma_start3A_88 : memref<1x128x128xf32, #tpu.memory_space<vmem>> -> memref<128x128xf32, #tpu.memory_space<vmem>>
      %dma_start3A_90 = arith.constant 0 : i32
      %dma_start3A_91 = tpu.memref_slice %arg7[%dma_start3A, %dma_start3A_90] : memref<8x128xi32, #tpu.memory_space<vmem>> -> memref<1x128xi32, #tpu.memory_space<vmem>>
      %dma_start3A_92 = tpu.memref_squeeze %dma_start3A_91 : memref<1x128xi32, #tpu.memory_space<vmem>> -> memref<128xi32, #tpu.memory_space<vmem>>
      %dma_start3A_93 = arith.constant 0 : i32
      %dma_start3A_94 = arith.constant 0 : i32
      %dma_start3A_95 = tpu.memref_slice %arg2[%dma_start3A_93, %dma_start3A_94] : memref<10000x128xf32, #tpu.memory_space<hbm>> -> memref<10000x128xf32, #tpu.memory_space<hbm>>
      tpu.enqueue_indirect_dma source(%dma_start3A_95 : memref<10000x128xf32, #tpu.memory_space<hbm>>) target(%dma_start3A_89 : memref<128x128xf32, #tpu.memory_space<vmem>>) offsets(%dma_start3A_92 : memref<128xi32, #tpu.memory_space<vmem>>) semaphore(%arg11 : memref<!tpu.dma_semaphore, #tpu.memory_space<semaphore_mem>>)
      %dma_start3A_96 = arith.constant 1 : i32
      %dma_start3A_97 = arith.constant 1 : i32
      %dma_start3A_98 = arith.constant 0 : i32
      %dma_start3A_99 = arith.constant 0 : i32
      %dma_start3A_100 = tpu.memref_slice %arg9[%dma_start3A_97, %dma_start3A_98, %dma_start3A_99] : memref<2x128x128xf32, #tpu.memory_space<vmem>> -> memref<1x128x128xf32, #tpu.memory_space<vmem>>
      %dma_start3A_101 = tpu.memref_squeeze %dma_start3A_100 : memref<1x128x128xf32, #tpu.memory_space<vmem>> -> memref<128x128xf32, #tpu.memory_space<vmem>>
      %dma_start3A_102 = arith.constant 0 : i32
      %dma_start3A_103 = tpu.memref_slice %arg7[%dma_start3A_96, %dma_start3A_102] : memref<8x128xi32, #tpu.memory_space<vmem>> -> memref<1x128xi32, #tpu.memory_space<vmem>>
      %dma_start3A_104 = tpu.memref_squeeze %dma_start3A_103 : memref<1x128xi32, #tpu.memory_space<vmem>> -> memref<128xi32, #tpu.memory_space<vmem>>
      %dma_start3A_105 = arith.constant 0 : i32
      %dma_start3A_106 = arith.constant 0 : i32
      %dma_start3A_107 = tpu.memref_slice %arg2[%dma_start3A_105, %dma_start3A_106] : memref<10000x128xf32, #tpu.memory_space<hbm>> -> memref<10000x128xf32, #tpu.memory_space<hbm>>
      tpu.enqueue_indirect_dma source(%dma_start3A_107 : memref<10000x128xf32, #tpu.memory_space<hbm>>) target(%dma_start3A_101 : memref<128x128xf32, #tpu.memory_space<vmem>>) offsets(%dma_start3A_104 : memref<128xi32, #tpu.memory_space<vmem>>) semaphore(%arg12 : memref<!tpu.dma_semaphore, #tpu.memory_space<semaphore_mem>>)
      %dma_wait3A = arith.constant 0 : i32
      %dma_wait3A_108 = arith.constant 0 : i32
      %dma_wait3A_109 = arith.constant 0 : i32
      %dma_wait3A_110 = arith.constant 0 : i32
      %dma_wait3A_111 = tpu.memref_slice %arg9[%dma_wait3A_108, %dma_wait3A_109, %dma_wait3A_110] : memref<2x128x128xf32, #tpu.memory_space<vmem>> -> memref<1x128x128xf32, #tpu.memory_space<vmem>>
      %dma_wait3A_112 = tpu.memref_squeeze %dma_wait3A_111 : memref<1x128x128xf32, #tpu.memory_space<vmem>> -> memref<128x128xf32, #tpu.memory_space<vmem>>
      %dma_wait3A_113 = arith.constant 0 : i32
      %dma_wait3A_114 = tpu.memref_slice %arg7[%dma_wait3A, %dma_wait3A_113] : memref<8x128xi32, #tpu.memory_space<vmem>> -> memref<1x128xi32, #tpu.memory_space<vmem>>
      %dma_wait3A_115 = tpu.memref_squeeze %dma_wait3A_114 : memref<1x128xi32, #tpu.memory_space<vmem>> -> memref<128xi32, #tpu.memory_space<vmem>>
      %dma_wait3A_116 = arith.constant 0 : i32
      %dma_wait3A_117 = arith.constant 0 : i32
      %dma_wait3A_118 = tpu.memref_slice %arg2[%dma_wait3A_116, %dma_wait3A_117] : memref<10000x128xf32, #tpu.memory_space<hbm>> -> memref<10000x128xf32, #tpu.memory_space<hbm>>
      tpu.wait_indirect_dma semaphore(%arg11 : memref<!tpu.dma_semaphore, #tpu.memory_space<semaphore_mem>>) src(%dma_wait3A_118 : memref<10000x128xf32, #tpu.memory_space<hbm>>) dst(%dma_wait3A_112 : memref<128x128xf32, #tpu.memory_space<vmem>>)
      %run_scoped3A_119 = arith.constant 0 : i32
      %run_scoped3A_120 = arith.constant 0 : i32
      "tpu.region"() ({
        %run_scoped3A_299 = tpu.sem_alloc : memref<!tpu.dma_semaphore, #tpu.memory_space<semaphore_mem>>
        %dma_start3A_300 = arith.constant 0 : i32
        %dma_start3A_301 = arith.constant 0 : i32
        %dma_start3A_302 = tpu.memref_slice %arg9[%run_scoped3A_119, %dma_start3A_300, %dma_start3A_301] : memref<2x128x128xf32, #tpu.memory_space<vmem>> -> memref<1x128x128xf32, #tpu.memory_space<vmem>>
        %dma_start3A_303 = tpu.memref_squeeze %dma_start3A_302 : memref<1x128x128xf32, #tpu.memory_space<vmem>> -> memref<128x128xf32, #tpu.memory_space<vmem>>
        %dma_start3A_304 = arith.constant 0 : i32
        %dma_start3A_305 = tpu.memref_slice %arg8[%run_scoped3A_120, %dma_start3A_304] : memref<8x128xi32, #tpu.memory_space<vmem>> -> memref<1x128xi32, #tpu.memory_space<vmem>>
        %dma_start3A_306 = tpu.memref_squeeze %dma_start3A_305 : memref<1x128xi32, #tpu.memory_space<vmem>> -> memref<128xi32, #tpu.memory_space<vmem>>
        %dma_start3A_307 = arith.constant 0 : i32
        %dma_start3A_308 = arith.constant 0 : i32
        %dma_start3A_309 = tpu.memref_slice %arg10[%dma_start3A_307, %dma_start3A_308] : memref<10240x128xf32, #tpu.memory_space<vmem_shared>> -> memref<10240x128xf32, #tpu.memory_space<vmem_shared>>
        tpu.enqueue_indirect_dma source(%dma_start3A_303 : memref<128x128xf32, #tpu.memory_space<vmem>>) target(%dma_start3A_309 : memref<10240x128xf32, #tpu.memory_space<vmem_shared>>) offsets(%dma_start3A_306 : memref<128xi32, #tpu.memory_space<vmem>>) semaphore(%run_scoped3A_299 : memref<!tpu.dma_semaphore, #tpu.memory_space<semaphore_mem>>) {add = true}
        %dma_wait3A_310 = arith.constant 0 : i32
        %dma_wait3A_311 = arith.constant 0 : i32
        %dma_wait3A_312 = tpu.memref_slice %arg9[%run_scoped3A_119, %dma_wait3A_310, %dma_wait3A_311] : memref<2x128x128xf32, #tpu.memory_space<vmem>> -> memref<1x128x128xf32, #tpu.memory_space<vmem>>
        %dma_wait3A_313 = tpu.memref_squeeze %dma_wait3A_312 : memref<1x128x128xf32, #tpu.memory_space<vmem>> -> memref<128x128xf32, #tpu.memory_space<vmem>>
        %dma_wait3A_314 = arith.constant 0 : i32
        %dma_wait3A_315 = tpu.memref_slice %arg8[%run_scoped3A_120, %dma_wait3A_314] : memref<8x128xi32, #tpu.memory_space<vmem>> -> memref<1x128xi32, #tpu.memory_space<vmem>>
        %dma_wait3A_316 = tpu.memref_squeeze %dma_wait3A_315 : memref<1x128xi32, #tpu.memory_space<vmem>> -> memref<128xi32, #tpu.memory_space<vmem>>
        %dma_wait3A_317 = arith.constant 0 : i32
        %dma_wait3A_318 = arith.constant 0 : i32
        %dma_wait3A_319 = tpu.memref_slice %arg10[%dma_wait3A_317, %dma_wait3A_318] : memref<10240x128xf32, #tpu.memory_space<vmem_shared>> -> memref<10240x128xf32, #tpu.memory_space<vmem_shared>>
        tpu.wait_indirect_dma semaphore(%run_scoped3A_299 : memref<!tpu.dma_semaphore, #tpu.memory_space<semaphore_mem>>) src(%dma_wait3A_313 : memref<128x128xf32, #tpu.memory_space<vmem>>) dst(%dma_wait3A_319 : memref<10240x128xf32, #tpu.memory_space<vmem_shared>>)
        tpu.yield
      }) : () -> ()
      %run_scoped3A_121 = arith.constant 0 : i32
      "tpu.region"() ({
        %run_scoped3A_299 = tpu.sem_alloc : memref<!tpu.dma_semaphore, #tpu.memory_space<semaphore_mem>>
        %dma_start3A_300 = arith.constant 0 : i32
        %dma_start3A_301 = tpu.memref_slice %arg8[%run_scoped3A_121, %dma_start3A_300] : memref<8x128xi32, #tpu.memory_space<vmem>> -> memref<1x128xi32, #tpu.memory_space<vmem>>
        %dma_start3A_302 = tpu.memref_squeeze %dma_start3A_301 : memref<1x128xi32, #tpu.memory_space<vmem>> -> memref<128xi32, #tpu.memory_space<vmem>>
        %dma_start3A_303 = arith.constant 0 : i32
        %dma_start3A_304 = tpu.memref_slice %arg14[%dma_start3A_303] : memref<10240xf32, #tpu.memory_space<vmem_shared>> -> memref<10240xf32, #tpu.memory_space<vmem_shared>>
        tpu.enqueue_indirect_dma source(%arg13 : memref<128xf32, #tpu.memory_space<vmem>>) target(%dma_start3A_304 : memref<10240xf32, #tpu.memory_space<vmem_shared>>) offsets(%dma_start3A_302 : memref<128xi32, #tpu.memory_space<vmem>>) semaphore(%run_scoped3A_299 : memref<!tpu.dma_semaphore, #tpu.memory_space<semaphore_mem>>) {add = true}
        %dma_wait3A_305 = arith.constant 0 : i32
        %dma_wait3A_306 = tpu.memref_slice %arg8[%run_scoped3A_121, %dma_wait3A_305] : memref<8x128xi32, #tpu.memory_space<vmem>> -> memref<1x128xi32, #tpu.memory_space<vmem>>
        %dma_wait3A_307 = tpu.memref_squeeze %dma_wait3A_306 : memref<1x128xi32, #tpu.memory_space<vmem>> -> memref<128xi32, #tpu.memory_space<vmem>>
        %dma_wait3A_308 = arith.constant 0 : i32
        %dma_wait3A_309 = tpu.memref_slice %arg14[%dma_wait3A_308] : memref<10240xf32, #tpu.memory_space<vmem_shared>> -> memref<10240xf32, #tpu.memory_space<vmem_shared>>
        tpu.wait_indirect_dma semaphore(%run_scoped3A_299 : memref<!tpu.dma_semaphore, #tpu.memory_space<semaphore_mem>>) src(%arg13 : memref<128xf32, #tpu.memory_space<vmem>>) dst(%dma_wait3A_309 : memref<10240xf32, #tpu.memory_space<vmem_shared>>)
        tpu.yield
      }) : () -> ()
      %dma_start3A_122 = arith.constant 2 : i32
      %dma_start3A_123 = arith.constant 0 : i32
      %dma_start3A_124 = arith.constant 0 : i32
      %dma_start3A_125 = arith.constant 0 : i32
      %dma_start3A_126 = tpu.memref_slice %arg9[%dma_start3A_123, %dma_start3A_124, %dma_start3A_125] : memref<2x128x128xf32, #tpu.memory_space<vmem>> -> memref<1x128x128xf32, #tpu.memory_space<vmem>>
      %dma_start3A_127 = tpu.memref_squeeze %dma_start3A_126 : memref<1x128x128xf32, #tpu.memory_space<vmem>> -> memref<128x128xf32, #tpu.memory_space<vmem>>
      %dma_start3A_128 = arith.constant 0 : i32
      %dma_start3A_129 = tpu.memref_slice %arg7[%dma_start3A_122, %dma_start3A_128] : memref<8x128xi32, #tpu.memory_space<vmem>> -> memref<1x128xi32, #tpu.memory_space<vmem>>
      %dma_start3A_130 = tpu.memref_squeeze %dma_start3A_129 : memref<1x128xi32, #tpu.memory_space<vmem>> -> memref<128xi32, #tpu.memory_space<vmem>>
      %dma_start3A_131 = arith.constant 0 : i32
      %dma_start3A_132 = arith.constant 0 : i32
      %dma_start3A_133 = tpu.memref_slice %arg2[%dma_start3A_131, %dma_start3A_132] : memref<10000x128xf32, #tpu.memory_space<hbm>> -> memref<10000x128xf32, #tpu.memory_space<hbm>>
      tpu.enqueue_indirect_dma source(%dma_start3A_133 : memref<10000x128xf32, #tpu.memory_space<hbm>>) target(%dma_start3A_127 : memref<128x128xf32, #tpu.memory_space<vmem>>) offsets(%dma_start3A_130 : memref<128xi32, #tpu.memory_space<vmem>>) semaphore(%arg11 : memref<!tpu.dma_semaphore, #tpu.memory_space<semaphore_mem>>)
      %dma_wait3A_134 = arith.constant 1 : i32
      %dma_wait3A_135 = arith.constant 1 : i32
      %dma_wait3A_136 = arith.constant 0 : i32
      %dma_wait3A_137 = arith.constant 0 : i32
      %dma_wait3A_138 = tpu.memref_slice %arg9[%dma_wait3A_135, %dma_wait3A_136, %dma_wait3A_137] : memref<2x128x128xf32, #tpu.memory_space<vmem>> -> memref<1x128x128xf32, #tpu.memory_space<vmem>>
      %dma_wait3A_139 = tpu.memref_squeeze %dma_wait3A_138 : memref<1x128x128xf32, #tpu.memory_space<vmem>> -> memref<128x128xf32, #tpu.memory_space<vmem>>
      %dma_wait3A_140 = arith.constant 0 : i32
      %dma_wait3A_141 = tpu.memref_slice %arg7[%dma_wait3A_134, %dma_wait3A_140] : memref<8x128xi32, #tpu.memory_space<vmem>> -> memref<1x128xi32, #tpu.memory_space<vmem>>
      %dma_wait3A_142 = tpu.memref_squeeze %dma_wait3A_141 : memref<1x128xi32, #tpu.memory_space<vmem>> -> memref<128xi32, #tpu.memory_space<vmem>>
      %dma_wait3A_143 = arith.constant 0 : i32
      %dma_wait3A_144 = arith.constant 0 : i32
      %dma_wait3A_145 = tpu.memref_slice %arg2[%dma_wait3A_143, %dma_wait3A_144] : memref<10000x128xf32, #tpu.memory_space<hbm>> -> memref<10000x128xf32, #tpu.memory_space<hbm>>
      tpu.wait_indirect_dma semaphore(%arg12 : memref<!tpu.dma_semaphore, #tpu.memory_space<semaphore_mem>>) src(%dma_wait3A_145 : memref<10000x128xf32, #tpu.memory_space<hbm>>) dst(%dma_wait3A_139 : memref<128x128xf32, #tpu.memory_space<vmem>>)
      %run_scoped3A_146 = arith.constant 1 : i32
      %run_scoped3A_147 = arith.constant 1 : i32
      "tpu.region"() ({
        %run_scoped3A_299 = tpu.sem_alloc : memref<!tpu.dma_semaphore, #tpu.memory_space<semaphore_mem>>
        %dma_start3A_300 = arith.constant 0 : i32
        %dma_start3A_301 = arith.constant 0 : i32
        %dma_start3A_302 = tpu.memref_slice %arg9[%run_scoped3A_146, %dma_start3A_300, %dma_start3A_301] : memref<2x128x128xf32, #tpu.memory_space<vmem>> -> memref<1x128x128xf32, #tpu.memory_space<vmem>>
        %dma_start3A_303 = tpu.memref_squeeze %dma_start3A_302 : memref<1x128x128xf32, #tpu.memory_space<vmem>> -> memref<128x128xf32, #tpu.memory_space<vmem>>
        %dma_start3A_304 = arith.constant 0 : i32
        %dma_start3A_305 = tpu.memref_slice %arg8[%run_scoped3A_147, %dma_start3A_304] : memref<8x128xi32, #tpu.memory_space<vmem>> -> memref<1x128xi32, #tpu.memory_space<vmem>>
        %dma_start3A_306 = tpu.memref_squeeze %dma_start3A_305 : memref<1x128xi32, #tpu.memory_space<vmem>> -> memref<128xi32, #tpu.memory_space<vmem>>
        %dma_start3A_307 = arith.constant 0 : i32
        %dma_start3A_308 = arith.constant 0 : i32
        %dma_start3A_309 = tpu.memref_slice %arg10[%dma_start3A_307, %dma_start3A_308] : memref<10240x128xf32, #tpu.memory_space<vmem_shared>> -> memref<10240x128xf32, #tpu.memory_space<vmem_shared>>
        tpu.enqueue_indirect_dma source(%dma_start3A_303 : memref<128x128xf32, #tpu.memory_space<vmem>>) target(%dma_start3A_309 : memref<10240x128xf32, #tpu.memory_space<vmem_shared>>) offsets(%dma_start3A_306 : memref<128xi32, #tpu.memory_space<vmem>>) semaphore(%run_scoped3A_299 : memref<!tpu.dma_semaphore, #tpu.memory_space<semaphore_mem>>) {add = true}
        %dma_wait3A_310 = arith.constant 0 : i32
        %dma_wait3A_311 = arith.constant 0 : i32
        %dma_wait3A_312 = tpu.memref_slice %arg9[%run_scoped3A_146, %dma_wait3A_310, %dma_wait3A_311] : memref<2x128x128xf32, #tpu.memory_space<vmem>> -> memref<1x128x128xf32, #tpu.memory_space<vmem>>
        %dma_wait3A_313 = tpu.memref_squeeze %dma_wait3A_312 : memref<1x128x128xf32, #tpu.memory_space<vmem>> -> memref<128x128xf32, #tpu.memory_space<vmem>>
        %dma_wait3A_314 = arith.constant 0 : i32
        %dma_wait3A_315 = tpu.memref_slice %arg8[%run_scoped3A_147, %dma_wait3A_314] : memref<8x128xi32, #tpu.memory_space<vmem>> -> memref<1x128xi32, #tpu.memory_space<vmem>>
        %dma_wait3A_316 = tpu.memref_squeeze %dma_wait3A_315 : memref<1x128xi32, #tpu.memory_space<vmem>> -> memref<128xi32, #tpu.memory_space<vmem>>
        %dma_wait3A_317 = arith.constant 0 : i32
        %dma_wait3A_318 = arith.constant 0 : i32
        %dma_wait3A_319 = tpu.memref_slice %arg10[%dma_wait3A_317, %dma_wait3A_318] : memref<10240x128xf32, #tpu.memory_space<vmem_shared>> -> memref<10240x128xf32, #tpu.memory_space<vmem_shared>>
        tpu.wait_indirect_dma semaphore(%run_scoped3A_299 : memref<!tpu.dma_semaphore, #tpu.memory_space<semaphore_mem>>) src(%dma_wait3A_313 : memref<128x128xf32, #tpu.memory_space<vmem>>) dst(%dma_wait3A_319 : memref<10240x128xf32, #tpu.memory_space<vmem_shared>>)
        tpu.yield
      }) : () -> ()
      %run_scoped3A_148 = arith.constant 1 : i32
      "tpu.region"() ({
        %run_scoped3A_299 = tpu.sem_alloc : memref<!tpu.dma_semaphore, #tpu.memory_space<semaphore_mem>>
        %dma_start3A_300 = arith.constant 0 : i32
        %dma_start3A_301 = tpu.memref_slice %arg8[%run_scoped3A_148, %dma_start3A_300] : memref<8x128xi32, #tpu.memory_space<vmem>> -> memref<1x128xi32, #tpu.memory_space<vmem>>
        %dma_start3A_302 = tpu.memref_squeeze %dma_start3A_301 : memref<1x128xi32, #tpu.memory_space<vmem>> -> memref<128xi32, #tpu.memory_space<vmem>>
        %dma_start3A_303 = arith.constant 0 : i32
        %dma_start3A_304 = tpu.memref_slice %arg14[%dma_start3A_303] : memref<10240xf32, #tpu.memory_space<vmem_shared>> -> memref<10240xf32, #tpu.memory_space<vmem_shared>>
        tpu.enqueue_indirect_dma source(%arg13 : memref<128xf32, #tpu.memory_space<vmem>>) target(%dma_start3A_304 : memref<10240xf32, #tpu.memory_space<vmem_shared>>) offsets(%dma_start3A_302 : memref<128xi32, #tpu.memory_space<vmem>>) semaphore(%run_scoped3A_299 : memref<!tpu.dma_semaphore, #tpu.memory_space<semaphore_mem>>) {add = true}
        %dma_wait3A_305 = arith.constant 0 : i32
        %dma_wait3A_306 = tpu.memref_slice %arg8[%run_scoped3A_148, %dma_wait3A_305] : memref<8x128xi32, #tpu.memory_space<vmem>> -> memref<1x128xi32, #tpu.memory_space<vmem>>
        %dma_wait3A_307 = tpu.memref_squeeze %dma_wait3A_306 : memref<1x128xi32, #tpu.memory_space<vmem>> -> memref<128xi32, #tpu.memory_space<vmem>>
        %dma_wait3A_308 = arith.constant 0 : i32
        %dma_wait3A_309 = tpu.memref_slice %arg14[%dma_wait3A_308] : memref<10240xf32, #tpu.memory_space<vmem_shared>> -> memref<10240xf32, #tpu.memory_space<vmem_shared>>
        tpu.wait_indirect_dma semaphore(%run_scoped3A_299 : memref<!tpu.dma_semaphore, #tpu.memory_space<semaphore_mem>>) src(%arg13 : memref<128xf32, #tpu.memory_space<vmem>>) dst(%dma_wait3A_309 : memref<10240xf32, #tpu.memory_space<vmem_shared>>)
        tpu.yield
      }) : () -> ()
      %dma_start3A_149 = arith.constant 3 : i32
      %dma_start3A_150 = arith.constant 1 : i32
      %dma_start3A_151 = arith.constant 0 : i32
      %dma_start3A_152 = arith.constant 0 : i32
      %dma_start3A_153 = tpu.memref_slice %arg9[%dma_start3A_150, %dma_start3A_151, %dma_start3A_152] : memref<2x128x128xf32, #tpu.memory_space<vmem>> -> memref<1x128x128xf32, #tpu.memory_space<vmem>>
      %dma_start3A_154 = tpu.memref_squeeze %dma_start3A_153 : memref<1x128x128xf32, #tpu.memory_space<vmem>> -> memref<128x128xf32, #tpu.memory_space<vmem>>
      %dma_start3A_155 = arith.constant 0 : i32
      %dma_start3A_156 = tpu.memref_slice %arg7[%dma_start3A_149, %dma_start3A_155] : memref<8x128xi32, #tpu.memory_space<vmem>> -> memref<1x128xi32, #tpu.memory_space<vmem>>
      %dma_start3A_157 = tpu.memref_squeeze %dma_start3A_156 : memref<1x128xi32, #tpu.memory_space<vmem>> -> memref<128xi32, #tpu.memory_space<vmem>>
      %dma_start3A_158 = arith.constant 0 : i32
      %dma_start3A_159 = arith.constant 0 : i32
      %dma_start3A_160 = tpu.memref_slice %arg2[%dma_start3A_158, %dma_start3A_159] : memref<10000x128xf32, #tpu.memory_space<hbm>> -> memref<10000x128xf32, #tpu.memory_space<hbm>>
      tpu.enqueue_indirect_dma source(%dma_start3A_160 : memref<10000x128xf32, #tpu.memory_space<hbm>>) target(%dma_start3A_154 : memref<128x128xf32, #tpu.memory_space<vmem>>) offsets(%dma_start3A_157 : memref<128xi32, #tpu.memory_space<vmem>>) semaphore(%arg12 : memref<!tpu.dma_semaphore, #tpu.memory_space<semaphore_mem>>)
      %dma_wait3A_161 = arith.constant 2 : i32
      %dma_wait3A_162 = arith.constant 0 : i32
      %dma_wait3A_163 = arith.constant 0 : i32
      %dma_wait3A_164 = arith.constant 0 : i32
      %dma_wait3A_165 = tpu.memref_slice %arg9[%dma_wait3A_162, %dma_wait3A_163, %dma_wait3A_164] : memref<2x128x128xf32, #tpu.memory_space<vmem>> -> memref<1x128x128xf32, #tpu.memory_space<vmem>>
      %dma_wait3A_166 = tpu.memref_squeeze %dma_wait3A_165 : memref<1x128x128xf32, #tpu.memory_space<vmem>> -> memref<128x128xf32, #tpu.memory_space<vmem>>
      %dma_wait3A_167 = arith.constant 0 : i32
      %dma_wait3A_168 = tpu.memref_slice %arg7[%dma_wait3A_161, %dma_wait3A_167] : memref<8x128xi32, #tpu.memory_space<vmem>> -> memref<1x128xi32, #tpu.memory_space<vmem>>
      %dma_wait3A_169 = tpu.memref_squeeze %dma_wait3A_168 : memref<1x128xi32, #tpu.memory_space<vmem>> -> memref<128xi32, #tpu.memory_space<vmem>>
      %dma_wait3A_170 = arith.constant 0 : i32
      %dma_wait3A_171 = arith.constant 0 : i32
      %dma_wait3A_172 = tpu.memref_slice %arg2[%dma_wait3A_170, %dma_wait3A_171] : memref<10000x128xf32, #tpu.memory_space<hbm>> -> memref<10000x128xf32, #tpu.memory_space<hbm>>
      tpu.wait_indirect_dma semaphore(%arg11 : memref<!tpu.dma_semaphore, #tpu.memory_space<semaphore_mem>>) src(%dma_wait3A_172 : memref<10000x128xf32, #tpu.memory_space<hbm>>) dst(%dma_wait3A_166 : memref<128x128xf32, #tpu.memory_space<vmem>>)
      %run_scoped3A_173 = arith.constant 0 : i32
      %run_scoped3A_174 = arith.constant 2 : i32
      "tpu.region"() ({
        %run_scoped3A_299 = tpu.sem_alloc : memref<!tpu.dma_semaphore, #tpu.memory_space<semaphore_mem>>
        %dma_start3A_300 = arith.constant 0 : i32
        %dma_start3A_301 = arith.constant 0 : i32
        %dma_start3A_302 = tpu.memref_slice %arg9[%run_scoped3A_173, %dma_start3A_300, %dma_start3A_301] : memref<2x128x128xf32, #tpu.memory_space<vmem>> -> memref<1x128x128xf32, #tpu.memory_space<vmem>>
        %dma_start3A_303 = tpu.memref_squeeze %dma_start3A_302 : memref<1x128x128xf32, #tpu.memory_space<vmem>> -> memref<128x128xf32, #tpu.memory_space<vmem>>
        %dma_start3A_304 = arith.constant 0 : i32
        %dma_start3A_305 = tpu.memref_slice %arg8[%run_scoped3A_174, %dma_start3A_304] : memref<8x128xi32, #tpu.memory_space<vmem>> -> memref<1x128xi32, #tpu.memory_space<vmem>>
        %dma_start3A_306 = tpu.memref_squeeze %dma_start3A_305 : memref<1x128xi32, #tpu.memory_space<vmem>> -> memref<128xi32, #tpu.memory_space<vmem>>
        %dma_start3A_307 = arith.constant 0 : i32
        %dma_start3A_308 = arith.constant 0 : i32
        %dma_start3A_309 = tpu.memref_slice %arg10[%dma_start3A_307, %dma_start3A_308] : memref<10240x128xf32, #tpu.memory_space<vmem_shared>> -> memref<10240x128xf32, #tpu.memory_space<vmem_shared>>
        tpu.enqueue_indirect_dma source(%dma_start3A_303 : memref<128x128xf32, #tpu.memory_space<vmem>>) target(%dma_start3A_309 : memref<10240x128xf32, #tpu.memory_space<vmem_shared>>) offsets(%dma_start3A_306 : memref<128xi32, #tpu.memory_space<vmem>>) semaphore(%run_scoped3A_299 : memref<!tpu.dma_semaphore, #tpu.memory_space<semaphore_mem>>) {add = true}
        %dma_wait3A_310 = arith.constant 0 : i32
        %dma_wait3A_311 = arith.constant 0 : i32
        %dma_wait3A_312 = tpu.memref_slice %arg9[%run_scoped3A_173, %dma_wait3A_310, %dma_wait3A_311] : memref<2x128x128xf32, #tpu.memory_space<vmem>> -> memref<1x128x128xf32, #tpu.memory_space<vmem>>
        %dma_wait3A_313 = tpu.memref_squeeze %dma_wait3A_312 : memref<1x128x128xf32, #tpu.memory_space<vmem>> -> memref<128x128xf32, #tpu.memory_space<vmem>>
        %dma_wait3A_314 = arith.constant 0 : i32
        %dma_wait3A_315 = tpu.memref_slice %arg8[%run_scoped3A_174, %dma_wait3A_314] : memref<8x128xi32, #tpu.memory_space<vmem>> -> memref<1x128xi32, #tpu.memory_space<vmem>>
        %dma_wait3A_316 = tpu.memref_squeeze %dma_wait3A_315 : memref<1x128xi32, #tpu.memory_space<vmem>> -> memref<128xi32, #tpu.memory_space<vmem>>
        %dma_wait3A_317 = arith.constant 0 : i32
        %dma_wait3A_318 = arith.constant 0 : i32
        %dma_wait3A_319 = tpu.memref_slice %arg10[%dma_wait3A_317, %dma_wait3A_318] : memref<10240x128xf32, #tpu.memory_space<vmem_shared>> -> memref<10240x128xf32, #tpu.memory_space<vmem_shared>>
        tpu.wait_indirect_dma semaphore(%run_scoped3A_299 : memref<!tpu.dma_semaphore, #tpu.memory_space<semaphore_mem>>) src(%dma_wait3A_313 : memref<128x128xf32, #tpu.memory_space<vmem>>) dst(%dma_wait3A_319 : memref<10240x128xf32, #tpu.memory_space<vmem_shared>>)
        tpu.yield
      }) : () -> ()
      %run_scoped3A_175 = arith.constant 2 : i32
      "tpu.region"() ({
        %run_scoped3A_299 = tpu.sem_alloc : memref<!tpu.dma_semaphore, #tpu.memory_space<semaphore_mem>>
        %dma_start3A_300 = arith.constant 0 : i32
        %dma_start3A_301 = tpu.memref_slice %arg8[%run_scoped3A_175, %dma_start3A_300] : memref<8x128xi32, #tpu.memory_space<vmem>> -> memref<1x128xi32, #tpu.memory_space<vmem>>
        %dma_start3A_302 = tpu.memref_squeeze %dma_start3A_301 : memref<1x128xi32, #tpu.memory_space<vmem>> -> memref<128xi32, #tpu.memory_space<vmem>>
        %dma_start3A_303 = arith.constant 0 : i32
        %dma_start3A_304 = tpu.memref_slice %arg14[%dma_start3A_303] : memref<10240xf32, #tpu.memory_space<vmem_shared>> -> memref<10240xf32, #tpu.memory_space<vmem_shared>>
        tpu.enqueue_indirect_dma source(%arg13 : memref<128xf32, #tpu.memory_space<vmem>>) target(%dma_start3A_304 : memref<10240xf32, #tpu.memory_space<vmem_shared>>) offsets(%dma_start3A_302 : memref<128xi32, #tpu.memory_space<vmem>>) semaphore(%run_scoped3A_299 : memref<!tpu.dma_semaphore, #tpu.memory_space<semaphore_mem>>) {add = true}
        %dma_wait3A_305 = arith.constant 0 : i32
        %dma_wait3A_306 = tpu.memref_slice %arg8[%run_scoped3A_175, %dma_wait3A_305] : memref<8x128xi32, #tpu.memory_space<vmem>> -> memref<1x128xi32, #tpu.memory_space<vmem>>
        %dma_wait3A_307 = tpu.memref_squeeze %dma_wait3A_306 : memref<1x128xi32, #tpu.memory_space<vmem>> -> memref<128xi32, #tpu.memory_space<vmem>>
        %dma_wait3A_308 = arith.constant 0 : i32
        %dma_wait3A_309 = tpu.memref_slice %arg14[%dma_wait3A_308] : memref<10240xf32, #tpu.memory_space<vmem_shared>> -> memref<10240xf32, #tpu.memory_space<vmem_shared>>
        tpu.wait_indirect_dma semaphore(%run_scoped3A_299 : memref<!tpu.dma_semaphore, #tpu.memory_space<semaphore_mem>>) src(%arg13 : memref<128xf32, #tpu.memory_space<vmem>>) dst(%dma_wait3A_309 : memref<10240xf32, #tpu.memory_space<vmem_shared>>)
        tpu.yield
      }) : () -> ()
      %dma_start3A_176 = arith.constant 4 : i32
      %dma_start3A_177 = arith.constant 0 : i32
      %dma_start3A_178 = arith.constant 0 : i32
      %dma_start3A_179 = arith.constant 0 : i32
      %dma_start3A_180 = tpu.memref_slice %arg9[%dma_start3A_177, %dma_start3A_178, %dma_start3A_179] : memref<2x128x128xf32, #tpu.memory_space<vmem>> -> memref<1x128x128xf32, #tpu.memory_space<vmem>>
      %dma_start3A_181 = tpu.memref_squeeze %dma_start3A_180 : memref<1x128x128xf32, #tpu.memory_space<vmem>> -> memref<128x128xf32, #tpu.memory_space<vmem>>
      %dma_start3A_182 = arith.constant 0 : i32
      %dma_start3A_183 = tpu.memref_slice %arg7[%dma_start3A_176, %dma_start3A_182] : memref<8x128xi32, #tpu.memory_space<vmem>> -> memref<1x128xi32, #tpu.memory_space<vmem>>
      %dma_start3A_184 = tpu.memref_squeeze %dma_start3A_183 : memref<1x128xi32, #tpu.memory_space<vmem>> -> memref<128xi32, #tpu.memory_space<vmem>>
      %dma_start3A_185 = arith.constant 0 : i32
      %dma_start3A_186 = arith.constant 0 : i32
      %dma_start3A_187 = tpu.memref_slice %arg2[%dma_start3A_185, %dma_start3A_186] : memref<10000x128xf32, #tpu.memory_space<hbm>> -> memref<10000x128xf32, #tpu.memory_space<hbm>>
      tpu.enqueue_indirect_dma source(%dma_start3A_187 : memref<10000x128xf32, #tpu.memory_space<hbm>>) target(%dma_start3A_181 : memref<128x128xf32, #tpu.memory_space<vmem>>) offsets(%dma_start3A_184 : memref<128xi32, #tpu.memory_space<vmem>>) semaphore(%arg11 : memref<!tpu.dma_semaphore, #tpu.memory_space<semaphore_mem>>)
      %dma_wait3A_188 = arith.constant 3 : i32
      %dma_wait3A_189 = arith.constant 1 : i32
      %dma_wait3A_190 = arith.constant 0 : i32
      %dma_wait3A_191 = arith.constant 0 : i32
      %dma_wait3A_192 = tpu.memref_slice %arg9[%dma_wait3A_189, %dma_wait3A_190, %dma_wait3A_191] : memref<2x128x128xf32, #tpu.memory_space<vmem>> -> memref<1x128x128xf32, #tpu.memory_space<vmem>>
      %dma_wait3A_193 = tpu.memref_squeeze %dma_wait3A_192 : memref<1x128x128xf32, #tpu.memory_space<vmem>> -> memref<128x128xf32, #tpu.memory_space<vmem>>
      %dma_wait3A_194 = arith.constant 0 : i32
      %dma_wait3A_195 = tpu.memref_slice %arg7[%dma_wait3A_188, %dma_wait3A_194] : memref<8x128xi32, #tpu.memory_space<vmem>> -> memref<1x128xi32, #tpu.memory_space<vmem>>
      %dma_wait3A_196 = tpu.memref_squeeze %dma_wait3A_195 : memref<1x128xi32, #tpu.memory_space<vmem>> -> memref<128xi32, #tpu.memory_space<vmem>>
      %dma_wait3A_197 = arith.constant 0 : i32
      %dma_wait3A_198 = arith.constant 0 : i32
      %dma_wait3A_199 = tpu.memref_slice %arg2[%dma_wait3A_197, %dma_wait3A_198] : memref<10000x128xf32, #tpu.memory_space<hbm>> -> memref<10000x128xf32, #tpu.memory_space<hbm>>
      tpu.wait_indirect_dma semaphore(%arg12 : memref<!tpu.dma_semaphore, #tpu.memory_space<semaphore_mem>>) src(%dma_wait3A_199 : memref<10000x128xf32, #tpu.memory_space<hbm>>) dst(%dma_wait3A_193 : memref<128x128xf32, #tpu.memory_space<vmem>>)
      %run_scoped3A_200 = arith.constant 1 : i32
      %run_scoped3A_201 = arith.constant 3 : i32
      "tpu.region"() ({
        %run_scoped3A_299 = tpu.sem_alloc : memref<!tpu.dma_semaphore, #tpu.memory_space<semaphore_mem>>
        %dma_start3A_300 = arith.constant 0 : i32
        %dma_start3A_301 = arith.constant 0 : i32
        %dma_start3A_302 = tpu.memref_slice %arg9[%run_scoped3A_200, %dma_start3A_300, %dma_start3A_301] : memref<2x128x128xf32, #tpu.memory_space<vmem>> -> memref<1x128x128xf32, #tpu.memory_space<vmem>>
        %dma_start3A_303 = tpu.memref_squeeze %dma_start3A_302 : memref<1x128x128xf32, #tpu.memory_space<vmem>> -> memref<128x128xf32, #tpu.memory_space<vmem>>
        %dma_start3A_304 = arith.constant 0 : i32
        %dma_start3A_305 = tpu.memref_slice %arg8[%run_scoped3A_201, %dma_start3A_304] : memref<8x128xi32, #tpu.memory_space<vmem>> -> memref<1x128xi32, #tpu.memory_space<vmem>>
        %dma_start3A_306 = tpu.memref_squeeze %dma_start3A_305 : memref<1x128xi32, #tpu.memory_space<vmem>> -> memref<128xi32, #tpu.memory_space<vmem>>
        %dma_start3A_307 = arith.constant 0 : i32
        %dma_start3A_308 = arith.constant 0 : i32
        %dma_start3A_309 = tpu.memref_slice %arg10[%dma_start3A_307, %dma_start3A_308] : memref<10240x128xf32, #tpu.memory_space<vmem_shared>> -> memref<10240x128xf32, #tpu.memory_space<vmem_shared>>
        tpu.enqueue_indirect_dma source(%dma_start3A_303 : memref<128x128xf32, #tpu.memory_space<vmem>>) target(%dma_start3A_309 : memref<10240x128xf32, #tpu.memory_space<vmem_shared>>) offsets(%dma_start3A_306 : memref<128xi32, #tpu.memory_space<vmem>>) semaphore(%run_scoped3A_299 : memref<!tpu.dma_semaphore, #tpu.memory_space<semaphore_mem>>) {add = true}
        %dma_wait3A_310 = arith.constant 0 : i32
        %dma_wait3A_311 = arith.constant 0 : i32
        %dma_wait3A_312 = tpu.memref_slice %arg9[%run_scoped3A_200, %dma_wait3A_310, %dma_wait3A_311] : memref<2x128x128xf32, #tpu.memory_space<vmem>> -> memref<1x128x128xf32, #tpu.memory_space<vmem>>
        %dma_wait3A_313 = tpu.memref_squeeze %dma_wait3A_312 : memref<1x128x128xf32, #tpu.memory_space<vmem>> -> memref<128x128xf32, #tpu.memory_space<vmem>>
        %dma_wait3A_314 = arith.constant 0 : i32
        %dma_wait3A_315 = tpu.memref_slice %arg8[%run_scoped3A_201, %dma_wait3A_314] : memref<8x128xi32, #tpu.memory_space<vmem>> -> memref<1x128xi32, #tpu.memory_space<vmem>>
        %dma_wait3A_316 = tpu.memref_squeeze %dma_wait3A_315 : memref<1x128xi32, #tpu.memory_space<vmem>> -> memref<128xi32, #tpu.memory_space<vmem>>
        %dma_wait3A_317 = arith.constant 0 : i32
        %dma_wait3A_318 = arith.constant 0 : i32
        %dma_wait3A_319 = tpu.memref_slice %arg10[%dma_wait3A_317, %dma_wait3A_318] : memref<10240x128xf32, #tpu.memory_space<vmem_shared>> -> memref<10240x128xf32, #tpu.memory_space<vmem_shared>>
        tpu.wait_indirect_dma semaphore(%run_scoped3A_299 : memref<!tpu.dma_semaphore, #tpu.memory_space<semaphore_mem>>) src(%dma_wait3A_313 : memref<128x128xf32, #tpu.memory_space<vmem>>) dst(%dma_wait3A_319 : memref<10240x128xf32, #tpu.memory_space<vmem_shared>>)
        tpu.yield
      }) : () -> ()
      %run_scoped3A_202 = arith.constant 3 : i32
      "tpu.region"() ({
        %run_scoped3A_299 = tpu.sem_alloc : memref<!tpu.dma_semaphore, #tpu.memory_space<semaphore_mem>>
        %dma_start3A_300 = arith.constant 0 : i32
        %dma_start3A_301 = tpu.memref_slice %arg8[%run_scoped3A_202, %dma_start3A_300] : memref<8x128xi32, #tpu.memory_space<vmem>> -> memref<1x128xi32, #tpu.memory_space<vmem>>
        %dma_start3A_302 = tpu.memref_squeeze %dma_start3A_301 : memref<1x128xi32, #tpu.memory_space<vmem>> -> memref<128xi32, #tpu.memory_space<vmem>>
        %dma_start3A_303 = arith.constant 0 : i32
        %dma_start3A_304 = tpu.memref_slice %arg14[%dma_start3A_303] : memref<10240xf32, #tpu.memory_space<vmem_shared>> -> memref<10240xf32, #tpu.memory_space<vmem_shared>>
        tpu.enqueue_indirect_dma source(%arg13 : memref<128xf32, #tpu.memory_space<vmem>>) target(%dma_start3A_304 : memref<10240xf32, #tpu.memory_space<vmem_shared>>) offsets(%dma_start3A_302 : memref<128xi32, #tpu.memory_space<vmem>>) semaphore(%run_scoped3A_299 : memref<!tpu.dma_semaphore, #tpu.memory_space<semaphore_mem>>) {add = true}
        %dma_wait3A_305 = arith.constant 0 : i32
        %dma_wait3A_306 = tpu.memref_slice %arg8[%run_scoped3A_202, %dma_wait3A_305] : memref<8x128xi32, #tpu.memory_space<vmem>> -> memref<1x128xi32, #tpu.memory_space<vmem>>
        %dma_wait3A_307 = tpu.memref_squeeze %dma_wait3A_306 : memref<1x128xi32, #tpu.memory_space<vmem>> -> memref<128xi32, #tpu.memory_space<vmem>>
        %dma_wait3A_308 = arith.constant 0 : i32
        %dma_wait3A_309 = tpu.memref_slice %arg14[%dma_wait3A_308] : memref<10240xf32, #tpu.memory_space<vmem_shared>> -> memref<10240xf32, #tpu.memory_space<vmem_shared>>
        tpu.wait_indirect_dma semaphore(%run_scoped3A_299 : memref<!tpu.dma_semaphore, #tpu.memory_space<semaphore_mem>>) src(%arg13 : memref<128xf32, #tpu.memory_space<vmem>>) dst(%dma_wait3A_309 : memref<10240xf32, #tpu.memory_space<vmem_shared>>)
        tpu.yield
      }) : () -> ()
      %dma_start3A_203 = arith.constant 5 : i32
      %dma_start3A_204 = arith.constant 1 : i32
      %dma_start3A_205 = arith.constant 0 : i32
      %dma_start3A_206 = arith.constant 0 : i32
      %dma_start3A_207 = tpu.memref_slice %arg9[%dma_start3A_204, %dma_start3A_205, %dma_start3A_206] : memref<2x128x128xf32, #tpu.memory_space<vmem>> -> memref<1x128x128xf32, #tpu.memory_space<vmem>>
      %dma_start3A_208 = tpu.memref_squeeze %dma_start3A_207 : memref<1x128x128xf32, #tpu.memory_space<vmem>> -> memref<128x128xf32, #tpu.memory_space<vmem>>
      %dma_start3A_209 = arith.constant 0 : i32
      %dma_start3A_210 = tpu.memref_slice %arg7[%dma_start3A_203, %dma_start3A_209] : memref<8x128xi32, #tpu.memory_space<vmem>> -> memref<1x128xi32, #tpu.memory_space<vmem>>
      %dma_start3A_211 = tpu.memref_squeeze %dma_start3A_210 : memref<1x128xi32, #tpu.memory_space<vmem>> -> memref<128xi32, #tpu.memory_space<vmem>>
      %dma_start3A_212 = arith.constant 0 : i32
      %dma_start3A_213 = arith.constant 0 : i32
      %dma_start3A_214 = tpu.memref_slice %arg2[%dma_start3A_212, %dma_start3A_213] : memref<10000x128xf32, #tpu.memory_space<hbm>> -> memref<10000x128xf32, #tpu.memory_space<hbm>>
      tpu.enqueue_indirect_dma source(%dma_start3A_214 : memref<10000x128xf32, #tpu.memory_space<hbm>>) target(%dma_start3A_208 : memref<128x128xf32, #tpu.memory_space<vmem>>) offsets(%dma_start3A_211 : memref<128xi32, #tpu.memory_space<vmem>>) semaphore(%arg12 : memref<!tpu.dma_semaphore, #tpu.memory_space<semaphore_mem>>)
      %dma_wait3A_215 = arith.constant 4 : i32
      %dma_wait3A_216 = arith.constant 0 : i32
      %dma_wait3A_217 = arith.constant 0 : i32
      %dma_wait3A_218 = arith.constant 0 : i32
      %dma_wait3A_219 = tpu.memref_slice %arg9[%dma_wait3A_216, %dma_wait3A_217, %dma_wait3A_218] : memref<2x128x128xf32, #tpu.memory_space<vmem>> -> memref<1x128x128xf32, #tpu.memory_space<vmem>>
      %dma_wait3A_220 = tpu.memref_squeeze %dma_wait3A_219 : memref<1x128x128xf32, #tpu.memory_space<vmem>> -> memref<128x128xf32, #tpu.memory_space<vmem>>
      %dma_wait3A_221 = arith.constant 0 : i32
      %dma_wait3A_222 = tpu.memref_slice %arg7[%dma_wait3A_215, %dma_wait3A_221] : memref<8x128xi32, #tpu.memory_space<vmem>> -> memref<1x128xi32, #tpu.memory_space<vmem>>
      %dma_wait3A_223 = tpu.memref_squeeze %dma_wait3A_222 : memref<1x128xi32, #tpu.memory_space<vmem>> -> memref<128xi32, #tpu.memory_space<vmem>>
      %dma_wait3A_224 = arith.constant 0 : i32
      %dma_wait3A_225 = arith.constant 0 : i32
      %dma_wait3A_226 = tpu.memref_slice %arg2[%dma_wait3A_224, %dma_wait3A_225] : memref<10000x128xf32, #tpu.memory_space<hbm>> -> memref<10000x128xf32, #tpu.memory_space<hbm>>
      tpu.wait_indirect_dma semaphore(%arg11 : memref<!tpu.dma_semaphore, #tpu.memory_space<semaphore_mem>>) src(%dma_wait3A_226 : memref<10000x128xf32, #tpu.memory_space<hbm>>) dst(%dma_wait3A_220 : memref<128x128xf32, #tpu.memory_space<vmem>>)
      %run_scoped3A_227 = arith.constant 0 : i32
      %run_scoped3A_228 = arith.constant 4 : i32
      "tpu.region"() ({
        %run_scoped3A_299 = tpu.sem_alloc : memref<!tpu.dma_semaphore, #tpu.memory_space<semaphore_mem>>
        %dma_start3A_300 = arith.constant 0 : i32
        %dma_start3A_301 = arith.constant 0 : i32
        %dma_start3A_302 = tpu.memref_slice %arg9[%run_scoped3A_227, %dma_start3A_300, %dma_start3A_301] : memref<2x128x128xf32, #tpu.memory_space<vmem>> -> memref<1x128x128xf32, #tpu.memory_space<vmem>>
        %dma_start3A_303 = tpu.memref_squeeze %dma_start3A_302 : memref<1x128x128xf32, #tpu.memory_space<vmem>> -> memref<128x128xf32, #tpu.memory_space<vmem>>
        %dma_start3A_304 = arith.constant 0 : i32
        %dma_start3A_305 = tpu.memref_slice %arg8[%run_scoped3A_228, %dma_start3A_304] : memref<8x128xi32, #tpu.memory_space<vmem>> -> memref<1x128xi32, #tpu.memory_space<vmem>>
        %dma_start3A_306 = tpu.memref_squeeze %dma_start3A_305 : memref<1x128xi32, #tpu.memory_space<vmem>> -> memref<128xi32, #tpu.memory_space<vmem>>
        %dma_start3A_307 = arith.constant 0 : i32
        %dma_start3A_308 = arith.constant 0 : i32
        %dma_start3A_309 = tpu.memref_slice %arg10[%dma_start3A_307, %dma_start3A_308] : memref<10240x128xf32, #tpu.memory_space<vmem_shared>> -> memref<10240x128xf32, #tpu.memory_space<vmem_shared>>
        tpu.enqueue_indirect_dma source(%dma_start3A_303 : memref<128x128xf32, #tpu.memory_space<vmem>>) target(%dma_start3A_309 : memref<10240x128xf32, #tpu.memory_space<vmem_shared>>) offsets(%dma_start3A_306 : memref<128xi32, #tpu.memory_space<vmem>>) semaphore(%run_scoped3A_299 : memref<!tpu.dma_semaphore, #tpu.memory_space<semaphore_mem>>) {add = true}
        %dma_wait3A_310 = arith.constant 0 : i32
        %dma_wait3A_311 = arith.constant 0 : i32
        %dma_wait3A_312 = tpu.memref_slice %arg9[%run_scoped3A_227, %dma_wait3A_310, %dma_wait3A_311] : memref<2x128x128xf32, #tpu.memory_space<vmem>> -> memref<1x128x128xf32, #tpu.memory_space<vmem>>
        %dma_wait3A_313 = tpu.memref_squeeze %dma_wait3A_312 : memref<1x128x128xf32, #tpu.memory_space<vmem>> -> memref<128x128xf32, #tpu.memory_space<vmem>>
        %dma_wait3A_314 = arith.constant 0 : i32
        %dma_wait3A_315 = tpu.memref_slice %arg8[%run_scoped3A_228, %dma_wait3A_314] : memref<8x128xi32, #tpu.memory_space<vmem>> -> memref<1x128xi32, #tpu.memory_space<vmem>>
        %dma_wait3A_316 = tpu.memref_squeeze %dma_wait3A_315 : memref<1x128xi32, #tpu.memory_space<vmem>> -> memref<128xi32, #tpu.memory_space<vmem>>
        %dma_wait3A_317 = arith.constant 0 : i32
        %dma_wait3A_318 = arith.constant 0 : i32
        %dma_wait3A_319 = tpu.memref_slice %arg10[%dma_wait3A_317, %dma_wait3A_318] : memref<10240x128xf32, #tpu.memory_space<vmem_shared>> -> memref<10240x128xf32, #tpu.memory_space<vmem_shared>>
        tpu.wait_indirect_dma semaphore(%run_scoped3A_299 : memref<!tpu.dma_semaphore, #tpu.memory_space<semaphore_mem>>) src(%dma_wait3A_313 : memref<128x128xf32, #tpu.memory_space<vmem>>) dst(%dma_wait3A_319 : memref<10240x128xf32, #tpu.memory_space<vmem_shared>>)
        tpu.yield
      }) : () -> ()
      %run_scoped3A_229 = arith.constant 4 : i32
      "tpu.region"() ({
        %run_scoped3A_299 = tpu.sem_alloc : memref<!tpu.dma_semaphore, #tpu.memory_space<semaphore_mem>>
        %dma_start3A_300 = arith.constant 0 : i32
        %dma_start3A_301 = tpu.memref_slice %arg8[%run_scoped3A_229, %dma_start3A_300] : memref<8x128xi32, #tpu.memory_space<vmem>> -> memref<1x128xi32, #tpu.memory_space<vmem>>
        %dma_start3A_302 = tpu.memref_squeeze %dma_start3A_301 : memref<1x128xi32, #tpu.memory_space<vmem>> -> memref<128xi32, #tpu.memory_space<vmem>>
        %dma_start3A_303 = arith.constant 0 : i32
        %dma_start3A_304 = tpu.memref_slice %arg14[%dma_start3A_303] : memref<10240xf32, #tpu.memory_space<vmem_shared>> -> memref<10240xf32, #tpu.memory_space<vmem_shared>>
        tpu.enqueue_indirect_dma source(%arg13 : memref<128xf32, #tpu.memory_space<vmem>>) target(%dma_start3A_304 : memref<10240xf32, #tpu.memory_space<vmem_shared>>) offsets(%dma_start3A_302 : memref<128xi32, #tpu.memory_space<vmem>>) semaphore(%run_scoped3A_299 : memref<!tpu.dma_semaphore, #tpu.memory_space<semaphore_mem>>) {add = true}
        %dma_wait3A_305 = arith.constant 0 : i32
        %dma_wait3A_306 = tpu.memref_slice %arg8[%run_scoped3A_229, %dma_wait3A_305] : memref<8x128xi32, #tpu.memory_space<vmem>> -> memref<1x128xi32, #tpu.memory_space<vmem>>
        %dma_wait3A_307 = tpu.memref_squeeze %dma_wait3A_306 : memref<1x128xi32, #tpu.memory_space<vmem>> -> memref<128xi32, #tpu.memory_space<vmem>>
        %dma_wait3A_308 = arith.constant 0 : i32
        %dma_wait3A_309 = tpu.memref_slice %arg14[%dma_wait3A_308] : memref<10240xf32, #tpu.memory_space<vmem_shared>> -> memref<10240xf32, #tpu.memory_space<vmem_shared>>
        tpu.wait_indirect_dma semaphore(%run_scoped3A_299 : memref<!tpu.dma_semaphore, #tpu.memory_space<semaphore_mem>>) src(%arg13 : memref<128xf32, #tpu.memory_space<vmem>>) dst(%dma_wait3A_309 : memref<10240xf32, #tpu.memory_space<vmem_shared>>)
        tpu.yield
      }) : () -> ()
      %dma_start3A_230 = arith.constant 6 : i32
      %dma_start3A_231 = arith.constant 0 : i32
      %dma_start3A_232 = arith.constant 0 : i32
      %dma_start3A_233 = arith.constant 0 : i32
      %dma_start3A_234 = tpu.memref_slice %arg9[%dma_start3A_231, %dma_start3A_232, %dma_start3A_233] : memref<2x128x128xf32, #tpu.memory_space<vmem>> -> memref<1x128x128xf32, #tpu.memory_space<vmem>>
      %dma_start3A_235 = tpu.memref_squeeze %dma_start3A_234 : memref<1x128x128xf32, #tpu.memory_space<vmem>> -> memref<128x128xf32, #tpu.memory_space<vmem>>
      %dma_start3A_236 = arith.constant 0 : i32
      %dma_start3A_237 = tpu.memref_slice %arg7[%dma_start3A_230, %dma_start3A_236] : memref<8x128xi32, #tpu.memory_space<vmem>> -> memref<1x128xi32, #tpu.memory_space<vmem>>
      %dma_start3A_238 = tpu.memref_squeeze %dma_start3A_237 : memref<1x128xi32, #tpu.memory_space<vmem>> -> memref<128xi32, #tpu.memory_space<vmem>>
      %dma_start3A_239 = arith.constant 0 : i32
      %dma_start3A_240 = arith.constant 0 : i32
      %dma_start3A_241 = tpu.memref_slice %arg2[%dma_start3A_239, %dma_start3A_240] : memref<10000x128xf32, #tpu.memory_space<hbm>> -> memref<10000x128xf32, #tpu.memory_space<hbm>>
      tpu.enqueue_indirect_dma source(%dma_start3A_241 : memref<10000x128xf32, #tpu.memory_space<hbm>>) target(%dma_start3A_235 : memref<128x128xf32, #tpu.memory_space<vmem>>) offsets(%dma_start3A_238 : memref<128xi32, #tpu.memory_space<vmem>>) semaphore(%arg11 : memref<!tpu.dma_semaphore, #tpu.memory_space<semaphore_mem>>)
      %dma_wait3A_242 = arith.constant 5 : i32
      %dma_wait3A_243 = arith.constant 1 : i32
      %dma_wait3A_244 = arith.constant 0 : i32
      %dma_wait3A_245 = arith.constant 0 : i32
      %dma_wait3A_246 = tpu.memref_slice %arg9[%dma_wait3A_243, %dma_wait3A_244, %dma_wait3A_245] : memref<2x128x128xf32, #tpu.memory_space<vmem>> -> memref<1x128x128xf32, #tpu.memory_space<vmem>>
      %dma_wait3A_247 = tpu.memref_squeeze %dma_wait3A_246 : memref<1x128x128xf32, #tpu.memory_space<vmem>> -> memref<128x128xf32, #tpu.memory_space<vmem>>
      %dma_wait3A_248 = arith.constant 0 : i32
      %dma_wait3A_249 = tpu.memref_slice %arg7[%dma_wait3A_242, %dma_wait3A_248] : memref<8x128xi32, #tpu.memory_space<vmem>> -> memref<1x128xi32, #tpu.memory_space<vmem>>
      %dma_wait3A_250 = tpu.memref_squeeze %dma_wait3A_249 : memref<1x128xi32, #tpu.memory_space<vmem>> -> memref<128xi32, #tpu.memory_space<vmem>>
      %dma_wait3A_251 = arith.constant 0 : i32
      %dma_wait3A_252 = arith.constant 0 : i32
      %dma_wait3A_253 = tpu.memref_slice %arg2[%dma_wait3A_251, %dma_wait3A_252] : memref<10000x128xf32, #tpu.memory_space<hbm>> -> memref<10000x128xf32, #tpu.memory_space<hbm>>
      tpu.wait_indirect_dma semaphore(%arg12 : memref<!tpu.dma_semaphore, #tpu.memory_space<semaphore_mem>>) src(%dma_wait3A_253 : memref<10000x128xf32, #tpu.memory_space<hbm>>) dst(%dma_wait3A_247 : memref<128x128xf32, #tpu.memory_space<vmem>>)
      %run_scoped3A_254 = arith.constant 1 : i32
      %run_scoped3A_255 = arith.constant 5 : i32
      "tpu.region"() ({
        %run_scoped3A_299 = tpu.sem_alloc : memref<!tpu.dma_semaphore, #tpu.memory_space<semaphore_mem>>
        %dma_start3A_300 = arith.constant 0 : i32
        %dma_start3A_301 = arith.constant 0 : i32
        %dma_start3A_302 = tpu.memref_slice %arg9[%run_scoped3A_254, %dma_start3A_300, %dma_start3A_301] : memref<2x128x128xf32, #tpu.memory_space<vmem>> -> memref<1x128x128xf32, #tpu.memory_space<vmem>>
        %dma_start3A_303 = tpu.memref_squeeze %dma_start3A_302 : memref<1x128x128xf32, #tpu.memory_space<vmem>> -> memref<128x128xf32, #tpu.memory_space<vmem>>
        %dma_start3A_304 = arith.constant 0 : i32
        %dma_start3A_305 = tpu.memref_slice %arg8[%run_scoped3A_255, %dma_start3A_304] : memref<8x128xi32, #tpu.memory_space<vmem>> -> memref<1x128xi32, #tpu.memory_space<vmem>>
        %dma_start3A_306 = tpu.memref_squeeze %dma_start3A_305 : memref<1x128xi32, #tpu.memory_space<vmem>> -> memref<128xi32, #tpu.memory_space<vmem>>
        %dma_start3A_307 = arith.constant 0 : i32
        %dma_start3A_308 = arith.constant 0 : i32
        %dma_start3A_309 = tpu.memref_slice %arg10[%dma_start3A_307, %dma_start3A_308] : memref<10240x128xf32, #tpu.memory_space<vmem_shared>> -> memref<10240x128xf32, #tpu.memory_space<vmem_shared>>
        tpu.enqueue_indirect_dma source(%dma_start3A_303 : memref<128x128xf32, #tpu.memory_space<vmem>>) target(%dma_start3A_309 : memref<10240x128xf32, #tpu.memory_space<vmem_shared>>) offsets(%dma_start3A_306 : memref<128xi32, #tpu.memory_space<vmem>>) semaphore(%run_scoped3A_299 : memref<!tpu.dma_semaphore, #tpu.memory_space<semaphore_mem>>) {add = true}
        %dma_wait3A_310 = arith.constant 0 : i32
        %dma_wait3A_311 = arith.constant 0 : i32
        %dma_wait3A_312 = tpu.memref_slice %arg9[%run_scoped3A_254, %dma_wait3A_310, %dma_wait3A_311] : memref<2x128x128xf32, #tpu.memory_space<vmem>> -> memref<1x128x128xf32, #tpu.memory_space<vmem>>
        %dma_wait3A_313 = tpu.memref_squeeze %dma_wait3A_312 : memref<1x128x128xf32, #tpu.memory_space<vmem>> -> memref<128x128xf32, #tpu.memory_space<vmem>>
        %dma_wait3A_314 = arith.constant 0 : i32
        %dma_wait3A_315 = tpu.memref_slice %arg8[%run_scoped3A_255, %dma_wait3A_314] : memref<8x128xi32, #tpu.memory_space<vmem>> -> memref<1x128xi32, #tpu.memory_space<vmem>>
        %dma_wait3A_316 = tpu.memref_squeeze %dma_wait3A_315 : memref<1x128xi32, #tpu.memory_space<vmem>> -> memref<128xi32, #tpu.memory_space<vmem>>
        %dma_wait3A_317 = arith.constant 0 : i32
        %dma_wait3A_318 = arith.constant 0 : i32
        %dma_wait3A_319 = tpu.memref_slice %arg10[%dma_wait3A_317, %dma_wait3A_318] : memref<10240x128xf32, #tpu.memory_space<vmem_shared>> -> memref<10240x128xf32, #tpu.memory_space<vmem_shared>>
        tpu.wait_indirect_dma semaphore(%run_scoped3A_299 : memref<!tpu.dma_semaphore, #tpu.memory_space<semaphore_mem>>) src(%dma_wait3A_313 : memref<128x128xf32, #tpu.memory_space<vmem>>) dst(%dma_wait3A_319 : memref<10240x128xf32, #tpu.memory_space<vmem_shared>>)
        tpu.yield
      }) : () -> ()
      %run_scoped3A_256 = arith.constant 5 : i32
      "tpu.region"() ({
        %run_scoped3A_299 = tpu.sem_alloc : memref<!tpu.dma_semaphore, #tpu.memory_space<semaphore_mem>>
        %dma_start3A_300 = arith.constant 0 : i32
        %dma_start3A_301 = tpu.memref_slice %arg8[%run_scoped3A_256, %dma_start3A_300] : memref<8x128xi32, #tpu.memory_space<vmem>> -> memref<1x128xi32, #tpu.memory_space<vmem>>
        %dma_start3A_302 = tpu.memref_squeeze %dma_start3A_301 : memref<1x128xi32, #tpu.memory_space<vmem>> -> memref<128xi32, #tpu.memory_space<vmem>>
        %dma_start3A_303 = arith.constant 0 : i32
        %dma_start3A_304 = tpu.memref_slice %arg14[%dma_start3A_303] : memref<10240xf32, #tpu.memory_space<vmem_shared>> -> memref<10240xf32, #tpu.memory_space<vmem_shared>>
        tpu.enqueue_indirect_dma source(%arg13 : memref<128xf32, #tpu.memory_space<vmem>>) target(%dma_start3A_304 : memref<10240xf32, #tpu.memory_space<vmem_shared>>) offsets(%dma_start3A_302 : memref<128xi32, #tpu.memory_space<vmem>>) semaphore(%run_scoped3A_299 : memref<!tpu.dma_semaphore, #tpu.memory_space<semaphore_mem>>) {add = true}
        %dma_wait3A_305 = arith.constant 0 : i32
        %dma_wait3A_306 = tpu.memref_slice %arg8[%run_scoped3A_256, %dma_wait3A_305] : memref<8x128xi32, #tpu.memory_space<vmem>> -> memref<1x128xi32, #tpu.memory_space<vmem>>
        %dma_wait3A_307 = tpu.memref_squeeze %dma_wait3A_306 : memref<1x128xi32, #tpu.memory_space<vmem>> -> memref<128xi32, #tpu.memory_space<vmem>>
        %dma_wait3A_308 = arith.constant 0 : i32
        %dma_wait3A_309 = tpu.memref_slice %arg14[%dma_wait3A_308] : memref<10240xf32, #tpu.memory_space<vmem_shared>> -> memref<10240xf32, #tpu.memory_space<vmem_shared>>
        tpu.wait_indirect_dma semaphore(%run_scoped3A_299 : memref<!tpu.dma_semaphore, #tpu.memory_space<semaphore_mem>>) src(%arg13 : memref<128xf32, #tpu.memory_space<vmem>>) dst(%dma_wait3A_309 : memref<10240xf32, #tpu.memory_space<vmem_shared>>)
        tpu.yield
      }) : () -> ()
      %dma_start3A_257 = arith.constant 7 : i32
      %dma_start3A_258 = arith.constant 1 : i32
      %dma_start3A_259 = arith.constant 0 : i32
      %dma_start3A_260 = arith.constant 0 : i32
      %dma_start3A_261 = tpu.memref_slice %arg9[%dma_start3A_258, %dma_start3A_259, %dma_start3A_260] : memref<2x128x128xf32, #tpu.memory_space<vmem>> -> memref<1x128x128xf32, #tpu.memory_space<vmem>>
      %dma_start3A_262 = tpu.memref_squeeze %dma_start3A_261 : memref<1x128x128xf32, #tpu.memory_space<vmem>> -> memref<128x128xf32, #tpu.memory_space<vmem>>
      %dma_start3A_263 = arith.constant 0 : i32
      %dma_start3A_264 = tpu.memref_slice %arg7[%dma_start3A_257, %dma_start3A_263] : memref<8x128xi32, #tpu.memory_space<vmem>> -> memref<1x128xi32, #tpu.memory_space<vmem>>
      %dma_start3A_265 = tpu.memref_squeeze %dma_start3A_264 : memref<1x128xi32, #tpu.memory_space<vmem>> -> memref<128xi32, #tpu.memory_space<vmem>>
      %dma_start3A_266 = arith.constant 0 : i32
      %dma_start3A_267 = arith.constant 0 : i32
      %dma_start3A_268 = tpu.memref_slice %arg2[%dma_start3A_266, %dma_start3A_267] : memref<10000x128xf32, #tpu.memory_space<hbm>> -> memref<10000x128xf32, #tpu.memory_space<hbm>>
      tpu.enqueue_indirect_dma source(%dma_start3A_268 : memref<10000x128xf32, #tpu.memory_space<hbm>>) target(%dma_start3A_262 : memref<128x128xf32, #tpu.memory_space<vmem>>) offsets(%dma_start3A_265 : memref<128xi32, #tpu.memory_space<vmem>>) semaphore(%arg12 : memref<!tpu.dma_semaphore, #tpu.memory_space<semaphore_mem>>)
      %dma_wait3A_269 = arith.constant 6 : i32
      %dma_wait3A_270 = arith.constant 0 : i32
      %dma_wait3A_271 = arith.constant 0 : i32
      %dma_wait3A_272 = arith.constant 0 : i32
      %dma_wait3A_273 = tpu.memref_slice %arg9[%dma_wait3A_270, %dma_wait3A_271, %dma_wait3A_272] : memref<2x128x128xf32, #tpu.memory_space<vmem>> -> memref<1x128x128xf32, #tpu.memory_space<vmem>>
      %dma_wait3A_274 = tpu.memref_squeeze %dma_wait3A_273 : memref<1x128x128xf32, #tpu.memory_space<vmem>> -> memref<128x128xf32, #tpu.memory_space<vmem>>
      %dma_wait3A_275 = arith.constant 0 : i32
      %dma_wait3A_276 = tpu.memref_slice %arg7[%dma_wait3A_269, %dma_wait3A_275] : memref<8x128xi32, #tpu.memory_space<vmem>> -> memref<1x128xi32, #tpu.memory_space<vmem>>
      %dma_wait3A_277 = tpu.memref_squeeze %dma_wait3A_276 : memref<1x128xi32, #tpu.memory_space<vmem>> -> memref<128xi32, #tpu.memory_space<vmem>>
      %dma_wait3A_278 = arith.constant 0 : i32
      %dma_wait3A_279 = arith.constant 0 : i32
      %dma_wait3A_280 = tpu.memref_slice %arg2[%dma_wait3A_278, %dma_wait3A_279] : memref<10000x128xf32, #tpu.memory_space<hbm>> -> memref<10000x128xf32, #tpu.memory_space<hbm>>
      tpu.wait_indirect_dma semaphore(%arg11 : memref<!tpu.dma_semaphore, #tpu.memory_space<semaphore_mem>>) src(%dma_wait3A_280 : memref<10000x128xf32, #tpu.memory_space<hbm>>) dst(%dma_wait3A_274 : memref<128x128xf32, #tpu.memory_space<vmem>>)
      %run_scoped3A_281 = arith.constant 0 : i32
      %run_scoped3A_282 = arith.constant 6 : i32
      "tpu.region"() ({
        %run_scoped3A_299 = tpu.sem_alloc : memref<!tpu.dma_semaphore, #tpu.memory_space<semaphore_mem>>
        %dma_start3A_300 = arith.constant 0 : i32
        %dma_start3A_301 = arith.constant 0 : i32
        %dma_start3A_302 = tpu.memref_slice %arg9[%run_scoped3A_281, %dma_start3A_300, %dma_start3A_301] : memref<2x128x128xf32, #tpu.memory_space<vmem>> -> memref<1x128x128xf32, #tpu.memory_space<vmem>>
        %dma_start3A_303 = tpu.memref_squeeze %dma_start3A_302 : memref<1x128x128xf32, #tpu.memory_space<vmem>> -> memref<128x128xf32, #tpu.memory_space<vmem>>
        %dma_start3A_304 = arith.constant 0 : i32
        %dma_start3A_305 = tpu.memref_slice %arg8[%run_scoped3A_282, %dma_start3A_304] : memref<8x128xi32, #tpu.memory_space<vmem>> -> memref<1x128xi32, #tpu.memory_space<vmem>>
        %dma_start3A_306 = tpu.memref_squeeze %dma_start3A_305 : memref<1x128xi32, #tpu.memory_space<vmem>> -> memref<128xi32, #tpu.memory_space<vmem>>
        %dma_start3A_307 = arith.constant 0 : i32
        %dma_start3A_308 = arith.constant 0 : i32
        %dma_start3A_309 = tpu.memref_slice %arg10[%dma_start3A_307, %dma_start3A_308] : memref<10240x128xf32, #tpu.memory_space<vmem_shared>> -> memref<10240x128xf32, #tpu.memory_space<vmem_shared>>
        tpu.enqueue_indirect_dma source(%dma_start3A_303 : memref<128x128xf32, #tpu.memory_space<vmem>>) target(%dma_start3A_309 : memref<10240x128xf32, #tpu.memory_space<vmem_shared>>) offsets(%dma_start3A_306 : memref<128xi32, #tpu.memory_space<vmem>>) semaphore(%run_scoped3A_299 : memref<!tpu.dma_semaphore, #tpu.memory_space<semaphore_mem>>) {add = true}
        %dma_wait3A_310 = arith.constant 0 : i32
        %dma_wait3A_311 = arith.constant 0 : i32
        %dma_wait3A_312 = tpu.memref_slice %arg9[%run_scoped3A_281, %dma_wait3A_310, %dma_wait3A_311] : memref<2x128x128xf32, #tpu.memory_space<vmem>> -> memref<1x128x128xf32, #tpu.memory_space<vmem>>
        %dma_wait3A_313 = tpu.memref_squeeze %dma_wait3A_312 : memref<1x128x128xf32, #tpu.memory_space<vmem>> -> memref<128x128xf32, #tpu.memory_space<vmem>>
        %dma_wait3A_314 = arith.constant 0 : i32
        %dma_wait3A_315 = tpu.memref_slice %arg8[%run_scoped3A_282, %dma_wait3A_314] : memref<8x128xi32, #tpu.memory_space<vmem>> -> memref<1x128xi32, #tpu.memory_space<vmem>>
        %dma_wait3A_316 = tpu.memref_squeeze %dma_wait3A_315 : memref<1x128xi32, #tpu.memory_space<vmem>> -> memref<128xi32, #tpu.memory_space<vmem>>
        %dma_wait3A_317 = arith.constant 0 : i32
        %dma_wait3A_318 = arith.constant 0 : i32
        %dma_wait3A_319 = tpu.memref_slice %arg10[%dma_wait3A_317, %dma_wait3A_318] : memref<10240x128xf32, #tpu.memory_space<vmem_shared>> -> memref<10240x128xf32, #tpu.memory_space<vmem_shared>>
        tpu.wait_indirect_dma semaphore(%run_scoped3A_299 : memref<!tpu.dma_semaphore, #tpu.memory_space<semaphore_mem>>) src(%dma_wait3A_313 : memref<128x128xf32, #tpu.memory_space<vmem>>) dst(%dma_wait3A_319 : memref<10240x128xf32, #tpu.memory_space<vmem_shared>>)
        tpu.yield
      }) : () -> ()
      %run_scoped3A_283 = arith.constant 6 : i32
      "tpu.region"() ({
        %run_scoped3A_299 = tpu.sem_alloc : memref<!tpu.dma_semaphore, #tpu.memory_space<semaphore_mem>>
        %dma_start3A_300 = arith.constant 0 : i32
        %dma_start3A_301 = tpu.memref_slice %arg8[%run_scoped3A_283, %dma_start3A_300] : memref<8x128xi32, #tpu.memory_space<vmem>> -> memref<1x128xi32, #tpu.memory_space<vmem>>
        %dma_start3A_302 = tpu.memref_squeeze %dma_start3A_301 : memref<1x128xi32, #tpu.memory_space<vmem>> -> memref<128xi32, #tpu.memory_space<vmem>>
        %dma_start3A_303 = arith.constant 0 : i32
        %dma_start3A_304 = tpu.memref_slice %arg14[%dma_start3A_303] : memref<10240xf32, #tpu.memory_space<vmem_shared>> -> memref<10240xf32, #tpu.memory_space<vmem_shared>>
        tpu.enqueue_indirect_dma source(%arg13 : memref<128xf32, #tpu.memory_space<vmem>>) target(%dma_start3A_304 : memref<10240xf32, #tpu.memory_space<vmem_shared>>) offsets(%dma_start3A_302 : memref<128xi32, #tpu.memory_space<vmem>>) semaphore(%run_scoped3A_299 : memref<!tpu.dma_semaphore, #tpu.memory_space<semaphore_mem>>) {add = true}
        %dma_wait3A_305 = arith.constant 0 : i32
        %dma_wait3A_306 = tpu.memref_slice %arg8[%run_scoped3A_283, %dma_wait3A_305] : memref<8x128xi32, #tpu.memory_space<vmem>> -> memref<1x128xi32, #tpu.memory_space<vmem>>
        %dma_wait3A_307 = tpu.memref_squeeze %dma_wait3A_306 : memref<1x128xi32, #tpu.memory_space<vmem>> -> memref<128xi32, #tpu.memory_space<vmem>>
        %dma_wait3A_308 = arith.constant 0 : i32
        %dma_wait3A_309 = tpu.memref_slice %arg14[%dma_wait3A_308] : memref<10240xf32, #tpu.memory_space<vmem_shared>> -> memref<10240xf32, #tpu.memory_space<vmem_shared>>
        tpu.wait_indirect_dma semaphore(%run_scoped3A_299 : memref<!tpu.dma_semaphore, #tpu.memory_space<semaphore_mem>>) src(%arg13 : memref<128xf32, #tpu.memory_space<vmem>>) dst(%dma_wait3A_309 : memref<10240xf32, #tpu.memory_space<vmem_shared>>)
        tpu.yield
      }) : () -> ()
      %dma_wait3A_284 = arith.constant 7 : i32
      %dma_wait3A_285 = arith.constant 1 : i32
      %dma_wait3A_286 = arith.constant 0 : i32
      %dma_wait3A_287 = arith.constant 0 : i32
      %dma_wait3A_288 = tpu.memref_slice %arg9[%dma_wait3A_285, %dma_wait3A_286, %dma_wait3A_287] : memref<2x128x128xf32, #tpu.memory_space<vmem>> -> memref<1x128x128xf32, #tpu.memory_space<vmem>>
      %dma_wait3A_289 = tpu.memref_squeeze %dma_wait3A_288 : memref<1x128x128xf32, #tpu.memory_space<vmem>> -> memref<128x128xf32, #tpu.memory_space<vmem>>
      %dma_wait3A_290 = arith.constant 0 : i32
      %dma_wait3A_291 = tpu.memref_slice %arg7[%dma_wait3A_284, %dma_wait3A_290] : memref<8x128xi32, #tpu.memory_space<vmem>> -> memref<1x128xi32, #tpu.memory_space<vmem>>
      %dma_wait3A_292 = tpu.memref_squeeze %dma_wait3A_291 : memref<1x128xi32, #tpu.memory_space<vmem>> -> memref<128xi32, #tpu.memory_space<vmem>>
      %dma_wait3A_293 = arith.constant 0 : i32
      %dma_wait3A_294 = arith.constant 0 : i32
      %dma_wait3A_295 = tpu.memref_slice %arg2[%dma_wait3A_293, %dma_wait3A_294] : memref<10000x128xf32, #tpu.memory_space<hbm>> -> memref<10000x128xf32, #tpu.memory_space<hbm>>
      tpu.wait_indirect_dma semaphore(%arg12 : memref<!tpu.dma_semaphore, #tpu.memory_space<semaphore_mem>>) src(%dma_wait3A_295 : memref<10000x128xf32, #tpu.memory_space<hbm>>) dst(%dma_wait3A_289 : memref<128x128xf32, #tpu.memory_space<vmem>>)
      %run_scoped3A_296 = arith.constant 1 : i32
      %run_scoped3A_297 = arith.constant 7 : i32
      "tpu.region"() ({
        %run_scoped3A_299 = tpu.sem_alloc : memref<!tpu.dma_semaphore, #tpu.memory_space<semaphore_mem>>
        %dma_start3A_300 = arith.constant 0 : i32
        %dma_start3A_301 = arith.constant 0 : i32
        %dma_start3A_302 = tpu.memref_slice %arg9[%run_scoped3A_296, %dma_start3A_300, %dma_start3A_301] : memref<2x128x128xf32, #tpu.memory_space<vmem>> -> memref<1x128x128xf32, #tpu.memory_space<vmem>>
        %dma_start3A_303 = tpu.memref_squeeze %dma_start3A_302 : memref<1x128x128xf32, #tpu.memory_space<vmem>> -> memref<128x128xf32, #tpu.memory_space<vmem>>
        %dma_start3A_304 = arith.constant 0 : i32
        %dma_start3A_305 = tpu.memref_slice %arg8[%run_scoped3A_297, %dma_start3A_304] : memref<8x128xi32, #tpu.memory_space<vmem>> -> memref<1x128xi32, #tpu.memory_space<vmem>>
        %dma_start3A_306 = tpu.memref_squeeze %dma_start3A_305 : memref<1x128xi32, #tpu.memory_space<vmem>> -> memref<128xi32, #tpu.memory_space<vmem>>
        %dma_start3A_307 = arith.constant 0 : i32
        %dma_start3A_308 = arith.constant 0 : i32
        %dma_start3A_309 = tpu.memref_slice %arg10[%dma_start3A_307, %dma_start3A_308] : memref<10240x128xf32, #tpu.memory_space<vmem_shared>> -> memref<10240x128xf32, #tpu.memory_space<vmem_shared>>
        tpu.enqueue_indirect_dma source(%dma_start3A_303 : memref<128x128xf32, #tpu.memory_space<vmem>>) target(%dma_start3A_309 : memref<10240x128xf32, #tpu.memory_space<vmem_shared>>) offsets(%dma_start3A_306 : memref<128xi32, #tpu.memory_space<vmem>>) semaphore(%run_scoped3A_299 : memref<!tpu.dma_semaphore, #tpu.memory_space<semaphore_mem>>) {add = true}
        %dma_wait3A_310 = arith.constant 0 : i32
        %dma_wait3A_311 = arith.constant 0 : i32
        %dma_wait3A_312 = tpu.memref_slice %arg9[%run_scoped3A_296, %dma_wait3A_310, %dma_wait3A_311] : memref<2x128x128xf32, #tpu.memory_space<vmem>> -> memref<1x128x128xf32, #tpu.memory_space<vmem>>
        %dma_wait3A_313 = tpu.memref_squeeze %dma_wait3A_312 : memref<1x128x128xf32, #tpu.memory_space<vmem>> -> memref<128x128xf32, #tpu.memory_space<vmem>>
        %dma_wait3A_314 = arith.constant 0 : i32
        %dma_wait3A_315 = tpu.memref_slice %arg8[%run_scoped3A_297, %dma_wait3A_314] : memref<8x128xi32, #tpu.memory_space<vmem>> -> memref<1x128xi32, #tpu.memory_space<vmem>>
        %dma_wait3A_316 = tpu.memref_squeeze %dma_wait3A_315 : memref<1x128xi32, #tpu.memory_space<vmem>> -> memref<128xi32, #tpu.memory_space<vmem>>
        %dma_wait3A_317 = arith.constant 0 : i32
        %dma_wait3A_318 = arith.constant 0 : i32
        %dma_wait3A_319 = tpu.memref_slice %arg10[%dma_wait3A_317, %dma_wait3A_318] : memref<10240x128xf32, #tpu.memory_space<vmem_shared>> -> memref<10240x128xf32, #tpu.memory_space<vmem_shared>>
        tpu.wait_indirect_dma semaphore(%run_scoped3A_299 : memref<!tpu.dma_semaphore, #tpu.memory_space<semaphore_mem>>) src(%dma_wait3A_313 : memref<128x128xf32, #tpu.memory_space<vmem>>) dst(%dma_wait3A_319 : memref<10240x128xf32, #tpu.memory_space<vmem_shared>>)
        tpu.yield
      }) : () -> ()
      %run_scoped3A_298 = arith.constant 7 : i32
      "tpu.region"() ({
        %run_scoped3A_299 = tpu.sem_alloc : memref<!tpu.dma_semaphore, #tpu.memory_space<semaphore_mem>>
        %dma_start3A_300 = arith.constant 0 : i32
        %dma_start3A_301 = tpu.memref_slice %arg8[%run_scoped3A_298, %dma_start3A_300] : memref<8x128xi32, #tpu.memory_space<vmem>> -> memref<1x128xi32, #tpu.memory_space<vmem>>
        %dma_start3A_302 = tpu.memref_squeeze %dma_start3A_301 : memref<1x128xi32, #tpu.memory_space<vmem>> -> memref<128xi32, #tpu.memory_space<vmem>>
        %dma_start3A_303 = arith.constant 0 : i32
        %dma_start3A_304 = tpu.memref_slice %arg14[%dma_start3A_303] : memref<10240xf32, #tpu.memory_space<vmem_shared>> -> memref<10240xf32, #tpu.memory_space<vmem_shared>>
        tpu.enqueue_indirect_dma source(%arg13 : memref<128xf32, #tpu.memory_space<vmem>>) target(%dma_start3A_304 : memref<10240xf32, #tpu.memory_space<vmem_shared>>) offsets(%dma_start3A_302 : memref<128xi32, #tpu.memory_space<vmem>>) semaphore(%run_scoped3A_299 : memref<!tpu.dma_semaphore, #tpu.memory_space<semaphore_mem>>) {add = true}
        %dma_wait3A_305 = arith.constant 0 : i32
        %dma_wait3A_306 = tpu.memref_slice %arg8[%run_scoped3A_298, %dma_wait3A_305] : memref<8x128xi32, #tpu.memory_space<vmem>> -> memref<1x128xi32, #tpu.memory_space<vmem>>
        %dma_wait3A_307 = tpu.memref_squeeze %dma_wait3A_306 : memref<1x128xi32, #tpu.memory_space<vmem>> -> memref<128xi32, #tpu.memory_space<vmem>>
        %dma_wait3A_308 = arith.constant 0 : i32
        %dma_wait3A_309 = tpu.memref_slice %arg14[%dma_wait3A_308] : memref<10240xf32, #tpu.memory_space<vmem_shared>> -> memref<10240xf32, #tpu.memory_space<vmem_shared>>
        tpu.wait_indirect_dma semaphore(%run_scoped3A_299 : memref<!tpu.dma_semaphore, #tpu.memory_space<semaphore_mem>>) src(%arg13 : memref<128xf32, #tpu.memory_space<vmem>>) dst(%dma_wait3A_309 : memref<10240xf32, #tpu.memory_space<vmem_shared>>)
        tpu.yield
      }) : () -> ()
    }
    %barrier3A_77 = arith.constant 0 : index
    tpu.barrier barrier_id(%barrier3A_77)
    %eq3A_78 = arith.constant 0 : i32
    %eq3A_79 = arith.cmpi eq, %arg0, %eq3A_78 : i32
    %convert_element_type3A = arith.extui %eq3A_79 : i1 to i32
    %cond3A = arith.constant 0 : i32
    %cond3A_80 = arith.cmpi ne, %convert_element_type3A, %cond3A : i32
    scf.if %cond3A_80 {
      %mul3A_81 = arith.constant 640 : i32
      %mul3A_82 = arith.muli %arg1, %mul3A_81 : i32
      %mul3A_83 = arith.constant 640 : i32
      %mul3A_84 = arith.muli %arg1, %mul3A_83 : i32
      "tpu.region"() ({
        %run_scoped3A_89 = tpu.sem_alloc : memref<!tpu.dma_semaphore, #tpu.memory_space<semaphore_mem>>
        %dma_start3A = arith.constant 0 : i32
        %dma_start3A_90 = tpu.memref_slice %arg5[%mul3A_84, %dma_start3A] : memref<10240x128xf32, #tpu.memory_space<hbm>> -> memref<640x128xf32, #tpu.memory_space<hbm>>
        %dma_start3A_91 = arith.constant 0 : i32
        %dma_start3A_92 = tpu.memref_slice %arg10[%mul3A_82, %dma_start3A_91] : memref<10240x128xf32, #tpu.memory_space<vmem_shared>> -> memref<640x128xf32, #tpu.memory_space<vmem_shared>>
        tpu.enqueue_dma source(%dma_start3A_92 : memref<640x128xf32, #tpu.memory_space<vmem_shared>>) target(%dma_start3A_90 : memref<640x128xf32, #tpu.memory_space<hbm>>) target_semaphore(%run_scoped3A_89 : memref<!tpu.dma_semaphore, #tpu.memory_space<semaphore_mem>>)
        %dma_wait3A = arith.constant 0 : i32
        %dma_wait3A_93 = tpu.memref_slice %arg5[%mul3A_84, %dma_wait3A] : memref<10240x128xf32, #tpu.memory_space<hbm>> -> memref<640x128xf32, #tpu.memory_space<hbm>>
        %dma_wait3A_94 = arith.constant 0 : i32
        %dma_wait3A_95 = tpu.memref_slice %arg10[%mul3A_82, %dma_wait3A_94] : memref<10240x128xf32, #tpu.memory_space<vmem_shared>> -> memref<640x128xf32, #tpu.memory_space<vmem_shared>>
        tpu.wait_dma2 semaphore(%run_scoped3A_89 : memref<!tpu.dma_semaphore, #tpu.memory_space<semaphore_mem>>) src(%dma_wait3A_95 : memref<640x128xf32, #tpu.memory_space<vmem_shared>>) dst(%dma_wait3A_93 : memref<640x128xf32, #tpu.memory_space<hbm>>)
        tpu.yield
      }) : () -> ()
      %mul3A_85 = arith.constant 640 : i32
      %mul3A_86 = arith.muli %arg1, %mul3A_85 : i32
      %mul3A_87 = arith.constant 640 : i32
      %mul3A_88 = arith.muli %arg1, %mul3A_87 : i32
      "tpu.region"() ({
        %run_scoped3A_89 = tpu.sem_alloc : memref<!tpu.dma_semaphore, #tpu.memory_space<semaphore_mem>>
        %dma_start3A = tpu.memref_slice %arg6[%mul3A_88] : memref<10240xf32, #tpu.memory_space<hbm>> -> memref<640xf32, #tpu.memory_space<hbm>>
        %dma_start3A_90 = tpu.memref_slice %arg14[%mul3A_86] : memref<10240xf32, #tpu.memory_space<vmem_shared>> -> memref<640xf32, #tpu.memory_space<vmem_shared>>
        tpu.enqueue_dma source(%dma_start3A_90 : memref<640xf32, #tpu.memory_space<vmem_shared>>) target(%dma_start3A : memref<640xf32, #tpu.memory_space<hbm>>) target_semaphore(%run_scoped3A_89 : memref<!tpu.dma_semaphore, #tpu.memory_space<semaphore_mem>>)
        %dma_wait3A = tpu.memref_slice %arg6[%mul3A_88] : memref<10240xf32, #tpu.memory_space<hbm>> -> memref<640xf32, #tpu.memory_space<hbm>>
        %dma_wait3A_91 = tpu.memref_slice %arg14[%mul3A_86] : memref<10240xf32, #tpu.memory_space<vmem_shared>> -> memref<640xf32, #tpu.memory_space<vmem_shared>>
        tpu.wait_dma2 semaphore(%run_scoped3A_89 : memref<!tpu.dma_semaphore, #tpu.memory_space<semaphore_mem>>) src(%dma_wait3A_91 : memref<640xf32, #tpu.memory_space<vmem_shared>>) dst(%dma_wait3A : memref<640xf32, #tpu.memory_space<hbm>>)
        tpu.yield
      }) : () -> ()
    } else {
    }
    return
  }
}

module attributes {stable_mosaic.version = 14 : i64} {
  func.func @_tc_layer_body(%arg0: i32, %arg1: memref<1000x128xf32, #tpu.memory_space<vmem>>, %arg2: memref<1x1x1000xf32, #tpu.memory_space<vmem>>, %arg3: memref<1000x128xf32, #tpu.memory_space<vmem>>, %arg4: memref<128x128xf32, #tpu.memory_space<vmem>>, %arg5: memref<128x128xf32, #tpu.memory_space<vmem>>, %arg6: memref<1x128xf32, #tpu.memory_space<vmem>>, %arg7: memref<1000x128xf32, #tpu.memory_space<vmem>>) attributes {dimension_semantics = [#tpu.dimension_semantics<arbitrary>], iteration_bounds = array<i64: 10>, scalar_prefetch = 0 : i64, scratch_operands = 0 : i64, tpu.core_type = #tpu.core_type<tc>, window_params = [{transform_indices = @transform_0, window_bounds = array<i64: 1000, 128>}, {transform_indices = @transform_1, window_bounds = array<i64: 1, 1, 1000>}, {transform_indices = @transform_2, window_bounds = array<i64: 1000, 128>}, {pipeline_mode = #tpu.pipeline_mode<synchronous>, transform_indices = @transform_3, window_bounds = array<i64: 128, 128>}, {pipeline_mode = #tpu.pipeline_mode<synchronous>, transform_indices = @transform_4, window_bounds = array<i64: 128, 128>}, {pipeline_mode = #tpu.pipeline_mode<synchronous>, transform_indices = @transform_5, window_bounds = array<i64: 1, 128>}, {transform_indices = @transform_6, window_bounds = array<i64: 1000, 128>}]} {
    %get3A = arith.constant 0 : index
    %get3A_0 = arith.constant 0 : index
    %get3A_1 = vector.load %arg1[%get3A, %get3A_0] : memref<1000x128xf32, #tpu.memory_space<vmem>>, vector<1000x128xf32>
    %get3A_2 = arith.constant 0 : index
    %get3A_3 = arith.constant 0 : index
    %get3A_4 = arith.constant 0 : index
    %get3A_5 = vector.load %arg2[%get3A_2, %get3A_3, %get3A_4] : memref<1x1x1000xf32, #tpu.memory_space<vmem>>, vector<1x1x1000xf32>
    %get3A_6 = vector.shape_cast %get3A_5 : vector<1x1x1000xf32> to vector<1000xf32>
    %max3A = arith.constant 1.000000e+00 : f32
    %max3A_7 = vector.broadcast %max3A : f32 to vector<1000xf32>
    %max3A_8 = arith.maximumf %get3A_6, %max3A_7 : vector<1000xf32>
    %div3A = arith.constant 1.000000e+00 : f32
    %div3A_9 = vector.broadcast %div3A : f32 to vector<1000xf32>
    %div3A_10 = arith.divf %div3A_9, %max3A_8 : vector<1000xf32>
    %reshape3A = vector.shape_cast %div3A_10 : vector<1000xf32> to vector<1000x1xf32>
    %mul3A = vector.broadcast %reshape3A : vector<1000x1xf32> to vector<1000x128xf32>
    %mul3A_11 = arith.mulf %get3A_1, %mul3A : vector<1000x128xf32>
    %get3A_12 = arith.constant 0 : index
    %get3A_13 = arith.constant 0 : index
    %get3A_14 = vector.load %arg4[%get3A_12, %get3A_13] : memref<128x128xf32, #tpu.memory_space<vmem>>, vector<128x128xf32>
    %dot_general3A = arith.constant dense<0.000000e+00> : vector<1000x128xf32>
    %dot_general3A_15 = tpu.matmul %mul3A_11, %get3A_14, %dot_general3A {dimension_numbers = #tpu.dot_dimension_numbers<[1], [0], [0], [1], [0, 0, 1, 1], [], []>, transpose_lhs_hint = false} : vector<1000x128xf32>, vector<128x128xf32>, vector<1000x128xf32> -> vector<1000x128xf32>
    %get3A_16 = arith.constant 0 : index
    %get3A_17 = arith.constant 0 : index
    %get3A_18 = vector.load %arg3[%get3A_16, %get3A_17] : memref<1000x128xf32, #tpu.memory_space<vmem>>, vector<1000x128xf32>
    %get3A_19 = arith.constant 0 : index
    %get3A_20 = arith.constant 0 : index
    %get3A_21 = vector.load %arg5[%get3A_19, %get3A_20] : memref<128x128xf32, #tpu.memory_space<vmem>>, vector<128x128xf32>
    %dot_general3A_22 = arith.constant dense<0.000000e+00> : vector<1000x128xf32>
    %dot_general3A_23 = tpu.matmul %get3A_18, %get3A_21, %dot_general3A_22 {dimension_numbers = #tpu.dot_dimension_numbers<[1], [0], [0], [1], [0, 0, 1, 1], [], []>, transpose_lhs_hint = false} : vector<1000x128xf32>, vector<128x128xf32>, vector<1000x128xf32> -> vector<1000x128xf32>
    %add3A = arith.addf %dot_general3A_15, %dot_general3A_23 : vector<1000x128xf32>
    %get3A_24 = arith.constant 0 : index
    %get3A_25 = arith.constant 0 : index
    %get3A_26 = vector.load %arg6[%get3A_24, %get3A_25] : memref<1x128xf32, #tpu.memory_space<vmem>>, vector<1x128xf32>
    %add3A_27 = vector.broadcast %get3A_26 : vector<1x128xf32> to vector<1000x128xf32>
    %add3A_28 = arith.addf %add3A, %add3A_27 : vector<1000x128xf32>
    %max3A_29 = arith.constant 0.000000e+00 : f32
    %max3A_30 = vector.broadcast %max3A_29 : f32 to vector<1000x128xf32>
    %max3A_31 = arith.maximumf %add3A_28, %max3A_30 : vector<1000x128xf32>
    %swap3A = arith.constant 0 : index
    %swap3A_32 = arith.constant 0 : index
    %swap3A_33 = vector.load %arg7[%swap3A, %swap3A_32] : memref<1000x128xf32, #tpu.memory_space<vmem>>, vector<1000x128xf32>
    tpu.vector_store %arg7[%swap3A, %swap3A_32], %max3A_31 {strides = array<i32>} : memref<1000x128xf32, #tpu.memory_space<vmem>>, vector<1000x128xf32>,
    return
  }
  func.func @transform_0(%arg0: i32) -> (i32, i32) {
    %c0_i32 = arith.constant 0 : i32
    %c0_i32_0 = arith.constant 0 : i32
    return %arg0, %c0_i32 : i32, i32
  }
  func.func @transform_1(%arg0: i32) -> (i32, i32, i32) {
    %c0_i32 = arith.constant 0 : i32
    %c0_i32_0 = arith.constant 0 : i32
    %c0_i32_1 = arith.constant 0 : i32
    return %arg0, %c0_i32, %c0_i32_0 : i32, i32, i32
  }
  func.func @transform_2(%arg0: i32) -> (i32, i32) {
    %c0_i32 = arith.constant 0 : i32
    %c0_i32_0 = arith.constant 0 : i32
    return %arg0, %c0_i32 : i32, i32
  }
  func.func @transform_3(%arg0: i32) -> (i32, i32) {
    %c0_i32 = arith.constant 0 : i32
    %c0_i32_0 = arith.constant 0 : i32
    %c0_i32_1 = arith.constant 0 : i32
    return %c0_i32, %c0_i32_0 : i32, i32
  }
  func.func @transform_4(%arg0: i32) -> (i32, i32) {
    %c0_i32 = arith.constant 0 : i32
    %c0_i32_0 = arith.constant 0 : i32
    %c0_i32_1 = arith.constant 0 : i32
    return %c0_i32, %c0_i32_0 : i32, i32
  }
  func.func @transform_5(%arg0: i32) -> (i32, i32) {
    %c0_i32 = arith.constant 0 : i32
    %c0_i32_0 = arith.constant 0 : i32
    %c0_i32_1 = arith.constant 0 : i32
    return %c0_i32, %c0_i32_0 : i32, i32
  }
  func.func @transform_6(%arg0: i32) -> (i32, i32) {
    %c0_i32 = arith.constant 0 : i32
    %c0_i32_0 = arith.constant 0 : i32
    return %arg0, %c0_i32 : i32, i32
  }
}

module attributes {stable_mosaic.version = 14 : i64} {
  func.func @_tc_layer2_body(%arg0: i32, %arg1: memref<1000x128xf32, #tpu.memory_space<vmem>>, %arg2: memref<1x1x1000xf32, #tpu.memory_space<vmem>>, %arg3: memref<1000x128xf32, #tpu.memory_space<vmem>>, %arg4: memref<1x1x1000xi32, #tpu.memory_space<vmem>>, %arg5: memref<1000x64xf32, #tpu.memory_space<vmem>>, %arg6: memref<128x128xf32, #tpu.memory_space<vmem>>, %arg7: memref<128x128xf32, #tpu.memory_space<vmem>>, %arg8: memref<1x128xf32, #tpu.memory_space<vmem>>, %arg9: memref<128x128xf32, #tpu.memory_space<vmem>>, %arg10: memref<1x128xf32, #tpu.memory_space<vmem>>, %arg11: memref<128x128xf32, #tpu.memory_space<vmem>>, %arg12: memref<1x128xf32, #tpu.memory_space<vmem>>, %arg13: memref<64x128xf32, #tpu.memory_space<vmem>>, %arg14: memref<64x128xf32, #tpu.memory_space<vmem>>) attributes {dimension_semantics = [#tpu.dimension_semantics<arbitrary>], iteration_bounds = array<i64: 10>, scalar_prefetch = 0 : i64, scratch_operands = 1 : i64, tpu.core_type = #tpu.core_type<tc>, window_params = [{transform_indices = @transform_0, window_bounds = array<i64: 1000, 128>}, {transform_indices = @transform_1, window_bounds = array<i64: 1, 1, 1000>}, {transform_indices = @transform_2, window_bounds = array<i64: 1000, 128>}, {transform_indices = @transform_3, window_bounds = array<i64: 1, 1, 1000>}, {transform_indices = @transform_4, window_bounds = array<i64: 1000, 64>}, {pipeline_mode = #tpu.pipeline_mode<synchronous>, transform_indices = @transform_5, window_bounds = array<i64: 128, 128>}, {pipeline_mode = #tpu.pipeline_mode<synchronous>, transform_indices = @transform_6, window_bounds = array<i64: 128, 128>}, {pipeline_mode = #tpu.pipeline_mode<synchronous>, transform_indices = @transform_7, window_bounds = array<i64: 1, 128>}, {pipeline_mode = #tpu.pipeline_mode<synchronous>, transform_indices = @transform_8, window_bounds = array<i64: 128, 128>}, {pipeline_mode = #tpu.pipeline_mode<synchronous>, transform_indices = @transform_9, window_bounds = array<i64: 1, 128>}, {pipeline_mode = #tpu.pipeline_mode<synchronous>, transform_indices = @transform_10, window_bounds = array<i64: 128, 128>}, {pipeline_mode = #tpu.pipeline_mode<synchronous>, transform_indices = @transform_11, window_bounds = array<i64: 1, 128>}, {pipeline_mode = #tpu.pipeline_mode<synchronous>, transform_indices = @transform_12, window_bounds = array<i64: 64, 128>}]} {
    %get3A = arith.constant 0 : index
    %get3A_0 = arith.constant 0 : index
    %get3A_1 = vector.load %arg1[%get3A, %get3A_0] : memref<1000x128xf32, #tpu.memory_space<vmem>>, vector<1000x128xf32>
    %get3A_2 = arith.constant 0 : index
    %get3A_3 = arith.constant 0 : index
    %get3A_4 = arith.constant 0 : index
    %get3A_5 = vector.load %arg2[%get3A_2, %get3A_3, %get3A_4] : memref<1x1x1000xf32, #tpu.memory_space<vmem>>, vector<1x1x1000xf32>
    %get3A_6 = vector.shape_cast %get3A_5 : vector<1x1x1000xf32> to vector<1000xf32>
    %max3A = arith.constant 1.000000e+00 : f32
    %max3A_7 = vector.broadcast %max3A : f32 to vector<1000xf32>
    %max3A_8 = arith.maximumf %get3A_6, %max3A_7 : vector<1000xf32>
    %div3A = arith.constant 1.000000e+00 : f32
    %div3A_9 = vector.broadcast %div3A : f32 to vector<1000xf32>
    %div3A_10 = arith.divf %div3A_9, %max3A_8 : vector<1000xf32>
    %reshape3A = vector.shape_cast %div3A_10 : vector<1000xf32> to vector<1000x1xf32>
    %mul3A = vector.broadcast %reshape3A : vector<1000x1xf32> to vector<1000x128xf32>
    %mul3A_11 = arith.mulf %get3A_1, %mul3A : vector<1000x128xf32>
    %get3A_12 = arith.constant 0 : index
    %get3A_13 = arith.constant 0 : index
    %get3A_14 = vector.load %arg6[%get3A_12, %get3A_13] : memref<128x128xf32, #tpu.memory_space<vmem>>, vector<128x128xf32>
    %dot_general3A = arith.constant dense<0.000000e+00> : vector<1000x128xf32>
    %dot_general3A_15 = tpu.matmul %mul3A_11, %get3A_14, %dot_general3A {dimension_numbers = #tpu.dot_dimension_numbers<[1], [0], [0], [1], [0, 0, 1, 1], [], []>, transpose_lhs_hint = false} : vector<1000x128xf32>, vector<128x128xf32>, vector<1000x128xf32> -> vector<1000x128xf32>
    %get3A_16 = arith.constant 0 : index
    %get3A_17 = arith.constant 0 : index
    %get3A_18 = vector.load %arg3[%get3A_16, %get3A_17] : memref<1000x128xf32, #tpu.memory_space<vmem>>, vector<1000x128xf32>
    %get3A_19 = arith.constant 0 : index
    %get3A_20 = arith.constant 0 : index
    %get3A_21 = vector.load %arg7[%get3A_19, %get3A_20] : memref<128x128xf32, #tpu.memory_space<vmem>>, vector<128x128xf32>
    %dot_general3A_22 = arith.constant dense<0.000000e+00> : vector<1000x128xf32>
    %dot_general3A_23 = tpu.matmul %get3A_18, %get3A_21, %dot_general3A_22 {dimension_numbers = #tpu.dot_dimension_numbers<[1], [0], [0], [1], [0, 0, 1, 1], [], []>, transpose_lhs_hint = false} : vector<1000x128xf32>, vector<128x128xf32>, vector<1000x128xf32> -> vector<1000x128xf32>
    %add3A = arith.addf %dot_general3A_15, %dot_general3A_23 : vector<1000x128xf32>
    %get3A_24 = arith.constant 0 : index
    %get3A_25 = arith.constant 0 : index
    %get3A_26 = vector.load %arg8[%get3A_24, %get3A_25] : memref<1x128xf32, #tpu.memory_space<vmem>>, vector<1x128xf32>
    %add3A_27 = vector.broadcast %get3A_26 : vector<1x128xf32> to vector<1000x128xf32>
    %add3A_28 = arith.addf %add3A, %add3A_27 : vector<1000x128xf32>
    %max3A_29 = arith.constant 0.000000e+00 : f32
    %max3A_30 = vector.broadcast %max3A_29 : f32 to vector<1000x128xf32>
    %max3A_31 = arith.maximumf %add3A_28, %max3A_30 : vector<1000x128xf32>
    %eq3A = arith.constant 0 : i32
    %eq3A_32 = arith.cmpi eq, %arg0, %eq3A : i32
    %convert_element_type3A = arith.extui %eq3A_32 : i1 to i32
    %cond3A = arith.constant 0 : i32
    %cond3A_33 = arith.cmpi ne, %convert_element_type3A, %cond3A : i32
    scf.if %cond3A_33 {
      %broadcast_in_dim3A = arith.constant 0.000000e+00 : f32
      %broadcast_in_dim3A_561 = vector.broadcast %broadcast_in_dim3A : f32 to vector<64x128xf32>
      %swap3A = arith.constant 0 : index
      %swap3A_562 = arith.constant 0 : index
      %swap3A_563 = vector.load %arg14[%swap3A, %swap3A_562] : memref<64x128xf32, #tpu.memory_space<vmem>>, vector<64x128xf32>
      tpu.vector_store %arg14[%swap3A, %swap3A_562], %broadcast_in_dim3A_561 {strides = array<i32>} : memref<64x128xf32, #tpu.memory_space<vmem>>, vector<64x128xf32>,
    } else {
    }
    %get3A_34 = arith.constant 0 : index
    %get3A_35 = arith.constant 0 : index
    %get3A_36 = arith.constant 0 : index
    %get3A_37 = vector.load %arg4[%get3A_34, %get3A_35, %get3A_36] : memref<1x1x1000xi32, #tpu.memory_space<vmem>>, vector<1x1x1000xi32>
    %get3A_38 = vector.shape_cast %get3A_37 : vector<1x1x1000xi32> to vector<1000xi32>
    %reduce_min3A = vector.shape_cast %get3A_38 : vector<1000xi32> to vector<1x1000xi32>
    %reduce_min3A_39 = arith.constant dense<2147483647> : vector<1xi32>
    %reduce_min3A_40 = vector.multi_reduction <minsi>, %reduce_min3A, %reduce_min3A_39 [1] : vector<1x1000xi32> to vector<1xi32>
    %reduce_min3A_41 = vector.shape_cast %reduce_min3A_40 : vector<1xi32> to vector<1x1xi32>
    %reduce_min3A_42 = vector.extract %reduce_min3A_41[0, 0] : i32 from vector<1x1xi32>
    %reduce_max3A = vector.shape_cast %get3A_38 : vector<1000xi32> to vector<1x1000xi32>
    %reduce_max3A_43 = arith.constant dense<-2147483648> : vector<1xi32>
    %reduce_max3A_44 = vector.multi_reduction <maxsi>, %reduce_max3A, %reduce_max3A_43 [1] : vector<1x1000xi32> to vector<1xi32>
    %reduce_max3A_45 = vector.shape_cast %reduce_max3A_44 : vector<1xi32> to vector<1x1xi32>
    %reduce_max3A_46 = vector.extract %reduce_max3A_45[0, 0] : i32 from vector<1x1xi32>
    %le3A = arith.constant 0 : i32
    %le3A_47 = arith.cmpi sle, %reduce_min3A_42, %le3A : i32
    %ge3A = arith.constant 0 : i32
    %ge3A_48 = arith.cmpi sge, %reduce_max3A_46, %ge3A : i32
    %and3A = arith.andi %le3A_47, %ge3A_48 : i1
    %convert_element_type3A_49 = arith.extui %and3A : i1 to i32
    %cond3A_50 = arith.constant 0 : i32
    %cond3A_51 = arith.cmpi ne, %convert_element_type3A_49, %cond3A_50 : i32
    scf.if %cond3A_51 {
      %get3A_561 = arith.constant 0 : index
      %get3A_562 = arith.constant 0 : index
      %get3A_563 = vector.load %arg5[%get3A_561, %get3A_562] : memref<1000x64xf32, #tpu.memory_space<vmem>>, vector<1000x1xf32>
      %mul3A_564 = vector.broadcast %get3A_563 : vector<1000x1xf32> to vector<1000x128xf32>
      %mul3A_565 = arith.mulf %max3A_31, %mul3A_564 : vector<1000x128xf32>
      %reduce_max3A_566 = arith.constant dense<0xFF800000> : vector<128xf32>
      %reduce_max3A_567 = vector.multi_reduction <maximumf>, %mul3A_565, %reduce_max3A_566 [0] : vector<1000x128xf32> to vector<128xf32>
      %broadcast_in_dim3A = vector.shape_cast %reduce_max3A_567 : vector<128xf32> to vector<1x128xf32>
      %get3A_568 = arith.constant 0 : index
      %get3A_569 = arith.constant 0 : index
      %get3A_570 = vector.load %arg14[%get3A_568, %get3A_569] : memref<64x128xf32, #tpu.memory_space<vmem>>, vector<1x128xf32>
      %max3A_571 = arith.maximumf %get3A_570, %broadcast_in_dim3A : vector<1x128xf32>
      %swap3A = arith.constant 0 : index
      %swap3A_572 = arith.constant 0 : index
      %swap3A_573 = vector.load %arg14[%swap3A, %swap3A_572] : memref<64x128xf32, #tpu.memory_space<vmem>>, vector<1x128xf32>
      tpu.vector_store %arg14[%swap3A, %swap3A_572], %max3A_571 {strides = array<i32>} : memref<64x128xf32, #tpu.memory_space<vmem>>, vector<1x128xf32>,
    } else {
    }
    %le3A_52 = arith.constant 1 : i32
    %le3A_53 = arith.cmpi sle, %reduce_min3A_42, %le3A_52 : i32
    %ge3A_54 = arith.constant 1 : i32
    %ge3A_55 = arith.cmpi sge, %reduce_max3A_46, %ge3A_54 : i32
    %and3A_56 = arith.andi %le3A_53, %ge3A_55 : i1
    %convert_element_type3A_57 = arith.extui %and3A_56 : i1 to i32
    %cond3A_58 = arith.constant 0 : i32
    %cond3A_59 = arith.cmpi ne, %convert_element_type3A_57, %cond3A_58 : i32
    scf.if %cond3A_59 {
      %get3A_561 = arith.constant 0 : index
      %get3A_562 = arith.constant 1 : index
      %get3A_563 = vector.load %arg5[%get3A_561, %get3A_562] : memref<1000x64xf32, #tpu.memory_space<vmem>>, vector<1000x1xf32>
      %mul3A_564 = vector.broadcast %get3A_563 : vector<1000x1xf32> to vector<1000x128xf32>
      %mul3A_565 = arith.mulf %max3A_31, %mul3A_564 : vector<1000x128xf32>
      %reduce_max3A_566 = arith.constant dense<0xFF800000> : vector<128xf32>
      %reduce_max3A_567 = vector.multi_reduction <maximumf>, %mul3A_565, %reduce_max3A_566 [0] : vector<1000x128xf32> to vector<128xf32>
      %broadcast_in_dim3A = vector.shape_cast %reduce_max3A_567 : vector<128xf32> to vector<1x128xf32>
      %get3A_568 = arith.constant 1 : index
      %get3A_569 = arith.constant 0 : index
      %get3A_570 = vector.load %arg14[%get3A_568, %get3A_569] : memref<64x128xf32, #tpu.memory_space<vmem>>, vector<1x128xf32>
      %max3A_571 = arith.maximumf %get3A_570, %broadcast_in_dim3A : vector<1x128xf32>
      %swap3A = arith.constant 1 : index
      %swap3A_572 = arith.constant 0 : index
      %swap3A_573 = vector.load %arg14[%swap3A, %swap3A_572] : memref<64x128xf32, #tpu.memory_space<vmem>>, vector<1x128xf32>
      tpu.vector_store %arg14[%swap3A, %swap3A_572], %max3A_571 {strides = array<i32>} : memref<64x128xf32, #tpu.memory_space<vmem>>, vector<1x128xf32>,
    } else {
    }
    %le3A_60 = arith.constant 2 : i32
    %le3A_61 = arith.cmpi sle, %reduce_min3A_42, %le3A_60 : i32
    %ge3A_62 = arith.constant 2 : i32
    %ge3A_63 = arith.cmpi sge, %reduce_max3A_46, %ge3A_62 : i32
    %and3A_64 = arith.andi %le3A_61, %ge3A_63 : i1
    %convert_element_type3A_65 = arith.extui %and3A_64 : i1 to i32
    %cond3A_66 = arith.constant 0 : i32
    %cond3A_67 = arith.cmpi ne, %convert_element_type3A_65, %cond3A_66 : i32
    scf.if %cond3A_67 {
      %get3A_561 = arith.constant 0 : index
      %get3A_562 = arith.constant 2 : index
      %get3A_563 = vector.load %arg5[%get3A_561, %get3A_562] : memref<1000x64xf32, #tpu.memory_space<vmem>>, vector<1000x1xf32>
      %mul3A_564 = vector.broadcast %get3A_563 : vector<1000x1xf32> to vector<1000x128xf32>
      %mul3A_565 = arith.mulf %max3A_31, %mul3A_564 : vector<1000x128xf32>
      %reduce_max3A_566 = arith.constant dense<0xFF800000> : vector<128xf32>
      %reduce_max3A_567 = vector.multi_reduction <maximumf>, %mul3A_565, %reduce_max3A_566 [0] : vector<1000x128xf32> to vector<128xf32>
      %broadcast_in_dim3A = vector.shape_cast %reduce_max3A_567 : vector<128xf32> to vector<1x128xf32>
      %get3A_568 = arith.constant 2 : index
      %get3A_569 = arith.constant 0 : index
      %get3A_570 = vector.load %arg14[%get3A_568, %get3A_569] : memref<64x128xf32, #tpu.memory_space<vmem>>, vector<1x128xf32>
      %max3A_571 = arith.maximumf %get3A_570, %broadcast_in_dim3A : vector<1x128xf32>
      %swap3A = arith.constant 2 : index
      %swap3A_572 = arith.constant 0 : index
      %swap3A_573 = vector.load %arg14[%swap3A, %swap3A_572] : memref<64x128xf32, #tpu.memory_space<vmem>>, vector<1x128xf32>
      tpu.vector_store %arg14[%swap3A, %swap3A_572], %max3A_571 {strides = array<i32>} : memref<64x128xf32, #tpu.memory_space<vmem>>, vector<1x128xf32>,
    } else {
    }
    %le3A_68 = arith.constant 3 : i32
    %le3A_69 = arith.cmpi sle, %reduce_min3A_42, %le3A_68 : i32
    %ge3A_70 = arith.constant 3 : i32
    %ge3A_71 = arith.cmpi sge, %reduce_max3A_46, %ge3A_70 : i32
    %and3A_72 = arith.andi %le3A_69, %ge3A_71 : i1
    %convert_element_type3A_73 = arith.extui %and3A_72 : i1 to i32
    %cond3A_74 = arith.constant 0 : i32
    %cond3A_75 = arith.cmpi ne, %convert_element_type3A_73, %cond3A_74 : i32
    scf.if %cond3A_75 {
      %get3A_561 = arith.constant 0 : index
      %get3A_562 = arith.constant 3 : index
      %get3A_563 = vector.load %arg5[%get3A_561, %get3A_562] : memref<1000x64xf32, #tpu.memory_space<vmem>>, vector<1000x1xf32>
      %mul3A_564 = vector.broadcast %get3A_563 : vector<1000x1xf32> to vector<1000x128xf32>
      %mul3A_565 = arith.mulf %max3A_31, %mul3A_564 : vector<1000x128xf32>
      %reduce_max3A_566 = arith.constant dense<0xFF800000> : vector<128xf32>
      %reduce_max3A_567 = vector.multi_reduction <maximumf>, %mul3A_565, %reduce_max3A_566 [0] : vector<1000x128xf32> to vector<128xf32>
      %broadcast_in_dim3A = vector.shape_cast %reduce_max3A_567 : vector<128xf32> to vector<1x128xf32>
      %get3A_568 = arith.constant 3 : index
      %get3A_569 = arith.constant 0 : index
      %get3A_570 = vector.load %arg14[%get3A_568, %get3A_569] : memref<64x128xf32, #tpu.memory_space<vmem>>, vector<1x128xf32>
      %max3A_571 = arith.maximumf %get3A_570, %broadcast_in_dim3A : vector<1x128xf32>
      %swap3A = arith.constant 3 : index
      %swap3A_572 = arith.constant 0 : index
      %swap3A_573 = vector.load %arg14[%swap3A, %swap3A_572] : memref<64x128xf32, #tpu.memory_space<vmem>>, vector<1x128xf32>
      tpu.vector_store %arg14[%swap3A, %swap3A_572], %max3A_571 {strides = array<i32>} : memref<64x128xf32, #tpu.memory_space<vmem>>, vector<1x128xf32>,
    } else {
    }
    %le3A_76 = arith.constant 4 : i32
    %le3A_77 = arith.cmpi sle, %reduce_min3A_42, %le3A_76 : i32
    %ge3A_78 = arith.constant 4 : i32
    %ge3A_79 = arith.cmpi sge, %reduce_max3A_46, %ge3A_78 : i32
    %and3A_80 = arith.andi %le3A_77, %ge3A_79 : i1
    %convert_element_type3A_81 = arith.extui %and3A_80 : i1 to i32
    %cond3A_82 = arith.constant 0 : i32
    %cond3A_83 = arith.cmpi ne, %convert_element_type3A_81, %cond3A_82 : i32
    scf.if %cond3A_83 {
      %get3A_561 = arith.constant 0 : index
      %get3A_562 = arith.constant 4 : index
      %get3A_563 = vector.load %arg5[%get3A_561, %get3A_562] : memref<1000x64xf32, #tpu.memory_space<vmem>>, vector<1000x1xf32>
      %mul3A_564 = vector.broadcast %get3A_563 : vector<1000x1xf32> to vector<1000x128xf32>
      %mul3A_565 = arith.mulf %max3A_31, %mul3A_564 : vector<1000x128xf32>
      %reduce_max3A_566 = arith.constant dense<0xFF800000> : vector<128xf32>
      %reduce_max3A_567 = vector.multi_reduction <maximumf>, %mul3A_565, %reduce_max3A_566 [0] : vector<1000x128xf32> to vector<128xf32>
      %broadcast_in_dim3A = vector.shape_cast %reduce_max3A_567 : vector<128xf32> to vector<1x128xf32>
      %get3A_568 = arith.constant 4 : index
      %get3A_569 = arith.constant 0 : index
      %get3A_570 = vector.load %arg14[%get3A_568, %get3A_569] : memref<64x128xf32, #tpu.memory_space<vmem>>, vector<1x128xf32>
      %max3A_571 = arith.maximumf %get3A_570, %broadcast_in_dim3A : vector<1x128xf32>
      %swap3A = arith.constant 4 : index
      %swap3A_572 = arith.constant 0 : index
      %swap3A_573 = vector.load %arg14[%swap3A, %swap3A_572] : memref<64x128xf32, #tpu.memory_space<vmem>>, vector<1x128xf32>
      tpu.vector_store %arg14[%swap3A, %swap3A_572], %max3A_571 {strides = array<i32>} : memref<64x128xf32, #tpu.memory_space<vmem>>, vector<1x128xf32>,
    } else {
    }
    %le3A_84 = arith.constant 5 : i32
    %le3A_85 = arith.cmpi sle, %reduce_min3A_42, %le3A_84 : i32
    %ge3A_86 = arith.constant 5 : i32
    %ge3A_87 = arith.cmpi sge, %reduce_max3A_46, %ge3A_86 : i32
    %and3A_88 = arith.andi %le3A_85, %ge3A_87 : i1
    %convert_element_type3A_89 = arith.extui %and3A_88 : i1 to i32
    %cond3A_90 = arith.constant 0 : i32
    %cond3A_91 = arith.cmpi ne, %convert_element_type3A_89, %cond3A_90 : i32
    scf.if %cond3A_91 {
      %get3A_561 = arith.constant 0 : index
      %get3A_562 = arith.constant 5 : index
      %get3A_563 = vector.load %arg5[%get3A_561, %get3A_562] : memref<1000x64xf32, #tpu.memory_space<vmem>>, vector<1000x1xf32>
      %mul3A_564 = vector.broadcast %get3A_563 : vector<1000x1xf32> to vector<1000x128xf32>
      %mul3A_565 = arith.mulf %max3A_31, %mul3A_564 : vector<1000x128xf32>
      %reduce_max3A_566 = arith.constant dense<0xFF800000> : vector<128xf32>
      %reduce_max3A_567 = vector.multi_reduction <maximumf>, %mul3A_565, %reduce_max3A_566 [0] : vector<1000x128xf32> to vector<128xf32>
      %broadcast_in_dim3A = vector.shape_cast %reduce_max3A_567 : vector<128xf32> to vector<1x128xf32>
      %get3A_568 = arith.constant 5 : index
      %get3A_569 = arith.constant 0 : index
      %get3A_570 = vector.load %arg14[%get3A_568, %get3A_569] : memref<64x128xf32, #tpu.memory_space<vmem>>, vector<1x128xf32>
      %max3A_571 = arith.maximumf %get3A_570, %broadcast_in_dim3A : vector<1x128xf32>
      %swap3A = arith.constant 5 : index
      %swap3A_572 = arith.constant 0 : index
      %swap3A_573 = vector.load %arg14[%swap3A, %swap3A_572] : memref<64x128xf32, #tpu.memory_space<vmem>>, vector<1x128xf32>
      tpu.vector_store %arg14[%swap3A, %swap3A_572], %max3A_571 {strides = array<i32>} : memref<64x128xf32, #tpu.memory_space<vmem>>, vector<1x128xf32>,
    } else {
    }
    %le3A_92 = arith.constant 6 : i32
    %le3A_93 = arith.cmpi sle, %reduce_min3A_42, %le3A_92 : i32
    %ge3A_94 = arith.constant 6 : i32
    %ge3A_95 = arith.cmpi sge, %reduce_max3A_46, %ge3A_94 : i32
    %and3A_96 = arith.andi %le3A_93, %ge3A_95 : i1
    %convert_element_type3A_97 = arith.extui %and3A_96 : i1 to i32
    %cond3A_98 = arith.constant 0 : i32
    %cond3A_99 = arith.cmpi ne, %convert_element_type3A_97, %cond3A_98 : i32
    scf.if %cond3A_99 {
      %get3A_561 = arith.constant 0 : index
      %get3A_562 = arith.constant 6 : index
      %get3A_563 = vector.load %arg5[%get3A_561, %get3A_562] : memref<1000x64xf32, #tpu.memory_space<vmem>>, vector<1000x1xf32>
      %mul3A_564 = vector.broadcast %get3A_563 : vector<1000x1xf32> to vector<1000x128xf32>
      %mul3A_565 = arith.mulf %max3A_31, %mul3A_564 : vector<1000x128xf32>
      %reduce_max3A_566 = arith.constant dense<0xFF800000> : vector<128xf32>
      %reduce_max3A_567 = vector.multi_reduction <maximumf>, %mul3A_565, %reduce_max3A_566 [0] : vector<1000x128xf32> to vector<128xf32>
      %broadcast_in_dim3A = vector.shape_cast %reduce_max3A_567 : vector<128xf32> to vector<1x128xf32>
      %get3A_568 = arith.constant 6 : index
      %get3A_569 = arith.constant 0 : index
      %get3A_570 = vector.load %arg14[%get3A_568, %get3A_569] : memref<64x128xf32, #tpu.memory_space<vmem>>, vector<1x128xf32>
      %max3A_571 = arith.maximumf %get3A_570, %broadcast_in_dim3A : vector<1x128xf32>
      %swap3A = arith.constant 6 : index
      %swap3A_572 = arith.constant 0 : index
      %swap3A_573 = vector.load %arg14[%swap3A, %swap3A_572] : memref<64x128xf32, #tpu.memory_space<vmem>>, vector<1x128xf32>
      tpu.vector_store %arg14[%swap3A, %swap3A_572], %max3A_571 {strides = array<i32>} : memref<64x128xf32, #tpu.memory_space<vmem>>, vector<1x128xf32>,
    } else {
    }
    %le3A_100 = arith.constant 7 : i32
    %le3A_101 = arith.cmpi sle, %reduce_min3A_42, %le3A_100 : i32
    %ge3A_102 = arith.constant 7 : i32
    %ge3A_103 = arith.cmpi sge, %reduce_max3A_46, %ge3A_102 : i32
    %and3A_104 = arith.andi %le3A_101, %ge3A_103 : i1
    %convert_element_type3A_105 = arith.extui %and3A_104 : i1 to i32
    %cond3A_106 = arith.constant 0 : i32
    %cond3A_107 = arith.cmpi ne, %convert_element_type3A_105, %cond3A_106 : i32
    scf.if %cond3A_107 {
      %get3A_561 = arith.constant 0 : index
      %get3A_562 = arith.constant 7 : index
      %get3A_563 = vector.load %arg5[%get3A_561, %get3A_562] : memref<1000x64xf32, #tpu.memory_space<vmem>>, vector<1000x1xf32>
      %mul3A_564 = vector.broadcast %get3A_563 : vector<1000x1xf32> to vector<1000x128xf32>
      %mul3A_565 = arith.mulf %max3A_31, %mul3A_564 : vector<1000x128xf32>
      %reduce_max3A_566 = arith.constant dense<0xFF800000> : vector<128xf32>
      %reduce_max3A_567 = vector.multi_reduction <maximumf>, %mul3A_565, %reduce_max3A_566 [0] : vector<1000x128xf32> to vector<128xf32>
      %broadcast_in_dim3A = vector.shape_cast %reduce_max3A_567 : vector<128xf32> to vector<1x128xf32>
      %get3A_568 = arith.constant 7 : index
      %get3A_569 = arith.constant 0 : index
      %get3A_570 = vector.load %arg14[%get3A_568, %get3A_569] : memref<64x128xf32, #tpu.memory_space<vmem>>, vector<1x128xf32>
      %max3A_571 = arith.maximumf %get3A_570, %broadcast_in_dim3A : vector<1x128xf32>
      %swap3A = arith.constant 7 : index
      %swap3A_572 = arith.constant 0 : index
      %swap3A_573 = vector.load %arg14[%swap3A, %swap3A_572] : memref<64x128xf32, #tpu.memory_space<vmem>>, vector<1x128xf32>
      tpu.vector_store %arg14[%swap3A, %swap3A_572], %max3A_571 {strides = array<i32>} : memref<64x128xf32, #tpu.memory_space<vmem>>, vector<1x128xf32>,
    } else {
    }
    %le3A_108 = arith.constant 8 : i32
    %le3A_109 = arith.cmpi sle, %reduce_min3A_42, %le3A_108 : i32
    %ge3A_110 = arith.constant 8 : i32
    %ge3A_111 = arith.cmpi sge, %reduce_max3A_46, %ge3A_110 : i32
    %and3A_112 = arith.andi %le3A_109, %ge3A_111 : i1
    %convert_element_type3A_113 = arith.extui %and3A_112 : i1 to i32
    %cond3A_114 = arith.constant 0 : i32
    %cond3A_115 = arith.cmpi ne, %convert_element_type3A_113, %cond3A_114 : i32
    scf.if %cond3A_115 {
      %get3A_561 = arith.constant 0 : index
      %get3A_562 = arith.constant 8 : index
      %get3A_563 = vector.load %arg5[%get3A_561, %get3A_562] : memref<1000x64xf32, #tpu.memory_space<vmem>>, vector<1000x1xf32>
      %mul3A_564 = vector.broadcast %get3A_563 : vector<1000x1xf32> to vector<1000x128xf32>
      %mul3A_565 = arith.mulf %max3A_31, %mul3A_564 : vector<1000x128xf32>
      %reduce_max3A_566 = arith.constant dense<0xFF800000> : vector<128xf32>
      %reduce_max3A_567 = vector.multi_reduction <maximumf>, %mul3A_565, %reduce_max3A_566 [0] : vector<1000x128xf32> to vector<128xf32>
      %broadcast_in_dim3A = vector.shape_cast %reduce_max3A_567 : vector<128xf32> to vector<1x128xf32>
      %get3A_568 = arith.constant 8 : index
      %get3A_569 = arith.constant 0 : index
      %get3A_570 = vector.load %arg14[%get3A_568, %get3A_569] : memref<64x128xf32, #tpu.memory_space<vmem>>, vector<1x128xf32>
      %max3A_571 = arith.maximumf %get3A_570, %broadcast_in_dim3A : vector<1x128xf32>
      %swap3A = arith.constant 8 : index
      %swap3A_572 = arith.constant 0 : index
      %swap3A_573 = vector.load %arg14[%swap3A, %swap3A_572] : memref<64x128xf32, #tpu.memory_space<vmem>>, vector<1x128xf32>
      tpu.vector_store %arg14[%swap3A, %swap3A_572], %max3A_571 {strides = array<i32>} : memref<64x128xf32, #tpu.memory_space<vmem>>, vector<1x128xf32>,
    } else {
    }
    %le3A_116 = arith.constant 9 : i32
    %le3A_117 = arith.cmpi sle, %reduce_min3A_42, %le3A_116 : i32
    %ge3A_118 = arith.constant 9 : i32
    %ge3A_119 = arith.cmpi sge, %reduce_max3A_46, %ge3A_118 : i32
    %and3A_120 = arith.andi %le3A_117, %ge3A_119 : i1
    %convert_element_type3A_121 = arith.extui %and3A_120 : i1 to i32
    %cond3A_122 = arith.constant 0 : i32
    %cond3A_123 = arith.cmpi ne, %convert_element_type3A_121, %cond3A_122 : i32
    scf.if %cond3A_123 {
      %get3A_561 = arith.constant 0 : index
      %get3A_562 = arith.constant 9 : index
      %get3A_563 = vector.load %arg5[%get3A_561, %get3A_562] : memref<1000x64xf32, #tpu.memory_space<vmem>>, vector<1000x1xf32>
      %mul3A_564 = vector.broadcast %get3A_563 : vector<1000x1xf32> to vector<1000x128xf32>
      %mul3A_565 = arith.mulf %max3A_31, %mul3A_564 : vector<1000x128xf32>
      %reduce_max3A_566 = arith.constant dense<0xFF800000> : vector<128xf32>
      %reduce_max3A_567 = vector.multi_reduction <maximumf>, %mul3A_565, %reduce_max3A_566 [0] : vector<1000x128xf32> to vector<128xf32>
      %broadcast_in_dim3A = vector.shape_cast %reduce_max3A_567 : vector<128xf32> to vector<1x128xf32>
      %get3A_568 = arith.constant 9 : index
      %get3A_569 = arith.constant 0 : index
      %get3A_570 = vector.load %arg14[%get3A_568, %get3A_569] : memref<64x128xf32, #tpu.memory_space<vmem>>, vector<1x128xf32>
      %max3A_571 = arith.maximumf %get3A_570, %broadcast_in_dim3A : vector<1x128xf32>
      %swap3A = arith.constant 9 : index
      %swap3A_572 = arith.constant 0 : index
      %swap3A_573 = vector.load %arg14[%swap3A, %swap3A_572] : memref<64x128xf32, #tpu.memory_space<vmem>>, vector<1x128xf32>
      tpu.vector_store %arg14[%swap3A, %swap3A_572], %max3A_571 {strides = array<i32>} : memref<64x128xf32, #tpu.memory_space<vmem>>, vector<1x128xf32>,
    } else {
    }
    %le3A_124 = arith.constant 10 : i32
    %le3A_125 = arith.cmpi sle, %reduce_min3A_42, %le3A_124 : i32
    %ge3A_126 = arith.constant 10 : i32
    %ge3A_127 = arith.cmpi sge, %reduce_max3A_46, %ge3A_126 : i32
    %and3A_128 = arith.andi %le3A_125, %ge3A_127 : i1
    %convert_element_type3A_129 = arith.extui %and3A_128 : i1 to i32
    %cond3A_130 = arith.constant 0 : i32
    %cond3A_131 = arith.cmpi ne, %convert_element_type3A_129, %cond3A_130 : i32
    scf.if %cond3A_131 {
      %get3A_561 = arith.constant 0 : index
      %get3A_562 = arith.constant 10 : index
      %get3A_563 = vector.load %arg5[%get3A_561, %get3A_562] : memref<1000x64xf32, #tpu.memory_space<vmem>>, vector<1000x1xf32>
      %mul3A_564 = vector.broadcast %get3A_563 : vector<1000x1xf32> to vector<1000x128xf32>
      %mul3A_565 = arith.mulf %max3A_31, %mul3A_564 : vector<1000x128xf32>
      %reduce_max3A_566 = arith.constant dense<0xFF800000> : vector<128xf32>
      %reduce_max3A_567 = vector.multi_reduction <maximumf>, %mul3A_565, %reduce_max3A_566 [0] : vector<1000x128xf32> to vector<128xf32>
      %broadcast_in_dim3A = vector.shape_cast %reduce_max3A_567 : vector<128xf32> to vector<1x128xf32>
      %get3A_568 = arith.constant 10 : index
      %get3A_569 = arith.constant 0 : index
      %get3A_570 = vector.load %arg14[%get3A_568, %get3A_569] : memref<64x128xf32, #tpu.memory_space<vmem>>, vector<1x128xf32>
      %max3A_571 = arith.maximumf %get3A_570, %broadcast_in_dim3A : vector<1x128xf32>
      %swap3A = arith.constant 10 : index
      %swap3A_572 = arith.constant 0 : index
      %swap3A_573 = vector.load %arg14[%swap3A, %swap3A_572] : memref<64x128xf32, #tpu.memory_space<vmem>>, vector<1x128xf32>
      tpu.vector_store %arg14[%swap3A, %swap3A_572], %max3A_571 {strides = array<i32>} : memref<64x128xf32, #tpu.memory_space<vmem>>, vector<1x128xf32>,
    } else {
    }
    %le3A_132 = arith.constant 11 : i32
    %le3A_133 = arith.cmpi sle, %reduce_min3A_42, %le3A_132 : i32
    %ge3A_134 = arith.constant 11 : i32
    %ge3A_135 = arith.cmpi sge, %reduce_max3A_46, %ge3A_134 : i32
    %and3A_136 = arith.andi %le3A_133, %ge3A_135 : i1
    %convert_element_type3A_137 = arith.extui %and3A_136 : i1 to i32
    %cond3A_138 = arith.constant 0 : i32
    %cond3A_139 = arith.cmpi ne, %convert_element_type3A_137, %cond3A_138 : i32
    scf.if %cond3A_139 {
      %get3A_561 = arith.constant 0 : index
      %get3A_562 = arith.constant 11 : index
      %get3A_563 = vector.load %arg5[%get3A_561, %get3A_562] : memref<1000x64xf32, #tpu.memory_space<vmem>>, vector<1000x1xf32>
      %mul3A_564 = vector.broadcast %get3A_563 : vector<1000x1xf32> to vector<1000x128xf32>
      %mul3A_565 = arith.mulf %max3A_31, %mul3A_564 : vector<1000x128xf32>
      %reduce_max3A_566 = arith.constant dense<0xFF800000> : vector<128xf32>
      %reduce_max3A_567 = vector.multi_reduction <maximumf>, %mul3A_565, %reduce_max3A_566 [0] : vector<1000x128xf32> to vector<128xf32>
      %broadcast_in_dim3A = vector.shape_cast %reduce_max3A_567 : vector<128xf32> to vector<1x128xf32>
      %get3A_568 = arith.constant 11 : index
      %get3A_569 = arith.constant 0 : index
      %get3A_570 = vector.load %arg14[%get3A_568, %get3A_569] : memref<64x128xf32, #tpu.memory_space<vmem>>, vector<1x128xf32>
      %max3A_571 = arith.maximumf %get3A_570, %broadcast_in_dim3A : vector<1x128xf32>
      %swap3A = arith.constant 11 : index
      %swap3A_572 = arith.constant 0 : index
      %swap3A_573 = vector.load %arg14[%swap3A, %swap3A_572] : memref<64x128xf32, #tpu.memory_space<vmem>>, vector<1x128xf32>
      tpu.vector_store %arg14[%swap3A, %swap3A_572], %max3A_571 {strides = array<i32>} : memref<64x128xf32, #tpu.memory_space<vmem>>, vector<1x128xf32>,
    } else {
    }
    %le3A_140 = arith.constant 12 : i32
    %le3A_141 = arith.cmpi sle, %reduce_min3A_42, %le3A_140 : i32
    %ge3A_142 = arith.constant 12 : i32
    %ge3A_143 = arith.cmpi sge, %reduce_max3A_46, %ge3A_142 : i32
    %and3A_144 = arith.andi %le3A_141, %ge3A_143 : i1
    %convert_element_type3A_145 = arith.extui %and3A_144 : i1 to i32
    %cond3A_146 = arith.constant 0 : i32
    %cond3A_147 = arith.cmpi ne, %convert_element_type3A_145, %cond3A_146 : i32
    scf.if %cond3A_147 {
      %get3A_561 = arith.constant 0 : index
      %get3A_562 = arith.constant 12 : index
      %get3A_563 = vector.load %arg5[%get3A_561, %get3A_562] : memref<1000x64xf32, #tpu.memory_space<vmem>>, vector<1000x1xf32>
      %mul3A_564 = vector.broadcast %get3A_563 : vector<1000x1xf32> to vector<1000x128xf32>
      %mul3A_565 = arith.mulf %max3A_31, %mul3A_564 : vector<1000x128xf32>
      %reduce_max3A_566 = arith.constant dense<0xFF800000> : vector<128xf32>
      %reduce_max3A_567 = vector.multi_reduction <maximumf>, %mul3A_565, %reduce_max3A_566 [0] : vector<1000x128xf32> to vector<128xf32>
      %broadcast_in_dim3A = vector.shape_cast %reduce_max3A_567 : vector<128xf32> to vector<1x128xf32>
      %get3A_568 = arith.constant 12 : index
      %get3A_569 = arith.constant 0 : index
      %get3A_570 = vector.load %arg14[%get3A_568, %get3A_569] : memref<64x128xf32, #tpu.memory_space<vmem>>, vector<1x128xf32>
      %max3A_571 = arith.maximumf %get3A_570, %broadcast_in_dim3A : vector<1x128xf32>
      %swap3A = arith.constant 12 : index
      %swap3A_572 = arith.constant 0 : index
      %swap3A_573 = vector.load %arg14[%swap3A, %swap3A_572] : memref<64x128xf32, #tpu.memory_space<vmem>>, vector<1x128xf32>
      tpu.vector_store %arg14[%swap3A, %swap3A_572], %max3A_571 {strides = array<i32>} : memref<64x128xf32, #tpu.memory_space<vmem>>, vector<1x128xf32>,
    } else {
    }
    %le3A_148 = arith.constant 13 : i32
    %le3A_149 = arith.cmpi sle, %reduce_min3A_42, %le3A_148 : i32
    %ge3A_150 = arith.constant 13 : i32
    %ge3A_151 = arith.cmpi sge, %reduce_max3A_46, %ge3A_150 : i32
    %and3A_152 = arith.andi %le3A_149, %ge3A_151 : i1
    %convert_element_type3A_153 = arith.extui %and3A_152 : i1 to i32
    %cond3A_154 = arith.constant 0 : i32
    %cond3A_155 = arith.cmpi ne, %convert_element_type3A_153, %cond3A_154 : i32
    scf.if %cond3A_155 {
      %get3A_561 = arith.constant 0 : index
      %get3A_562 = arith.constant 13 : index
      %get3A_563 = vector.load %arg5[%get3A_561, %get3A_562] : memref<1000x64xf32, #tpu.memory_space<vmem>>, vector<1000x1xf32>
      %mul3A_564 = vector.broadcast %get3A_563 : vector<1000x1xf32> to vector<1000x128xf32>
      %mul3A_565 = arith.mulf %max3A_31, %mul3A_564 : vector<1000x128xf32>
      %reduce_max3A_566 = arith.constant dense<0xFF800000> : vector<128xf32>
      %reduce_max3A_567 = vector.multi_reduction <maximumf>, %mul3A_565, %reduce_max3A_566 [0] : vector<1000x128xf32> to vector<128xf32>
      %broadcast_in_dim3A = vector.shape_cast %reduce_max3A_567 : vector<128xf32> to vector<1x128xf32>
      %get3A_568 = arith.constant 13 : index
      %get3A_569 = arith.constant 0 : index
      %get3A_570 = vector.load %arg14[%get3A_568, %get3A_569] : memref<64x128xf32, #tpu.memory_space<vmem>>, vector<1x128xf32>
      %max3A_571 = arith.maximumf %get3A_570, %broadcast_in_dim3A : vector<1x128xf32>
      %swap3A = arith.constant 13 : index
      %swap3A_572 = arith.constant 0 : index
      %swap3A_573 = vector.load %arg14[%swap3A, %swap3A_572] : memref<64x128xf32, #tpu.memory_space<vmem>>, vector<1x128xf32>
      tpu.vector_store %arg14[%swap3A, %swap3A_572], %max3A_571 {strides = array<i32>} : memref<64x128xf32, #tpu.memory_space<vmem>>, vector<1x128xf32>,
    } else {
    }
    %le3A_156 = arith.constant 14 : i32
    %le3A_157 = arith.cmpi sle, %reduce_min3A_42, %le3A_156 : i32
    %ge3A_158 = arith.constant 14 : i32
    %ge3A_159 = arith.cmpi sge, %reduce_max3A_46, %ge3A_158 : i32
    %and3A_160 = arith.andi %le3A_157, %ge3A_159 : i1
    %convert_element_type3A_161 = arith.extui %and3A_160 : i1 to i32
    %cond3A_162 = arith.constant 0 : i32
    %cond3A_163 = arith.cmpi ne, %convert_element_type3A_161, %cond3A_162 : i32
    scf.if %cond3A_163 {
      %get3A_561 = arith.constant 0 : index
      %get3A_562 = arith.constant 14 : index
      %get3A_563 = vector.load %arg5[%get3A_561, %get3A_562] : memref<1000x64xf32, #tpu.memory_space<vmem>>, vector<1000x1xf32>
      %mul3A_564 = vector.broadcast %get3A_563 : vector<1000x1xf32> to vector<1000x128xf32>
      %mul3A_565 = arith.mulf %max3A_31, %mul3A_564 : vector<1000x128xf32>
      %reduce_max3A_566 = arith.constant dense<0xFF800000> : vector<128xf32>
      %reduce_max3A_567 = vector.multi_reduction <maximumf>, %mul3A_565, %reduce_max3A_566 [0] : vector<1000x128xf32> to vector<128xf32>
      %broadcast_in_dim3A = vector.shape_cast %reduce_max3A_567 : vector<128xf32> to vector<1x128xf32>
      %get3A_568 = arith.constant 14 : index
      %get3A_569 = arith.constant 0 : index
      %get3A_570 = vector.load %arg14[%get3A_568, %get3A_569] : memref<64x128xf32, #tpu.memory_space<vmem>>, vector<1x128xf32>
      %max3A_571 = arith.maximumf %get3A_570, %broadcast_in_dim3A : vector<1x128xf32>
      %swap3A = arith.constant 14 : index
      %swap3A_572 = arith.constant 0 : index
      %swap3A_573 = vector.load %arg14[%swap3A, %swap3A_572] : memref<64x128xf32, #tpu.memory_space<vmem>>, vector<1x128xf32>
      tpu.vector_store %arg14[%swap3A, %swap3A_572], %max3A_571 {strides = array<i32>} : memref<64x128xf32, #tpu.memory_space<vmem>>, vector<1x128xf32>,
    } else {
    }
    %le3A_164 = arith.constant 15 : i32
    %le3A_165 = arith.cmpi sle, %reduce_min3A_42, %le3A_164 : i32
    %ge3A_166 = arith.constant 15 : i32
    %ge3A_167 = arith.cmpi sge, %reduce_max3A_46, %ge3A_166 : i32
    %and3A_168 = arith.andi %le3A_165, %ge3A_167 : i1
    %convert_element_type3A_169 = arith.extui %and3A_168 : i1 to i32
    %cond3A_170 = arith.constant 0 : i32
    %cond3A_171 = arith.cmpi ne, %convert_element_type3A_169, %cond3A_170 : i32
    scf.if %cond3A_171 {
      %get3A_561 = arith.constant 0 : index
      %get3A_562 = arith.constant 15 : index
      %get3A_563 = vector.load %arg5[%get3A_561, %get3A_562] : memref<1000x64xf32, #tpu.memory_space<vmem>>, vector<1000x1xf32>
      %mul3A_564 = vector.broadcast %get3A_563 : vector<1000x1xf32> to vector<1000x128xf32>
      %mul3A_565 = arith.mulf %max3A_31, %mul3A_564 : vector<1000x128xf32>
      %reduce_max3A_566 = arith.constant dense<0xFF800000> : vector<128xf32>
      %reduce_max3A_567 = vector.multi_reduction <maximumf>, %mul3A_565, %reduce_max3A_566 [0] : vector<1000x128xf32> to vector<128xf32>
      %broadcast_in_dim3A = vector.shape_cast %reduce_max3A_567 : vector<128xf32> to vector<1x128xf32>
      %get3A_568 = arith.constant 15 : index
      %get3A_569 = arith.constant 0 : index
      %get3A_570 = vector.load %arg14[%get3A_568, %get3A_569] : memref<64x128xf32, #tpu.memory_space<vmem>>, vector<1x128xf32>
      %max3A_571 = arith.maximumf %get3A_570, %broadcast_in_dim3A : vector<1x128xf32>
      %swap3A = arith.constant 15 : index
      %swap3A_572 = arith.constant 0 : index
      %swap3A_573 = vector.load %arg14[%swap3A, %swap3A_572] : memref<64x128xf32, #tpu.memory_space<vmem>>, vector<1x128xf32>
      tpu.vector_store %arg14[%swap3A, %swap3A_572], %max3A_571 {strides = array<i32>} : memref<64x128xf32, #tpu.memory_space<vmem>>, vector<1x128xf32>,
    } else {
    }
    %le3A_172 = arith.constant 16 : i32
    %le3A_173 = arith.cmpi sle, %reduce_min3A_42, %le3A_172 : i32
    %ge3A_174 = arith.constant 16 : i32
    %ge3A_175 = arith.cmpi sge, %reduce_max3A_46, %ge3A_174 : i32
    %and3A_176 = arith.andi %le3A_173, %ge3A_175 : i1
    %convert_element_type3A_177 = arith.extui %and3A_176 : i1 to i32
    %cond3A_178 = arith.constant 0 : i32
    %cond3A_179 = arith.cmpi ne, %convert_element_type3A_177, %cond3A_178 : i32
    scf.if %cond3A_179 {
      %get3A_561 = arith.constant 0 : index
      %get3A_562 = arith.constant 16 : index
      %get3A_563 = vector.load %arg5[%get3A_561, %get3A_562] : memref<1000x64xf32, #tpu.memory_space<vmem>>, vector<1000x1xf32>
      %mul3A_564 = vector.broadcast %get3A_563 : vector<1000x1xf32> to vector<1000x128xf32>
      %mul3A_565 = arith.mulf %max3A_31, %mul3A_564 : vector<1000x128xf32>
      %reduce_max3A_566 = arith.constant dense<0xFF800000> : vector<128xf32>
      %reduce_max3A_567 = vector.multi_reduction <maximumf>, %mul3A_565, %reduce_max3A_566 [0] : vector<1000x128xf32> to vector<128xf32>
      %broadcast_in_dim3A = vector.shape_cast %reduce_max3A_567 : vector<128xf32> to vector<1x128xf32>
      %get3A_568 = arith.constant 16 : index
      %get3A_569 = arith.constant 0 : index
      %get3A_570 = vector.load %arg14[%get3A_568, %get3A_569] : memref<64x128xf32, #tpu.memory_space<vmem>>, vector<1x128xf32>
      %max3A_571 = arith.maximumf %get3A_570, %broadcast_in_dim3A : vector<1x128xf32>
      %swap3A = arith.constant 16 : index
      %swap3A_572 = arith.constant 0 : index
      %swap3A_573 = vector.load %arg14[%swap3A, %swap3A_572] : memref<64x128xf32, #tpu.memory_space<vmem>>, vector<1x128xf32>
      tpu.vector_store %arg14[%swap3A, %swap3A_572], %max3A_571 {strides = array<i32>} : memref<64x128xf32, #tpu.memory_space<vmem>>, vector<1x128xf32>,
    } else {
    }
    %le3A_180 = arith.constant 17 : i32
    %le3A_181 = arith.cmpi sle, %reduce_min3A_42, %le3A_180 : i32
    %ge3A_182 = arith.constant 17 : i32
    %ge3A_183 = arith.cmpi sge, %reduce_max3A_46, %ge3A_182 : i32
    %and3A_184 = arith.andi %le3A_181, %ge3A_183 : i1
    %convert_element_type3A_185 = arith.extui %and3A_184 : i1 to i32
    %cond3A_186 = arith.constant 0 : i32
    %cond3A_187 = arith.cmpi ne, %convert_element_type3A_185, %cond3A_186 : i32
    scf.if %cond3A_187 {
      %get3A_561 = arith.constant 0 : index
      %get3A_562 = arith.constant 17 : index
      %get3A_563 = vector.load %arg5[%get3A_561, %get3A_562] : memref<1000x64xf32, #tpu.memory_space<vmem>>, vector<1000x1xf32>
      %mul3A_564 = vector.broadcast %get3A_563 : vector<1000x1xf32> to vector<1000x128xf32>
      %mul3A_565 = arith.mulf %max3A_31, %mul3A_564 : vector<1000x128xf32>
      %reduce_max3A_566 = arith.constant dense<0xFF800000> : vector<128xf32>
      %reduce_max3A_567 = vector.multi_reduction <maximumf>, %mul3A_565, %reduce_max3A_566 [0] : vector<1000x128xf32> to vector<128xf32>
      %broadcast_in_dim3A = vector.shape_cast %reduce_max3A_567 : vector<128xf32> to vector<1x128xf32>
      %get3A_568 = arith.constant 17 : index
      %get3A_569 = arith.constant 0 : index
      %get3A_570 = vector.load %arg14[%get3A_568, %get3A_569] : memref<64x128xf32, #tpu.memory_space<vmem>>, vector<1x128xf32>
      %max3A_571 = arith.maximumf %get3A_570, %broadcast_in_dim3A : vector<1x128xf32>
      %swap3A = arith.constant 17 : index
      %swap3A_572 = arith.constant 0 : index
      %swap3A_573 = vector.load %arg14[%swap3A, %swap3A_572] : memref<64x128xf32, #tpu.memory_space<vmem>>, vector<1x128xf32>
      tpu.vector_store %arg14[%swap3A, %swap3A_572], %max3A_571 {strides = array<i32>} : memref<64x128xf32, #tpu.memory_space<vmem>>, vector<1x128xf32>,
    } else {
    }
    %le3A_188 = arith.constant 18 : i32
    %le3A_189 = arith.cmpi sle, %reduce_min3A_42, %le3A_188 : i32
    %ge3A_190 = arith.constant 18 : i32
    %ge3A_191 = arith.cmpi sge, %reduce_max3A_46, %ge3A_190 : i32
    %and3A_192 = arith.andi %le3A_189, %ge3A_191 : i1
    %convert_element_type3A_193 = arith.extui %and3A_192 : i1 to i32
    %cond3A_194 = arith.constant 0 : i32
    %cond3A_195 = arith.cmpi ne, %convert_element_type3A_193, %cond3A_194 : i32
    scf.if %cond3A_195 {
      %get3A_561 = arith.constant 0 : index
      %get3A_562 = arith.constant 18 : index
      %get3A_563 = vector.load %arg5[%get3A_561, %get3A_562] : memref<1000x64xf32, #tpu.memory_space<vmem>>, vector<1000x1xf32>
      %mul3A_564 = vector.broadcast %get3A_563 : vector<1000x1xf32> to vector<1000x128xf32>
      %mul3A_565 = arith.mulf %max3A_31, %mul3A_564 : vector<1000x128xf32>
      %reduce_max3A_566 = arith.constant dense<0xFF800000> : vector<128xf32>
      %reduce_max3A_567 = vector.multi_reduction <maximumf>, %mul3A_565, %reduce_max3A_566 [0] : vector<1000x128xf32> to vector<128xf32>
      %broadcast_in_dim3A = vector.shape_cast %reduce_max3A_567 : vector<128xf32> to vector<1x128xf32>
      %get3A_568 = arith.constant 18 : index
      %get3A_569 = arith.constant 0 : index
      %get3A_570 = vector.load %arg14[%get3A_568, %get3A_569] : memref<64x128xf32, #tpu.memory_space<vmem>>, vector<1x128xf32>
      %max3A_571 = arith.maximumf %get3A_570, %broadcast_in_dim3A : vector<1x128xf32>
      %swap3A = arith.constant 18 : index
      %swap3A_572 = arith.constant 0 : index
      %swap3A_573 = vector.load %arg14[%swap3A, %swap3A_572] : memref<64x128xf32, #tpu.memory_space<vmem>>, vector<1x128xf32>
      tpu.vector_store %arg14[%swap3A, %swap3A_572], %max3A_571 {strides = array<i32>} : memref<64x128xf32, #tpu.memory_space<vmem>>, vector<1x128xf32>,
    } else {
    }
    %le3A_196 = arith.constant 19 : i32
    %le3A_197 = arith.cmpi sle, %reduce_min3A_42, %le3A_196 : i32
    %ge3A_198 = arith.constant 19 : i32
    %ge3A_199 = arith.cmpi sge, %reduce_max3A_46, %ge3A_198 : i32
    %and3A_200 = arith.andi %le3A_197, %ge3A_199 : i1
    %convert_element_type3A_201 = arith.extui %and3A_200 : i1 to i32
    %cond3A_202 = arith.constant 0 : i32
    %cond3A_203 = arith.cmpi ne, %convert_element_type3A_201, %cond3A_202 : i32
    scf.if %cond3A_203 {
      %get3A_561 = arith.constant 0 : index
      %get3A_562 = arith.constant 19 : index
      %get3A_563 = vector.load %arg5[%get3A_561, %get3A_562] : memref<1000x64xf32, #tpu.memory_space<vmem>>, vector<1000x1xf32>
      %mul3A_564 = vector.broadcast %get3A_563 : vector<1000x1xf32> to vector<1000x128xf32>
      %mul3A_565 = arith.mulf %max3A_31, %mul3A_564 : vector<1000x128xf32>
      %reduce_max3A_566 = arith.constant dense<0xFF800000> : vector<128xf32>
      %reduce_max3A_567 = vector.multi_reduction <maximumf>, %mul3A_565, %reduce_max3A_566 [0] : vector<1000x128xf32> to vector<128xf32>
      %broadcast_in_dim3A = vector.shape_cast %reduce_max3A_567 : vector<128xf32> to vector<1x128xf32>
      %get3A_568 = arith.constant 19 : index
      %get3A_569 = arith.constant 0 : index
      %get3A_570 = vector.load %arg14[%get3A_568, %get3A_569] : memref<64x128xf32, #tpu.memory_space<vmem>>, vector<1x128xf32>
      %max3A_571 = arith.maximumf %get3A_570, %broadcast_in_dim3A : vector<1x128xf32>
      %swap3A = arith.constant 19 : index
      %swap3A_572 = arith.constant 0 : index
      %swap3A_573 = vector.load %arg14[%swap3A, %swap3A_572] : memref<64x128xf32, #tpu.memory_space<vmem>>, vector<1x128xf32>
      tpu.vector_store %arg14[%swap3A, %swap3A_572], %max3A_571 {strides = array<i32>} : memref<64x128xf32, #tpu.memory_space<vmem>>, vector<1x128xf32>,
    } else {
    }
    %le3A_204 = arith.constant 20 : i32
    %le3A_205 = arith.cmpi sle, %reduce_min3A_42, %le3A_204 : i32
    %ge3A_206 = arith.constant 20 : i32
    %ge3A_207 = arith.cmpi sge, %reduce_max3A_46, %ge3A_206 : i32
    %and3A_208 = arith.andi %le3A_205, %ge3A_207 : i1
    %convert_element_type3A_209 = arith.extui %and3A_208 : i1 to i32
    %cond3A_210 = arith.constant 0 : i32
    %cond3A_211 = arith.cmpi ne, %convert_element_type3A_209, %cond3A_210 : i32
    scf.if %cond3A_211 {
      %get3A_561 = arith.constant 0 : index
      %get3A_562 = arith.constant 20 : index
      %get3A_563 = vector.load %arg5[%get3A_561, %get3A_562] : memref<1000x64xf32, #tpu.memory_space<vmem>>, vector<1000x1xf32>
      %mul3A_564 = vector.broadcast %get3A_563 : vector<1000x1xf32> to vector<1000x128xf32>
      %mul3A_565 = arith.mulf %max3A_31, %mul3A_564 : vector<1000x128xf32>
      %reduce_max3A_566 = arith.constant dense<0xFF800000> : vector<128xf32>
      %reduce_max3A_567 = vector.multi_reduction <maximumf>, %mul3A_565, %reduce_max3A_566 [0] : vector<1000x128xf32> to vector<128xf32>
      %broadcast_in_dim3A = vector.shape_cast %reduce_max3A_567 : vector<128xf32> to vector<1x128xf32>
      %get3A_568 = arith.constant 20 : index
      %get3A_569 = arith.constant 0 : index
      %get3A_570 = vector.load %arg14[%get3A_568, %get3A_569] : memref<64x128xf32, #tpu.memory_space<vmem>>, vector<1x128xf32>
      %max3A_571 = arith.maximumf %get3A_570, %broadcast_in_dim3A : vector<1x128xf32>
      %swap3A = arith.constant 20 : index
      %swap3A_572 = arith.constant 0 : index
      %swap3A_573 = vector.load %arg14[%swap3A, %swap3A_572] : memref<64x128xf32, #tpu.memory_space<vmem>>, vector<1x128xf32>
      tpu.vector_store %arg14[%swap3A, %swap3A_572], %max3A_571 {strides = array<i32>} : memref<64x128xf32, #tpu.memory_space<vmem>>, vector<1x128xf32>,
    } else {
    }
    %le3A_212 = arith.constant 21 : i32
    %le3A_213 = arith.cmpi sle, %reduce_min3A_42, %le3A_212 : i32
    %ge3A_214 = arith.constant 21 : i32
    %ge3A_215 = arith.cmpi sge, %reduce_max3A_46, %ge3A_214 : i32
    %and3A_216 = arith.andi %le3A_213, %ge3A_215 : i1
    %convert_element_type3A_217 = arith.extui %and3A_216 : i1 to i32
    %cond3A_218 = arith.constant 0 : i32
    %cond3A_219 = arith.cmpi ne, %convert_element_type3A_217, %cond3A_218 : i32
    scf.if %cond3A_219 {
      %get3A_561 = arith.constant 0 : index
      %get3A_562 = arith.constant 21 : index
      %get3A_563 = vector.load %arg5[%get3A_561, %get3A_562] : memref<1000x64xf32, #tpu.memory_space<vmem>>, vector<1000x1xf32>
      %mul3A_564 = vector.broadcast %get3A_563 : vector<1000x1xf32> to vector<1000x128xf32>
      %mul3A_565 = arith.mulf %max3A_31, %mul3A_564 : vector<1000x128xf32>
      %reduce_max3A_566 = arith.constant dense<0xFF800000> : vector<128xf32>
      %reduce_max3A_567 = vector.multi_reduction <maximumf>, %mul3A_565, %reduce_max3A_566 [0] : vector<1000x128xf32> to vector<128xf32>
      %broadcast_in_dim3A = vector.shape_cast %reduce_max3A_567 : vector<128xf32> to vector<1x128xf32>
      %get3A_568 = arith.constant 21 : index
      %get3A_569 = arith.constant 0 : index
      %get3A_570 = vector.load %arg14[%get3A_568, %get3A_569] : memref<64x128xf32, #tpu.memory_space<vmem>>, vector<1x128xf32>
      %max3A_571 = arith.maximumf %get3A_570, %broadcast_in_dim3A : vector<1x128xf32>
      %swap3A = arith.constant 21 : index
      %swap3A_572 = arith.constant 0 : index
      %swap3A_573 = vector.load %arg14[%swap3A, %swap3A_572] : memref<64x128xf32, #tpu.memory_space<vmem>>, vector<1x128xf32>
      tpu.vector_store %arg14[%swap3A, %swap3A_572], %max3A_571 {strides = array<i32>} : memref<64x128xf32, #tpu.memory_space<vmem>>, vector<1x128xf32>,
    } else {
    }
    %le3A_220 = arith.constant 22 : i32
    %le3A_221 = arith.cmpi sle, %reduce_min3A_42, %le3A_220 : i32
    %ge3A_222 = arith.constant 22 : i32
    %ge3A_223 = arith.cmpi sge, %reduce_max3A_46, %ge3A_222 : i32
    %and3A_224 = arith.andi %le3A_221, %ge3A_223 : i1
    %convert_element_type3A_225 = arith.extui %and3A_224 : i1 to i32
    %cond3A_226 = arith.constant 0 : i32
    %cond3A_227 = arith.cmpi ne, %convert_element_type3A_225, %cond3A_226 : i32
    scf.if %cond3A_227 {
      %get3A_561 = arith.constant 0 : index
      %get3A_562 = arith.constant 22 : index
      %get3A_563 = vector.load %arg5[%get3A_561, %get3A_562] : memref<1000x64xf32, #tpu.memory_space<vmem>>, vector<1000x1xf32>
      %mul3A_564 = vector.broadcast %get3A_563 : vector<1000x1xf32> to vector<1000x128xf32>
      %mul3A_565 = arith.mulf %max3A_31, %mul3A_564 : vector<1000x128xf32>
      %reduce_max3A_566 = arith.constant dense<0xFF800000> : vector<128xf32>
      %reduce_max3A_567 = vector.multi_reduction <maximumf>, %mul3A_565, %reduce_max3A_566 [0] : vector<1000x128xf32> to vector<128xf32>
      %broadcast_in_dim3A = vector.shape_cast %reduce_max3A_567 : vector<128xf32> to vector<1x128xf32>
      %get3A_568 = arith.constant 22 : index
      %get3A_569 = arith.constant 0 : index
      %get3A_570 = vector.load %arg14[%get3A_568, %get3A_569] : memref<64x128xf32, #tpu.memory_space<vmem>>, vector<1x128xf32>
      %max3A_571 = arith.maximumf %get3A_570, %broadcast_in_dim3A : vector<1x128xf32>
      %swap3A = arith.constant 22 : index
      %swap3A_572 = arith.constant 0 : index
      %swap3A_573 = vector.load %arg14[%swap3A, %swap3A_572] : memref<64x128xf32, #tpu.memory_space<vmem>>, vector<1x128xf32>
      tpu.vector_store %arg14[%swap3A, %swap3A_572], %max3A_571 {strides = array<i32>} : memref<64x128xf32, #tpu.memory_space<vmem>>, vector<1x128xf32>,
    } else {
    }
    %le3A_228 = arith.constant 23 : i32
    %le3A_229 = arith.cmpi sle, %reduce_min3A_42, %le3A_228 : i32
    %ge3A_230 = arith.constant 23 : i32
    %ge3A_231 = arith.cmpi sge, %reduce_max3A_46, %ge3A_230 : i32
    %and3A_232 = arith.andi %le3A_229, %ge3A_231 : i1
    %convert_element_type3A_233 = arith.extui %and3A_232 : i1 to i32
    %cond3A_234 = arith.constant 0 : i32
    %cond3A_235 = arith.cmpi ne, %convert_element_type3A_233, %cond3A_234 : i32
    scf.if %cond3A_235 {
      %get3A_561 = arith.constant 0 : index
      %get3A_562 = arith.constant 23 : index
      %get3A_563 = vector.load %arg5[%get3A_561, %get3A_562] : memref<1000x64xf32, #tpu.memory_space<vmem>>, vector<1000x1xf32>
      %mul3A_564 = vector.broadcast %get3A_563 : vector<1000x1xf32> to vector<1000x128xf32>
      %mul3A_565 = arith.mulf %max3A_31, %mul3A_564 : vector<1000x128xf32>
      %reduce_max3A_566 = arith.constant dense<0xFF800000> : vector<128xf32>
      %reduce_max3A_567 = vector.multi_reduction <maximumf>, %mul3A_565, %reduce_max3A_566 [0] : vector<1000x128xf32> to vector<128xf32>
      %broadcast_in_dim3A = vector.shape_cast %reduce_max3A_567 : vector<128xf32> to vector<1x128xf32>
      %get3A_568 = arith.constant 23 : index
      %get3A_569 = arith.constant 0 : index
      %get3A_570 = vector.load %arg14[%get3A_568, %get3A_569] : memref<64x128xf32, #tpu.memory_space<vmem>>, vector<1x128xf32>
      %max3A_571 = arith.maximumf %get3A_570, %broadcast_in_dim3A : vector<1x128xf32>
      %swap3A = arith.constant 23 : index
      %swap3A_572 = arith.constant 0 : index
      %swap3A_573 = vector.load %arg14[%swap3A, %swap3A_572] : memref<64x128xf32, #tpu.memory_space<vmem>>, vector<1x128xf32>
      tpu.vector_store %arg14[%swap3A, %swap3A_572], %max3A_571 {strides = array<i32>} : memref<64x128xf32, #tpu.memory_space<vmem>>, vector<1x128xf32>,
    } else {
    }
    %le3A_236 = arith.constant 24 : i32
    %le3A_237 = arith.cmpi sle, %reduce_min3A_42, %le3A_236 : i32
    %ge3A_238 = arith.constant 24 : i32
    %ge3A_239 = arith.cmpi sge, %reduce_max3A_46, %ge3A_238 : i32
    %and3A_240 = arith.andi %le3A_237, %ge3A_239 : i1
    %convert_element_type3A_241 = arith.extui %and3A_240 : i1 to i32
    %cond3A_242 = arith.constant 0 : i32
    %cond3A_243 = arith.cmpi ne, %convert_element_type3A_241, %cond3A_242 : i32
    scf.if %cond3A_243 {
      %get3A_561 = arith.constant 0 : index
      %get3A_562 = arith.constant 24 : index
      %get3A_563 = vector.load %arg5[%get3A_561, %get3A_562] : memref<1000x64xf32, #tpu.memory_space<vmem>>, vector<1000x1xf32>
      %mul3A_564 = vector.broadcast %get3A_563 : vector<1000x1xf32> to vector<1000x128xf32>
      %mul3A_565 = arith.mulf %max3A_31, %mul3A_564 : vector<1000x128xf32>
      %reduce_max3A_566 = arith.constant dense<0xFF800000> : vector<128xf32>
      %reduce_max3A_567 = vector.multi_reduction <maximumf>, %mul3A_565, %reduce_max3A_566 [0] : vector<1000x128xf32> to vector<128xf32>
      %broadcast_in_dim3A = vector.shape_cast %reduce_max3A_567 : vector<128xf32> to vector<1x128xf32>
      %get3A_568 = arith.constant 24 : index
      %get3A_569 = arith.constant 0 : index
      %get3A_570 = vector.load %arg14[%get3A_568, %get3A_569] : memref<64x128xf32, #tpu.memory_space<vmem>>, vector<1x128xf32>
      %max3A_571 = arith.maximumf %get3A_570, %broadcast_in_dim3A : vector<1x128xf32>
      %swap3A = arith.constant 24 : index
      %swap3A_572 = arith.constant 0 : index
      %swap3A_573 = vector.load %arg14[%swap3A, %swap3A_572] : memref<64x128xf32, #tpu.memory_space<vmem>>, vector<1x128xf32>
      tpu.vector_store %arg14[%swap3A, %swap3A_572], %max3A_571 {strides = array<i32>} : memref<64x128xf32, #tpu.memory_space<vmem>>, vector<1x128xf32>,
    } else {
    }
    %le3A_244 = arith.constant 25 : i32
    %le3A_245 = arith.cmpi sle, %reduce_min3A_42, %le3A_244 : i32
    %ge3A_246 = arith.constant 25 : i32
    %ge3A_247 = arith.cmpi sge, %reduce_max3A_46, %ge3A_246 : i32
    %and3A_248 = arith.andi %le3A_245, %ge3A_247 : i1
    %convert_element_type3A_249 = arith.extui %and3A_248 : i1 to i32
    %cond3A_250 = arith.constant 0 : i32
    %cond3A_251 = arith.cmpi ne, %convert_element_type3A_249, %cond3A_250 : i32
    scf.if %cond3A_251 {
      %get3A_561 = arith.constant 0 : index
      %get3A_562 = arith.constant 25 : index
      %get3A_563 = vector.load %arg5[%get3A_561, %get3A_562] : memref<1000x64xf32, #tpu.memory_space<vmem>>, vector<1000x1xf32>
      %mul3A_564 = vector.broadcast %get3A_563 : vector<1000x1xf32> to vector<1000x128xf32>
      %mul3A_565 = arith.mulf %max3A_31, %mul3A_564 : vector<1000x128xf32>
      %reduce_max3A_566 = arith.constant dense<0xFF800000> : vector<128xf32>
      %reduce_max3A_567 = vector.multi_reduction <maximumf>, %mul3A_565, %reduce_max3A_566 [0] : vector<1000x128xf32> to vector<128xf32>
      %broadcast_in_dim3A = vector.shape_cast %reduce_max3A_567 : vector<128xf32> to vector<1x128xf32>
      %get3A_568 = arith.constant 25 : index
      %get3A_569 = arith.constant 0 : index
      %get3A_570 = vector.load %arg14[%get3A_568, %get3A_569] : memref<64x128xf32, #tpu.memory_space<vmem>>, vector<1x128xf32>
      %max3A_571 = arith.maximumf %get3A_570, %broadcast_in_dim3A : vector<1x128xf32>
      %swap3A = arith.constant 25 : index
      %swap3A_572 = arith.constant 0 : index
      %swap3A_573 = vector.load %arg14[%swap3A, %swap3A_572] : memref<64x128xf32, #tpu.memory_space<vmem>>, vector<1x128xf32>
      tpu.vector_store %arg14[%swap3A, %swap3A_572], %max3A_571 {strides = array<i32>} : memref<64x128xf32, #tpu.memory_space<vmem>>, vector<1x128xf32>,
    } else {
    }
    %le3A_252 = arith.constant 26 : i32
    %le3A_253 = arith.cmpi sle, %reduce_min3A_42, %le3A_252 : i32
    %ge3A_254 = arith.constant 26 : i32
    %ge3A_255 = arith.cmpi sge, %reduce_max3A_46, %ge3A_254 : i32
    %and3A_256 = arith.andi %le3A_253, %ge3A_255 : i1
    %convert_element_type3A_257 = arith.extui %and3A_256 : i1 to i32
    %cond3A_258 = arith.constant 0 : i32
    %cond3A_259 = arith.cmpi ne, %convert_element_type3A_257, %cond3A_258 : i32
    scf.if %cond3A_259 {
      %get3A_561 = arith.constant 0 : index
      %get3A_562 = arith.constant 26 : index
      %get3A_563 = vector.load %arg5[%get3A_561, %get3A_562] : memref<1000x64xf32, #tpu.memory_space<vmem>>, vector<1000x1xf32>
      %mul3A_564 = vector.broadcast %get3A_563 : vector<1000x1xf32> to vector<1000x128xf32>
      %mul3A_565 = arith.mulf %max3A_31, %mul3A_564 : vector<1000x128xf32>
      %reduce_max3A_566 = arith.constant dense<0xFF800000> : vector<128xf32>
      %reduce_max3A_567 = vector.multi_reduction <maximumf>, %mul3A_565, %reduce_max3A_566 [0] : vector<1000x128xf32> to vector<128xf32>
      %broadcast_in_dim3A = vector.shape_cast %reduce_max3A_567 : vector<128xf32> to vector<1x128xf32>
      %get3A_568 = arith.constant 26 : index
      %get3A_569 = arith.constant 0 : index
      %get3A_570 = vector.load %arg14[%get3A_568, %get3A_569] : memref<64x128xf32, #tpu.memory_space<vmem>>, vector<1x128xf32>
      %max3A_571 = arith.maximumf %get3A_570, %broadcast_in_dim3A : vector<1x128xf32>
      %swap3A = arith.constant 26 : index
      %swap3A_572 = arith.constant 0 : index
      %swap3A_573 = vector.load %arg14[%swap3A, %swap3A_572] : memref<64x128xf32, #tpu.memory_space<vmem>>, vector<1x128xf32>
      tpu.vector_store %arg14[%swap3A, %swap3A_572], %max3A_571 {strides = array<i32>} : memref<64x128xf32, #tpu.memory_space<vmem>>, vector<1x128xf32>,
    } else {
    }
    %le3A_260 = arith.constant 27 : i32
    %le3A_261 = arith.cmpi sle, %reduce_min3A_42, %le3A_260 : i32
    %ge3A_262 = arith.constant 27 : i32
    %ge3A_263 = arith.cmpi sge, %reduce_max3A_46, %ge3A_262 : i32
    %and3A_264 = arith.andi %le3A_261, %ge3A_263 : i1
    %convert_element_type3A_265 = arith.extui %and3A_264 : i1 to i32
    %cond3A_266 = arith.constant 0 : i32
    %cond3A_267 = arith.cmpi ne, %convert_element_type3A_265, %cond3A_266 : i32
    scf.if %cond3A_267 {
      %get3A_561 = arith.constant 0 : index
      %get3A_562 = arith.constant 27 : index
      %get3A_563 = vector.load %arg5[%get3A_561, %get3A_562] : memref<1000x64xf32, #tpu.memory_space<vmem>>, vector<1000x1xf32>
      %mul3A_564 = vector.broadcast %get3A_563 : vector<1000x1xf32> to vector<1000x128xf32>
      %mul3A_565 = arith.mulf %max3A_31, %mul3A_564 : vector<1000x128xf32>
      %reduce_max3A_566 = arith.constant dense<0xFF800000> : vector<128xf32>
      %reduce_max3A_567 = vector.multi_reduction <maximumf>, %mul3A_565, %reduce_max3A_566 [0] : vector<1000x128xf32> to vector<128xf32>
      %broadcast_in_dim3A = vector.shape_cast %reduce_max3A_567 : vector<128xf32> to vector<1x128xf32>
      %get3A_568 = arith.constant 27 : index
      %get3A_569 = arith.constant 0 : index
      %get3A_570 = vector.load %arg14[%get3A_568, %get3A_569] : memref<64x128xf32, #tpu.memory_space<vmem>>, vector<1x128xf32>
      %max3A_571 = arith.maximumf %get3A_570, %broadcast_in_dim3A : vector<1x128xf32>
      %swap3A = arith.constant 27 : index
      %swap3A_572 = arith.constant 0 : index
      %swap3A_573 = vector.load %arg14[%swap3A, %swap3A_572] : memref<64x128xf32, #tpu.memory_space<vmem>>, vector<1x128xf32>
      tpu.vector_store %arg14[%swap3A, %swap3A_572], %max3A_571 {strides = array<i32>} : memref<64x128xf32, #tpu.memory_space<vmem>>, vector<1x128xf32>,
    } else {
    }
    %le3A_268 = arith.constant 28 : i32
    %le3A_269 = arith.cmpi sle, %reduce_min3A_42, %le3A_268 : i32
    %ge3A_270 = arith.constant 28 : i32
    %ge3A_271 = arith.cmpi sge, %reduce_max3A_46, %ge3A_270 : i32
    %and3A_272 = arith.andi %le3A_269, %ge3A_271 : i1
    %convert_element_type3A_273 = arith.extui %and3A_272 : i1 to i32
    %cond3A_274 = arith.constant 0 : i32
    %cond3A_275 = arith.cmpi ne, %convert_element_type3A_273, %cond3A_274 : i32
    scf.if %cond3A_275 {
      %get3A_561 = arith.constant 0 : index
      %get3A_562 = arith.constant 28 : index
      %get3A_563 = vector.load %arg5[%get3A_561, %get3A_562] : memref<1000x64xf32, #tpu.memory_space<vmem>>, vector<1000x1xf32>
      %mul3A_564 = vector.broadcast %get3A_563 : vector<1000x1xf32> to vector<1000x128xf32>
      %mul3A_565 = arith.mulf %max3A_31, %mul3A_564 : vector<1000x128xf32>
      %reduce_max3A_566 = arith.constant dense<0xFF800000> : vector<128xf32>
      %reduce_max3A_567 = vector.multi_reduction <maximumf>, %mul3A_565, %reduce_max3A_566 [0] : vector<1000x128xf32> to vector<128xf32>
      %broadcast_in_dim3A = vector.shape_cast %reduce_max3A_567 : vector<128xf32> to vector<1x128xf32>
      %get3A_568 = arith.constant 28 : index
      %get3A_569 = arith.constant 0 : index
      %get3A_570 = vector.load %arg14[%get3A_568, %get3A_569] : memref<64x128xf32, #tpu.memory_space<vmem>>, vector<1x128xf32>
      %max3A_571 = arith.maximumf %get3A_570, %broadcast_in_dim3A : vector<1x128xf32>
      %swap3A = arith.constant 28 : index
      %swap3A_572 = arith.constant 0 : index
      %swap3A_573 = vector.load %arg14[%swap3A, %swap3A_572] : memref<64x128xf32, #tpu.memory_space<vmem>>, vector<1x128xf32>
      tpu.vector_store %arg14[%swap3A, %swap3A_572], %max3A_571 {strides = array<i32>} : memref<64x128xf32, #tpu.memory_space<vmem>>, vector<1x128xf32>,
    } else {
    }
    %le3A_276 = arith.constant 29 : i32
    %le3A_277 = arith.cmpi sle, %reduce_min3A_42, %le3A_276 : i32
    %ge3A_278 = arith.constant 29 : i32
    %ge3A_279 = arith.cmpi sge, %reduce_max3A_46, %ge3A_278 : i32
    %and3A_280 = arith.andi %le3A_277, %ge3A_279 : i1
    %convert_element_type3A_281 = arith.extui %and3A_280 : i1 to i32
    %cond3A_282 = arith.constant 0 : i32
    %cond3A_283 = arith.cmpi ne, %convert_element_type3A_281, %cond3A_282 : i32
    scf.if %cond3A_283 {
      %get3A_561 = arith.constant 0 : index
      %get3A_562 = arith.constant 29 : index
      %get3A_563 = vector.load %arg5[%get3A_561, %get3A_562] : memref<1000x64xf32, #tpu.memory_space<vmem>>, vector<1000x1xf32>
      %mul3A_564 = vector.broadcast %get3A_563 : vector<1000x1xf32> to vector<1000x128xf32>
      %mul3A_565 = arith.mulf %max3A_31, %mul3A_564 : vector<1000x128xf32>
      %reduce_max3A_566 = arith.constant dense<0xFF800000> : vector<128xf32>
      %reduce_max3A_567 = vector.multi_reduction <maximumf>, %mul3A_565, %reduce_max3A_566 [0] : vector<1000x128xf32> to vector<128xf32>
      %broadcast_in_dim3A = vector.shape_cast %reduce_max3A_567 : vector<128xf32> to vector<1x128xf32>
      %get3A_568 = arith.constant 29 : index
      %get3A_569 = arith.constant 0 : index
      %get3A_570 = vector.load %arg14[%get3A_568, %get3A_569] : memref<64x128xf32, #tpu.memory_space<vmem>>, vector<1x128xf32>
      %max3A_571 = arith.maximumf %get3A_570, %broadcast_in_dim3A : vector<1x128xf32>
      %swap3A = arith.constant 29 : index
      %swap3A_572 = arith.constant 0 : index
      %swap3A_573 = vector.load %arg14[%swap3A, %swap3A_572] : memref<64x128xf32, #tpu.memory_space<vmem>>, vector<1x128xf32>
      tpu.vector_store %arg14[%swap3A, %swap3A_572], %max3A_571 {strides = array<i32>} : memref<64x128xf32, #tpu.memory_space<vmem>>, vector<1x128xf32>,
    } else {
    }
    %le3A_284 = arith.constant 30 : i32
    %le3A_285 = arith.cmpi sle, %reduce_min3A_42, %le3A_284 : i32
    %ge3A_286 = arith.constant 30 : i32
    %ge3A_287 = arith.cmpi sge, %reduce_max3A_46, %ge3A_286 : i32
    %and3A_288 = arith.andi %le3A_285, %ge3A_287 : i1
    %convert_element_type3A_289 = arith.extui %and3A_288 : i1 to i32
    %cond3A_290 = arith.constant 0 : i32
    %cond3A_291 = arith.cmpi ne, %convert_element_type3A_289, %cond3A_290 : i32
    scf.if %cond3A_291 {
      %get3A_561 = arith.constant 0 : index
      %get3A_562 = arith.constant 30 : index
      %get3A_563 = vector.load %arg5[%get3A_561, %get3A_562] : memref<1000x64xf32, #tpu.memory_space<vmem>>, vector<1000x1xf32>
      %mul3A_564 = vector.broadcast %get3A_563 : vector<1000x1xf32> to vector<1000x128xf32>
      %mul3A_565 = arith.mulf %max3A_31, %mul3A_564 : vector<1000x128xf32>
      %reduce_max3A_566 = arith.constant dense<0xFF800000> : vector<128xf32>
      %reduce_max3A_567 = vector.multi_reduction <maximumf>, %mul3A_565, %reduce_max3A_566 [0] : vector<1000x128xf32> to vector<128xf32>
      %broadcast_in_dim3A = vector.shape_cast %reduce_max3A_567 : vector<128xf32> to vector<1x128xf32>
      %get3A_568 = arith.constant 30 : index
      %get3A_569 = arith.constant 0 : index
      %get3A_570 = vector.load %arg14[%get3A_568, %get3A_569] : memref<64x128xf32, #tpu.memory_space<vmem>>, vector<1x128xf32>
      %max3A_571 = arith.maximumf %get3A_570, %broadcast_in_dim3A : vector<1x128xf32>
      %swap3A = arith.constant 30 : index
      %swap3A_572 = arith.constant 0 : index
      %swap3A_573 = vector.load %arg14[%swap3A, %swap3A_572] : memref<64x128xf32, #tpu.memory_space<vmem>>, vector<1x128xf32>
      tpu.vector_store %arg14[%swap3A, %swap3A_572], %max3A_571 {strides = array<i32>} : memref<64x128xf32, #tpu.memory_space<vmem>>, vector<1x128xf32>,
    } else {
    }
    %le3A_292 = arith.constant 31 : i32
    %le3A_293 = arith.cmpi sle, %reduce_min3A_42, %le3A_292 : i32
    %ge3A_294 = arith.constant 31 : i32
    %ge3A_295 = arith.cmpi sge, %reduce_max3A_46, %ge3A_294 : i32
    %and3A_296 = arith.andi %le3A_293, %ge3A_295 : i1
    %convert_element_type3A_297 = arith.extui %and3A_296 : i1 to i32
    %cond3A_298 = arith.constant 0 : i32
    %cond3A_299 = arith.cmpi ne, %convert_element_type3A_297, %cond3A_298 : i32
    scf.if %cond3A_299 {
      %get3A_561 = arith.constant 0 : index
      %get3A_562 = arith.constant 31 : index
      %get3A_563 = vector.load %arg5[%get3A_561, %get3A_562] : memref<1000x64xf32, #tpu.memory_space<vmem>>, vector<1000x1xf32>
      %mul3A_564 = vector.broadcast %get3A_563 : vector<1000x1xf32> to vector<1000x128xf32>
      %mul3A_565 = arith.mulf %max3A_31, %mul3A_564 : vector<1000x128xf32>
      %reduce_max3A_566 = arith.constant dense<0xFF800000> : vector<128xf32>
      %reduce_max3A_567 = vector.multi_reduction <maximumf>, %mul3A_565, %reduce_max3A_566 [0] : vector<1000x128xf32> to vector<128xf32>
      %broadcast_in_dim3A = vector.shape_cast %reduce_max3A_567 : vector<128xf32> to vector<1x128xf32>
      %get3A_568 = arith.constant 31 : index
      %get3A_569 = arith.constant 0 : index
      %get3A_570 = vector.load %arg14[%get3A_568, %get3A_569] : memref<64x128xf32, #tpu.memory_space<vmem>>, vector<1x128xf32>
      %max3A_571 = arith.maximumf %get3A_570, %broadcast_in_dim3A : vector<1x128xf32>
      %swap3A = arith.constant 31 : index
      %swap3A_572 = arith.constant 0 : index
      %swap3A_573 = vector.load %arg14[%swap3A, %swap3A_572] : memref<64x128xf32, #tpu.memory_space<vmem>>, vector<1x128xf32>
      tpu.vector_store %arg14[%swap3A, %swap3A_572], %max3A_571 {strides = array<i32>} : memref<64x128xf32, #tpu.memory_space<vmem>>, vector<1x128xf32>,
    } else {
    }
    %le3A_300 = arith.constant 32 : i32
    %le3A_301 = arith.cmpi sle, %reduce_min3A_42, %le3A_300 : i32
    %ge3A_302 = arith.constant 32 : i32
    %ge3A_303 = arith.cmpi sge, %reduce_max3A_46, %ge3A_302 : i32
    %and3A_304 = arith.andi %le3A_301, %ge3A_303 : i1
    %convert_element_type3A_305 = arith.extui %and3A_304 : i1 to i32
    %cond3A_306 = arith.constant 0 : i32
    %cond3A_307 = arith.cmpi ne, %convert_element_type3A_305, %cond3A_306 : i32
    scf.if %cond3A_307 {
      %get3A_561 = arith.constant 0 : index
      %get3A_562 = arith.constant 32 : index
      %get3A_563 = vector.load %arg5[%get3A_561, %get3A_562] : memref<1000x64xf32, #tpu.memory_space<vmem>>, vector<1000x1xf32>
      %mul3A_564 = vector.broadcast %get3A_563 : vector<1000x1xf32> to vector<1000x128xf32>
      %mul3A_565 = arith.mulf %max3A_31, %mul3A_564 : vector<1000x128xf32>
      %reduce_max3A_566 = arith.constant dense<0xFF800000> : vector<128xf32>
      %reduce_max3A_567 = vector.multi_reduction <maximumf>, %mul3A_565, %reduce_max3A_566 [0] : vector<1000x128xf32> to vector<128xf32>
      %broadcast_in_dim3A = vector.shape_cast %reduce_max3A_567 : vector<128xf32> to vector<1x128xf32>
      %get3A_568 = arith.constant 32 : index
      %get3A_569 = arith.constant 0 : index
      %get3A_570 = vector.load %arg14[%get3A_568, %get3A_569] : memref<64x128xf32, #tpu.memory_space<vmem>>, vector<1x128xf32>
      %max3A_571 = arith.maximumf %get3A_570, %broadcast_in_dim3A : vector<1x128xf32>
      %swap3A = arith.constant 32 : index
      %swap3A_572 = arith.constant 0 : index
      %swap3A_573 = vector.load %arg14[%swap3A, %swap3A_572] : memref<64x128xf32, #tpu.memory_space<vmem>>, vector<1x128xf32>
      tpu.vector_store %arg14[%swap3A, %swap3A_572], %max3A_571 {strides = array<i32>} : memref<64x128xf32, #tpu.memory_space<vmem>>, vector<1x128xf32>,
    } else {
    }
    %le3A_308 = arith.constant 33 : i32
    %le3A_309 = arith.cmpi sle, %reduce_min3A_42, %le3A_308 : i32
    %ge3A_310 = arith.constant 33 : i32
    %ge3A_311 = arith.cmpi sge, %reduce_max3A_46, %ge3A_310 : i32
    %and3A_312 = arith.andi %le3A_309, %ge3A_311 : i1
    %convert_element_type3A_313 = arith.extui %and3A_312 : i1 to i32
    %cond3A_314 = arith.constant 0 : i32
    %cond3A_315 = arith.cmpi ne, %convert_element_type3A_313, %cond3A_314 : i32
    scf.if %cond3A_315 {
      %get3A_561 = arith.constant 0 : index
      %get3A_562 = arith.constant 33 : index
      %get3A_563 = vector.load %arg5[%get3A_561, %get3A_562] : memref<1000x64xf32, #tpu.memory_space<vmem>>, vector<1000x1xf32>
      %mul3A_564 = vector.broadcast %get3A_563 : vector<1000x1xf32> to vector<1000x128xf32>
      %mul3A_565 = arith.mulf %max3A_31, %mul3A_564 : vector<1000x128xf32>
      %reduce_max3A_566 = arith.constant dense<0xFF800000> : vector<128xf32>
      %reduce_max3A_567 = vector.multi_reduction <maximumf>, %mul3A_565, %reduce_max3A_566 [0] : vector<1000x128xf32> to vector<128xf32>
      %broadcast_in_dim3A = vector.shape_cast %reduce_max3A_567 : vector<128xf32> to vector<1x128xf32>
      %get3A_568 = arith.constant 33 : index
      %get3A_569 = arith.constant 0 : index
      %get3A_570 = vector.load %arg14[%get3A_568, %get3A_569] : memref<64x128xf32, #tpu.memory_space<vmem>>, vector<1x128xf32>
      %max3A_571 = arith.maximumf %get3A_570, %broadcast_in_dim3A : vector<1x128xf32>
      %swap3A = arith.constant 33 : index
      %swap3A_572 = arith.constant 0 : index
      %swap3A_573 = vector.load %arg14[%swap3A, %swap3A_572] : memref<64x128xf32, #tpu.memory_space<vmem>>, vector<1x128xf32>
      tpu.vector_store %arg14[%swap3A, %swap3A_572], %max3A_571 {strides = array<i32>} : memref<64x128xf32, #tpu.memory_space<vmem>>, vector<1x128xf32>,
    } else {
    }
    %le3A_316 = arith.constant 34 : i32
    %le3A_317 = arith.cmpi sle, %reduce_min3A_42, %le3A_316 : i32
    %ge3A_318 = arith.constant 34 : i32
    %ge3A_319 = arith.cmpi sge, %reduce_max3A_46, %ge3A_318 : i32
    %and3A_320 = arith.andi %le3A_317, %ge3A_319 : i1
    %convert_element_type3A_321 = arith.extui %and3A_320 : i1 to i32
    %cond3A_322 = arith.constant 0 : i32
    %cond3A_323 = arith.cmpi ne, %convert_element_type3A_321, %cond3A_322 : i32
    scf.if %cond3A_323 {
      %get3A_561 = arith.constant 0 : index
      %get3A_562 = arith.constant 34 : index
      %get3A_563 = vector.load %arg5[%get3A_561, %get3A_562] : memref<1000x64xf32, #tpu.memory_space<vmem>>, vector<1000x1xf32>
      %mul3A_564 = vector.broadcast %get3A_563 : vector<1000x1xf32> to vector<1000x128xf32>
      %mul3A_565 = arith.mulf %max3A_31, %mul3A_564 : vector<1000x128xf32>
      %reduce_max3A_566 = arith.constant dense<0xFF800000> : vector<128xf32>
      %reduce_max3A_567 = vector.multi_reduction <maximumf>, %mul3A_565, %reduce_max3A_566 [0] : vector<1000x128xf32> to vector<128xf32>
      %broadcast_in_dim3A = vector.shape_cast %reduce_max3A_567 : vector<128xf32> to vector<1x128xf32>
      %get3A_568 = arith.constant 34 : index
      %get3A_569 = arith.constant 0 : index
      %get3A_570 = vector.load %arg14[%get3A_568, %get3A_569] : memref<64x128xf32, #tpu.memory_space<vmem>>, vector<1x128xf32>
      %max3A_571 = arith.maximumf %get3A_570, %broadcast_in_dim3A : vector<1x128xf32>
      %swap3A = arith.constant 34 : index
      %swap3A_572 = arith.constant 0 : index
      %swap3A_573 = vector.load %arg14[%swap3A, %swap3A_572] : memref<64x128xf32, #tpu.memory_space<vmem>>, vector<1x128xf32>
      tpu.vector_store %arg14[%swap3A, %swap3A_572], %max3A_571 {strides = array<i32>} : memref<64x128xf32, #tpu.memory_space<vmem>>, vector<1x128xf32>,
    } else {
    }
    %le3A_324 = arith.constant 35 : i32
    %le3A_325 = arith.cmpi sle, %reduce_min3A_42, %le3A_324 : i32
    %ge3A_326 = arith.constant 35 : i32
    %ge3A_327 = arith.cmpi sge, %reduce_max3A_46, %ge3A_326 : i32
    %and3A_328 = arith.andi %le3A_325, %ge3A_327 : i1
    %convert_element_type3A_329 = arith.extui %and3A_328 : i1 to i32
    %cond3A_330 = arith.constant 0 : i32
    %cond3A_331 = arith.cmpi ne, %convert_element_type3A_329, %cond3A_330 : i32
    scf.if %cond3A_331 {
      %get3A_561 = arith.constant 0 : index
      %get3A_562 = arith.constant 35 : index
      %get3A_563 = vector.load %arg5[%get3A_561, %get3A_562] : memref<1000x64xf32, #tpu.memory_space<vmem>>, vector<1000x1xf32>
      %mul3A_564 = vector.broadcast %get3A_563 : vector<1000x1xf32> to vector<1000x128xf32>
      %mul3A_565 = arith.mulf %max3A_31, %mul3A_564 : vector<1000x128xf32>
      %reduce_max3A_566 = arith.constant dense<0xFF800000> : vector<128xf32>
      %reduce_max3A_567 = vector.multi_reduction <maximumf>, %mul3A_565, %reduce_max3A_566 [0] : vector<1000x128xf32> to vector<128xf32>
      %broadcast_in_dim3A = vector.shape_cast %reduce_max3A_567 : vector<128xf32> to vector<1x128xf32>
      %get3A_568 = arith.constant 35 : index
      %get3A_569 = arith.constant 0 : index
      %get3A_570 = vector.load %arg14[%get3A_568, %get3A_569] : memref<64x128xf32, #tpu.memory_space<vmem>>, vector<1x128xf32>
      %max3A_571 = arith.maximumf %get3A_570, %broadcast_in_dim3A : vector<1x128xf32>
      %swap3A = arith.constant 35 : index
      %swap3A_572 = arith.constant 0 : index
      %swap3A_573 = vector.load %arg14[%swap3A, %swap3A_572] : memref<64x128xf32, #tpu.memory_space<vmem>>, vector<1x128xf32>
      tpu.vector_store %arg14[%swap3A, %swap3A_572], %max3A_571 {strides = array<i32>} : memref<64x128xf32, #tpu.memory_space<vmem>>, vector<1x128xf32>,
    } else {
    }
    %le3A_332 = arith.constant 36 : i32
    %le3A_333 = arith.cmpi sle, %reduce_min3A_42, %le3A_332 : i32
    %ge3A_334 = arith.constant 36 : i32
    %ge3A_335 = arith.cmpi sge, %reduce_max3A_46, %ge3A_334 : i32
    %and3A_336 = arith.andi %le3A_333, %ge3A_335 : i1
    %convert_element_type3A_337 = arith.extui %and3A_336 : i1 to i32
    %cond3A_338 = arith.constant 0 : i32
    %cond3A_339 = arith.cmpi ne, %convert_element_type3A_337, %cond3A_338 : i32
    scf.if %cond3A_339 {
      %get3A_561 = arith.constant 0 : index
      %get3A_562 = arith.constant 36 : index
      %get3A_563 = vector.load %arg5[%get3A_561, %get3A_562] : memref<1000x64xf32, #tpu.memory_space<vmem>>, vector<1000x1xf32>
      %mul3A_564 = vector.broadcast %get3A_563 : vector<1000x1xf32> to vector<1000x128xf32>
      %mul3A_565 = arith.mulf %max3A_31, %mul3A_564 : vector<1000x128xf32>
      %reduce_max3A_566 = arith.constant dense<0xFF800000> : vector<128xf32>
      %reduce_max3A_567 = vector.multi_reduction <maximumf>, %mul3A_565, %reduce_max3A_566 [0] : vector<1000x128xf32> to vector<128xf32>
      %broadcast_in_dim3A = vector.shape_cast %reduce_max3A_567 : vector<128xf32> to vector<1x128xf32>
      %get3A_568 = arith.constant 36 : index
      %get3A_569 = arith.constant 0 : index
      %get3A_570 = vector.load %arg14[%get3A_568, %get3A_569] : memref<64x128xf32, #tpu.memory_space<vmem>>, vector<1x128xf32>
      %max3A_571 = arith.maximumf %get3A_570, %broadcast_in_dim3A : vector<1x128xf32>
      %swap3A = arith.constant 36 : index
      %swap3A_572 = arith.constant 0 : index
      %swap3A_573 = vector.load %arg14[%swap3A, %swap3A_572] : memref<64x128xf32, #tpu.memory_space<vmem>>, vector<1x128xf32>
      tpu.vector_store %arg14[%swap3A, %swap3A_572], %max3A_571 {strides = array<i32>} : memref<64x128xf32, #tpu.memory_space<vmem>>, vector<1x128xf32>,
    } else {
    }
    %le3A_340 = arith.constant 37 : i32
    %le3A_341 = arith.cmpi sle, %reduce_min3A_42, %le3A_340 : i32
    %ge3A_342 = arith.constant 37 : i32
    %ge3A_343 = arith.cmpi sge, %reduce_max3A_46, %ge3A_342 : i32
    %and3A_344 = arith.andi %le3A_341, %ge3A_343 : i1
    %convert_element_type3A_345 = arith.extui %and3A_344 : i1 to i32
    %cond3A_346 = arith.constant 0 : i32
    %cond3A_347 = arith.cmpi ne, %convert_element_type3A_345, %cond3A_346 : i32
    scf.if %cond3A_347 {
      %get3A_561 = arith.constant 0 : index
      %get3A_562 = arith.constant 37 : index
      %get3A_563 = vector.load %arg5[%get3A_561, %get3A_562] : memref<1000x64xf32, #tpu.memory_space<vmem>>, vector<1000x1xf32>
      %mul3A_564 = vector.broadcast %get3A_563 : vector<1000x1xf32> to vector<1000x128xf32>
      %mul3A_565 = arith.mulf %max3A_31, %mul3A_564 : vector<1000x128xf32>
      %reduce_max3A_566 = arith.constant dense<0xFF800000> : vector<128xf32>
      %reduce_max3A_567 = vector.multi_reduction <maximumf>, %mul3A_565, %reduce_max3A_566 [0] : vector<1000x128xf32> to vector<128xf32>
      %broadcast_in_dim3A = vector.shape_cast %reduce_max3A_567 : vector<128xf32> to vector<1x128xf32>
      %get3A_568 = arith.constant 37 : index
      %get3A_569 = arith.constant 0 : index
      %get3A_570 = vector.load %arg14[%get3A_568, %get3A_569] : memref<64x128xf32, #tpu.memory_space<vmem>>, vector<1x128xf32>
      %max3A_571 = arith.maximumf %get3A_570, %broadcast_in_dim3A : vector<1x128xf32>
      %swap3A = arith.constant 37 : index
      %swap3A_572 = arith.constant 0 : index
      %swap3A_573 = vector.load %arg14[%swap3A, %swap3A_572] : memref<64x128xf32, #tpu.memory_space<vmem>>, vector<1x128xf32>
      tpu.vector_store %arg14[%swap3A, %swap3A_572], %max3A_571 {strides = array<i32>} : memref<64x128xf32, #tpu.memory_space<vmem>>, vector<1x128xf32>,
    } else {
    }
    %le3A_348 = arith.constant 38 : i32
    %le3A_349 = arith.cmpi sle, %reduce_min3A_42, %le3A_348 : i32
    %ge3A_350 = arith.constant 38 : i32
    %ge3A_351 = arith.cmpi sge, %reduce_max3A_46, %ge3A_350 : i32
    %and3A_352 = arith.andi %le3A_349, %ge3A_351 : i1
    %convert_element_type3A_353 = arith.extui %and3A_352 : i1 to i32
    %cond3A_354 = arith.constant 0 : i32
    %cond3A_355 = arith.cmpi ne, %convert_element_type3A_353, %cond3A_354 : i32
    scf.if %cond3A_355 {
      %get3A_561 = arith.constant 0 : index
      %get3A_562 = arith.constant 38 : index
      %get3A_563 = vector.load %arg5[%get3A_561, %get3A_562] : memref<1000x64xf32, #tpu.memory_space<vmem>>, vector<1000x1xf32>
      %mul3A_564 = vector.broadcast %get3A_563 : vector<1000x1xf32> to vector<1000x128xf32>
      %mul3A_565 = arith.mulf %max3A_31, %mul3A_564 : vector<1000x128xf32>
      %reduce_max3A_566 = arith.constant dense<0xFF800000> : vector<128xf32>
      %reduce_max3A_567 = vector.multi_reduction <maximumf>, %mul3A_565, %reduce_max3A_566 [0] : vector<1000x128xf32> to vector<128xf32>
      %broadcast_in_dim3A = vector.shape_cast %reduce_max3A_567 : vector<128xf32> to vector<1x128xf32>
      %get3A_568 = arith.constant 38 : index
      %get3A_569 = arith.constant 0 : index
      %get3A_570 = vector.load %arg14[%get3A_568, %get3A_569] : memref<64x128xf32, #tpu.memory_space<vmem>>, vector<1x128xf32>
      %max3A_571 = arith.maximumf %get3A_570, %broadcast_in_dim3A : vector<1x128xf32>
      %swap3A = arith.constant 38 : index
      %swap3A_572 = arith.constant 0 : index
      %swap3A_573 = vector.load %arg14[%swap3A, %swap3A_572] : memref<64x128xf32, #tpu.memory_space<vmem>>, vector<1x128xf32>
      tpu.vector_store %arg14[%swap3A, %swap3A_572], %max3A_571 {strides = array<i32>} : memref<64x128xf32, #tpu.memory_space<vmem>>, vector<1x128xf32>,
    } else {
    }
    %le3A_356 = arith.constant 39 : i32
    %le3A_357 = arith.cmpi sle, %reduce_min3A_42, %le3A_356 : i32
    %ge3A_358 = arith.constant 39 : i32
    %ge3A_359 = arith.cmpi sge, %reduce_max3A_46, %ge3A_358 : i32
    %and3A_360 = arith.andi %le3A_357, %ge3A_359 : i1
    %convert_element_type3A_361 = arith.extui %and3A_360 : i1 to i32
    %cond3A_362 = arith.constant 0 : i32
    %cond3A_363 = arith.cmpi ne, %convert_element_type3A_361, %cond3A_362 : i32
    scf.if %cond3A_363 {
      %get3A_561 = arith.constant 0 : index
      %get3A_562 = arith.constant 39 : index
      %get3A_563 = vector.load %arg5[%get3A_561, %get3A_562] : memref<1000x64xf32, #tpu.memory_space<vmem>>, vector<1000x1xf32>
      %mul3A_564 = vector.broadcast %get3A_563 : vector<1000x1xf32> to vector<1000x128xf32>
      %mul3A_565 = arith.mulf %max3A_31, %mul3A_564 : vector<1000x128xf32>
      %reduce_max3A_566 = arith.constant dense<0xFF800000> : vector<128xf32>
      %reduce_max3A_567 = vector.multi_reduction <maximumf>, %mul3A_565, %reduce_max3A_566 [0] : vector<1000x128xf32> to vector<128xf32>
      %broadcast_in_dim3A = vector.shape_cast %reduce_max3A_567 : vector<128xf32> to vector<1x128xf32>
      %get3A_568 = arith.constant 39 : index
      %get3A_569 = arith.constant 0 : index
      %get3A_570 = vector.load %arg14[%get3A_568, %get3A_569] : memref<64x128xf32, #tpu.memory_space<vmem>>, vector<1x128xf32>
      %max3A_571 = arith.maximumf %get3A_570, %broadcast_in_dim3A : vector<1x128xf32>
      %swap3A = arith.constant 39 : index
      %swap3A_572 = arith.constant 0 : index
      %swap3A_573 = vector.load %arg14[%swap3A, %swap3A_572] : memref<64x128xf32, #tpu.memory_space<vmem>>, vector<1x128xf32>
      tpu.vector_store %arg14[%swap3A, %swap3A_572], %max3A_571 {strides = array<i32>} : memref<64x128xf32, #tpu.memory_space<vmem>>, vector<1x128xf32>,
    } else {
    }
    %le3A_364 = arith.constant 40 : i32
    %le3A_365 = arith.cmpi sle, %reduce_min3A_42, %le3A_364 : i32
    %ge3A_366 = arith.constant 40 : i32
    %ge3A_367 = arith.cmpi sge, %reduce_max3A_46, %ge3A_366 : i32
    %and3A_368 = arith.andi %le3A_365, %ge3A_367 : i1
    %convert_element_type3A_369 = arith.extui %and3A_368 : i1 to i32
    %cond3A_370 = arith.constant 0 : i32
    %cond3A_371 = arith.cmpi ne, %convert_element_type3A_369, %cond3A_370 : i32
    scf.if %cond3A_371 {
      %get3A_561 = arith.constant 0 : index
      %get3A_562 = arith.constant 40 : index
      %get3A_563 = vector.load %arg5[%get3A_561, %get3A_562] : memref<1000x64xf32, #tpu.memory_space<vmem>>, vector<1000x1xf32>
      %mul3A_564 = vector.broadcast %get3A_563 : vector<1000x1xf32> to vector<1000x128xf32>
      %mul3A_565 = arith.mulf %max3A_31, %mul3A_564 : vector<1000x128xf32>
      %reduce_max3A_566 = arith.constant dense<0xFF800000> : vector<128xf32>
      %reduce_max3A_567 = vector.multi_reduction <maximumf>, %mul3A_565, %reduce_max3A_566 [0] : vector<1000x128xf32> to vector<128xf32>
      %broadcast_in_dim3A = vector.shape_cast %reduce_max3A_567 : vector<128xf32> to vector<1x128xf32>
      %get3A_568 = arith.constant 40 : index
      %get3A_569 = arith.constant 0 : index
      %get3A_570 = vector.load %arg14[%get3A_568, %get3A_569] : memref<64x128xf32, #tpu.memory_space<vmem>>, vector<1x128xf32>
      %max3A_571 = arith.maximumf %get3A_570, %broadcast_in_dim3A : vector<1x128xf32>
      %swap3A = arith.constant 40 : index
      %swap3A_572 = arith.constant 0 : index
      %swap3A_573 = vector.load %arg14[%swap3A, %swap3A_572] : memref<64x128xf32, #tpu.memory_space<vmem>>, vector<1x128xf32>
      tpu.vector_store %arg14[%swap3A, %swap3A_572], %max3A_571 {strides = array<i32>} : memref<64x128xf32, #tpu.memory_space<vmem>>, vector<1x128xf32>,
    } else {
    }
    %le3A_372 = arith.constant 41 : i32
    %le3A_373 = arith.cmpi sle, %reduce_min3A_42, %le3A_372 : i32
    %ge3A_374 = arith.constant 41 : i32
    %ge3A_375 = arith.cmpi sge, %reduce_max3A_46, %ge3A_374 : i32
    %and3A_376 = arith.andi %le3A_373, %ge3A_375 : i1
    %convert_element_type3A_377 = arith.extui %and3A_376 : i1 to i32
    %cond3A_378 = arith.constant 0 : i32
    %cond3A_379 = arith.cmpi ne, %convert_element_type3A_377, %cond3A_378 : i32
    scf.if %cond3A_379 {
      %get3A_561 = arith.constant 0 : index
      %get3A_562 = arith.constant 41 : index
      %get3A_563 = vector.load %arg5[%get3A_561, %get3A_562] : memref<1000x64xf32, #tpu.memory_space<vmem>>, vector<1000x1xf32>
      %mul3A_564 = vector.broadcast %get3A_563 : vector<1000x1xf32> to vector<1000x128xf32>
      %mul3A_565 = arith.mulf %max3A_31, %mul3A_564 : vector<1000x128xf32>
      %reduce_max3A_566 = arith.constant dense<0xFF800000> : vector<128xf32>
      %reduce_max3A_567 = vector.multi_reduction <maximumf>, %mul3A_565, %reduce_max3A_566 [0] : vector<1000x128xf32> to vector<128xf32>
      %broadcast_in_dim3A = vector.shape_cast %reduce_max3A_567 : vector<128xf32> to vector<1x128xf32>
      %get3A_568 = arith.constant 41 : index
      %get3A_569 = arith.constant 0 : index
      %get3A_570 = vector.load %arg14[%get3A_568, %get3A_569] : memref<64x128xf32, #tpu.memory_space<vmem>>, vector<1x128xf32>
      %max3A_571 = arith.maximumf %get3A_570, %broadcast_in_dim3A : vector<1x128xf32>
      %swap3A = arith.constant 41 : index
      %swap3A_572 = arith.constant 0 : index
      %swap3A_573 = vector.load %arg14[%swap3A, %swap3A_572] : memref<64x128xf32, #tpu.memory_space<vmem>>, vector<1x128xf32>
      tpu.vector_store %arg14[%swap3A, %swap3A_572], %max3A_571 {strides = array<i32>} : memref<64x128xf32, #tpu.memory_space<vmem>>, vector<1x128xf32>,
    } else {
    }
    %le3A_380 = arith.constant 42 : i32
    %le3A_381 = arith.cmpi sle, %reduce_min3A_42, %le3A_380 : i32
    %ge3A_382 = arith.constant 42 : i32
    %ge3A_383 = arith.cmpi sge, %reduce_max3A_46, %ge3A_382 : i32
    %and3A_384 = arith.andi %le3A_381, %ge3A_383 : i1
    %convert_element_type3A_385 = arith.extui %and3A_384 : i1 to i32
    %cond3A_386 = arith.constant 0 : i32
    %cond3A_387 = arith.cmpi ne, %convert_element_type3A_385, %cond3A_386 : i32
    scf.if %cond3A_387 {
      %get3A_561 = arith.constant 0 : index
      %get3A_562 = arith.constant 42 : index
      %get3A_563 = vector.load %arg5[%get3A_561, %get3A_562] : memref<1000x64xf32, #tpu.memory_space<vmem>>, vector<1000x1xf32>
      %mul3A_564 = vector.broadcast %get3A_563 : vector<1000x1xf32> to vector<1000x128xf32>
      %mul3A_565 = arith.mulf %max3A_31, %mul3A_564 : vector<1000x128xf32>
      %reduce_max3A_566 = arith.constant dense<0xFF800000> : vector<128xf32>
      %reduce_max3A_567 = vector.multi_reduction <maximumf>, %mul3A_565, %reduce_max3A_566 [0] : vector<1000x128xf32> to vector<128xf32>
      %broadcast_in_dim3A = vector.shape_cast %reduce_max3A_567 : vector<128xf32> to vector<1x128xf32>
      %get3A_568 = arith.constant 42 : index
      %get3A_569 = arith.constant 0 : index
      %get3A_570 = vector.load %arg14[%get3A_568, %get3A_569] : memref<64x128xf32, #tpu.memory_space<vmem>>, vector<1x128xf32>
      %max3A_571 = arith.maximumf %get3A_570, %broadcast_in_dim3A : vector<1x128xf32>
      %swap3A = arith.constant 42 : index
      %swap3A_572 = arith.constant 0 : index
      %swap3A_573 = vector.load %arg14[%swap3A, %swap3A_572] : memref<64x128xf32, #tpu.memory_space<vmem>>, vector<1x128xf32>
      tpu.vector_store %arg14[%swap3A, %swap3A_572], %max3A_571 {strides = array<i32>} : memref<64x128xf32, #tpu.memory_space<vmem>>, vector<1x128xf32>,
    } else {
    }
    %le3A_388 = arith.constant 43 : i32
    %le3A_389 = arith.cmpi sle, %reduce_min3A_42, %le3A_388 : i32
    %ge3A_390 = arith.constant 43 : i32
    %ge3A_391 = arith.cmpi sge, %reduce_max3A_46, %ge3A_390 : i32
    %and3A_392 = arith.andi %le3A_389, %ge3A_391 : i1
    %convert_element_type3A_393 = arith.extui %and3A_392 : i1 to i32
    %cond3A_394 = arith.constant 0 : i32
    %cond3A_395 = arith.cmpi ne, %convert_element_type3A_393, %cond3A_394 : i32
    scf.if %cond3A_395 {
      %get3A_561 = arith.constant 0 : index
      %get3A_562 = arith.constant 43 : index
      %get3A_563 = vector.load %arg5[%get3A_561, %get3A_562] : memref<1000x64xf32, #tpu.memory_space<vmem>>, vector<1000x1xf32>
      %mul3A_564 = vector.broadcast %get3A_563 : vector<1000x1xf32> to vector<1000x128xf32>
      %mul3A_565 = arith.mulf %max3A_31, %mul3A_564 : vector<1000x128xf32>
      %reduce_max3A_566 = arith.constant dense<0xFF800000> : vector<128xf32>
      %reduce_max3A_567 = vector.multi_reduction <maximumf>, %mul3A_565, %reduce_max3A_566 [0] : vector<1000x128xf32> to vector<128xf32>
      %broadcast_in_dim3A = vector.shape_cast %reduce_max3A_567 : vector<128xf32> to vector<1x128xf32>
      %get3A_568 = arith.constant 43 : index
      %get3A_569 = arith.constant 0 : index
      %get3A_570 = vector.load %arg14[%get3A_568, %get3A_569] : memref<64x128xf32, #tpu.memory_space<vmem>>, vector<1x128xf32>
      %max3A_571 = arith.maximumf %get3A_570, %broadcast_in_dim3A : vector<1x128xf32>
      %swap3A = arith.constant 43 : index
      %swap3A_572 = arith.constant 0 : index
      %swap3A_573 = vector.load %arg14[%swap3A, %swap3A_572] : memref<64x128xf32, #tpu.memory_space<vmem>>, vector<1x128xf32>
      tpu.vector_store %arg14[%swap3A, %swap3A_572], %max3A_571 {strides = array<i32>} : memref<64x128xf32, #tpu.memory_space<vmem>>, vector<1x128xf32>,
    } else {
    }
    %le3A_396 = arith.constant 44 : i32
    %le3A_397 = arith.cmpi sle, %reduce_min3A_42, %le3A_396 : i32
    %ge3A_398 = arith.constant 44 : i32
    %ge3A_399 = arith.cmpi sge, %reduce_max3A_46, %ge3A_398 : i32
    %and3A_400 = arith.andi %le3A_397, %ge3A_399 : i1
    %convert_element_type3A_401 = arith.extui %and3A_400 : i1 to i32
    %cond3A_402 = arith.constant 0 : i32
    %cond3A_403 = arith.cmpi ne, %convert_element_type3A_401, %cond3A_402 : i32
    scf.if %cond3A_403 {
      %get3A_561 = arith.constant 0 : index
      %get3A_562 = arith.constant 44 : index
      %get3A_563 = vector.load %arg5[%get3A_561, %get3A_562] : memref<1000x64xf32, #tpu.memory_space<vmem>>, vector<1000x1xf32>
      %mul3A_564 = vector.broadcast %get3A_563 : vector<1000x1xf32> to vector<1000x128xf32>
      %mul3A_565 = arith.mulf %max3A_31, %mul3A_564 : vector<1000x128xf32>
      %reduce_max3A_566 = arith.constant dense<0xFF800000> : vector<128xf32>
      %reduce_max3A_567 = vector.multi_reduction <maximumf>, %mul3A_565, %reduce_max3A_566 [0] : vector<1000x128xf32> to vector<128xf32>
      %broadcast_in_dim3A = vector.shape_cast %reduce_max3A_567 : vector<128xf32> to vector<1x128xf32>
      %get3A_568 = arith.constant 44 : index
      %get3A_569 = arith.constant 0 : index
      %get3A_570 = vector.load %arg14[%get3A_568, %get3A_569] : memref<64x128xf32, #tpu.memory_space<vmem>>, vector<1x128xf32>
      %max3A_571 = arith.maximumf %get3A_570, %broadcast_in_dim3A : vector<1x128xf32>
      %swap3A = arith.constant 44 : index
      %swap3A_572 = arith.constant 0 : index
      %swap3A_573 = vector.load %arg14[%swap3A, %swap3A_572] : memref<64x128xf32, #tpu.memory_space<vmem>>, vector<1x128xf32>
      tpu.vector_store %arg14[%swap3A, %swap3A_572], %max3A_571 {strides = array<i32>} : memref<64x128xf32, #tpu.memory_space<vmem>>, vector<1x128xf32>,
    } else {
    }
    %le3A_404 = arith.constant 45 : i32
    %le3A_405 = arith.cmpi sle, %reduce_min3A_42, %le3A_404 : i32
    %ge3A_406 = arith.constant 45 : i32
    %ge3A_407 = arith.cmpi sge, %reduce_max3A_46, %ge3A_406 : i32
    %and3A_408 = arith.andi %le3A_405, %ge3A_407 : i1
    %convert_element_type3A_409 = arith.extui %and3A_408 : i1 to i32
    %cond3A_410 = arith.constant 0 : i32
    %cond3A_411 = arith.cmpi ne, %convert_element_type3A_409, %cond3A_410 : i32
    scf.if %cond3A_411 {
      %get3A_561 = arith.constant 0 : index
      %get3A_562 = arith.constant 45 : index
      %get3A_563 = vector.load %arg5[%get3A_561, %get3A_562] : memref<1000x64xf32, #tpu.memory_space<vmem>>, vector<1000x1xf32>
      %mul3A_564 = vector.broadcast %get3A_563 : vector<1000x1xf32> to vector<1000x128xf32>
      %mul3A_565 = arith.mulf %max3A_31, %mul3A_564 : vector<1000x128xf32>
      %reduce_max3A_566 = arith.constant dense<0xFF800000> : vector<128xf32>
      %reduce_max3A_567 = vector.multi_reduction <maximumf>, %mul3A_565, %reduce_max3A_566 [0] : vector<1000x128xf32> to vector<128xf32>
      %broadcast_in_dim3A = vector.shape_cast %reduce_max3A_567 : vector<128xf32> to vector<1x128xf32>
      %get3A_568 = arith.constant 45 : index
      %get3A_569 = arith.constant 0 : index
      %get3A_570 = vector.load %arg14[%get3A_568, %get3A_569] : memref<64x128xf32, #tpu.memory_space<vmem>>, vector<1x128xf32>
      %max3A_571 = arith.maximumf %get3A_570, %broadcast_in_dim3A : vector<1x128xf32>
      %swap3A = arith.constant 45 : index
      %swap3A_572 = arith.constant 0 : index
      %swap3A_573 = vector.load %arg14[%swap3A, %swap3A_572] : memref<64x128xf32, #tpu.memory_space<vmem>>, vector<1x128xf32>
      tpu.vector_store %arg14[%swap3A, %swap3A_572], %max3A_571 {strides = array<i32>} : memref<64x128xf32, #tpu.memory_space<vmem>>, vector<1x128xf32>,
    } else {
    }
    %le3A_412 = arith.constant 46 : i32
    %le3A_413 = arith.cmpi sle, %reduce_min3A_42, %le3A_412 : i32
    %ge3A_414 = arith.constant 46 : i32
    %ge3A_415 = arith.cmpi sge, %reduce_max3A_46, %ge3A_414 : i32
    %and3A_416 = arith.andi %le3A_413, %ge3A_415 : i1
    %convert_element_type3A_417 = arith.extui %and3A_416 : i1 to i32
    %cond3A_418 = arith.constant 0 : i32
    %cond3A_419 = arith.cmpi ne, %convert_element_type3A_417, %cond3A_418 : i32
    scf.if %cond3A_419 {
      %get3A_561 = arith.constant 0 : index
      %get3A_562 = arith.constant 46 : index
      %get3A_563 = vector.load %arg5[%get3A_561, %get3A_562] : memref<1000x64xf32, #tpu.memory_space<vmem>>, vector<1000x1xf32>
      %mul3A_564 = vector.broadcast %get3A_563 : vector<1000x1xf32> to vector<1000x128xf32>
      %mul3A_565 = arith.mulf %max3A_31, %mul3A_564 : vector<1000x128xf32>
      %reduce_max3A_566 = arith.constant dense<0xFF800000> : vector<128xf32>
      %reduce_max3A_567 = vector.multi_reduction <maximumf>, %mul3A_565, %reduce_max3A_566 [0] : vector<1000x128xf32> to vector<128xf32>
      %broadcast_in_dim3A = vector.shape_cast %reduce_max3A_567 : vector<128xf32> to vector<1x128xf32>
      %get3A_568 = arith.constant 46 : index
      %get3A_569 = arith.constant 0 : index
      %get3A_570 = vector.load %arg14[%get3A_568, %get3A_569] : memref<64x128xf32, #tpu.memory_space<vmem>>, vector<1x128xf32>
      %max3A_571 = arith.maximumf %get3A_570, %broadcast_in_dim3A : vector<1x128xf32>
      %swap3A = arith.constant 46 : index
      %swap3A_572 = arith.constant 0 : index
      %swap3A_573 = vector.load %arg14[%swap3A, %swap3A_572] : memref<64x128xf32, #tpu.memory_space<vmem>>, vector<1x128xf32>
      tpu.vector_store %arg14[%swap3A, %swap3A_572], %max3A_571 {strides = array<i32>} : memref<64x128xf32, #tpu.memory_space<vmem>>, vector<1x128xf32>,
    } else {
    }
    %le3A_420 = arith.constant 47 : i32
    %le3A_421 = arith.cmpi sle, %reduce_min3A_42, %le3A_420 : i32
    %ge3A_422 = arith.constant 47 : i32
    %ge3A_423 = arith.cmpi sge, %reduce_max3A_46, %ge3A_422 : i32
    %and3A_424 = arith.andi %le3A_421, %ge3A_423 : i1
    %convert_element_type3A_425 = arith.extui %and3A_424 : i1 to i32
    %cond3A_426 = arith.constant 0 : i32
    %cond3A_427 = arith.cmpi ne, %convert_element_type3A_425, %cond3A_426 : i32
    scf.if %cond3A_427 {
      %get3A_561 = arith.constant 0 : index
      %get3A_562 = arith.constant 47 : index
      %get3A_563 = vector.load %arg5[%get3A_561, %get3A_562] : memref<1000x64xf32, #tpu.memory_space<vmem>>, vector<1000x1xf32>
      %mul3A_564 = vector.broadcast %get3A_563 : vector<1000x1xf32> to vector<1000x128xf32>
      %mul3A_565 = arith.mulf %max3A_31, %mul3A_564 : vector<1000x128xf32>
      %reduce_max3A_566 = arith.constant dense<0xFF800000> : vector<128xf32>
      %reduce_max3A_567 = vector.multi_reduction <maximumf>, %mul3A_565, %reduce_max3A_566 [0] : vector<1000x128xf32> to vector<128xf32>
      %broadcast_in_dim3A = vector.shape_cast %reduce_max3A_567 : vector<128xf32> to vector<1x128xf32>
      %get3A_568 = arith.constant 47 : index
      %get3A_569 = arith.constant 0 : index
      %get3A_570 = vector.load %arg14[%get3A_568, %get3A_569] : memref<64x128xf32, #tpu.memory_space<vmem>>, vector<1x128xf32>
      %max3A_571 = arith.maximumf %get3A_570, %broadcast_in_dim3A : vector<1x128xf32>
      %swap3A = arith.constant 47 : index
      %swap3A_572 = arith.constant 0 : index
      %swap3A_573 = vector.load %arg14[%swap3A, %swap3A_572] : memref<64x128xf32, #tpu.memory_space<vmem>>, vector<1x128xf32>
      tpu.vector_store %arg14[%swap3A, %swap3A_572], %max3A_571 {strides = array<i32>} : memref<64x128xf32, #tpu.memory_space<vmem>>, vector<1x128xf32>,
    } else {
    }
    %le3A_428 = arith.constant 48 : i32
    %le3A_429 = arith.cmpi sle, %reduce_min3A_42, %le3A_428 : i32
    %ge3A_430 = arith.constant 48 : i32
    %ge3A_431 = arith.cmpi sge, %reduce_max3A_46, %ge3A_430 : i32
    %and3A_432 = arith.andi %le3A_429, %ge3A_431 : i1
    %convert_element_type3A_433 = arith.extui %and3A_432 : i1 to i32
    %cond3A_434 = arith.constant 0 : i32
    %cond3A_435 = arith.cmpi ne, %convert_element_type3A_433, %cond3A_434 : i32
    scf.if %cond3A_435 {
      %get3A_561 = arith.constant 0 : index
      %get3A_562 = arith.constant 48 : index
      %get3A_563 = vector.load %arg5[%get3A_561, %get3A_562] : memref<1000x64xf32, #tpu.memory_space<vmem>>, vector<1000x1xf32>
      %mul3A_564 = vector.broadcast %get3A_563 : vector<1000x1xf32> to vector<1000x128xf32>
      %mul3A_565 = arith.mulf %max3A_31, %mul3A_564 : vector<1000x128xf32>
      %reduce_max3A_566 = arith.constant dense<0xFF800000> : vector<128xf32>
      %reduce_max3A_567 = vector.multi_reduction <maximumf>, %mul3A_565, %reduce_max3A_566 [0] : vector<1000x128xf32> to vector<128xf32>
      %broadcast_in_dim3A = vector.shape_cast %reduce_max3A_567 : vector<128xf32> to vector<1x128xf32>
      %get3A_568 = arith.constant 48 : index
      %get3A_569 = arith.constant 0 : index
      %get3A_570 = vector.load %arg14[%get3A_568, %get3A_569] : memref<64x128xf32, #tpu.memory_space<vmem>>, vector<1x128xf32>
      %max3A_571 = arith.maximumf %get3A_570, %broadcast_in_dim3A : vector<1x128xf32>
      %swap3A = arith.constant 48 : index
      %swap3A_572 = arith.constant 0 : index
      %swap3A_573 = vector.load %arg14[%swap3A, %swap3A_572] : memref<64x128xf32, #tpu.memory_space<vmem>>, vector<1x128xf32>
      tpu.vector_store %arg14[%swap3A, %swap3A_572], %max3A_571 {strides = array<i32>} : memref<64x128xf32, #tpu.memory_space<vmem>>, vector<1x128xf32>,
    } else {
    }
    %le3A_436 = arith.constant 49 : i32
    %le3A_437 = arith.cmpi sle, %reduce_min3A_42, %le3A_436 : i32
    %ge3A_438 = arith.constant 49 : i32
    %ge3A_439 = arith.cmpi sge, %reduce_max3A_46, %ge3A_438 : i32
    %and3A_440 = arith.andi %le3A_437, %ge3A_439 : i1
    %convert_element_type3A_441 = arith.extui %and3A_440 : i1 to i32
    %cond3A_442 = arith.constant 0 : i32
    %cond3A_443 = arith.cmpi ne, %convert_element_type3A_441, %cond3A_442 : i32
    scf.if %cond3A_443 {
      %get3A_561 = arith.constant 0 : index
      %get3A_562 = arith.constant 49 : index
      %get3A_563 = vector.load %arg5[%get3A_561, %get3A_562] : memref<1000x64xf32, #tpu.memory_space<vmem>>, vector<1000x1xf32>
      %mul3A_564 = vector.broadcast %get3A_563 : vector<1000x1xf32> to vector<1000x128xf32>
      %mul3A_565 = arith.mulf %max3A_31, %mul3A_564 : vector<1000x128xf32>
      %reduce_max3A_566 = arith.constant dense<0xFF800000> : vector<128xf32>
      %reduce_max3A_567 = vector.multi_reduction <maximumf>, %mul3A_565, %reduce_max3A_566 [0] : vector<1000x128xf32> to vector<128xf32>
      %broadcast_in_dim3A = vector.shape_cast %reduce_max3A_567 : vector<128xf32> to vector<1x128xf32>
      %get3A_568 = arith.constant 49 : index
      %get3A_569 = arith.constant 0 : index
      %get3A_570 = vector.load %arg14[%get3A_568, %get3A_569] : memref<64x128xf32, #tpu.memory_space<vmem>>, vector<1x128xf32>
      %max3A_571 = arith.maximumf %get3A_570, %broadcast_in_dim3A : vector<1x128xf32>
      %swap3A = arith.constant 49 : index
      %swap3A_572 = arith.constant 0 : index
      %swap3A_573 = vector.load %arg14[%swap3A, %swap3A_572] : memref<64x128xf32, #tpu.memory_space<vmem>>, vector<1x128xf32>
      tpu.vector_store %arg14[%swap3A, %swap3A_572], %max3A_571 {strides = array<i32>} : memref<64x128xf32, #tpu.memory_space<vmem>>, vector<1x128xf32>,
    } else {
    }
    %le3A_444 = arith.constant 50 : i32
    %le3A_445 = arith.cmpi sle, %reduce_min3A_42, %le3A_444 : i32
    %ge3A_446 = arith.constant 50 : i32
    %ge3A_447 = arith.cmpi sge, %reduce_max3A_46, %ge3A_446 : i32
    %and3A_448 = arith.andi %le3A_445, %ge3A_447 : i1
    %convert_element_type3A_449 = arith.extui %and3A_448 : i1 to i32
    %cond3A_450 = arith.constant 0 : i32
    %cond3A_451 = arith.cmpi ne, %convert_element_type3A_449, %cond3A_450 : i32
    scf.if %cond3A_451 {
      %get3A_561 = arith.constant 0 : index
      %get3A_562 = arith.constant 50 : index
      %get3A_563 = vector.load %arg5[%get3A_561, %get3A_562] : memref<1000x64xf32, #tpu.memory_space<vmem>>, vector<1000x1xf32>
      %mul3A_564 = vector.broadcast %get3A_563 : vector<1000x1xf32> to vector<1000x128xf32>
      %mul3A_565 = arith.mulf %max3A_31, %mul3A_564 : vector<1000x128xf32>
      %reduce_max3A_566 = arith.constant dense<0xFF800000> : vector<128xf32>
      %reduce_max3A_567 = vector.multi_reduction <maximumf>, %mul3A_565, %reduce_max3A_566 [0] : vector<1000x128xf32> to vector<128xf32>
      %broadcast_in_dim3A = vector.shape_cast %reduce_max3A_567 : vector<128xf32> to vector<1x128xf32>
      %get3A_568 = arith.constant 50 : index
      %get3A_569 = arith.constant 0 : index
      %get3A_570 = vector.load %arg14[%get3A_568, %get3A_569] : memref<64x128xf32, #tpu.memory_space<vmem>>, vector<1x128xf32>
      %max3A_571 = arith.maximumf %get3A_570, %broadcast_in_dim3A : vector<1x128xf32>
      %swap3A = arith.constant 50 : index
      %swap3A_572 = arith.constant 0 : index
      %swap3A_573 = vector.load %arg14[%swap3A, %swap3A_572] : memref<64x128xf32, #tpu.memory_space<vmem>>, vector<1x128xf32>
      tpu.vector_store %arg14[%swap3A, %swap3A_572], %max3A_571 {strides = array<i32>} : memref<64x128xf32, #tpu.memory_space<vmem>>, vector<1x128xf32>,
    } else {
    }
    %le3A_452 = arith.constant 51 : i32
    %le3A_453 = arith.cmpi sle, %reduce_min3A_42, %le3A_452 : i32
    %ge3A_454 = arith.constant 51 : i32
    %ge3A_455 = arith.cmpi sge, %reduce_max3A_46, %ge3A_454 : i32
    %and3A_456 = arith.andi %le3A_453, %ge3A_455 : i1
    %convert_element_type3A_457 = arith.extui %and3A_456 : i1 to i32
    %cond3A_458 = arith.constant 0 : i32
    %cond3A_459 = arith.cmpi ne, %convert_element_type3A_457, %cond3A_458 : i32
    scf.if %cond3A_459 {
      %get3A_561 = arith.constant 0 : index
      %get3A_562 = arith.constant 51 : index
      %get3A_563 = vector.load %arg5[%get3A_561, %get3A_562] : memref<1000x64xf32, #tpu.memory_space<vmem>>, vector<1000x1xf32>
      %mul3A_564 = vector.broadcast %get3A_563 : vector<1000x1xf32> to vector<1000x128xf32>
      %mul3A_565 = arith.mulf %max3A_31, %mul3A_564 : vector<1000x128xf32>
      %reduce_max3A_566 = arith.constant dense<0xFF800000> : vector<128xf32>
      %reduce_max3A_567 = vector.multi_reduction <maximumf>, %mul3A_565, %reduce_max3A_566 [0] : vector<1000x128xf32> to vector<128xf32>
      %broadcast_in_dim3A = vector.shape_cast %reduce_max3A_567 : vector<128xf32> to vector<1x128xf32>
      %get3A_568 = arith.constant 51 : index
      %get3A_569 = arith.constant 0 : index
      %get3A_570 = vector.load %arg14[%get3A_568, %get3A_569] : memref<64x128xf32, #tpu.memory_space<vmem>>, vector<1x128xf32>
      %max3A_571 = arith.maximumf %get3A_570, %broadcast_in_dim3A : vector<1x128xf32>
      %swap3A = arith.constant 51 : index
      %swap3A_572 = arith.constant 0 : index
      %swap3A_573 = vector.load %arg14[%swap3A, %swap3A_572] : memref<64x128xf32, #tpu.memory_space<vmem>>, vector<1x128xf32>
      tpu.vector_store %arg14[%swap3A, %swap3A_572], %max3A_571 {strides = array<i32>} : memref<64x128xf32, #tpu.memory_space<vmem>>, vector<1x128xf32>,
    } else {
    }
    %le3A_460 = arith.constant 52 : i32
    %le3A_461 = arith.cmpi sle, %reduce_min3A_42, %le3A_460 : i32
    %ge3A_462 = arith.constant 52 : i32
    %ge3A_463 = arith.cmpi sge, %reduce_max3A_46, %ge3A_462 : i32
    %and3A_464 = arith.andi %le3A_461, %ge3A_463 : i1
    %convert_element_type3A_465 = arith.extui %and3A_464 : i1 to i32
    %cond3A_466 = arith.constant 0 : i32
    %cond3A_467 = arith.cmpi ne, %convert_element_type3A_465, %cond3A_466 : i32
    scf.if %cond3A_467 {
      %get3A_561 = arith.constant 0 : index
      %get3A_562 = arith.constant 52 : index
      %get3A_563 = vector.load %arg5[%get3A_561, %get3A_562] : memref<1000x64xf32, #tpu.memory_space<vmem>>, vector<1000x1xf32>
      %mul3A_564 = vector.broadcast %get3A_563 : vector<1000x1xf32> to vector<1000x128xf32>
      %mul3A_565 = arith.mulf %max3A_31, %mul3A_564 : vector<1000x128xf32>
      %reduce_max3A_566 = arith.constant dense<0xFF800000> : vector<128xf32>
      %reduce_max3A_567 = vector.multi_reduction <maximumf>, %mul3A_565, %reduce_max3A_566 [0] : vector<1000x128xf32> to vector<128xf32>
      %broadcast_in_dim3A = vector.shape_cast %reduce_max3A_567 : vector<128xf32> to vector<1x128xf32>
      %get3A_568 = arith.constant 52 : index
      %get3A_569 = arith.constant 0 : index
      %get3A_570 = vector.load %arg14[%get3A_568, %get3A_569] : memref<64x128xf32, #tpu.memory_space<vmem>>, vector<1x128xf32>
      %max3A_571 = arith.maximumf %get3A_570, %broadcast_in_dim3A : vector<1x128xf32>
      %swap3A = arith.constant 52 : index
      %swap3A_572 = arith.constant 0 : index
      %swap3A_573 = vector.load %arg14[%swap3A, %swap3A_572] : memref<64x128xf32, #tpu.memory_space<vmem>>, vector<1x128xf32>
      tpu.vector_store %arg14[%swap3A, %swap3A_572], %max3A_571 {strides = array<i32>} : memref<64x128xf32, #tpu.memory_space<vmem>>, vector<1x128xf32>,
    } else {
    }
    %le3A_468 = arith.constant 53 : i32
    %le3A_469 = arith.cmpi sle, %reduce_min3A_42, %le3A_468 : i32
    %ge3A_470 = arith.constant 53 : i32
    %ge3A_471 = arith.cmpi sge, %reduce_max3A_46, %ge3A_470 : i32
    %and3A_472 = arith.andi %le3A_469, %ge3A_471 : i1
    %convert_element_type3A_473 = arith.extui %and3A_472 : i1 to i32
    %cond3A_474 = arith.constant 0 : i32
    %cond3A_475 = arith.cmpi ne, %convert_element_type3A_473, %cond3A_474 : i32
    scf.if %cond3A_475 {
      %get3A_561 = arith.constant 0 : index
      %get3A_562 = arith.constant 53 : index
      %get3A_563 = vector.load %arg5[%get3A_561, %get3A_562] : memref<1000x64xf32, #tpu.memory_space<vmem>>, vector<1000x1xf32>
      %mul3A_564 = vector.broadcast %get3A_563 : vector<1000x1xf32> to vector<1000x128xf32>
      %mul3A_565 = arith.mulf %max3A_31, %mul3A_564 : vector<1000x128xf32>
      %reduce_max3A_566 = arith.constant dense<0xFF800000> : vector<128xf32>
      %reduce_max3A_567 = vector.multi_reduction <maximumf>, %mul3A_565, %reduce_max3A_566 [0] : vector<1000x128xf32> to vector<128xf32>
      %broadcast_in_dim3A = vector.shape_cast %reduce_max3A_567 : vector<128xf32> to vector<1x128xf32>
      %get3A_568 = arith.constant 53 : index
      %get3A_569 = arith.constant 0 : index
      %get3A_570 = vector.load %arg14[%get3A_568, %get3A_569] : memref<64x128xf32, #tpu.memory_space<vmem>>, vector<1x128xf32>
      %max3A_571 = arith.maximumf %get3A_570, %broadcast_in_dim3A : vector<1x128xf32>
      %swap3A = arith.constant 53 : index
      %swap3A_572 = arith.constant 0 : index
      %swap3A_573 = vector.load %arg14[%swap3A, %swap3A_572] : memref<64x128xf32, #tpu.memory_space<vmem>>, vector<1x128xf32>
      tpu.vector_store %arg14[%swap3A, %swap3A_572], %max3A_571 {strides = array<i32>} : memref<64x128xf32, #tpu.memory_space<vmem>>, vector<1x128xf32>,
    } else {
    }
    %le3A_476 = arith.constant 54 : i32
    %le3A_477 = arith.cmpi sle, %reduce_min3A_42, %le3A_476 : i32
    %ge3A_478 = arith.constant 54 : i32
    %ge3A_479 = arith.cmpi sge, %reduce_max3A_46, %ge3A_478 : i32
    %and3A_480 = arith.andi %le3A_477, %ge3A_479 : i1
    %convert_element_type3A_481 = arith.extui %and3A_480 : i1 to i32
    %cond3A_482 = arith.constant 0 : i32
    %cond3A_483 = arith.cmpi ne, %convert_element_type3A_481, %cond3A_482 : i32
    scf.if %cond3A_483 {
      %get3A_561 = arith.constant 0 : index
      %get3A_562 = arith.constant 54 : index
      %get3A_563 = vector.load %arg5[%get3A_561, %get3A_562] : memref<1000x64xf32, #tpu.memory_space<vmem>>, vector<1000x1xf32>
      %mul3A_564 = vector.broadcast %get3A_563 : vector<1000x1xf32> to vector<1000x128xf32>
      %mul3A_565 = arith.mulf %max3A_31, %mul3A_564 : vector<1000x128xf32>
      %reduce_max3A_566 = arith.constant dense<0xFF800000> : vector<128xf32>
      %reduce_max3A_567 = vector.multi_reduction <maximumf>, %mul3A_565, %reduce_max3A_566 [0] : vector<1000x128xf32> to vector<128xf32>
      %broadcast_in_dim3A = vector.shape_cast %reduce_max3A_567 : vector<128xf32> to vector<1x128xf32>
      %get3A_568 = arith.constant 54 : index
      %get3A_569 = arith.constant 0 : index
      %get3A_570 = vector.load %arg14[%get3A_568, %get3A_569] : memref<64x128xf32, #tpu.memory_space<vmem>>, vector<1x128xf32>
      %max3A_571 = arith.maximumf %get3A_570, %broadcast_in_dim3A : vector<1x128xf32>
      %swap3A = arith.constant 54 : index
      %swap3A_572 = arith.constant 0 : index
      %swap3A_573 = vector.load %arg14[%swap3A, %swap3A_572] : memref<64x128xf32, #tpu.memory_space<vmem>>, vector<1x128xf32>
      tpu.vector_store %arg14[%swap3A, %swap3A_572], %max3A_571 {strides = array<i32>} : memref<64x128xf32, #tpu.memory_space<vmem>>, vector<1x128xf32>,
    } else {
    }
    %le3A_484 = arith.constant 55 : i32
    %le3A_485 = arith.cmpi sle, %reduce_min3A_42, %le3A_484 : i32
    %ge3A_486 = arith.constant 55 : i32
    %ge3A_487 = arith.cmpi sge, %reduce_max3A_46, %ge3A_486 : i32
    %and3A_488 = arith.andi %le3A_485, %ge3A_487 : i1
    %convert_element_type3A_489 = arith.extui %and3A_488 : i1 to i32
    %cond3A_490 = arith.constant 0 : i32
    %cond3A_491 = arith.cmpi ne, %convert_element_type3A_489, %cond3A_490 : i32
    scf.if %cond3A_491 {
      %get3A_561 = arith.constant 0 : index
      %get3A_562 = arith.constant 55 : index
      %get3A_563 = vector.load %arg5[%get3A_561, %get3A_562] : memref<1000x64xf32, #tpu.memory_space<vmem>>, vector<1000x1xf32>
      %mul3A_564 = vector.broadcast %get3A_563 : vector<1000x1xf32> to vector<1000x128xf32>
      %mul3A_565 = arith.mulf %max3A_31, %mul3A_564 : vector<1000x128xf32>
      %reduce_max3A_566 = arith.constant dense<0xFF800000> : vector<128xf32>
      %reduce_max3A_567 = vector.multi_reduction <maximumf>, %mul3A_565, %reduce_max3A_566 [0] : vector<1000x128xf32> to vector<128xf32>
      %broadcast_in_dim3A = vector.shape_cast %reduce_max3A_567 : vector<128xf32> to vector<1x128xf32>
      %get3A_568 = arith.constant 55 : index
      %get3A_569 = arith.constant 0 : index
      %get3A_570 = vector.load %arg14[%get3A_568, %get3A_569] : memref<64x128xf32, #tpu.memory_space<vmem>>, vector<1x128xf32>
      %max3A_571 = arith.maximumf %get3A_570, %broadcast_in_dim3A : vector<1x128xf32>
      %swap3A = arith.constant 55 : index
      %swap3A_572 = arith.constant 0 : index
      %swap3A_573 = vector.load %arg14[%swap3A, %swap3A_572] : memref<64x128xf32, #tpu.memory_space<vmem>>, vector<1x128xf32>
      tpu.vector_store %arg14[%swap3A, %swap3A_572], %max3A_571 {strides = array<i32>} : memref<64x128xf32, #tpu.memory_space<vmem>>, vector<1x128xf32>,
    } else {
    }
    %le3A_492 = arith.constant 56 : i32
    %le3A_493 = arith.cmpi sle, %reduce_min3A_42, %le3A_492 : i32
    %ge3A_494 = arith.constant 56 : i32
    %ge3A_495 = arith.cmpi sge, %reduce_max3A_46, %ge3A_494 : i32
    %and3A_496 = arith.andi %le3A_493, %ge3A_495 : i1
    %convert_element_type3A_497 = arith.extui %and3A_496 : i1 to i32
    %cond3A_498 = arith.constant 0 : i32
    %cond3A_499 = arith.cmpi ne, %convert_element_type3A_497, %cond3A_498 : i32
    scf.if %cond3A_499 {
      %get3A_561 = arith.constant 0 : index
      %get3A_562 = arith.constant 56 : index
      %get3A_563 = vector.load %arg5[%get3A_561, %get3A_562] : memref<1000x64xf32, #tpu.memory_space<vmem>>, vector<1000x1xf32>
      %mul3A_564 = vector.broadcast %get3A_563 : vector<1000x1xf32> to vector<1000x128xf32>
      %mul3A_565 = arith.mulf %max3A_31, %mul3A_564 : vector<1000x128xf32>
      %reduce_max3A_566 = arith.constant dense<0xFF800000> : vector<128xf32>
      %reduce_max3A_567 = vector.multi_reduction <maximumf>, %mul3A_565, %reduce_max3A_566 [0] : vector<1000x128xf32> to vector<128xf32>
      %broadcast_in_dim3A = vector.shape_cast %reduce_max3A_567 : vector<128xf32> to vector<1x128xf32>
      %get3A_568 = arith.constant 56 : index
      %get3A_569 = arith.constant 0 : index
      %get3A_570 = vector.load %arg14[%get3A_568, %get3A_569] : memref<64x128xf32, #tpu.memory_space<vmem>>, vector<1x128xf32>
      %max3A_571 = arith.maximumf %get3A_570, %broadcast_in_dim3A : vector<1x128xf32>
      %swap3A = arith.constant 56 : index
      %swap3A_572 = arith.constant 0 : index
      %swap3A_573 = vector.load %arg14[%swap3A, %swap3A_572] : memref<64x128xf32, #tpu.memory_space<vmem>>, vector<1x128xf32>
      tpu.vector_store %arg14[%swap3A, %swap3A_572], %max3A_571 {strides = array<i32>} : memref<64x128xf32, #tpu.memory_space<vmem>>, vector<1x128xf32>,
    } else {
    }
    %le3A_500 = arith.constant 57 : i32
    %le3A_501 = arith.cmpi sle, %reduce_min3A_42, %le3A_500 : i32
    %ge3A_502 = arith.constant 57 : i32
    %ge3A_503 = arith.cmpi sge, %reduce_max3A_46, %ge3A_502 : i32
    %and3A_504 = arith.andi %le3A_501, %ge3A_503 : i1
    %convert_element_type3A_505 = arith.extui %and3A_504 : i1 to i32
    %cond3A_506 = arith.constant 0 : i32
    %cond3A_507 = arith.cmpi ne, %convert_element_type3A_505, %cond3A_506 : i32
    scf.if %cond3A_507 {
      %get3A_561 = arith.constant 0 : index
      %get3A_562 = arith.constant 57 : index
      %get3A_563 = vector.load %arg5[%get3A_561, %get3A_562] : memref<1000x64xf32, #tpu.memory_space<vmem>>, vector<1000x1xf32>
      %mul3A_564 = vector.broadcast %get3A_563 : vector<1000x1xf32> to vector<1000x128xf32>
      %mul3A_565 = arith.mulf %max3A_31, %mul3A_564 : vector<1000x128xf32>
      %reduce_max3A_566 = arith.constant dense<0xFF800000> : vector<128xf32>
      %reduce_max3A_567 = vector.multi_reduction <maximumf>, %mul3A_565, %reduce_max3A_566 [0] : vector<1000x128xf32> to vector<128xf32>
      %broadcast_in_dim3A = vector.shape_cast %reduce_max3A_567 : vector<128xf32> to vector<1x128xf32>
      %get3A_568 = arith.constant 57 : index
      %get3A_569 = arith.constant 0 : index
      %get3A_570 = vector.load %arg14[%get3A_568, %get3A_569] : memref<64x128xf32, #tpu.memory_space<vmem>>, vector<1x128xf32>
      %max3A_571 = arith.maximumf %get3A_570, %broadcast_in_dim3A : vector<1x128xf32>
      %swap3A = arith.constant 57 : index
      %swap3A_572 = arith.constant 0 : index
      %swap3A_573 = vector.load %arg14[%swap3A, %swap3A_572] : memref<64x128xf32, #tpu.memory_space<vmem>>, vector<1x128xf32>
      tpu.vector_store %arg14[%swap3A, %swap3A_572], %max3A_571 {strides = array<i32>} : memref<64x128xf32, #tpu.memory_space<vmem>>, vector<1x128xf32>,
    } else {
    }
    %le3A_508 = arith.constant 58 : i32
    %le3A_509 = arith.cmpi sle, %reduce_min3A_42, %le3A_508 : i32
    %ge3A_510 = arith.constant 58 : i32
    %ge3A_511 = arith.cmpi sge, %reduce_max3A_46, %ge3A_510 : i32
    %and3A_512 = arith.andi %le3A_509, %ge3A_511 : i1
    %convert_element_type3A_513 = arith.extui %and3A_512 : i1 to i32
    %cond3A_514 = arith.constant 0 : i32
    %cond3A_515 = arith.cmpi ne, %convert_element_type3A_513, %cond3A_514 : i32
    scf.if %cond3A_515 {
      %get3A_561 = arith.constant 0 : index
      %get3A_562 = arith.constant 58 : index
      %get3A_563 = vector.load %arg5[%get3A_561, %get3A_562] : memref<1000x64xf32, #tpu.memory_space<vmem>>, vector<1000x1xf32>
      %mul3A_564 = vector.broadcast %get3A_563 : vector<1000x1xf32> to vector<1000x128xf32>
      %mul3A_565 = arith.mulf %max3A_31, %mul3A_564 : vector<1000x128xf32>
      %reduce_max3A_566 = arith.constant dense<0xFF800000> : vector<128xf32>
      %reduce_max3A_567 = vector.multi_reduction <maximumf>, %mul3A_565, %reduce_max3A_566 [0] : vector<1000x128xf32> to vector<128xf32>
      %broadcast_in_dim3A = vector.shape_cast %reduce_max3A_567 : vector<128xf32> to vector<1x128xf32>
      %get3A_568 = arith.constant 58 : index
      %get3A_569 = arith.constant 0 : index
      %get3A_570 = vector.load %arg14[%get3A_568, %get3A_569] : memref<64x128xf32, #tpu.memory_space<vmem>>, vector<1x128xf32>
      %max3A_571 = arith.maximumf %get3A_570, %broadcast_in_dim3A : vector<1x128xf32>
      %swap3A = arith.constant 58 : index
      %swap3A_572 = arith.constant 0 : index
      %swap3A_573 = vector.load %arg14[%swap3A, %swap3A_572] : memref<64x128xf32, #tpu.memory_space<vmem>>, vector<1x128xf32>
      tpu.vector_store %arg14[%swap3A, %swap3A_572], %max3A_571 {strides = array<i32>} : memref<64x128xf32, #tpu.memory_space<vmem>>, vector<1x128xf32>,
    } else {
    }
    %le3A_516 = arith.constant 59 : i32
    %le3A_517 = arith.cmpi sle, %reduce_min3A_42, %le3A_516 : i32
    %ge3A_518 = arith.constant 59 : i32
    %ge3A_519 = arith.cmpi sge, %reduce_max3A_46, %ge3A_518 : i32
    %and3A_520 = arith.andi %le3A_517, %ge3A_519 : i1
    %convert_element_type3A_521 = arith.extui %and3A_520 : i1 to i32
    %cond3A_522 = arith.constant 0 : i32
    %cond3A_523 = arith.cmpi ne, %convert_element_type3A_521, %cond3A_522 : i32
    scf.if %cond3A_523 {
      %get3A_561 = arith.constant 0 : index
      %get3A_562 = arith.constant 59 : index
      %get3A_563 = vector.load %arg5[%get3A_561, %get3A_562] : memref<1000x64xf32, #tpu.memory_space<vmem>>, vector<1000x1xf32>
      %mul3A_564 = vector.broadcast %get3A_563 : vector<1000x1xf32> to vector<1000x128xf32>
      %mul3A_565 = arith.mulf %max3A_31, %mul3A_564 : vector<1000x128xf32>
      %reduce_max3A_566 = arith.constant dense<0xFF800000> : vector<128xf32>
      %reduce_max3A_567 = vector.multi_reduction <maximumf>, %mul3A_565, %reduce_max3A_566 [0] : vector<1000x128xf32> to vector<128xf32>
      %broadcast_in_dim3A = vector.shape_cast %reduce_max3A_567 : vector<128xf32> to vector<1x128xf32>
      %get3A_568 = arith.constant 59 : index
      %get3A_569 = arith.constant 0 : index
      %get3A_570 = vector.load %arg14[%get3A_568, %get3A_569] : memref<64x128xf32, #tpu.memory_space<vmem>>, vector<1x128xf32>
      %max3A_571 = arith.maximumf %get3A_570, %broadcast_in_dim3A : vector<1x128xf32>
      %swap3A = arith.constant 59 : index
      %swap3A_572 = arith.constant 0 : index
      %swap3A_573 = vector.load %arg14[%swap3A, %swap3A_572] : memref<64x128xf32, #tpu.memory_space<vmem>>, vector<1x128xf32>
      tpu.vector_store %arg14[%swap3A, %swap3A_572], %max3A_571 {strides = array<i32>} : memref<64x128xf32, #tpu.memory_space<vmem>>, vector<1x128xf32>,
    } else {
    }
    %le3A_524 = arith.constant 60 : i32
    %le3A_525 = arith.cmpi sle, %reduce_min3A_42, %le3A_524 : i32
    %ge3A_526 = arith.constant 60 : i32
    %ge3A_527 = arith.cmpi sge, %reduce_max3A_46, %ge3A_526 : i32
    %and3A_528 = arith.andi %le3A_525, %ge3A_527 : i1
    %convert_element_type3A_529 = arith.extui %and3A_528 : i1 to i32
    %cond3A_530 = arith.constant 0 : i32
    %cond3A_531 = arith.cmpi ne, %convert_element_type3A_529, %cond3A_530 : i32
    scf.if %cond3A_531 {
      %get3A_561 = arith.constant 0 : index
      %get3A_562 = arith.constant 60 : index
      %get3A_563 = vector.load %arg5[%get3A_561, %get3A_562] : memref<1000x64xf32, #tpu.memory_space<vmem>>, vector<1000x1xf32>
      %mul3A_564 = vector.broadcast %get3A_563 : vector<1000x1xf32> to vector<1000x128xf32>
      %mul3A_565 = arith.mulf %max3A_31, %mul3A_564 : vector<1000x128xf32>
      %reduce_max3A_566 = arith.constant dense<0xFF800000> : vector<128xf32>
      %reduce_max3A_567 = vector.multi_reduction <maximumf>, %mul3A_565, %reduce_max3A_566 [0] : vector<1000x128xf32> to vector<128xf32>
      %broadcast_in_dim3A = vector.shape_cast %reduce_max3A_567 : vector<128xf32> to vector<1x128xf32>
      %get3A_568 = arith.constant 60 : index
      %get3A_569 = arith.constant 0 : index
      %get3A_570 = vector.load %arg14[%get3A_568, %get3A_569] : memref<64x128xf32, #tpu.memory_space<vmem>>, vector<1x128xf32>
      %max3A_571 = arith.maximumf %get3A_570, %broadcast_in_dim3A : vector<1x128xf32>
      %swap3A = arith.constant 60 : index
      %swap3A_572 = arith.constant 0 : index
      %swap3A_573 = vector.load %arg14[%swap3A, %swap3A_572] : memref<64x128xf32, #tpu.memory_space<vmem>>, vector<1x128xf32>
      tpu.vector_store %arg14[%swap3A, %swap3A_572], %max3A_571 {strides = array<i32>} : memref<64x128xf32, #tpu.memory_space<vmem>>, vector<1x128xf32>,
    } else {
    }
    %le3A_532 = arith.constant 61 : i32
    %le3A_533 = arith.cmpi sle, %reduce_min3A_42, %le3A_532 : i32
    %ge3A_534 = arith.constant 61 : i32
    %ge3A_535 = arith.cmpi sge, %reduce_max3A_46, %ge3A_534 : i32
    %and3A_536 = arith.andi %le3A_533, %ge3A_535 : i1
    %convert_element_type3A_537 = arith.extui %and3A_536 : i1 to i32
    %cond3A_538 = arith.constant 0 : i32
    %cond3A_539 = arith.cmpi ne, %convert_element_type3A_537, %cond3A_538 : i32
    scf.if %cond3A_539 {
      %get3A_561 = arith.constant 0 : index
      %get3A_562 = arith.constant 61 : index
      %get3A_563 = vector.load %arg5[%get3A_561, %get3A_562] : memref<1000x64xf32, #tpu.memory_space<vmem>>, vector<1000x1xf32>
      %mul3A_564 = vector.broadcast %get3A_563 : vector<1000x1xf32> to vector<1000x128xf32>
      %mul3A_565 = arith.mulf %max3A_31, %mul3A_564 : vector<1000x128xf32>
      %reduce_max3A_566 = arith.constant dense<0xFF800000> : vector<128xf32>
      %reduce_max3A_567 = vector.multi_reduction <maximumf>, %mul3A_565, %reduce_max3A_566 [0] : vector<1000x128xf32> to vector<128xf32>
      %broadcast_in_dim3A = vector.shape_cast %reduce_max3A_567 : vector<128xf32> to vector<1x128xf32>
      %get3A_568 = arith.constant 61 : index
      %get3A_569 = arith.constant 0 : index
      %get3A_570 = vector.load %arg14[%get3A_568, %get3A_569] : memref<64x128xf32, #tpu.memory_space<vmem>>, vector<1x128xf32>
      %max3A_571 = arith.maximumf %get3A_570, %broadcast_in_dim3A : vector<1x128xf32>
      %swap3A = arith.constant 61 : index
      %swap3A_572 = arith.constant 0 : index
      %swap3A_573 = vector.load %arg14[%swap3A, %swap3A_572] : memref<64x128xf32, #tpu.memory_space<vmem>>, vector<1x128xf32>
      tpu.vector_store %arg14[%swap3A, %swap3A_572], %max3A_571 {strides = array<i32>} : memref<64x128xf32, #tpu.memory_space<vmem>>, vector<1x128xf32>,
    } else {
    }
    %le3A_540 = arith.constant 62 : i32
    %le3A_541 = arith.cmpi sle, %reduce_min3A_42, %le3A_540 : i32
    %ge3A_542 = arith.constant 62 : i32
    %ge3A_543 = arith.cmpi sge, %reduce_max3A_46, %ge3A_542 : i32
    %and3A_544 = arith.andi %le3A_541, %ge3A_543 : i1
    %convert_element_type3A_545 = arith.extui %and3A_544 : i1 to i32
    %cond3A_546 = arith.constant 0 : i32
    %cond3A_547 = arith.cmpi ne, %convert_element_type3A_545, %cond3A_546 : i32
    scf.if %cond3A_547 {
      %get3A_561 = arith.constant 0 : index
      %get3A_562 = arith.constant 62 : index
      %get3A_563 = vector.load %arg5[%get3A_561, %get3A_562] : memref<1000x64xf32, #tpu.memory_space<vmem>>, vector<1000x1xf32>
      %mul3A_564 = vector.broadcast %get3A_563 : vector<1000x1xf32> to vector<1000x128xf32>
      %mul3A_565 = arith.mulf %max3A_31, %mul3A_564 : vector<1000x128xf32>
      %reduce_max3A_566 = arith.constant dense<0xFF800000> : vector<128xf32>
      %reduce_max3A_567 = vector.multi_reduction <maximumf>, %mul3A_565, %reduce_max3A_566 [0] : vector<1000x128xf32> to vector<128xf32>
      %broadcast_in_dim3A = vector.shape_cast %reduce_max3A_567 : vector<128xf32> to vector<1x128xf32>
      %get3A_568 = arith.constant 62 : index
      %get3A_569 = arith.constant 0 : index
      %get3A_570 = vector.load %arg14[%get3A_568, %get3A_569] : memref<64x128xf32, #tpu.memory_space<vmem>>, vector<1x128xf32>
      %max3A_571 = arith.maximumf %get3A_570, %broadcast_in_dim3A : vector<1x128xf32>
      %swap3A = arith.constant 62 : index
      %swap3A_572 = arith.constant 0 : index
      %swap3A_573 = vector.load %arg14[%swap3A, %swap3A_572] : memref<64x128xf32, #tpu.memory_space<vmem>>, vector<1x128xf32>
      tpu.vector_store %arg14[%swap3A, %swap3A_572], %max3A_571 {strides = array<i32>} : memref<64x128xf32, #tpu.memory_space<vmem>>, vector<1x128xf32>,
    } else {
    }
    %le3A_548 = arith.constant 63 : i32
    %le3A_549 = arith.cmpi sle, %reduce_min3A_42, %le3A_548 : i32
    %ge3A_550 = arith.constant 63 : i32
    %ge3A_551 = arith.cmpi sge, %reduce_max3A_46, %ge3A_550 : i32
    %and3A_552 = arith.andi %le3A_549, %ge3A_551 : i1
    %convert_element_type3A_553 = arith.extui %and3A_552 : i1 to i32
    %cond3A_554 = arith.constant 0 : i32
    %cond3A_555 = arith.cmpi ne, %convert_element_type3A_553, %cond3A_554 : i32
    scf.if %cond3A_555 {
      %get3A_561 = arith.constant 0 : index
      %get3A_562 = arith.constant 63 : index
      %get3A_563 = vector.load %arg5[%get3A_561, %get3A_562] : memref<1000x64xf32, #tpu.memory_space<vmem>>, vector<1000x1xf32>
      %mul3A_564 = vector.broadcast %get3A_563 : vector<1000x1xf32> to vector<1000x128xf32>
      %mul3A_565 = arith.mulf %max3A_31, %mul3A_564 : vector<1000x128xf32>
      %reduce_max3A_566 = arith.constant dense<0xFF800000> : vector<128xf32>
      %reduce_max3A_567 = vector.multi_reduction <maximumf>, %mul3A_565, %reduce_max3A_566 [0] : vector<1000x128xf32> to vector<128xf32>
      %broadcast_in_dim3A = vector.shape_cast %reduce_max3A_567 : vector<128xf32> to vector<1x128xf32>
      %get3A_568 = arith.constant 63 : index
      %get3A_569 = arith.constant 0 : index
      %get3A_570 = vector.load %arg14[%get3A_568, %get3A_569] : memref<64x128xf32, #tpu.memory_space<vmem>>, vector<1x128xf32>
      %max3A_571 = arith.maximumf %get3A_570, %broadcast_in_dim3A : vector<1x128xf32>
      %swap3A = arith.constant 63 : index
      %swap3A_572 = arith.constant 0 : index
      %swap3A_573 = vector.load %arg14[%swap3A, %swap3A_572] : memref<64x128xf32, #tpu.memory_space<vmem>>, vector<1x128xf32>
      tpu.vector_store %arg14[%swap3A, %swap3A_572], %max3A_571 {strides = array<i32>} : memref<64x128xf32, #tpu.memory_space<vmem>>, vector<1x128xf32>,
    } else {
    }
    %eq3A_556 = arith.constant 9 : i32
    %eq3A_557 = arith.cmpi eq, %arg0, %eq3A_556 : i32
    %convert_element_type3A_558 = arith.extui %eq3A_557 : i1 to i32
    %cond3A_559 = arith.constant 0 : i32
    %cond3A_560 = arith.cmpi ne, %convert_element_type3A_558, %cond3A_559 : i32
    scf.if %cond3A_560 {
      %get3A_561 = arith.constant 0 : index
      %get3A_562 = arith.constant 0 : index
      %get3A_563 = vector.load %arg14[%get3A_561, %get3A_562] : memref<64x128xf32, #tpu.memory_space<vmem>>, vector<64x128xf32>
      %get3A_564 = arith.constant 0 : index
      %get3A_565 = arith.constant 0 : index
      %get3A_566 = vector.load %arg9[%get3A_564, %get3A_565] : memref<128x128xf32, #tpu.memory_space<vmem>>, vector<128x128xf32>
      %dot_general3A_567 = arith.constant dense<0.000000e+00> : vector<64x128xf32>
      %dot_general3A_568 = tpu.matmul %get3A_563, %get3A_566, %dot_general3A_567 {dimension_numbers = #tpu.dot_dimension_numbers<[1], [0], [0], [1], [0, 0, 1, 1], [], []>, transpose_lhs_hint = false} : vector<64x128xf32>, vector<128x128xf32>, vector<64x128xf32> -> vector<64x128xf32>
      %get3A_569 = arith.constant 0 : index
      %get3A_570 = arith.constant 0 : index
      %get3A_571 = vector.load %arg10[%get3A_569, %get3A_570] : memref<1x128xf32, #tpu.memory_space<vmem>>, vector<1x128xf32>
      %add3A_572 = vector.broadcast %get3A_571 : vector<1x128xf32> to vector<64x128xf32>
      %add3A_573 = arith.addf %dot_general3A_568, %add3A_572 : vector<64x128xf32>
      %max3A_574 = arith.constant 0.000000e+00 : f32
      %max3A_575 = vector.broadcast %max3A_574 : f32 to vector<64x128xf32>
      %max3A_576 = arith.maximumf %add3A_573, %max3A_575 : vector<64x128xf32>
      %get3A_577 = arith.constant 0 : index
      %get3A_578 = arith.constant 0 : index
      %get3A_579 = vector.load %arg11[%get3A_577, %get3A_578] : memref<128x128xf32, #tpu.memory_space<vmem>>, vector<128x128xf32>
      %dot_general3A_580 = arith.constant dense<0.000000e+00> : vector<64x128xf32>
      %dot_general3A_581 = tpu.matmul %max3A_576, %get3A_579, %dot_general3A_580 {dimension_numbers = #tpu.dot_dimension_numbers<[1], [0], [0], [1], [0, 0, 1, 1], [], []>, transpose_lhs_hint = false} : vector<64x128xf32>, vector<128x128xf32>, vector<64x128xf32> -> vector<64x128xf32>
      %get3A_582 = arith.constant 0 : index
      %get3A_583 = arith.constant 0 : index
      %get3A_584 = vector.load %arg12[%get3A_582, %get3A_583] : memref<1x128xf32, #tpu.memory_space<vmem>>, vector<1x128xf32>
      %add3A_585 = vector.broadcast %get3A_584 : vector<1x128xf32> to vector<64x128xf32>
      %add3A_586 = arith.addf %dot_general3A_581, %add3A_585 : vector<64x128xf32>
      %swap3A = arith.constant 0 : index
      %swap3A_587 = arith.constant 0 : index
      %swap3A_588 = vector.load %arg13[%swap3A, %swap3A_587] : memref<64x128xf32, #tpu.memory_space<vmem>>, vector<64x128xf32>
      tpu.vector_store %arg13[%swap3A, %swap3A_587], %add3A_586 {strides = array<i32>} : memref<64x128xf32, #tpu.memory_space<vmem>>, vector<64x128xf32>,
    } else {
    }
    return
  }
  func.func @transform_0(%arg0: i32) -> (i32, i32) {
    %c0_i32 = arith.constant 0 : i32
    %c0_i32_0 = arith.constant 0 : i32
    return %arg0, %c0_i32 : i32, i32
  }
  func.func @transform_1(%arg0: i32) -> (i32, i32, i32) {
    %c0_i32 = arith.constant 0 : i32
    %c0_i32_0 = arith.constant 0 : i32
    %c0_i32_1 = arith.constant 0 : i32
    return %arg0, %c0_i32, %c0_i32_0 : i32, i32, i32
  }
  func.func @transform_2(%arg0: i32) -> (i32, i32) {
    %c0_i32 = arith.constant 0 : i32
    %c0_i32_0 = arith.constant 0 : i32
    return %arg0, %c0_i32 : i32, i32
  }
  func.func @transform_3(%arg0: i32) -> (i32, i32, i32) {
    %c0_i32 = arith.constant 0 : i32
    %c0_i32_0 = arith.constant 0 : i32
    %c0_i32_1 = arith.constant 0 : i32
    return %arg0, %c0_i32, %c0_i32_0 : i32, i32, i32
  }
  func.func @transform_4(%arg0: i32) -> (i32, i32) {
    %c0_i32 = arith.constant 0 : i32
    %c0_i32_0 = arith.constant 0 : i32
    return %arg0, %c0_i32 : i32, i32
  }
  func.func @transform_5(%arg0: i32) -> (i32, i32) {
    %c0_i32 = arith.constant 0 : i32
    %c0_i32_0 = arith.constant 0 : i32
    %c0_i32_1 = arith.constant 0 : i32
    return %c0_i32, %c0_i32_0 : i32, i32
  }
  func.func @transform_6(%arg0: i32) -> (i32, i32) {
    %c0_i32 = arith.constant 0 : i32
    %c0_i32_0 = arith.constant 0 : i32
    %c0_i32_1 = arith.constant 0 : i32
    return %c0_i32, %c0_i32_0 : i32, i32
  }
  func.func @transform_7(%arg0: i32) -> (i32, i32) {
    %c0_i32 = arith.constant 0 : i32
    %c0_i32_0 = arith.constant 0 : i32
    %c0_i32_1 = arith.constant 0 : i32
    return %c0_i32, %c0_i32_0 : i32, i32
  }
  func.func @transform_8(%arg0: i32) -> (i32, i32) {
    %c0_i32 = arith.constant 0 : i32
    %c0_i32_0 = arith.constant 0 : i32
    %c0_i32_1 = arith.constant 0 : i32
    return %c0_i32, %c0_i32_0 : i32, i32
  }
  func.func @transform_9(%arg0: i32) -> (i32, i32) {
    %c0_i32 = arith.constant 0 : i32
    %c0_i32_0 = arith.constant 0 : i32
    %c0_i32_1 = arith.constant 0 : i32
    return %c0_i32, %c0_i32_0 : i32, i32
  }
  func.func @transform_10(%arg0: i32) -> (i32, i32) {
    %c0_i32 = arith.constant 0 : i32
    %c0_i32_0 = arith.constant 0 : i32
    %c0_i32_1 = arith.constant 0 : i32
    return %c0_i32, %c0_i32_0 : i32, i32
  }
  func.func @transform_11(%arg0: i32) -> (i32, i32) {
    %c0_i32 = arith.constant 0 : i32
    %c0_i32_0 = arith.constant 0 : i32
    %c0_i32_1 = arith.constant 0 : i32
    return %c0_i32, %c0_i32_0 : i32, i32
  }
  func.func @transform_12(%arg0: i32) -> (i32, i32) {
    %c0_i32 = arith.constant 0 : i32
    %c0_i32_0 = arith.constant 0 : i32
    %c0_i32_1 = arith.constant 0 : i32
    return %c0_i32, %c0_i32_0 : i32, i32
  }
}

</mosaic_0001>

<sc_bundles>
// kernel: kernel.6.cloned.1.call-start
scs
__scs_entry_jumppad:
0x0: {  	(pc) =	sbr.rel $0x88, $3  }
0x1: {  	(tag) =	ssettag $0x0;
	lr =	simm.s32 $0x1  }
0x2: {  	[smem:$0x3F8C] =	sst lr;
	_ =	strace $0xD0000000  }
0x3: {  	_ = 	snop  }
0x4: {  	_ = 	snop  }
0x5: {  	_ = 	snop  }
0x6: {  	_ = 	snop  }
0x7: {  	_ = 	snop  }
__scs_overlays_trampoline_lowered:
0x8: {  	[smem:$0x3F9B] =	sst s0  }
0x9: {  	[smem:$0x3F9C] =	sst s1  }
0xa: {  	[smem:$0x3F9D] =	sst s2  }
0xb: {  	[smem:$0x3F9E] =	sst s3  }
0xc: {  	[smem:$0x3F9F] =	sst s4  }
0xd: {  	[smem:$0x3FA0] =	sst s5  }
0xe: {  	[smem:$0x3FA1] =	sst s6  }
0xf: {  	[smem:$0x3FA2] =	sst s7  }
0x10: {  	[smem:$0x3FA3] =	sst s8  }
0x11: {  	[smem:$0x3FA4] =	sst s9;
	s0 =	simm.s32 @!p0 $0x0  }
0x12: {  	s1 =	sld [smem:$0x3F8A];
	s0 =	simm.s32 @p0 $0x1  }
0x13: {  	[smem:$0x3FA5] =	sst s0;
	s0 =	simm.s32 @!p1 $0x0  }
0x14: {  	s2 =	sld [smem:$0x3F89];
	s0 =	simm.s32 @p1 $0x1  }
0x15: {  	[smem:$0x3FA6] =	sst s0;
	s0 =	simm.s32 @!p2 $0x0  }
0x16: {  	s3 =	sld [smem:$0x3FDB];
	s0 =	simm.s32 @p2 $0x1  }
0x17: {  	s4 =	simm.s32 $0x1BF5;
	[smem:$0x3FA8] =	sst s0  }
0x18: {  	s0 =	sld [smem:$0x3F8B];
	_ =	swait.ge [sflag:s4], $0x0  }
0x19: {  	s7 =	sld [smem:$0x3F8C]  }
0x1a: {  	s8 =	sadd.s32 $0xFFFFE003, lr  }
0x1b: {  	s9 =	sadd.s32 $0xFFFFFEF7, lr;
	s5 =	simm.s32 $0xFFFFFFFF;
	p2 =	slt.u32 s8, $0xFFFFF086  }
0x1c: {  	p1 =	slt.u32 s9, $0xF7A;
	s5 =	simm.s32 @!p2 $0x0  }
0x1d: {  	s5 =	simm.s32 @p1 $0x1;
	p0 =	seq.s32 s7, s2  }
0x1e: {  	s7 =	smul.u32 @!p0 $0xF7A, s2;
	p2 =	seq.s32 @!p0 s5, $0x0  }
0x1f: {  	s9 =	smul.u32 $0xF7A, s1;
	s8 =	simm.s32 @!p0 $0x1BF5;
	p2 =	por !p2, p0  }
0x20: {  	[sflag:s8] =	ssyncset.s32 @!p0 $0xFFFFF086;
	s6 =	sadd.s32 @!p0 s3, s7;
	s7 =	simm.s32 @!p0 $0x108  }
0x21: {  	s3 =	sadd.s32 s3, s9;
	s6 =	sadd.s32 @!p0 $0x88, s6;
	s7 =	simm.s32 @p2 $0x1082  }
0x22: {  	[simem:s7], [sflag:s8] =	dma.local @!p0 [hbm:s6], $0xF7A  }
0x23: {  	s9 =	sor.u32 $0xD0000000, s2;
	s6 =	simm.s32 $0x108;
	_ =	swait.ge @!p0 [sflag:s8], $0x0  }
0x24: {  	s3 =	sadd.s32 $0x88, s3;
	s6 =	simm.s32 @!p1 $0x1082;
	[sflag:s4] =	ssyncset.s32 $0xFFFFF086  }
0x25: {  	[simem:s6], [sflag:s4] =	dma.local [hbm:s3], $0xF7A  }
0x26: {  	[smem:$0x3F8C] =	sst s1;
	(tag) =	ssettag s2;
	_ =	strace s9  }
0x27: {  	s1 =	sld [smem:$0x3F9C]  }
0x28: {  	s2 =	sld [smem:$0x3F9D]  }
0x29: {  	s4 =	sld [smem:$0x3F9F]  }
0x2a: {  	p0 =	seq.s32 s5, $0x0;
	s5 =	sld [smem:$0x3FA0]  }
0x2b: {  	s6 =	sld [smem:$0x3FA1]  }
0x2c: {  	s7 =	sld [smem:$0x3FA2]  }
0x2d: {  	s3 =	simm.s32 $0x108;
	s8 =	sld [smem:$0x3FA3]  }
0x2e: {  	s3 =	simm.s32 @!p0 $0x1082;
	s9 =	sld [smem:$0x3FA4]  }
0x2f: {  	lr =	sadd.s32 s0, s3;
	s0 =	sld [smem:$0x3F9B]  }
0x30: {  	s3 =	sld [smem:$0x3F9E]  }
0x31: {  	[smem:$0x3FA7] =	sst s10  }
0x32: {  	s10 =	sld [smem:$0x3FA5];
	_ =	sdelay $0x3  }
0x33: {  	p0 =	seq.s32 s10, $0x1;
	s10 =	sld [smem:$0x3FA7];
	_ =	sdelay $0x3  }
0x34: {  	[smem:$0x3FA7] =	sst s10  }
0x35: {  	s10 =	sld [smem:$0x3FA6];
	_ =	sdelay $0x3  }
0x36: {  	p1 =	seq.s32 s10, $0x1;
	s10 =	sld [smem:$0x3FA7];
	_ =	sdelay $0x3  }
0x37: {  	[smem:$0x3FA7] =	sst s10  }
0x38: {  	s10 =	sld [smem:$0x3FA8]  }
0x39: {  	_ = 	snop;
	(pc) =	sbr.ind lr, $3  }
0x3a: {  	_ = 	snop  }
0x3b: {  	_ = 	snop  }
0x3c: {  	p2 =	seq.s32 s10, $0x1;
	s10 =	sld [smem:$0x3FA7]  }
0x3d: {  	_ =	shalt  }
0x3e: {  	_ =	shalt  }
0x3f: {  	_ =	shalt  }
0x40: {  	_ =	shalt  }
0x41: {  	_ =	shalt  }
0x42: {  	_ =	shalt  }
0x43: {  	_ =	shalt  }
0x44: {  	_ =	shalt  }
0x45: {  	_ =	shalt  }
0x46: {  	_ =	shalt  }
0x47: {  	_ =	shalt  }
0x48: {  	_ =	shalt  }
0x49: {  	_ =	shalt  }
0x4a: {  	_ =	shalt  }
0x4b: {  	_ =	shalt  }
0x4c: {  	_ =	shalt  }
0x4d: {  	_ =	shalt  }
0x4e: {  	_ =	shalt  }
0x4f: {  	_ =	shalt  }
0x50: {  	_ =	shalt  }
0x51: {  	_ =	shalt  }
0x52: {  	_ =	shalt  }
0x53: {  	_ =	shalt  }
0x54: {  	_ =	shalt  }
0x55: {  	_ =	shalt  }
0x56: {  	_ =	shalt  }
0x57: {  	_ =	shalt  }
0x58: {  	_ =	shalt  }
0x59: {  	_ =	shalt  }
0x5a: {  	_ =	shalt  }
0x5b: {  	_ =	shalt  }
0x5c: {  	_ =	shalt  }
0x5d: {  	_ =	shalt  }
0x5e: {  	_ =	shalt  }
0x5f: {  	_ =	shalt  }
0x60: {  	_ =	shalt  }
0x61: {  	_ =	shalt  }
0x62: {  	_ =	shalt  }
0x63: {  	_ =	shalt  }
0x64: {  	_ =	shalt  }
0x65: {  	_ =	shalt  }
0x66: {  	_ =	shalt  }
0x67: {  	_ =	shalt  }
0x68: {  	_ =	shalt  }
0x69: {  	_ =	shalt  }
0x6a: {  	_ =	shalt  }
0x6b: {  	_ =	shalt  }
0x6c: {  	_ =	shalt  }
0x6d: {  	_ =	shalt  }
0x6e: {  	_ =	shalt  }
0x6f: {  	_ =	shalt  }
0x70: {  	_ =	shalt  }
0x71: {  	_ =	shalt  }
0x72: {  	_ =	shalt  }
0x73: {  	_ =	shalt  }
0x74: {  	_ =	shalt  }
0x75: {  	_ =	shalt  }
0x76: {  	_ =	shalt  }
0x77: {  	_ =	shalt  }
0x78: {  	_ =	shalt  }
0x79: {  	_ =	shalt  }
0x7a: {  	_ =	shalt  }
0x7b: {  	_ =	shalt  }
0x7c: {  	_ =	shalt  }
0x7d: {  	_ =	shalt  }
0x7e: {  	_ =	shalt  }
0x7f: {  	_ =	shalt  }
0x80: {  	_ =	shalt  }
0x81: {  	_ =	shalt  }
0x82: {  	_ =	shalt  }
0x83: {  	_ =	shalt  }
0x84: {  	_ =	shalt  }
0x85: {  	_ =	shalt  }
0x86: {  	_ =	shalt  }
0x87: {  	_ =	shalt  }
.Lfunc_end0:
.L_simem_size_0:
called_computation_lowered:
.L_overlay_start_0:
0x88: {  	s2 =	sld [smem:$0x3FD9]  }
0x89: {  	s3 =	sld [smem:$0x3FFE];
	_ =	sdelay $0x1  }
0x8a: {  	s1 =	srdreg.scid  }
0x8b: {  	s0 =	sand.u32 $0x1, s1  }
0x8c: {  	s17 =	sshll.u32 s0, $0xA;
	s2 =	sadd.s32 s3, s2  }
0x8d: {  	s2 =	sadd.s32 s2, s17  }
0x8e: {  	[smem:$0x3FB3] =	sst s2  }
0x8f: {  	_ = 	snop  }
0x90: {  	s2 =	sld [smem:$0x3FC9];
	(tm) =	ssettm $0x1  }
0x91: {  	s18 =	sld [smem:$0x3FFB];
	_ =	sdelay $0x3  }
0x92: {  	_ =	strace s18  }
0x93: {  	s3 =	sld [smem:$0x3FFC];
	_ =	sdelay $0x3  }
0x94: {  	_ =	strace s3  }
0x95: {  	s3 =	sld [smem:$0x3FFD];
	_ =	sdelay $0x3  }
0x96: {  	_ =	strace s3  }
0x97: {  	_ =	strace $0x8FFFFFFF  }
0x98: {  	s19 =	sld [smem:$0x3FDB];
	_ =	sdelay $0x1  }
0x99: {  	s4 =	simm.s32 $_scs_section_size  }
0x9a: {  	s5 =	simm.s32 $_size__tile_overlayer_lowered;
	s6 =	simm.s32 $_tile_overlayer_lowered  }
0x9b: {  	s22 =	simm.s32 $0x1BFF;
	s21 =	sshll.u32 s6, $0x1;
	s3 =	sadd.s32 s4, s19  }
0x9c: {  	s7 =	simm.s32 $0x0;
	s20 =	sshll.u32 s5, $0x1;
	s5 =	sadd.s32 s21, s3  }
0x9d: {  	[timem:s7], [sflag:s22] =	dma.local [hbm:s5], s20  }
0x9e: {  	_ =	swait.ge [sflag:s22], s20  }
0x9f: {  	s4 =	ssub.s32 $0x0, s20;
	[sflag:s22] =	ssyncset.done $0x0  }
0xa0: {  	[sflag:s22] =	ssyncadd.s32 s4;
	_ =	sdelay $0x1  }
0xa1: {  	s23 =	simm.s32 $0x1B8B  }
0xa2: {  	_ =	swait.ge [sflag:s23], $0x1  }
0xa3: {  	[sflag:s23] =	ssyncset.done $0x0  }
0xa4: {  	s25 =	simm.s32 $0x1B8E;
	s24 =	sld [smem:$0x3FFE];
	[sflag:s23] =	ssyncadd.s32 $0xFFFFFFFF  }
0xa5: {  	s26 =	simm.s32 $execute0_lowered;
	[smem:$0x3FD2] =	sst s25  }
0xa6: {  	s5 =	sshll.u32 s26, $0x1;
	_ =	strace $0x80000046;
	[dreg:$0x1] =	wrdreg $0xFFFFFFFF  }
0xa7: {  	s28 =	simm.s32 $_size_execute0_lowered;
	s3 =	sadd.s32 s3, s5;
	[dreg:$0x0] =	wrdreg $0x0  }
0xa8: {  	s5 =	sshll.u32 s28, $0x1;
	[dreg:$0x2] =	wrdreg s3  }
0xa9: {  	[dreg:$0x3] =	wrdreg s5  }
0xaa: {  	[dreg:$0x4] =	wrdreg $0xC0  }
0xab: {  	_ =	task [dreg:s7], $0x5FFFF  }
0xac: {  	[dreg:$0x1] =	wrdreg $0xFFFFFFFF  }
0xad: {  	[dreg:$0x0] =	wrdreg $0x60  }
0xae: {  	[dreg:$0x2] =	wrdreg s2  }
0xaf: {  	[dreg:$0x3] =	wrdreg s24  }
0xb0: {  	[dreg:$0x4] =	wrdreg $0x88000  }
0xb1: {  	[dreg:$0x5] =	wrdreg $0x1C8800  }
0xb2: {  	[dreg:$0x6] =	wrdreg $0x9  }
0xb3: {  	_ =	task.clear_ibuf [dreg:s7], $0x7FFFF;
	_ =	strace $0x90000046  }
0xb4: {  	s29 =	simm.s32 $0x9;
	_ =	strace $0x80000048  }
0xb5: {  	_ =	swait.ge [sflag:s29], $0x1  }
0xb6: {  	[sflag:s29] =	ssyncadd.s32 $0xFFFFFFFF  }
0xb7: {  	_ =	strace $0x90000048  }
0xb8: {  	_ =	sfence  }
0xb9: {  	s30 =	sld [smem:$0x0];
	_ =	sdelay $0x2  }
0xba: {  	s31 =	sshll.u32 s1, $0xD;
	s1 =	sshrl.u32 s1, $0x2  }
0xbb: {  	s3 =	sand.u32 $0x4000, s31;
	s1 =	sadd.s32 s1, s30  }
0xbc: {  	s0 =	sor.u32 s3, s0;
	s1 =	sshll.u32 s1, $0x11  }
0xbd: {  	s0 =	sor.u32 s1, s0  }
0xbe: {  	s0 =	sadd.s32 $0x8F2B, s0  }
0xbf: {  	[sflag:s0] =	ssyncadd.remote.s32 $0x1  }
0xc0: {  	_ =	sfence.sel $0xFFFF  }
0xc1: {  	[dreg:$0x0] =	wrdreg $0xFFFFFFFF;
	(pc) =	sbr.abs _section_cstart, $3  }
0xc2: {  	[dreg:$0x1] =	wrdreg $0xFFFFFFFF  }
0xc3: {  	_ =	task.clear_ibuf [dreg:s7], $0x2FFFF;
	_ =	strace $0x9FFFFFFF  }
0xc4: {  	(tm) =	ssettm $0x7FFFFFFF  }
0xc5: {  	_ =	shalt  }
tec
execute0_lowered:
.L_overlay_start_1:
0x0: {  	(tag) =	ssettag $0x1  }
0x1: {  	s0 =	rddreg [dreg:$0x0]  }
0x2: {  	s2 =	rddreg [dreg:$0x1]  }
0x3: {  	s1 =	rddreg [dreg:$0x2]  }
0x4: {  	s3 =	srdreg.scid;
	s4 =	rddreg [dreg:$0x3]  }
0x5: {  	s7 =	simm.s32 $0x14;
	s11 =	stileid.u32;
	s5 =	simm.s32 $0x0  }
0x6: {  	s28 =	simm.s32 $0x4800;
	s29 =	simm.s32 $0x1;
	s30 =	simm.s32 $0x2  }
0x7: {  	s31 =	simm.s32 $0x480;
	s3 =	sand.u32 $0x1, s3;
	s8 =	smul.u32 $0x280, s11  }
0x8: {  	[smem:$0x7FF] =	sst s5;
	s9 =	smul.u32 $0x2800, s11;
	p0 =	seq.s32 s3, $0x0  }
0x9: {  	_ =	strace $0x80000047;
	s22 =	ssub.s32 $0x2, s3;
	s7 =	simm.s32 @!p0 $0x0  }
0xa: {  	s21 =	sshrl.u32 s8, $0x3;
	s9 =	sadd.s32 s9, s2;
	s12 =	sshrl.u32 s22, $0x1  }
0xb: {  	s13 =	sadd.s32 $0x80, s8;
	s14 =	sadd.s32 $0x100, s8;
	s15 =	sadd.s32 $0x180, s8  }
0xc: {  	s17 =	sadd.s32 $0x200, s8;
	p0 =	sne.s32 s3, $0x0;
	s6 =	smul.u32 s11, s7  }
0xd: {  	s3 =	simm.s32 $0x500;
	s11 =	smul.u32 $0x50000, s11;
	s12 =	ssub.s32 s22, s12  }
0xe: {  	s23 =	sshll.u32 s13, $0x7;
	s24 =	sshll.u32 s14, $0x7;
	s16 =	sshll.u32 s15, $0x7  }
0xf: {  	s26 =	sshll.u32 s17, $0x7;
	s13 =	sadd.s32 s13, s4;
	s14 =	sadd.s32 s14, s4  }
0x10: {  	s18 =	sadd.s32 s17, s4;
	s20 =	sadd.s32 $0x18400, s9;
	[dreg:$0xa] =	wrdreg s13  }
0x11: {  	s22 =	smax.u32 s7, $0x1;
	s17 =	simm.s32 $0x580;
	[dreg:$0xb] =	wrdreg s14  }
0x12: {  	s7 =	simm.s32 $0x280;
	s9 =	simm.s32 $0x300;
	[dreg:$0xd] =	wrdreg s18  }
0x13: {  	s19 =	sadd.s32 s23, s1;
	s25 =	sadd.s32 s16, s1;
	[dreg:$0xe] =	wrdreg s20  }
0x14: {  	s16 =	sadd.s32 s15, s4;
	[dreg:$0x10] =	wrdreg s22;
	s23 =	smax.u32 s12, $0x1  }
0x15: {  	s22 =	simm.s32 $0x800;
	s12 =	simm.s32 $0x380;
	[dreg:$0x8] =	wrdreg s25  }
0x16: {  	s13 =	simm.s32 $0x700;
	s14 =	simm.s32 $0x780;
	[dreg:$0xc] =	wrdreg s16  }
0x17: {  	s15 =	simm.s32 $0x0;
	s6 =	sshll.u32 s6, $0x7;
	[dreg:$0x11] =	wrdreg s23  }
0x18: {  	s11 =	sshrl.u32 s11, $0x2;
	s23 =	simm.s32 $0x3;
	[dreg:$0x6] =	wrdreg s19  }
0x19: {  	s10 =	sadd.s32 s6, s2;
	s6 =	sadd.s32 s11, s1;
	s11 =	sadd.s32 s26, s1  }
0x1a: {  	s16 =	simm.s32 $0x200;
	s26 =	simm.s32 $0x100;
	[dreg:$0x9] =	wrdreg s11  }
0x1b: {  	s2 =	sadd.s32 s21, s2;
	s21 =	sadd.s32 s24, s1;
	[dreg:$0x5] =	wrdreg s26  }
.Ltmp0:
0x1c: {  	s2 =	sadd.s32 $0x17E00, s2;
	[dreg:$0x7] =	wrdreg s21;
	(pc) =	sbr.rel .LBB2_1-.Ltmp0, $4  }
0x1d: {  	s11 =	sadd.s32 s8, s4;
	s24 =	sadd.s32 $0x3E00, s10;
	[dreg:$0xf] =	wrdreg s2  }
0x1e: {  	s25 =	sadd.s32 $0xDE00, s10;
	s26 =	simm.s32 $0x80;
	[dreg:$0x12] =	wrdreg s24  }
0x1f: {  	s8 =	simm.s32 $0x600;
	s10 =	simm.s32 $0x680;
	[dreg:$0x13] =	wrdreg s25  }
0x20: {  	v0 =	vimm.f32 $0.0e+00;
	v1 =	vimm.f32 $1.000000000e+00;
	s24 =	simm.s32 $0x1C800;
	s25 =	simm.s32 $0x400;
	s2 =	simm.s32 $0x180  }
.LBB2_7:
0x21: {  	[bflag:$0x0] =	sbarrier.arrive $0xFFFF  }
.LBB2_8:
0x22: {  	s15 =	sadd.s32 $0x1, s15;
	s18 =	rddreg [dreg:$0x11]  }
0x23: {  	p1 =	sne.s32 s15, s18  }
.Ltmp1:
0x24: {  	_ = 	snop;
	(pc) =	sbr.rel @!p1 .LBB2_9-.Ltmp1, $1  }
0x25: {  	_ =	sdelay $0x3  }
.LBB2_1:
0x26: {  	s18 =	simm.s32 $0x0;
	s20 =	simm.s32 $0x200  }
.LBB2_2:
0x27: {  	p1 =	sne.s32 s20, $0xFE00;
	[tilespmem:s18+$0x870] =	vst v0  }
0x28: {  	[tilespmem:s18+$0x800] =	vst v0  }
0x29: {  	[tilespmem:s18+$0x810] =	vst v0  }
.Ltmp2:
0x2a: {  	[tilespmem:s18+$0x820] =	vst v0;
	(pc) =	sbr.rel @p1 .LBB2_2-.Ltmp2, $4  }
0x2b: {  	[tilespmem:s18+$0x830] =	vst v0  }
0x2c: {  	[tilespmem:s18+$0x840] =	vst v0  }
0x2d: {  	[tilespmem:s18+$0x850] =	vst v0  }
0x2e: {  	[tilespmem:s18+$0x860] =	vst v0;
	s18 =	sshra.s32 s20, $0x2;
	s20 =	sadd.s32 $0x200, s20  }
0x2f: {  	[tilespmem:s18+$0x870] =	vst v0  }
0x30: {  	[tilespmem:s18+$0x800] =	vst v0  }
0x31: {  	[tilespmem:s18+$0x810] =	vst v0  }
0x32: {  	[tilespmem:s18+$0x820] =	vst v0  }
0x33: {  	[tilespmem:s18+$0x830] =	vst v0  }
0x34: {  	[tilespmem:s18+$0x840] =	vst v0  }
0x35: {  	[tilespmem:s18+$0x850] =	vst v0  }
0x36: {  	[tilespmem:s18+$0x860] =	vst v0  }
0x37: {  	[spmem:s6] =	stream.linear.scatter [tilespmem:s22], [sflag:$0x3], $0x4000, $0x38;
	[tilespmem:$0x1CB00] =	vst v63  }
0x38: {  	_ =	swait.ge [sflag:s23], $0x4000  }
0x39: {  	[sflag:s23] =	ssyncset.done $0x0  }
0x3a: {  	[sflag:s23] =	ssyncadd.s32 $0xFFFFC000  }
0x3b: {  	[spmem:s19] =	stream.linear.scatter [tilespmem:s22], [sflag:$0x3], $0x4000, $0x38;
	[tilespmem:$0x1CB00] =	vst v63  }
0x3c: {  	_ =	swait.ge [sflag:s23], $0x4000  }
0x3d: {  	[sflag:s23] =	ssyncset.done $0x0  }
0x3e: {  	[sflag:s23] =	ssyncadd.s32 $0xFFFFC000  }
0x3f: {  	[spmem:s21] =	stream.linear.scatter [tilespmem:s22], [sflag:$0x3], $0x4000, $0x38;
	[tilespmem:$0x1CB00] =	vst v63  }
0x40: {  	_ =	swait.ge [sflag:s23], $0x4000  }
0x41: {  	[sflag:s23] =	ssyncset.done $0x0  }
0x42: {  	s20 =	rddreg [dreg:$0x8];
	[sflag:s23] =	ssyncadd.s32 $0xFFFFC000  }
0x43: {  	[spmem:s20] =	stream.linear.scatter [tilespmem:s22], [sflag:$0x3], $0x4000, $0x38;
	[tilespmem:$0x1CB00] =	vst v63  }
0x44: {  	_ =	swait.ge [sflag:s23], $0x4000  }
0x45: {  	[sflag:s23] =	ssyncset.done $0x0  }
0x46: {  	s20 =	rddreg [dreg:$0x9];
	[sflag:s23] =	ssyncadd.s32 $0xFFFFC000  }
0x47: {  	[spmem:s20] =	stream.linear.scatter [tilespmem:s22], [sflag:$0x3], $0x4000, $0x38;
	[tilespmem:$0x1CB00] =	vst v63  }
0x48: {  	_ =	swait.ge [sflag:s23], $0x4000  }
0x49: {  	[sflag:s23] =	ssyncset.done $0x0  }
0x4a: {  	[sflag:s23] =	ssyncadd.s32 $0xFFFFC000  }
0x4b: {  	[tilespmem:$0x1C800] =	vst v0  }
0x4c: {  	[tilespmem:$0x1C810] =	vst v0  }
0x4d: {  	[tilespmem:$0x1C820] =	vst v0  }
0x4e: {  	[tilespmem:$0x1C830] =	vst v0  }
0x4f: {  	[tilespmem:$0x1C840] =	vst v0  }
0x50: {  	[tilespmem:$0x1C850] =	vst v0  }
0x51: {  	[tilespmem:$0x1C860] =	vst v0  }
0x52: {  	[tilespmem:$0x1C870] =	vst v0  }
0x53: {  	[spmem:s11] =	stream.linear.scatter [tilespmem:s24], [sflag:$0x3], $0x80, $0x38;
	[tilespmem:$0x1CB00] =	vst v63  }
0x54: {  	_ =	swait.ge [sflag:s23], $0x80  }
0x55: {  	[sflag:s23] =	ssyncset.done $0x0  }
0x56: {  	s20 =	rddreg [dreg:$0xa];
	[sflag:s23] =	ssyncadd.s32 $0xFFFFFF80  }
0x57: {  	[spmem:s20] =	stream.linear.scatter [tilespmem:s24], [sflag:$0x3], $0x80, $0x38;
	[tilespmem:$0x1CB00] =	vst v63  }
0x58: {  	_ =	swait.ge [sflag:s23], $0x80  }
0x59: {  	[sflag:s23] =	ssyncset.done $0x0  }
0x5a: {  	s20 =	rddreg [dreg:$0xb];
	[sflag:s23] =	ssyncadd.s32 $0xFFFFFF80  }
0x5b: {  	[spmem:s20] =	stream.linear.scatter [tilespmem:s24], [sflag:$0x3], $0x80, $0x38;
	[tilespmem:$0x1CB00] =	vst v63  }
0x5c: {  	_ =	swait.ge [sflag:s23], $0x80  }
0x5d: {  	[sflag:s23] =	ssyncset.done $0x0  }
0x5e: {  	s20 =	rddreg [dreg:$0xc];
	[sflag:s23] =	ssyncadd.s32 $0xFFFFFF80  }
0x5f: {  	[spmem:s20] =	stream.linear.scatter [tilespmem:s24], [sflag:$0x3], $0x80, $0x38;
	[tilespmem:$0x1CB00] =	vst v63  }
0x60: {  	_ =	swait.ge [sflag:s23], $0x80  }
0x61: {  	[sflag:s23] =	ssyncset.done $0x0  }
0x62: {  	s20 =	rddreg [dreg:$0xd];
	[sflag:s23] =	ssyncadd.s32 $0xFFFFFF80  }
0x63: {  	[spmem:s20] =	stream.linear.scatter [tilespmem:s24], [sflag:$0x3], $0x80, $0x38;
	[tilespmem:$0x1CB00] =	vst v63  }
0x64: {  	_ =	swait.ge [sflag:s23], $0x80  }
0x65: {  	[sflag:s23] =	ssyncset.done $0x0  }
0x66: {  	[sflag:s23] =	ssyncadd.s32 $0xFFFFFF80  }
0x67: {  	[tilespmem:$0x1C800] =	vst v1  }
0x68: {  	[tilespmem:$0x1C810] =	vst v1  }
0x69: {  	[tilespmem:$0x1C820] =	vst v1  }
0x6a: {  	[tilespmem:$0x1C830] =	vst v1  }
0x6b: {  	[tilespmem:$0x1C840] =	vst v1  }
.Ltmp3:
0x6c: {  	[tilespmem:$0x1C850] =	vst v1;
	(pc) =	sbr.rel @p0 .LBB2_7-.Ltmp3, $3  }
0x6d: {  	[tilespmem:$0x1C860] =	vst v1  }
0x6e: {  	[tilespmem:$0x1C870] =	vst v1  }
0x6f: {  	[bflag:$0x0] =	sbarrier.arrive $0xFFFF;
	_ =	sdelay $0x1  }
0x70: {  	s21 =	rddreg [dreg:$0x13]  }
0x71: {  	[tilespmem:s5], [sflag:$0x3] =	stream.linear.gather [hbm4b:s21+s5], $0x400, $0x38;
	[tilespmem:$0x1CB00] =	vst v63  }
0x72: {  	_ =	swait.ge [sflag:s23], $0x400  }
0x73: {  	[sflag:s23] =	ssyncset.done $0x0  }
0x74: {  	s20 =	rddreg [dreg:$0x12];
	[sflag:s23] =	ssyncadd.s32 $0xFFFFFC00  }
0x75: {  	[tilespmem:s25], [sflag:$0x3] =	stream.linear.gather [hbm4b:s20+s5], $0x400, $0x38;
	[tilespmem:$0x1CB00] =	vst v63  }
0x76: {  	_ =	swait.ge [sflag:s23], $0x400  }
0x77: {  	[sflag:s23] =	ssyncset.done $0x0  }
0x78: {  	[sflag:s23] =	ssyncadd.s32 $0xFFFFFC00  }
0x79: {  	[tilespmem:s22], [sflag:$0x1] =	stream.indirect.gather [hbm4b:s0+s26], $0x80, s5, s26, $0xb8;
	[tilespmem:$0x1CB00] =	vst v63  }
0x7a: {  	_ = 	snop  }
0x7b: {  	[tilespmem:s28], [sflag:$0x2] =	stream.indirect.gather [hbm4b:s0+s26], $0x80, s26, s26, $0xb8;
	[tilespmem:$0x1CB00] =	vst v63  }
0x7c: {  	_ =	swait.ge [sflag:s29], $0x4000  }
0x7d: {  	[sflag:s29] =	ssyncset.done $0x0  }
0x7e: {  	[sflag:s29] =	ssyncadd.s32 $0xFFFFC000  }
0x7f: {  	[spmem:s1] =	stream.indirect.scatter.add.f32 [tilespmem:s22], [sflag:$0x3], $0x80, s25, s26, $0xb8;
	[tilespmem:$0x1CB00] =	vst v63  }
0x80: {  	_ =	swait.ge [sflag:s23], $0x4000  }
0x81: {  	[sflag:s23] =	ssyncset.done $0x0  }
0x82: {  	[sflag:s23] =	ssyncadd.s32 $0xFFFFC000  }
0x83: {  	[spmem:s4] =	stream.indirect.scatter.add.f32 [tilespmem:s24], [sflag:$0x3], $0x1, s25, s26, $0xb8;
	[tilespmem:$0x1CB00] =	vst v63  }
0x84: {  	_ =	swait.ge [sflag:s23], $0x80  }
0x85: {  	[sflag:s23] =	ssyncset.done $0x0  }
0x86: {  	s18 =	rddreg [dreg:$0x5];
	[sflag:s23] =	ssyncadd.s32 $0xFFFFFF80  }
0x87: {  	[tilespmem:s22], [sflag:$0x1] =	stream.indirect.gather [hbm4b:s0+s26], $0x80, s18, s26, $0xb8;
	[tilespmem:$0x1CB00] =	vst v63  }
0x88: {  	_ =	swait.ge [sflag:s30], $0x4000  }
0x89: {  	[sflag:s30] =	ssyncset.done $0x0  }
0x8a: {  	[sflag:s30] =	ssyncadd.s32 $0xFFFFC000  }
0x8b: {  	[spmem:s1] =	stream.indirect.scatter.add.f32 [tilespmem:s28], [sflag:$0x3], $0x80, s31, s26, $0xb8;
	[tilespmem:$0x1CB00] =	vst v63  }
0x8c: {  	_ =	swait.ge [sflag:s23], $0x4000  }
0x8d: {  	[sflag:s23] =	ssyncset.done $0x0  }
0x8e: {  	[sflag:s23] =	ssyncadd.s32 $0xFFFFC000  }
0x8f: {  	[spmem:s4] =	stream.indirect.scatter.add.f32 [tilespmem:s24], [sflag:$0x3], $0x1, s31, s26, $0xb8;
	[tilespmem:$0x1CB00] =	vst v63  }
0x90: {  	_ =	swait.ge [sflag:s23], $0x80  }
0x91: {  	[sflag:s23] =	ssyncset.done $0x0  }
0x92: {  	[sflag:s23] =	ssyncadd.s32 $0xFFFFFF80  }
0x93: {  	[tilespmem:s28], [sflag:$0x2] =	stream.indirect.gather [hbm4b:s0+s26], $0x80, s2, s26, $0xb8;
	[tilespmem:$0x1CB00] =	vst v63  }
0x94: {  	_ =	swait.ge [sflag:s29], $0x4000  }
0x95: {  	[sflag:s29] =	ssyncset.done $0x0  }
0x96: {  	[sflag:s29] =	ssyncadd.s32 $0xFFFFC000  }
0x97: {  	[spmem:s1] =	stream.indirect.scatter.add.f32 [tilespmem:s22], [sflag:$0x3], $0x80, s3, s26, $0xb8;
	[tilespmem:$0x1CB00] =	vst v63  }
0x98: {  	_ =	swait.ge [sflag:s23], $0x4000  }
0x99: {  	[sflag:s23] =	ssyncset.done $0x0  }
0x9a: {  	[sflag:s23] =	ssyncadd.s32 $0xFFFFC000  }
0x9b: {  	[spmem:s4] =	stream.indirect.scatter.add.f32 [tilespmem:s24], [sflag:$0x3], $0x1, s3, s26, $0xb8;
	[tilespmem:$0x1CB00] =	vst v63  }
0x9c: {  	_ =	swait.ge [sflag:s23], $0x80  }
0x9d: {  	[sflag:s23] =	ssyncset.done $0x0  }
0x9e: {  	[sflag:s23] =	ssyncadd.s32 $0xFFFFFF80  }
0x9f: {  	[tilespmem:s22], [sflag:$0x1] =	stream.indirect.gather [hbm4b:s0+s26], $0x80, s16, s26, $0xb8;
	[tilespmem:$0x1CB00] =	vst v63  }
0xa0: {  	_ =	swait.ge [sflag:s30], $0x4000  }
0xa1: {  	[sflag:s30] =	ssyncset.done $0x0  }
0xa2: {  	[sflag:s30] =	ssyncadd.s32 $0xFFFFC000  }
0xa3: {  	[spmem:s1] =	stream.indirect.scatter.add.f32 [tilespmem:s28], [sflag:$0x3], $0x80, s17, s26, $0xb8;
	[tilespmem:$0x1CB00] =	vst v63  }
0xa4: {  	_ =	swait.ge [sflag:s23], $0x4000  }
0xa5: {  	[sflag:s23] =	ssyncset.done $0x0  }
0xa6: {  	[sflag:s23] =	ssyncadd.s32 $0xFFFFC000  }
0xa7: {  	[spmem:s4] =	stream.indirect.scatter.add.f32 [tilespmem:s24], [sflag:$0x3], $0x1, s17, s26, $0xb8;
	[tilespmem:$0x1CB00] =	vst v63  }
0xa8: {  	_ =	swait.ge [sflag:s23], $0x80  }
0xa9: {  	[sflag:s23] =	ssyncset.done $0x0  }
0xaa: {  	[sflag:s23] =	ssyncadd.s32 $0xFFFFFF80  }
0xab: {  	[tilespmem:s28], [sflag:$0x2] =	stream.indirect.gather [hbm4b:s0+s26], $0x80, s7, s26, $0xb8;
	[tilespmem:$0x1CB00] =	vst v63  }
0xac: {  	_ =	swait.ge [sflag:s29], $0x4000  }
0xad: {  	[sflag:s29] =	ssyncset.done $0x0  }
0xae: {  	[sflag:s29] =	ssyncadd.s32 $0xFFFFC000  }
0xaf: {  	[spmem:s1] =	stream.indirect.scatter.add.f32 [tilespmem:s22], [sflag:$0x3], $0x80, s8, s26, $0xb8;
	[tilespmem:$0x1CB00] =	vst v63  }
0xb0: {  	_ =	swait.ge [sflag:s23], $0x4000  }
0xb1: {  	[sflag:s23] =	ssyncset.done $0x0  }
0xb2: {  	[sflag:s23] =	ssyncadd.s32 $0xFFFFC000  }
0xb3: {  	[spmem:s4] =	stream.indirect.scatter.add.f32 [tilespmem:s24], [sflag:$0x3], $0x1, s8, s26, $0xb8;
	[tilespmem:$0x1CB00] =	vst v63  }
0xb4: {  	_ =	swait.ge [sflag:s23], $0x80  }
0xb5: {  	[sflag:s23] =	ssyncset.done $0x0  }
0xb6: {  	[sflag:s23] =	ssyncadd.s32 $0xFFFFFF80  }
0xb7: {  	[tilespmem:s22], [sflag:$0x1] =	stream.indirect.gather [hbm4b:s0+s26], $0x80, s9, s26, $0xb8;
	[tilespmem:$0x1CB00] =	vst v63  }
0xb8: {  	_ =	swait.ge [sflag:s30], $0x4000  }
0xb9: {  	[sflag:s30] =	ssyncset.done $0x0  }
0xba: {  	[sflag:s30] =	ssyncadd.s32 $0xFFFFC000  }
0xbb: {  	[spmem:s1] =	stream.indirect.scatter.add.f32 [tilespmem:s28], [sflag:$0x3], $0x80, s10, s26, $0xb8;
	[tilespmem:$0x1CB00] =	vst v63  }
0xbc: {  	_ =	swait.ge [sflag:s23], $0x4000  }
0xbd: {  	[sflag:s23] =	ssyncset.done $0x0  }
0xbe: {  	[sflag:s23] =	ssyncadd.s32 $0xFFFFC000  }
0xbf: {  	[spmem:s4] =	stream.indirect.scatter.add.f32 [tilespmem:s24], [sflag:$0x3], $0x1, s10, s26, $0xb8;
	[tilespmem:$0x1CB00] =	vst v63  }
0xc0: {  	_ =	swait.ge [sflag:s23], $0x80  }
0xc1: {  	[sflag:s23] =	ssyncset.done $0x0  }
0xc2: {  	[sflag:s23] =	ssyncadd.s32 $0xFFFFFF80  }
0xc3: {  	[tilespmem:s28], [sflag:$0x2] =	stream.indirect.gather [hbm4b:s0+s26], $0x80, s12, s26, $0xb8;
	[tilespmem:$0x1CB00] =	vst v63  }
0xc4: {  	_ =	swait.ge [sflag:s29], $0x4000  }
0xc5: {  	[sflag:s29] =	ssyncset.done $0x0  }
0xc6: {  	[sflag:s29] =	ssyncadd.s32 $0xFFFFC000  }
0xc7: {  	[spmem:s1] =	stream.indirect.scatter.add.f32 [tilespmem:s22], [sflag:$0x3], $0x80, s13, s26, $0xb8;
	[tilespmem:$0x1CB00] =	vst v63  }
0xc8: {  	_ =	swait.ge [sflag:s23], $0x4000  }
0xc9: {  	[sflag:s23] =	ssyncset.done $0x0  }
0xca: {  	[sflag:s23] =	ssyncadd.s32 $0xFFFFC000  }
0xcb: {  	[spmem:s4] =	stream.indirect.scatter.add.f32 [tilespmem:s24], [sflag:$0x3], $0x1, s13, s26, $0xb8;
	[tilespmem:$0x1CB00] =	vst v63  }
0xcc: {  	_ =	swait.ge [sflag:s23], $0x80  }
0xcd: {  	[sflag:s23] =	ssyncset.done $0x0  }
0xce: {  	[sflag:s23] =	ssyncadd.s32 $0xFFFFFF80  }
0xcf: {  	_ =	swait.ge [sflag:s30], $0x4000  }
0xd0: {  	[sflag:s30] =	ssyncset.done $0x0  }
0xd1: {  	[sflag:s30] =	ssyncadd.s32 $0xFFFFC000  }
0xd2: {  	[spmem:s1] =	stream.indirect.scatter.add.f32 [tilespmem:s28], [sflag:$0x3], $0x80, s14, s26, $0xb8;
	[tilespmem:$0x1CB00] =	vst v63  }
0xd3: {  	_ =	swait.ge [sflag:s23], $0x4000  }
0xd4: {  	s19 =	rddreg [dreg:$0x10]  }
0xd5: {  	p1 =	sne.s32 s19, $0x1  }
.Ltmp4:
0xd6: {  	[sflag:s23] =	ssyncset.done $0x0;
	(pc) =	sbr.rel @!p1 .LBB2_6-.Ltmp4, $4  }
0xd7: {  	[sflag:s23] =	ssyncadd.s32 $0xFFFFC000  }
0xd8: {  	[spmem:s4] =	stream.indirect.scatter.add.f32 [tilespmem:s24], [sflag:$0x3], $0x1, s14, s26, $0xb8;
	[tilespmem:$0x1CB00] =	vst v63  }
0xd9: {  	_ =	swait.ge [sflag:s23], $0x80  }
0xda: {  	s18 =	sadd.s32 $0xFFFFFFFF, s19;
	[sflag:s23] =	ssyncset.done $0x0  }
.LBB2_5:
0xdb: {  	[sflag:s23] =	ssyncadd.s32 $0xFFFFFF80;
	s21 =	sadd.s32 $0x80, s21  }
0xdc: {  	[tilespmem:s5], [sflag:$0x3] =	stream.linear.gather [hbm4b:s21+s5], $0x400, $0x38;
	[tilespmem:$0x1CB00] =	vst v63  }
0xdd: {  	_ =	swait.ge [sflag:s23], $0x400  }
0xde: {  	[sflag:s23] =	ssyncset.done $0x0  }
0xdf: {  	s20 =	sadd.s32 $0x80, s20;
	[sflag:s23] =	ssyncadd.s32 $0xFFFFFC00  }
0xe0: {  	[tilespmem:s25], [sflag:$0x3] =	stream.linear.gather [hbm4b:s20+s5], $0x400, $0x38;
	[tilespmem:$0x1CB00] =	vst v63  }
0xe1: {  	_ =	swait.ge [sflag:s23], $0x400  }
0xe2: {  	[sflag:s23] =	ssyncset.done $0x0  }
0xe3: {  	[sflag:s23] =	ssyncadd.s32 $0xFFFFFC00  }
0xe4: {  	[tilespmem:s22], [sflag:$0x1] =	stream.indirect.gather [hbm4b:s0+s26], $0x80, s5, s26, $0xb8;
	[tilespmem:$0x1CB00] =	vst v63  }
0xe5: {  	_ = 	snop  }
0xe6: {  	[tilespmem:s28], [sflag:$0x2] =	stream.indirect.gather [hbm4b:s0+s26], $0x80, s26, s26, $0xb8;
	[tilespmem:$0x1CB00] =	vst v63  }
0xe7: {  	_ =	swait.ge [sflag:s29], $0x4000  }
0xe8: {  	[sflag:s29] =	ssyncset.done $0x0  }
0xe9: {  	[sflag:s29] =	ssyncadd.s32 $0xFFFFC000  }
0xea: {  	[spmem:s1] =	stream.indirect.scatter.add.f32 [tilespmem:s22], [sflag:$0x3], $0x80, s25, s26, $0xb8;
	[tilespmem:$0x1CB00] =	vst v63  }
0xeb: {  	_ =	swait.ge [sflag:s23], $0x4000  }
0xec: {  	[sflag:s23] =	ssyncset.done $0x0  }
0xed: {  	[sflag:s23] =	ssyncadd.s32 $0xFFFFC000  }
0xee: {  	[spmem:s4] =	stream.indirect.scatter.add.f32 [tilespmem:s24], [sflag:$0x3], $0x1, s25, s26, $0xb8;
	[tilespmem:$0x1CB00] =	vst v63  }
0xef: {  	_ =	swait.ge [sflag:s23], $0x80  }
0xf0: {  	[sflag:s23] =	ssyncset.done $0x0  }
0xf1: {  	s19 =	rddreg [dreg:$0x5];
	[sflag:s23] =	ssyncadd.s32 $0xFFFFFF80  }
0xf2: {  	[tilespmem:s22], [sflag:$0x1] =	stream.indirect.gather [hbm4b:s0+s26], $0x80, s19, s26, $0xb8;
	[tilespmem:$0x1CB00] =	vst v63  }
0xf3: {  	_ =	swait.ge [sflag:s30], $0x4000  }
0xf4: {  	[sflag:s30] =	ssyncset.done $0x0  }
0xf5: {  	[sflag:s30] =	ssyncadd.s32 $0xFFFFC000  }
0xf6: {  	[spmem:s1] =	stream.indirect.scatter.add.f32 [tilespmem:s28], [sflag:$0x3], $0x80, s31, s26, $0xb8;
	[tilespmem:$0x1CB00] =	vst v63  }
0xf7: {  	_ =	swait.ge [sflag:s23], $0x4000  }
0xf8: {  	[sflag:s23] =	ssyncset.done $0x0  }
0xf9: {  	[sflag:s23] =	ssyncadd.s32 $0xFFFFC000  }
0xfa: {  	[spmem:s4] =	stream.indirect.scatter.add.f32 [tilespmem:s24], [sflag:$0x3], $0x1, s31, s26, $0xb8;
	[tilespmem:$0x1CB00] =	vst v63  }
0xfb: {  	_ =	swait.ge [sflag:s23], $0x80  }
0xfc: {  	[sflag:s23] =	ssyncset.done $0x0  }
0xfd: {  	[sflag:s23] =	ssyncadd.s32 $0xFFFFFF80  }
0xfe: {  	[tilespmem:s28], [sflag:$0x2] =	stream.indirect.gather [hbm4b:s0+s26], $0x80, s2, s26, $0xb8;
	[tilespmem:$0x1CB00] =	vst v63  }
0xff: {  	_ =	swait.ge [sflag:s29], $0x4000  }
0x100: {  	[sflag:s29] =	ssyncset.done $0x0  }
0x101: {  	[sflag:s29] =	ssyncadd.s32 $0xFFFFC000  }
0x102: {  	[spmem:s1] =	stream.indirect.scatter.add.f32 [tilespmem:s22], [sflag:$0x3], $0x80, s3, s26, $0xb8;
	[tilespmem:$0x1CB00] =	vst v63  }
0x103: {  	_ =	swait.ge [sflag:s23], $0x4000  }
0x104: {  	[sflag:s23] =	ssyncset.done $0x0  }
0x105: {  	[sflag:s23] =	ssyncadd.s32 $0xFFFFC000  }
0x106: {  	[spmem:s4] =	stream.indirect.scatter.add.f32 [tilespmem:s24], [sflag:$0x3], $0x1, s3, s26, $0xb8;
	[tilespmem:$0x1CB00] =	vst v63  }
0x107: {  	_ =	swait.ge [sflag:s23], $0x80  }
0x108: {  	[sflag:s23] =	ssyncset.done $0x0  }
0x109: {  	[sflag:s23] =	ssyncadd.s32 $0xFFFFFF80  }
0x10a: {  	[tilespmem:s22], [sflag:$0x1] =	stream.indirect.gather [hbm4b:s0+s26], $0x80, s16, s26, $0xb8;
	[tilespmem:$0x1CB00] =	vst v63  }
0x10b: {  	_ =	swait.ge [sflag:s30], $0x4000  }
0x10c: {  	[sflag:s30] =	ssyncset.done $0x0  }
0x10d: {  	[sflag:s30] =	ssyncadd.s32 $0xFFFFC000  }
0x10e: {  	[spmem:s1] =	stream.indirect.scatter.add.f32 [tilespmem:s28], [sflag:$0x3], $0x80, s17, s26, $0xb8;
	[tilespmem:$0x1CB00] =	vst v63  }
0x10f: {  	_ =	swait.ge [sflag:s23], $0x4000  }
0x110: {  	[sflag:s23] =	ssyncset.done $0x0  }
0x111: {  	[sflag:s23] =	ssyncadd.s32 $0xFFFFC000  }
0x112: {  	[spmem:s4] =	stream.indirect.scatter.add.f32 [tilespmem:s24], [sflag:$0x3], $0x1, s17, s26, $0xb8;
	[tilespmem:$0x1CB00] =	vst v63  }
0x113: {  	_ =	swait.ge [sflag:s23], $0x80  }
0x114: {  	[sflag:s23] =	ssyncset.done $0x0  }
0x115: {  	[sflag:s23] =	ssyncadd.s32 $0xFFFFFF80  }
0x116: {  	[tilespmem:s28], [sflag:$0x2] =	stream.indirect.gather [hbm4b:s0+s26], $0x80, s7, s26, $0xb8;
	[tilespmem:$0x1CB00] =	vst v63  }
0x117: {  	_ =	swait.ge [sflag:s29], $0x4000  }
0x118: {  	[sflag:s29] =	ssyncset.done $0x0  }
0x119: {  	[sflag:s29] =	ssyncadd.s32 $0xFFFFC000  }
0x11a: {  	[spmem:s1] =	stream.indirect.scatter.add.f32 [tilespmem:s22], [sflag:$0x3], $0x80, s8, s26, $0xb8;
	[tilespmem:$0x1CB00] =	vst v63  }
0x11b: {  	_ =	swait.ge [sflag:s23], $0x4000  }
0x11c: {  	[sflag:s23] =	ssyncset.done $0x0  }
0x11d: {  	[sflag:s23] =	ssyncadd.s32 $0xFFFFC000  }
0x11e: {  	[spmem:s4] =	stream.indirect.scatter.add.f32 [tilespmem:s24], [sflag:$0x3], $0x1, s8, s26, $0xb8;
	[tilespmem:$0x1CB00] =	vst v63  }
0x11f: {  	_ =	swait.ge [sflag:s23], $0x80  }
0x120: {  	[sflag:s23] =	ssyncset.done $0x0  }
0x121: {  	[sflag:s23] =	ssyncadd.s32 $0xFFFFFF80  }
0x122: {  	[tilespmem:s22], [sflag:$0x1] =	stream.indirect.gather [hbm4b:s0+s26], $0x80, s9, s26, $0xb8;
	[tilespmem:$0x1CB00] =	vst v63  }
0x123: {  	_ =	swait.ge [sflag:s30], $0x4000  }
0x124: {  	[sflag:s30] =	ssyncset.done $0x0  }
0x125: {  	[sflag:s30] =	ssyncadd.s32 $0xFFFFC000  }
0x126: {  	[spmem:s1] =	stream.indirect.scatter.add.f32 [tilespmem:s28], [sflag:$0x3], $0x80, s10, s26, $0xb8;
	[tilespmem:$0x1CB00] =	vst v63  }
0x127: {  	_ =	swait.ge [sflag:s23], $0x4000  }
0x128: {  	[sflag:s23] =	ssyncset.done $0x0  }
0x129: {  	[sflag:s23] =	ssyncadd.s32 $0xFFFFC000  }
0x12a: {  	[spmem:s4] =	stream.indirect.scatter.add.f32 [tilespmem:s24], [sflag:$0x3], $0x1, s10, s26, $0xb8;
	[tilespmem:$0x1CB00] =	vst v63  }
0x12b: {  	_ =	swait.ge [sflag:s23], $0x80  }
0x12c: {  	[sflag:s23] =	ssyncset.done $0x0  }
0x12d: {  	[sflag:s23] =	ssyncadd.s32 $0xFFFFFF80  }
0x12e: {  	[tilespmem:s28], [sflag:$0x2] =	stream.indirect.gather [hbm4b:s0+s26], $0x80, s12, s26, $0xb8;
	[tilespmem:$0x1CB00] =	vst v63  }
0x12f: {  	_ =	swait.ge [sflag:s29], $0x4000  }
0x130: {  	[sflag:s29] =	ssyncset.done $0x0  }
0x131: {  	[sflag:s29] =	ssyncadd.s32 $0xFFFFC000  }
0x132: {  	[spmem:s1] =	stream.indirect.scatter.add.f32 [tilespmem:s22], [sflag:$0x3], $0x80, s13, s26, $0xb8;
	[tilespmem:$0x1CB00] =	vst v63  }
0x133: {  	_ =	swait.ge [sflag:s23], $0x4000  }
0x134: {  	[sflag:s23] =	ssyncset.done $0x0  }
0x135: {  	[sflag:s23] =	ssyncadd.s32 $0xFFFFC000  }
0x136: {  	[spmem:s4] =	stream.indirect.scatter.add.f32 [tilespmem:s24], [sflag:$0x3], $0x1, s13, s26, $0xb8;
	[tilespmem:$0x1CB00] =	vst v63  }
0x137: {  	_ =	swait.ge [sflag:s23], $0x80  }
0x138: {  	[sflag:s23] =	ssyncset.done $0x0  }
0x139: {  	[sflag:s23] =	ssyncadd.s32 $0xFFFFFF80  }
0x13a: {  	_ =	swait.ge [sflag:s30], $0x4000  }
0x13b: {  	[sflag:s30] =	ssyncset.done $0x0  }
0x13c: {  	[sflag:s30] =	ssyncadd.s32 $0xFFFFC000  }
0x13d: {  	[spmem:s1] =	stream.indirect.scatter.add.f32 [tilespmem:s28], [sflag:$0x3], $0x80, s14, s26, $0xb8;
	[tilespmem:$0x1CB00] =	vst v63  }
0x13e: {  	p1 =	sne.s32 s18, $0x1;
	_ =	swait.ge [sflag:s23], $0x4000  }
.Ltmp5:
0x13f: {  	[sflag:s23] =	ssyncset.done $0x0;
	(pc) =	sbr.rel @p1 .LBB2_5-.Ltmp5, $4  }
0x140: {  	[sflag:s23] =	ssyncadd.s32 $0xFFFFC000  }
0x141: {  	[spmem:s4] =	stream.indirect.scatter.add.f32 [tilespmem:s24], [sflag:$0x3], $0x1, s14, s26, $0xb8;
	[tilespmem:$0x1CB00] =	vst v63  }
0x142: {  	_ =	swait.ge [sflag:s23], $0x80  }
0x143: {  	s18 =	sadd.s32 $0xFFFFFFFF, s18;
	[sflag:s23] =	ssyncset.done $0x0  }
.LBB2_6:
0x144: {  	[sflag:s23] =	ssyncadd.s32 $0xFFFFFF80;
	s18 =	stileid.u32  }
0x145: {  	s18 =	sshll.u32 s18, $0x6;
	[bflag:$0x0] =	sbarrier.arrive $0xFFFF  }
0x146: {  	s19 =	sshrl.u32 s6, $0x3;
	s18 =	sor.u32 $0x1C03, s18;
	s20 =	rddreg [dreg:$0xe]  }
0x147: {  	[hbm:s20], [sflag:s18] =	dma.local [spmem:s19], $0x2800  }
0x148: {  	_ =	swait.ge [sflag:s23], $0x2800  }
0x149: {  	s20 =	sshrl.u32 s11, $0x3;
	[sflag:s23] =	ssyncset.done $0x0  }
.Ltmp6:
0x14a: {  	s21 =	rddreg [dreg:$0xf];
	[sflag:s23] =	ssyncadd.s32 $0xFFFFD800;
	(pc) =	sbr.rel .LBB2_8-.Ltmp6, $4  }
0x14b: {  	[hbm:s21], [sflag:s18] =	dma.local [spmem:s20], $0x50  }
0x14c: {  	_ =	swait.ge [sflag:s23], $0x50  }
0x14d: {  	[sflag:s23] =	ssyncset.done $0x0;
	s19 =	rddreg [dreg:$0x6]  }
0x14e: {  	s21 =	rddreg [dreg:$0x7];
	[sflag:s23] =	ssyncadd.s32 $0xFFFFFFB0  }
.LBB2_9:
0x14f: {  	_ =	sfence.sel $0x180000  }
0x150: {  	[bflag:$0x0] =	sbarrier.arrive $0xFFFF  }
0x151: {  	_ =	strace $0x90000047  }
0x152: {  	s0 =	stileid.u32;
	[bflag:$0x2] =	sbarrier.arrive $0xFFFF  }
0x153: {  	p0 =	sne.s32 s0, $0x0;
	s0 =	rddreg [dreg:$0x4]  }
0x154: {  	s0 =	sadd.s32 @!p0 $0x100000, s0  }
0x155: {  	[sflag:s0] =	ssyncadd.tile.s32 @!p0 $0x1;
	_ =	shalt  }
.Lfunc_end2:
_tile_overlayer_lowered:
.L_overlay_start_2:
0x156: {  	(tag) =	ssettag $0x2  }
0x157: {  	s0 =	rddreg [dreg:$0x0];
	s2 =	stileid.u32  }
0x158: {  	s1 =	rddreg [dreg:$0x1];
	p0 =	sne.s32 s2, $0x0  }
0x159: {  	s3 =	rddreg [dreg:$0x2];
	[bflag:$0x3] =	sbarrier.arrive $0xFFFF;
	s2 =	simm.s32 @!p0 $0x1C03  }
0x15a: {  	[timem:s3], [sflag:s2] =	dma.local @!p0 [hbm:s0], s1  }
0x15b: {  	s0 =	simm.s32 @!p0 $0x3  }
0x15c: {  	_ =	swait.ge @!p0 [sflag:s0], s1  }
0x15d: {  	s1 =	ssub.s32 @!p0 $0x0, s1;
	[sflag:s0] =	ssyncset.done @!p0 $0x0  }
0x15e: {  	[sflag:s0] =	ssyncadd.s32 @!p0 s1  }
0x15f: {  	[bflag:$0x3] =	sbarrier.arrive $0xFFFF  }
0x160: {  	_ =	shalt  }

// kernel: kernel.9.cloned.1.call-start
scs
__scs_entry_jumppad:
0x0: {  	(pc) =	sbr.rel $0x88, $3  }
0x1: {  	(tag) =	ssettag $0x0;
	lr =	simm.s32 $0x1  }
0x2: {  	[smem:$0x3F8C] =	sst lr;
	_ =	strace $0xD0000000  }
0x3: {  	_ = 	snop  }
0x4: {  	_ = 	snop  }
0x5: {  	_ = 	snop  }
0x6: {  	_ = 	snop  }
0x7: {  	_ = 	snop  }
__scs_overlays_trampoline_lowered:
0x8: {  	[smem:$0x3F9B] =	sst s0  }
0x9: {  	[smem:$0x3F9C] =	sst s1  }
0xa: {  	[smem:$0x3F9D] =	sst s2  }
0xb: {  	[smem:$0x3F9E] =	sst s3  }
0xc: {  	[smem:$0x3F9F] =	sst s4  }
0xd: {  	[smem:$0x3FA0] =	sst s5  }
0xe: {  	[smem:$0x3FA1] =	sst s6  }
0xf: {  	[smem:$0x3FA2] =	sst s7  }
0x10: {  	[smem:$0x3FA3] =	sst s8  }
0x11: {  	[smem:$0x3FA4] =	sst s9;
	s0 =	simm.s32 @!p0 $0x0  }
0x12: {  	s1 =	sld [smem:$0x3F8A];
	s0 =	simm.s32 @p0 $0x1  }
0x13: {  	[smem:$0x3FA5] =	sst s0;
	s0 =	simm.s32 @!p1 $0x0  }
0x14: {  	s2 =	sld [smem:$0x3F89];
	s0 =	simm.s32 @p1 $0x1  }
0x15: {  	[smem:$0x3FA6] =	sst s0;
	s0 =	simm.s32 @!p2 $0x0  }
0x16: {  	s3 =	sld [smem:$0x3FDB];
	s0 =	simm.s32 @p2 $0x1  }
0x17: {  	s4 =	simm.s32 $0x1BF5;
	[smem:$0x3FA8] =	sst s0  }
0x18: {  	s0 =	sld [smem:$0x3F8B];
	_ =	swait.ge [sflag:s4], $0x0  }
0x19: {  	s7 =	sld [smem:$0x3F8C]  }
0x1a: {  	s8 =	sadd.s32 $0xFFFFE003, lr  }
0x1b: {  	s9 =	sadd.s32 $0xFFFFFEF7, lr;
	s5 =	simm.s32 $0xFFFFFFFF;
	p2 =	slt.u32 s8, $0xFFFFF086  }
0x1c: {  	p1 =	slt.u32 s9, $0xF7A;
	s5 =	simm.s32 @!p2 $0x0  }
0x1d: {  	s5 =	simm.s32 @p1 $0x1;
	p0 =	seq.s32 s7, s2  }
0x1e: {  	s7 =	smul.u32 @!p0 $0xF7A, s2;
	p2 =	seq.s32 @!p0 s5, $0x0  }
0x1f: {  	s9 =	smul.u32 $0xF7A, s1;
	s8 =	simm.s32 @!p0 $0x1BF5;
	p2 =	por !p2, p0  }
0x20: {  	[sflag:s8] =	ssyncset.s32 @!p0 $0xFFFFF086;
	s6 =	sadd.s32 @!p0 s3, s7;
	s7 =	simm.s32 @!p0 $0x108  }
0x21: {  	s3 =	sadd.s32 s3, s9;
	s6 =	sadd.s32 @!p0 $0x88, s6;
	s7 =	simm.s32 @p2 $0x1082  }
0x22: {  	[simem:s7], [sflag:s8] =	dma.local @!p0 [hbm:s6], $0xF7A  }
0x23: {  	s9 =	sor.u32 $0xD0000000, s2;
	s6 =	simm.s32 $0x108;
	_ =	swait.ge @!p0 [sflag:s8], $0x0  }
0x24: {  	s3 =	sadd.s32 $0x88, s3;
	s6 =	simm.s32 @!p1 $0x1082;
	[sflag:s4] =	ssyncset.s32 $0xFFFFF086  }
0x25: {  	[simem:s6], [sflag:s4] =	dma.local [hbm:s3], $0xF7A  }
0x26: {  	[smem:$0x3F8C] =	sst s1;
	(tag) =	ssettag s2;
	_ =	strace s9  }
0x27: {  	s1 =	sld [smem:$0x3F9C]  }
0x28: {  	s2 =	sld [smem:$0x3F9D]  }
0x29: {  	s4 =	sld [smem:$0x3F9F]  }
0x2a: {  	p0 =	seq.s32 s5, $0x0;
	s5 =	sld [smem:$0x3FA0]  }
0x2b: {  	s6 =	sld [smem:$0x3FA1]  }
0x2c: {  	s7 =	sld [smem:$0x3FA2]  }
0x2d: {  	s3 =	simm.s32 $0x108;
	s8 =	sld [smem:$0x3FA3]  }
0x2e: {  	s3 =	simm.s32 @!p0 $0x1082;
	s9 =	sld [smem:$0x3FA4]  }
0x2f: {  	lr =	sadd.s32 s0, s3;
	s0 =	sld [smem:$0x3F9B]  }
0x30: {  	s3 =	sld [smem:$0x3F9E]  }
0x31: {  	[smem:$0x3FA7] =	sst s10  }
0x32: {  	s10 =	sld [smem:$0x3FA5];
	_ =	sdelay $0x3  }
0x33: {  	p0 =	seq.s32 s10, $0x1;
	s10 =	sld [smem:$0x3FA7];
	_ =	sdelay $0x3  }
0x34: {  	[smem:$0x3FA7] =	sst s10  }
0x35: {  	s10 =	sld [smem:$0x3FA6];
	_ =	sdelay $0x3  }
0x36: {  	p1 =	seq.s32 s10, $0x1;
	s10 =	sld [smem:$0x3FA7];
	_ =	sdelay $0x3  }
0x37: {  	[smem:$0x3FA7] =	sst s10  }
0x38: {  	s10 =	sld [smem:$0x3FA8]  }
0x39: {  	_ = 	snop;
	(pc) =	sbr.ind lr, $3  }
0x3a: {  	_ = 	snop  }
0x3b: {  	_ = 	snop  }
0x3c: {  	p2 =	seq.s32 s10, $0x1;
	s10 =	sld [smem:$0x3FA7]  }
0x3d: {  	_ =	shalt  }
0x3e: {  	_ =	shalt  }
0x3f: {  	_ =	shalt  }
0x40: {  	_ =	shalt  }
0x41: {  	_ =	shalt  }
0x42: {  	_ =	shalt  }
0x43: {  	_ =	shalt  }
0x44: {  	_ =	shalt  }
0x45: {  	_ =	shalt  }
0x46: {  	_ =	shalt  }
0x47: {  	_ =	shalt  }
0x48: {  	_ =	shalt  }
0x49: {  	_ =	shalt  }
0x4a: {  	_ =	shalt  }
0x4b: {  	_ =	shalt  }
0x4c: {  	_ =	shalt  }
0x4d: {  	_ =	shalt  }
0x4e: {  	_ =	shalt  }
0x4f: {  	_ =	shalt  }
0x50: {  	_ =	shalt  }
0x51: {  	_ =	shalt  }
0x52: {  	_ =	shalt  }
0x53: {  	_ =	shalt  }
0x54: {  	_ =	shalt  }
0x55: {  	_ =	shalt  }
0x56: {  	_ =	shalt  }
0x57: {  	_ =	shalt  }
0x58: {  	_ =	shalt  }
0x59: {  	_ =	shalt  }
0x5a: {  	_ =	shalt  }
0x5b: {  	_ =	shalt  }
0x5c: {  	_ =	shalt  }
0x5d: {  	_ =	shalt  }
0x5e: {  	_ =	shalt  }
0x5f: {  	_ =	shalt  }
0x60: {  	_ =	shalt  }
0x61: {  	_ =	shalt  }
0x62: {  	_ =	shalt  }
0x63: {  	_ =	shalt  }
0x64: {  	_ =	shalt  }
0x65: {  	_ =	shalt  }
0x66: {  	_ =	shalt  }
0x67: {  	_ =	shalt  }
0x68: {  	_ =	shalt  }
0x69: {  	_ =	shalt  }
0x6a: {  	_ =	shalt  }
0x6b: {  	_ =	shalt  }
0x6c: {  	_ =	shalt  }
0x6d: {  	_ =	shalt  }
0x6e: {  	_ =	shalt  }
0x6f: {  	_ =	shalt  }
0x70: {  	_ =	shalt  }
0x71: {  	_ =	shalt  }
0x72: {  	_ =	shalt  }
0x73: {  	_ =	shalt  }
0x74: {  	_ =	shalt  }
0x75: {  	_ =	shalt  }
0x76: {  	_ =	shalt  }
0x77: {  	_ =	shalt  }
0x78: {  	_ =	shalt  }
0x79: {  	_ =	shalt  }
0x7a: {  	_ =	shalt  }
0x7b: {  	_ =	shalt  }
0x7c: {  	_ =	shalt  }
0x7d: {  	_ =	shalt  }
0x7e: {  	_ =	shalt  }
0x7f: {  	_ =	shalt  }
0x80: {  	_ =	shalt  }
0x81: {  	_ =	shalt  }
0x82: {  	_ =	shalt  }
0x83: {  	_ =	shalt  }
0x84: {  	_ =	shalt  }
0x85: {  	_ =	shalt  }
0x86: {  	_ =	shalt  }
0x87: {  	_ =	shalt  }
.Lfunc_end0:
.L_simem_size_0:
called_computation.1_lowered:
.L_overlay_start_0:
0x88: {  	s2 =	sld [smem:$0x3FD9]  }
0x89: {  	s3 =	sld [smem:$0x3FFE];
	_ =	sdelay $0x1  }
0x8a: {  	s1 =	srdreg.scid  }
0x8b: {  	s0 =	sand.u32 $0x1, s1  }
0x8c: {  	s16 =	sshll.u32 s0, $0xA;
	s2 =	sadd.s32 s3, s2  }
0x8d: {  	s2 =	sadd.s32 s2, s16  }
0x8e: {  	[smem:$0x3FB3] =	sst s2  }
0x8f: {  	_ = 	snop  }
0x90: {  	(tm) =	ssettm $0x1  }
0x91: {  	s17 =	sld [smem:$0x3FFB];
	_ =	sdelay $0x3  }
0x92: {  	_ =	strace s17  }
0x93: {  	s2 =	sld [smem:$0x3FFC];
	_ =	sdelay $0x3  }
0x94: {  	_ =	strace s2  }
0x95: {  	s2 =	sld [smem:$0x3FFD];
	_ =	sdelay $0x3  }
0x96: {  	_ =	strace s2  }
0x97: {  	_ =	strace $0x8FFFFFFF  }
0x98: {  	s18 =	sld [smem:$0x3FDB];
	_ =	sdelay $0x1  }
0x99: {  	s19 =	simm.s32 $_scs_section_size  }
0x9a: {  	s4 =	simm.s32 $_size__tile_overlayer_lowered;
	s5 =	simm.s32 $_tile_overlayer_lowered  }
0x9b: {  	s22 =	simm.s32 $0x1BFF;
	s21 =	sshll.u32 s5, $0x1;
	s2 =	sadd.s32 s19, s18  }
0x9c: {  	s6 =	simm.s32 $0x0;
	s20 =	sshll.u32 s4, $0x1;
	s4 =	sadd.s32 s21, s2  }
0x9d: {  	[timem:s6], [sflag:s22] =	dma.local [hbm:s4], s20  }
0x9e: {  	_ =	swait.ge [sflag:s22], s20  }
0x9f: {  	s3 =	ssub.s32 $0x0, s20;
	[sflag:s22] =	ssyncset.done $0x0  }
0xa0: {  	[sflag:s22] =	ssyncadd.s32 s3;
	_ =	sdelay $0x1  }
0xa1: {  	s23 =	simm.s32 $0x1B8B  }
0xa2: {  	_ =	swait.ge [sflag:s23], $0x1  }
0xa3: {  	[sflag:s23] =	ssyncset.done $0x0  }
0xa4: {  	s25 =	simm.s32 $0x1B8E;
	s24 =	sld [smem:$0x3FFE];
	[sflag:s23] =	ssyncadd.s32 $0xFFFFFFFF  }
0xa5: {  	s26 =	simm.s32 $execute0_lowered;
	[smem:$0x3FD2] =	sst s25  }
0xa6: {  	s4 =	sshll.u32 s26, $0x1;
	_ =	strace $0x80000049;
	[dreg:$0x1] =	wrdreg $0xFFFFFFFF  }
0xa7: {  	s28 =	simm.s32 $_size_execute0_lowered;
	s2 =	sadd.s32 s2, s4;
	[dreg:$0x0] =	wrdreg $0x0  }
0xa8: {  	s4 =	sshll.u32 s28, $0x1;
	[dreg:$0x2] =	wrdreg s2  }
0xa9: {  	[dreg:$0x3] =	wrdreg s4  }
0xaa: {  	[dreg:$0x4] =	wrdreg $0xC0  }
0xab: {  	_ =	task [dreg:s6], $0x5FFFF  }
0xac: {  	[dreg:$0x1] =	wrdreg $0xFFFFFFFF  }
0xad: {  	[dreg:$0x0] =	wrdreg $0x60  }
0xae: {  	[dreg:$0x2] =	wrdreg s24  }
0xaf: {  	[dreg:$0x3] =	wrdreg $0x88000  }
0xb0: {  	[dreg:$0x4] =	wrdreg $0x9  }
0xb1: {  	_ =	task.clear_ibuf [dreg:s6], $0x5FFFF;
	_ =	strace $0x90000049  }
0xb2: {  	s29 =	simm.s32 $0x9;
	_ =	strace $0x8000004B  }
0xb3: {  	_ =	swait.ge [sflag:s29], $0x1  }
0xb4: {  	[sflag:s29] =	ssyncadd.s32 $0xFFFFFFFF  }
0xb5: {  	_ =	strace $0x9000004B  }
0xb6: {  	_ =	sfence  }
0xb7: {  	s30 =	sld [smem:$0x0];
	_ =	sdelay $0x2  }
0xb8: {  	s31 =	sshll.u32 s1, $0xD;
	s1 =	sshrl.u32 s1, $0x2  }
0xb9: {  	s3 =	sand.u32 $0x4000, s31;
	s1 =	sadd.s32 s1, s30  }
0xba: {  	s0 =	sor.u32 s3, s0;
	s1 =	sshll.u32 s1, $0x11  }
0xbb: {  	s0 =	sor.u32 s1, s0  }
0xbc: {  	s0 =	sadd.s32 $0x8F2B, s0  }
0xbd: {  	[sflag:s0] =	ssyncadd.remote.s32 $0x1  }
0xbe: {  	_ =	sfence.sel $0xFFFF  }
0xbf: {  	[dreg:$0x0] =	wrdreg $0xFFFFFFFF;
	(pc) =	sbr.abs _section_cstart, $3  }
0xc0: {  	[dreg:$0x1] =	wrdreg $0xFFFFFFFF  }
0xc1: {  	_ =	task.clear_ibuf [dreg:s6], $0x2FFFF;
	_ =	strace $0x9FFFFFFF  }
0xc2: {  	(tm) =	ssettm $0x7FFFFFFF  }
0xc3: {  	_ =	shalt  }
tec
execute0_lowered:
.L_overlay_start_1:
0x0: {  	(tag) =	ssettag $0x1  }
0x1: {  	s1 =	rddreg [dreg:$0x0]  }
0x2: {  	s0 =	srdreg.scid;
	s2 =	rddreg [dreg:$0x1];
	s6 =	simm.s32 $0x14  }
0x3: {  	s8 =	stileid.u32;
	s3 =	simm.s32 $0x0;
	s15 =	simm.s32 $0x800  }
0x4: {  	s16 =	simm.s32 $0x3;
	s17 =	simm.s32 $0x400;
	s18 =	simm.s32 $0x80  }
0x5: {  	s19 =	simm.s32 $0x4800;
	s20 =	simm.s32 $0x1;
	s21 =	simm.s32 $0x100  }
0x6: {  	s28 =	simm.s32 $0x580;
	s29 =	simm.s32 $0x280;
	s30 =	simm.s32 $0x600  }
0x7: {  	s31 =	simm.s32 $0x300;
	s0 =	sand.u32 $0x1, s0;
	[smem:$0x7FF] =	sst s3  }
0x8: {  	s7 =	smul.u32 $0x50000, s8;
	s4 =	sadd.s32 $0x17E00, s1;
	p0 =	seq.s32 s0, $0x0  }
0x9: {  	_ =	strace $0x8000004A;
	s9 =	ssub.s32 $0x2, s0;
	s6 =	simm.s32 @!p0 $0x0  }
0xa: {  	s7 =	sshrl.u32 s7, $0x2;
	s11 =	sshrl.u32 s9, $0x1;
	s5 =	smul.u32 s8, s6  }
0xb: {  	p0 =	sne.s32 s0, $0x0;
	s0 =	simm.s32 $0x680;
	s8 =	smul.u32 $0x2800, s8  }
0xc: {  	s22 =	ssub.s32 s9, s11;
	s23 =	smax.u32 s6, $0x1;
	s6 =	simm.s32 $0x780  }
0xd: {  	[dreg:$0x5] =	wrdreg s23;
	s24 =	smax.u32 s22, $0x1;
	s22 =	simm.s32 $0x2  }
0xe: {  	s23 =	simm.s32 $0x480;
	s5 =	sshll.u32 s5, $0x7;
	[dreg:$0x6] =	wrdreg s24  }
0xf: {  	s24 =	simm.s32 $0x180;
	s10 =	sadd.s32 s5, s1;
	s5 =	sadd.s32 s7, s2  }
0x10: {  	s1 =	sadd.s32 s8, s1;
	s7 =	simm.s32 $0x0;
	s12 =	sadd.s32 $0x4000, s5  }
.Ltmp0:
0x11: {  	s9 =	sadd.s32 $0x8000, s5;
	s1 =	sadd.s32 $0x3F000, s1;
	(pc) =	sbr.rel .LBB2_1-.Ltmp0, $4  }
0x12: {  	s11 =	sadd.s32 $0xC000, s5;
	s25 =	sadd.s32 $0x3E00, s10;
	[dreg:$0x4] =	wrdreg s1  }
0x13: {  	s14 =	sadd.s32 $0x10000, s5;
	s26 =	sadd.s32 $0xDE00, s10;
	[dreg:$0x7] =	wrdreg s25  }
0x14: {  	s10 =	simm.s32 $0x700;
	[dreg:$0x8] =	wrdreg s26;
	s25 =	simm.s32 $0x500  }
0x15: {  	v0 =	vimm.f32 $0.0e+00;
	s26 =	simm.s32 $0x200;
	s1 =	simm.s32 $0x380;
	[dreg:$0x3] =	wrdreg s14  }
.LBB2_7:
0x16: {  	[bflag:$0x0] =	sbarrier.arrive $0xFFFF  }
.LBB2_8:
0x17: {  	s7 =	sadd.s32 $0x1, s7;
	s8 =	rddreg [dreg:$0x6]  }
0x18: {  	p1 =	sne.s32 s7, s8  }
.Ltmp1:
0x19: {  	_ = 	snop;
	(pc) =	sbr.rel @!p1 .LBB2_9-.Ltmp1, $1  }
0x1a: {  	_ =	sdelay $0x3  }
.LBB2_1:
0x1b: {  	s8 =	simm.s32 $0x0;
	s13 =	simm.s32 $0x200  }
.LBB2_2:
0x1c: {  	p1 =	sne.s32 s13, $0xFE00;
	[tilespmem:s8+$0x870] =	vst v0  }
0x1d: {  	[tilespmem:s8+$0x800] =	vst v0  }
0x1e: {  	[tilespmem:s8+$0x810] =	vst v0  }
.Ltmp2:
0x1f: {  	[tilespmem:s8+$0x820] =	vst v0;
	(pc) =	sbr.rel @p1 .LBB2_2-.Ltmp2, $4  }
0x20: {  	[tilespmem:s8+$0x830] =	vst v0  }
0x21: {  	[tilespmem:s8+$0x840] =	vst v0  }
0x22: {  	[tilespmem:s8+$0x850] =	vst v0  }
0x23: {  	[tilespmem:s8+$0x860] =	vst v0;
	s8 =	sshra.s32 s13, $0x2;
	s13 =	sadd.s32 $0x200, s13  }
0x24: {  	[tilespmem:s8+$0x870] =	vst v0  }
0x25: {  	[tilespmem:s8+$0x800] =	vst v0  }
0x26: {  	[tilespmem:s8+$0x810] =	vst v0  }
0x27: {  	[tilespmem:s8+$0x820] =	vst v0  }
0x28: {  	[tilespmem:s8+$0x830] =	vst v0  }
0x29: {  	[tilespmem:s8+$0x840] =	vst v0  }
0x2a: {  	[tilespmem:s8+$0x850] =	vst v0  }
0x2b: {  	[tilespmem:s8+$0x860] =	vst v0  }
0x2c: {  	[spmem:s5] =	stream.linear.scatter [tilespmem:s15], [sflag:$0x3], $0x4000, $0x38;
	[tilespmem:$0x1C800] =	vst v63  }
0x2d: {  	_ =	swait.ge [sflag:s16], $0x4000  }
0x2e: {  	[sflag:s16] =	ssyncset.done $0x0  }
0x2f: {  	[sflag:s16] =	ssyncadd.s32 $0xFFFFC000  }
0x30: {  	[spmem:s12] =	stream.linear.scatter [tilespmem:s15], [sflag:$0x3], $0x4000, $0x38;
	[tilespmem:$0x1C800] =	vst v63  }
0x31: {  	_ =	swait.ge [sflag:s16], $0x4000  }
0x32: {  	[sflag:s16] =	ssyncset.done $0x0  }
0x33: {  	[sflag:s16] =	ssyncadd.s32 $0xFFFFC000  }
0x34: {  	[spmem:s9] =	stream.linear.scatter [tilespmem:s15], [sflag:$0x3], $0x4000, $0x38;
	[tilespmem:$0x1C800] =	vst v63  }
0x35: {  	_ =	swait.ge [sflag:s16], $0x4000  }
0x36: {  	[sflag:s16] =	ssyncset.done $0x0  }
0x37: {  	[sflag:s16] =	ssyncadd.s32 $0xFFFFC000  }
0x38: {  	[spmem:s11] =	stream.linear.scatter [tilespmem:s15], [sflag:$0x3], $0x4000, $0x38;
	[tilespmem:$0x1C800] =	vst v63  }
0x39: {  	_ =	swait.ge [sflag:s16], $0x4000  }
0x3a: {  	[sflag:s16] =	ssyncset.done $0x0  }
0x3b: {  	[sflag:s16] =	ssyncadd.s32 $0xFFFFC000  }
0x3c: {  	[spmem:s14] =	stream.linear.scatter [tilespmem:s15], [sflag:$0x3], $0x4000, $0x38;
	[tilespmem:$0x1C800] =	vst v63  }
.Ltmp3:
0x3d: {  	_ =	swait.ge [sflag:s16], $0x4000;
	(pc) =	sbr.rel @p0 .LBB2_7-.Ltmp3, $3  }
0x3e: {  	[sflag:s16] =	ssyncset.done $0x0  }
0x3f: {  	[sflag:s16] =	ssyncadd.s32 $0xFFFFC000  }
0x40: {  	[bflag:$0x0] =	sbarrier.arrive $0xFFFF;
	_ =	sdelay $0x1  }
0x41: {  	s14 =	rddreg [dreg:$0x8]  }
0x42: {  	[tilespmem:s3], [sflag:$0x3] =	stream.linear.gather [hbm4b:s14+s3], $0x400, $0x38;
	[tilespmem:$0x1C800] =	vst v63  }
0x43: {  	_ =	swait.ge [sflag:s16], $0x400  }
0x44: {  	[sflag:s16] =	ssyncset.done $0x0  }
0x45: {  	s13 =	rddreg [dreg:$0x7];
	[sflag:s16] =	ssyncadd.s32 $0xFFFFFC00  }
0x46: {  	[tilespmem:s17], [sflag:$0x3] =	stream.linear.gather [hbm4b:s13+s3], $0x400, $0x38;
	[tilespmem:$0x1C800] =	vst v63  }
0x47: {  	_ =	swait.ge [sflag:s16], $0x400  }
0x48: {  	[sflag:s16] =	ssyncset.done $0x0  }
0x49: {  	[sflag:s16] =	ssyncadd.s32 $0xFFFFFC00  }
0x4a: {  	[tilespmem:s15], [sflag:$0x1] =	stream.indirect.gather [hbm4b:s4+s18], $0x80, s3, s18, $0xb8;
	[tilespmem:$0x1C800] =	vst v63  }
0x4b: {  	_ = 	snop  }
0x4c: {  	[tilespmem:s19], [sflag:$0x2] =	stream.indirect.gather [hbm4b:s4+s18], $0x80, s18, s18, $0xb8;
	[tilespmem:$0x1C800] =	vst v63  }
0x4d: {  	_ =	swait.ge [sflag:s20], $0x4000  }
0x4e: {  	[sflag:s20] =	ssyncset.done $0x0  }
0x4f: {  	[sflag:s20] =	ssyncadd.s32 $0xFFFFC000  }
0x50: {  	[spmem:s2] =	stream.indirect.scatter.add.f32 [tilespmem:s15], [sflag:$0x3], $0x80, s17, s18, $0xb8;
	[tilespmem:$0x1C800] =	vst v63  }
0x51: {  	_ =	swait.ge [sflag:s16], $0x4000  }
0x52: {  	[sflag:s16] =	ssyncset.done $0x0  }
0x53: {  	[sflag:s16] =	ssyncadd.s32 $0xFFFFC000  }
0x54: {  	[tilespmem:s15], [sflag:$0x1] =	stream.indirect.gather [hbm4b:s4+s18], $0x80, s21, s18, $0xb8;
	[tilespmem:$0x1C800] =	vst v63  }
0x55: {  	_ =	swait.ge [sflag:s22], $0x4000  }
0x56: {  	[sflag:s22] =	ssyncset.done $0x0  }
0x57: {  	[sflag:s22] =	ssyncadd.s32 $0xFFFFC000  }
0x58: {  	[spmem:s2] =	stream.indirect.scatter.add.f32 [tilespmem:s19], [sflag:$0x3], $0x80, s23, s18, $0xb8;
	[tilespmem:$0x1C800] =	vst v63  }
0x59: {  	_ =	swait.ge [sflag:s16], $0x4000  }
0x5a: {  	[sflag:s16] =	ssyncset.done $0x0  }
0x5b: {  	[sflag:s16] =	ssyncadd.s32 $0xFFFFC000  }
0x5c: {  	[tilespmem:s19], [sflag:$0x2] =	stream.indirect.gather [hbm4b:s4+s18], $0x80, s24, s18, $0xb8;
	[tilespmem:$0x1C800] =	vst v63  }
0x5d: {  	_ =	swait.ge [sflag:s20], $0x4000  }
0x5e: {  	[sflag:s20] =	ssyncset.done $0x0  }
0x5f: {  	[sflag:s20] =	ssyncadd.s32 $0xFFFFC000  }
0x60: {  	[spmem:s2] =	stream.indirect.scatter.add.f32 [tilespmem:s15], [sflag:$0x3], $0x80, s25, s18, $0xb8;
	[tilespmem:$0x1C800] =	vst v63  }
0x61: {  	_ =	swait.ge [sflag:s16], $0x4000  }
0x62: {  	[sflag:s16] =	ssyncset.done $0x0  }
0x63: {  	[sflag:s16] =	ssyncadd.s32 $0xFFFFC000  }
0x64: {  	[tilespmem:s15], [sflag:$0x1] =	stream.indirect.gather [hbm4b:s4+s18], $0x80, s26, s18, $0xb8;
	[tilespmem:$0x1C800] =	vst v63  }
0x65: {  	_ =	swait.ge [sflag:s22], $0x4000  }
0x66: {  	[sflag:s22] =	ssyncset.done $0x0  }
0x67: {  	[sflag:s22] =	ssyncadd.s32 $0xFFFFC000  }
0x68: {  	[spmem:s2] =	stream.indirect.scatter.add.f32 [tilespmem:s19], [sflag:$0x3], $0x80, s28, s18, $0xb8;
	[tilespmem:$0x1C800] =	vst v63  }
0x69: {  	_ =	swait.ge [sflag:s16], $0x4000  }
0x6a: {  	[sflag:s16] =	ssyncset.done $0x0  }
0x6b: {  	[sflag:s16] =	ssyncadd.s32 $0xFFFFC000  }
0x6c: {  	[tilespmem:s19], [sflag:$0x2] =	stream.indirect.gather [hbm4b:s4+s18], $0x80, s29, s18, $0xb8;
	[tilespmem:$0x1C800] =	vst v63  }
0x6d: {  	_ =	swait.ge [sflag:s20], $0x4000  }
0x6e: {  	[sflag:s20] =	ssyncset.done $0x0  }
0x6f: {  	[sflag:s20] =	ssyncadd.s32 $0xFFFFC000  }
0x70: {  	[spmem:s2] =	stream.indirect.scatter.add.f32 [tilespmem:s15], [sflag:$0x3], $0x80, s30, s18, $0xb8;
	[tilespmem:$0x1C800] =	vst v63  }
0x71: {  	_ =	swait.ge [sflag:s16], $0x4000  }
0x72: {  	[sflag:s16] =	ssyncset.done $0x0  }
0x73: {  	[sflag:s16] =	ssyncadd.s32 $0xFFFFC000  }
0x74: {  	[tilespmem:s15], [sflag:$0x1] =	stream.indirect.gather [hbm4b:s4+s18], $0x80, s31, s18, $0xb8;
	[tilespmem:$0x1C800] =	vst v63  }
0x75: {  	_ =	swait.ge [sflag:s22], $0x4000  }
0x76: {  	[sflag:s22] =	ssyncset.done $0x0  }
0x77: {  	[sflag:s22] =	ssyncadd.s32 $0xFFFFC000  }
0x78: {  	[spmem:s2] =	stream.indirect.scatter.add.f32 [tilespmem:s19], [sflag:$0x3], $0x80, s0, s18, $0xb8;
	[tilespmem:$0x1C800] =	vst v63  }
0x79: {  	_ =	swait.ge [sflag:s16], $0x4000  }
0x7a: {  	[sflag:s16] =	ssyncset.done $0x0  }
0x7b: {  	[sflag:s16] =	ssyncadd.s32 $0xFFFFC000  }
0x7c: {  	[tilespmem:s19], [sflag:$0x2] =	stream.indirect.gather [hbm4b:s4+s18], $0x80, s1, s18, $0xb8;
	[tilespmem:$0x1C800] =	vst v63  }
0x7d: {  	_ =	swait.ge [sflag:s20], $0x4000  }
0x7e: {  	[sflag:s20] =	ssyncset.done $0x0  }
0x7f: {  	[sflag:s20] =	ssyncadd.s32 $0xFFFFC000  }
0x80: {  	[spmem:s2] =	stream.indirect.scatter.add.f32 [tilespmem:s15], [sflag:$0x3], $0x80, s10, s18, $0xb8;
	[tilespmem:$0x1C800] =	vst v63  }
0x81: {  	_ =	swait.ge [sflag:s16], $0x4000  }
0x82: {  	[sflag:s16] =	ssyncset.done $0x0  }
0x83: {  	[sflag:s16] =	ssyncadd.s32 $0xFFFFC000  }
0x84: {  	_ =	swait.ge [sflag:s22], $0x4000  }
0x85: {  	s8 =	rddreg [dreg:$0x5]  }
0x86: {  	p1 =	sne.s32 s8, $0x1  }
.Ltmp4:
0x87: {  	[sflag:s22] =	ssyncset.done $0x0;
	(pc) =	sbr.rel @!p1 .LBB2_6-.Ltmp4, $4  }
0x88: {  	[sflag:s22] =	ssyncadd.s32 $0xFFFFC000  }
0x89: {  	[spmem:s2] =	stream.indirect.scatter.add.f32 [tilespmem:s19], [sflag:$0x3], $0x80, s6, s18, $0xb8;
	[tilespmem:$0x1C800] =	vst v63  }
0x8a: {  	_ =	swait.ge [sflag:s16], $0x4000  }
0x8b: {  	s8 =	sadd.s32 $0xFFFFFFFF, s8;
	[sflag:s16] =	ssyncset.done $0x0  }
.LBB2_5:
0x8c: {  	[sflag:s16] =	ssyncadd.s32 $0xFFFFC000;
	s13 =	sadd.s32 $0x80, s13;
	s14 =	sadd.s32 $0x80, s14  }
0x8d: {  	[tilespmem:s3], [sflag:$0x3] =	stream.linear.gather [hbm4b:s14+s3], $0x400, $0x38;
	[tilespmem:$0x1C800] =	vst v63  }
0x8e: {  	p1 =	sne.s32 s8, $0x1;
	s8 =	sadd.s32 $0xFFFFFFFF, s8;
	_ =	swait.ge [sflag:s16], $0x400  }
0x8f: {  	[sflag:s16] =	ssyncset.done $0x0  }
0x90: {  	[sflag:s16] =	ssyncadd.s32 $0xFFFFFC00  }
0x91: {  	[tilespmem:s17], [sflag:$0x3] =	stream.linear.gather [hbm4b:s13+s3], $0x400, $0x38;
	[tilespmem:$0x1C800] =	vst v63  }
0x92: {  	_ =	swait.ge [sflag:s16], $0x400  }
0x93: {  	[sflag:s16] =	ssyncset.done $0x0  }
0x94: {  	[sflag:s16] =	ssyncadd.s32 $0xFFFFFC00  }
0x95: {  	[tilespmem:s15], [sflag:$0x1] =	stream.indirect.gather [hbm4b:s4+s18], $0x80, s3, s18, $0xb8;
	[tilespmem:$0x1C800] =	vst v63  }
0x96: {  	_ = 	snop  }
0x97: {  	[tilespmem:s19], [sflag:$0x2] =	stream.indirect.gather [hbm4b:s4+s18], $0x80, s18, s18, $0xb8;
	[tilespmem:$0x1C800] =	vst v63  }
0x98: {  	_ =	swait.ge [sflag:s20], $0x4000  }
0x99: {  	[sflag:s20] =	ssyncset.done $0x0  }
0x9a: {  	[sflag:s20] =	ssyncadd.s32 $0xFFFFC000  }
0x9b: {  	[spmem:s2] =	stream.indirect.scatter.add.f32 [tilespmem:s15], [sflag:$0x3], $0x80, s17, s18, $0xb8;
	[tilespmem:$0x1C800] =	vst v63  }
0x9c: {  	_ =	swait.ge [sflag:s16], $0x4000  }
0x9d: {  	[sflag:s16] =	ssyncset.done $0x0  }
0x9e: {  	[sflag:s16] =	ssyncadd.s32 $0xFFFFC000  }
0x9f: {  	[tilespmem:s15], [sflag:$0x1] =	stream.indirect.gather [hbm4b:s4+s18], $0x80, s21, s18, $0xb8;
	[tilespmem:$0x1C800] =	vst v63  }
0xa0: {  	_ =	swait.ge [sflag:s22], $0x4000  }
0xa1: {  	[sflag:s22] =	ssyncset.done $0x0  }
0xa2: {  	[sflag:s22] =	ssyncadd.s32 $0xFFFFC000  }
0xa3: {  	[spmem:s2] =	stream.indirect.scatter.add.f32 [tilespmem:s19], [sflag:$0x3], $0x80, s23, s18, $0xb8;
	[tilespmem:$0x1C800] =	vst v63  }
0xa4: {  	_ =	swait.ge [sflag:s16], $0x4000  }
0xa5: {  	[sflag:s16] =	ssyncset.done $0x0  }
0xa6: {  	[sflag:s16] =	ssyncadd.s32 $0xFFFFC000  }
0xa7: {  	[tilespmem:s19], [sflag:$0x2] =	stream.indirect.gather [hbm4b:s4+s18], $0x80, s24, s18, $0xb8;
	[tilespmem:$0x1C800] =	vst v63  }
0xa8: {  	_ =	swait.ge [sflag:s20], $0x4000  }
0xa9: {  	[sflag:s20] =	ssyncset.done $0x0  }
0xaa: {  	[sflag:s20] =	ssyncadd.s32 $0xFFFFC000  }
0xab: {  	[spmem:s2] =	stream.indirect.scatter.add.f32 [tilespmem:s15], [sflag:$0x3], $0x80, s25, s18, $0xb8;
	[tilespmem:$0x1C800] =	vst v63  }
0xac: {  	_ =	swait.ge [sflag:s16], $0x4000  }
0xad: {  	[sflag:s16] =	ssyncset.done $0x0  }
0xae: {  	[sflag:s16] =	ssyncadd.s32 $0xFFFFC000  }
0xaf: {  	[tilespmem:s15], [sflag:$0x1] =	stream.indirect.gather [hbm4b:s4+s18], $0x80, s26, s18, $0xb8;
	[tilespmem:$0x1C800] =	vst v63  }
0xb0: {  	_ =	swait.ge [sflag:s22], $0x4000  }
0xb1: {  	[sflag:s22] =	ssyncset.done $0x0  }
0xb2: {  	[sflag:s22] =	ssyncadd.s32 $0xFFFFC000  }
0xb3: {  	[spmem:s2] =	stream.indirect.scatter.add.f32 [tilespmem:s19], [sflag:$0x3], $0x80, s28, s18, $0xb8;
	[tilespmem:$0x1C800] =	vst v63  }
0xb4: {  	_ =	swait.ge [sflag:s16], $0x4000  }
0xb5: {  	[sflag:s16] =	ssyncset.done $0x0  }
0xb6: {  	[sflag:s16] =	ssyncadd.s32 $0xFFFFC000  }
0xb7: {  	[tilespmem:s19], [sflag:$0x2] =	stream.indirect.gather [hbm4b:s4+s18], $0x80, s29, s18, $0xb8;
	[tilespmem:$0x1C800] =	vst v63  }
0xb8: {  	_ =	swait.ge [sflag:s20], $0x4000  }
0xb9: {  	[sflag:s20] =	ssyncset.done $0x0  }
0xba: {  	[sflag:s20] =	ssyncadd.s32 $0xFFFFC000  }
0xbb: {  	[spmem:s2] =	stream.indirect.scatter.add.f32 [tilespmem:s15], [sflag:$0x3], $0x80, s30, s18, $0xb8;
	[tilespmem:$0x1C800] =	vst v63  }
0xbc: {  	_ =	swait.ge [sflag:s16], $0x4000  }
0xbd: {  	[sflag:s16] =	ssyncset.done $0x0  }
0xbe: {  	[sflag:s16] =	ssyncadd.s32 $0xFFFFC000  }
0xbf: {  	[tilespmem:s15], [sflag:$0x1] =	stream.indirect.gather [hbm4b:s4+s18], $0x80, s31, s18, $0xb8;
	[tilespmem:$0x1C800] =	vst v63  }
0xc0: {  	_ =	swait.ge [sflag:s22], $0x4000  }
0xc1: {  	[sflag:s22] =	ssyncset.done $0x0  }
0xc2: {  	[sflag:s22] =	ssyncadd.s32 $0xFFFFC000  }
0xc3: {  	[spmem:s2] =	stream.indirect.scatter.add.f32 [tilespmem:s19], [sflag:$0x3], $0x80, s0, s18, $0xb8;
	[tilespmem:$0x1C800] =	vst v63  }
0xc4: {  	_ =	swait.ge [sflag:s16], $0x4000  }
0xc5: {  	[sflag:s16] =	ssyncset.done $0x0  }
0xc6: {  	[sflag:s16] =	ssyncadd.s32 $0xFFFFC000  }
0xc7: {  	[tilespmem:s19], [sflag:$0x2] =	stream.indirect.gather [hbm4b:s4+s18], $0x80, s1, s18, $0xb8;
	[tilespmem:$0x1C800] =	vst v63  }
0xc8: {  	_ =	swait.ge [sflag:s20], $0x4000  }
0xc9: {  	[sflag:s20] =	ssyncset.done $0x0  }
0xca: {  	[sflag:s20] =	ssyncadd.s32 $0xFFFFC000  }
0xcb: {  	[spmem:s2] =	stream.indirect.scatter.add.f32 [tilespmem:s15], [sflag:$0x3], $0x80, s10, s18, $0xb8;
	[tilespmem:$0x1C800] =	vst v63  }
0xcc: {  	_ =	swait.ge [sflag:s16], $0x4000  }
0xcd: {  	[sflag:s16] =	ssyncset.done $0x0  }
0xce: {  	[sflag:s16] =	ssyncadd.s32 $0xFFFFC000  }
0xcf: {  	_ =	swait.ge [sflag:s22], $0x4000  }
.Ltmp5:
0xd0: {  	[sflag:s22] =	ssyncset.done $0x0;
	(pc) =	sbr.rel @p1 .LBB2_5-.Ltmp5, $4  }
0xd1: {  	[sflag:s22] =	ssyncadd.s32 $0xFFFFC000  }
0xd2: {  	[spmem:s2] =	stream.indirect.scatter.add.f32 [tilespmem:s19], [sflag:$0x3], $0x80, s6, s18, $0xb8;
	[tilespmem:$0x1C800] =	vst v63  }
0xd3: {  	_ =	swait.ge [sflag:s16], $0x4000  }
0xd4: {  	[sflag:s16] =	ssyncset.done $0x0  }
.LBB2_6:
0xd5: {  	[sflag:s16] =	ssyncadd.s32 $0xFFFFC000;
	s8 =	stileid.u32  }
0xd6: {  	s13 =	sshrl.u32 s5, $0x3;
	s8 =	sshll.u32 s8, $0x6;
	[bflag:$0x0] =	sbarrier.arrive $0xFFFF  }
.Ltmp6:
0xd7: {  	s8 =	sor.u32 $0x1C03, s8;
	s14 =	rddreg [dreg:$0x4];
	(pc) =	sbr.rel .LBB2_8-.Ltmp6, $4  }
0xd8: {  	[hbm:s14], [sflag:s8] =	dma.local [spmem:s13], $0x2800  }
0xd9: {  	_ =	swait.ge [sflag:s16], $0x2800  }
0xda: {  	[sflag:s16] =	ssyncset.done $0x0  }
0xdb: {  	s14 =	rddreg [dreg:$0x3];
	[sflag:s16] =	ssyncadd.s32 $0xFFFFD800  }
.LBB2_9:
0xdc: {  	_ =	sfence.sel $0x180000  }
0xdd: {  	[bflag:$0x0] =	sbarrier.arrive $0xFFFF  }
0xde: {  	_ =	strace $0x9000004A  }
0xdf: {  	s0 =	stileid.u32;
	[bflag:$0x2] =	sbarrier.arrive $0xFFFF  }
0xe0: {  	p0 =	sne.s32 s0, $0x0;
	s0 =	rddreg [dreg:$0x2]  }
0xe1: {  	s0 =	sadd.s32 @!p0 $0x100000, s0  }
0xe2: {  	[sflag:s0] =	ssyncadd.tile.s32 @!p0 $0x1;
	_ =	shalt  }
.Lfunc_end2:
_tile_overlayer_lowered:
.L_overlay_start_2:
0xe3: {  	(tag) =	ssettag $0x2  }
0xe4: {  	s0 =	rddreg [dreg:$0x0];
	s2 =	stileid.u32  }
0xe5: {  	s1 =	rddreg [dreg:$0x1];
	p0 =	sne.s32 s2, $0x0  }
0xe6: {  	s3 =	rddreg [dreg:$0x2];
	[bflag:$0x3] =	sbarrier.arrive $0xFFFF;
	s2 =	simm.s32 @!p0 $0x1C03  }
0xe7: {  	[timem:s3], [sflag:s2] =	dma.local @!p0 [hbm:s0], s1  }
0xe8: {  	s0 =	simm.s32 @!p0 $0x3  }
0xe9: {  	_ =	swait.ge @!p0 [sflag:s0], s1  }
0xea: {  	s1 =	ssub.s32 @!p0 $0x0, s1;
	[sflag:s0] =	ssyncset.done @!p0 $0x0  }
0xeb: {  	[sflag:s0] =	ssyncadd.s32 @!p0 s1  }
0xec: {  	[bflag:$0x3] =	sbarrier.arrive $0xFFFF  }
0xed: {  	_ =	shalt  }

</sc_bundles>
